<compile_context>
chip_gen: v7x
topology: tpu7x:2x2x1
jax: 0.10.2.dev20260603
libtpu: 0.0.44.dev20260713+nightly
codegen_flags: <defaults>
</compile_context>

<pallas_src>
import functools

import jax
import jax.numpy as jnp
from jax import lax
from jax.experimental import pallas as pl
from jax.experimental.pallas import tpu as pltpu
from jax.experimental.pallas import tpu_sc as plsc

_NC = 2
_NS = 16
_NW = _NC * _NS
_LANES = 16
_NBUF = 3


@functools.partial(jax.jit, static_argnames=("n_rows", "t_len", "d"))
def _emb_lookup(tok_weight, pos_weight, idx, *, n_rows, t_len, d):
    per_w = n_rows // _NW
    chunk = t_len
    n_chunks = per_w // chunk

    mesh = plsc.VectorSubcoreMesh(core_axis_name="c", subcore_axis_name="s")

    @functools.partial(
        pl.kernel,
        out_type=jax.ShapeDtypeStruct((n_rows, 2 * d), jnp.float32),
        mesh=mesh,
        scratch_types=[
            pltpu.VMEM((per_w,), jnp.int32),
            pltpu.VMEM((t_len, d), jnp.float32),
            [pltpu.VMEM((chunk, 2 * d), jnp.float32) for _ in range(_NBUF)],
            [pltpu.SemaphoreType.DMA for _ in range(_NBUF)],
            [pltpu.SemaphoreType.DMA for _ in range(_NBUF)],
        ],
        compiler_params=pltpu.CompilerParams(use_tc_tiling_on_sc=False),
    )
    def body(tok_hbm, pos_hbm, idx_hbm, out_hbm, idx_v, pos_v, rows, gsem, ssem):
        wid = lax.axis_index("s") * _NC + lax.axis_index("c")
        base = wid * per_w
        pltpu.sync_copy(idx_hbm.at[pl.ds(base, per_w)], idx_v)
        pltpu.sync_copy(pos_hbm.at[pl.ds(0, t_len)], pos_v)

        gathers = {}
        scatters = {}

        def issue_gather(g):
            b = g % _NBUF
            gathers[g] = pltpu.async_copy(
                tok_hbm.at[idx_v.at[pl.ds(g * chunk, chunk)]], rows[b], gsem[b]
            )

        def add_pos(b):
            def add_row(r, c2):
                for cc in range(d // _LANES):
                    sl = pl.ds(cc * _LANES, _LANES)
                    plsc.addupdate(rows[b].at[r, sl], pos_v[r, sl])
                return c2

            lax.fori_loop(0, t_len, add_row, 0, unroll=2)

        issue_gather(0)
        if n_chunks > 1:
            issue_gather(1)
        for g in range(n_chunks):
            b = g % _NBUF
            if g + 2 < n_chunks:
                nb = (g + 2) % _NBUF
                if g + 2 - _NBUF >= 0:
                    scatters.pop(g + 2 - _NBUF).wait()
                issue_gather(g + 2)
            gathers.pop(g).wait()
            add_pos(b)
            scatters[g] = pltpu.async_copy(
                rows[b], out_hbm.at[pl.ds(base + g * chunk, chunk)], ssem[b],
            )
        for g in sorted(scatters):
            scatters.pop(g).wait()

    return body(tok_weight, pos_weight, idx)


def kernel(x_ids, tok_weight, pos_weight):
    b, t = x_ids.shape
    d = tok_weight.shape[1]
    n_rows = b * t
    assert n_rows % (_NW * t) == 0 and d % _LANES == 0
    idx = x_ids.reshape(-1).astype(jnp.int32)
    tokp = jnp.pad(tok_weight, ((0, 0), (0, d)))
    out2 = _emb_lookup(tokp, pos_weight, idx, n_rows=n_rows, t_len=t, d=d)
    return out2[:, :d].reshape(b, t, d)

# --- scband reference (transcript-rebuilt; emitter-appended) ---
"""Pipeline reference for scband-token-embedding-58540404244512 (READ-ONLY COPY).

The authoritative reference and input builder live on the scoring server;
editing this copy changes nothing except your own understanding.
"""

import jax, jax.numpy as jnp
import numpy as np

VOCAB = 1000000
D_MODEL = 64
MAX_LEN = 8192
B = 1024
T = 200

def setup_inputs(seed: int = 0) -> dict:
    key = jax.random.key(seed)
    k1, k2, k3 = jax.random.split(key, 3)
    x_ids = jax.random.randint(k1, (B, T), 0, VOCAB, dtype=jnp.int64 if jax.config.jax_enable_x64 else jnp.int32)
    tok_weight = jax.random.normal(k2, (VOCAB, D_MODEL), dtype=jnp.float32) * 0.02
    pos_weight = jax.random.normal(k3, (MAX_LEN, D_MODEL), dtype=jnp.float32) * 0.02
    return {"x_ids": x_ids, "tok_weight": tok_weight, "pos_weight": pos_weight}

def reference(x_ids, tok_weight, pos_weight):
    B_, T_ = x_ids.shape
    h = jnp.take(tok_weight, x_ids, axis=0)  # [B, T, d_model] embedding gather
    pos = jnp.arange(T_)[None, :]            # [1, T]
    h = h + jnp.take(pos_weight, pos, axis=0)  # broadcast add positional embedding
    return h

if __name__ == "__main__":
    import jax
    _d = setup_inputs()
    print(jax.jit(kernel)(*tuple(_d.values())))

</pallas_src>

<mosaic_0001>
#map = affine_map<(d0, d1) -> (0, 0)>
#map1 = affine_map<(d0, d1) -> (0)>
module attributes {stable_mosaic.version = 14 : i64} {
  func.func @body(%arg0: i32, %arg1: i32, %arg2: memref<1000000x128xf32, #tpu.memory_space<hbm>>, %arg3: memref<8192x64xf32, #tpu.memory_space<hbm>>, %arg4: memref<204800xi32, #tpu.memory_space<hbm>>, %arg5: memref<204800x128xf32, #tpu.memory_space<hbm>>, %arg6: memref<6400xi32, #tpu.memory_space<vmem>>, %arg7: memref<200x64xf32, #tpu.memory_space<vmem>>, %arg8: memref<200x128xf32, #tpu.memory_space<vmem>>, %arg9: memref<200x128xf32, #tpu.memory_space<vmem>>, %arg10: memref<200x128xf32, #tpu.memory_space<vmem>>, %arg11: memref<!tpu.dma_semaphore, #tpu.memory_space<semaphore_mem>>, %arg12: memref<!tpu.dma_semaphore, #tpu.memory_space<semaphore_mem>>, %arg13: memref<!tpu.dma_semaphore, #tpu.memory_space<semaphore_mem>>, %arg14: memref<!tpu.dma_semaphore, #tpu.memory_space<semaphore_mem>>, %arg15: memref<!tpu.dma_semaphore, #tpu.memory_space<semaphore_mem>>, %arg16: memref<!tpu.dma_semaphore, #tpu.memory_space<semaphore_mem>>) attributes {dimension_semantics = [#tpu.dimension_semantics<core_parallel>, #tpu.dimension_semantics<subcore_parallel>], iteration_bounds = array<i64: 2, 16>, scalar_prefetch = 0 : i64, scratch_operands = 11 : i64, tpu.core_type = #tpu.core_type<sc_vector_subcore>, window_params = [{transform_indices = #map}, {transform_indices = #map}, {transform_indices = #map1}, {transform_indices = #map}]} {
    %mul3A = arith.constant 2 : i32
    %mul3A_0 = arith.muli %arg1, %mul3A : i32
    %add3A = arith.addi %mul3A_0, %arg0 : i32
    %mul3A_1 = arith.constant 6400 : i32
    %mul3A_2 = arith.muli %add3A, %mul3A_1 : i32
    "tpu.region"() ({
      %run_scoped3A = tpu.sem_alloc : memref<!tpu.dma_semaphore, #tpu.memory_space<semaphore_mem>>
      %dma_start3A_832 = tpu.memref_slice %arg4[%mul3A_2] : memref<204800xi32, #tpu.memory_space<hbm>> -> memref<6400xi32, #tpu.memory_space<hbm>>
      %dma_start3A_833 = tpu.memref_slice %arg4[%mul3A_2] : memref<204800xi32, #tpu.memory_space<hbm>> -> memref<6400xi32, #tpu.memory_space<hbm>>
      tpu.enqueue_dma source(%dma_start3A_833 : memref<6400xi32, #tpu.memory_space<hbm>>) target(%arg6 : memref<6400xi32, #tpu.memory_space<vmem>>) target_semaphore(%run_scoped3A : memref<!tpu.dma_semaphore, #tpu.memory_space<semaphore_mem>>)
      %dma_wait3A_834 = tpu.memref_slice %arg4[%mul3A_2] : memref<204800xi32, #tpu.memory_space<hbm>> -> memref<6400xi32, #tpu.memory_space<hbm>>
      %dma_wait3A_835 = tpu.memref_slice %arg4[%mul3A_2] : memref<204800xi32, #tpu.memory_space<hbm>> -> memref<6400xi32, #tpu.memory_space<hbm>>
      tpu.wait_dma2 semaphore(%run_scoped3A : memref<!tpu.dma_semaphore, #tpu.memory_space<semaphore_mem>>) src(%dma_wait3A_835 : memref<6400xi32, #tpu.memory_space<hbm>>) dst(%arg6 : memref<6400xi32, #tpu.memory_space<vmem>>)
      tpu.yield
    }) : () -> ()
    "tpu.region"() ({
      %run_scoped3A = tpu.sem_alloc : memref<!tpu.dma_semaphore, #tpu.memory_space<semaphore_mem>>
      %dma_start3A_832 = arith.constant 0 : i32
      %dma_start3A_833 = arith.constant 0 : i32
      %dma_start3A_834 = tpu.memref_slice %arg3[%dma_start3A_832, %dma_start3A_833] : memref<8192x64xf32, #tpu.memory_space<hbm>> -> memref<200x64xf32, #tpu.memory_space<hbm>>
      %dma_start3A_835 = arith.constant 0 : i32
      %dma_start3A_836 = arith.constant 0 : i32
      %dma_start3A_837 = tpu.memref_slice %arg3[%dma_start3A_835, %dma_start3A_836] : memref<8192x64xf32, #tpu.memory_space<hbm>> -> memref<200x64xf32, #tpu.memory_space<hbm>>
      tpu.enqueue_dma source(%dma_start3A_837 : memref<200x64xf32, #tpu.memory_space<hbm>>) target(%arg7 : memref<200x64xf32, #tpu.memory_space<vmem>>) target_semaphore(%run_scoped3A : memref<!tpu.dma_semaphore, #tpu.memory_space<semaphore_mem>>)
      %dma_wait3A_838 = arith.constant 0 : i32
      %dma_wait3A_839 = arith.constant 0 : i32
      %dma_wait3A_840 = tpu.memref_slice %arg3[%dma_wait3A_838, %dma_wait3A_839] : memref<8192x64xf32, #tpu.memory_space<hbm>> -> memref<200x64xf32, #tpu.memory_space<hbm>>
      %dma_wait3A_841 = arith.constant 0 : i32
      %dma_wait3A_842 = arith.constant 0 : i32
      %dma_wait3A_843 = tpu.memref_slice %arg3[%dma_wait3A_841, %dma_wait3A_842] : memref<8192x64xf32, #tpu.memory_space<hbm>> -> memref<200x64xf32, #tpu.memory_space<hbm>>
      tpu.wait_dma2 semaphore(%run_scoped3A : memref<!tpu.dma_semaphore, #tpu.memory_space<semaphore_mem>>) src(%dma_wait3A_843 : memref<200x64xf32, #tpu.memory_space<hbm>>) dst(%arg7 : memref<200x64xf32, #tpu.memory_space<vmem>>)
      tpu.yield
    }) : () -> ()
    %dma_start3A = arith.constant 0 : i32
    %dma_start3A_3 = tpu.memref_slice %arg6[%dma_start3A] : memref<6400xi32, #tpu.memory_space<vmem>> -> memref<200xi32, #tpu.memory_space<vmem>>
    %dma_start3A_4 = arith.constant 0 : i32
    %dma_start3A_5 = arith.constant 0 : i32
    %dma_start3A_6 = tpu.memref_slice %arg2[%dma_start3A_4, %dma_start3A_5] : memref<1000000x128xf32, #tpu.memory_space<hbm>> -> memref<1000000x128xf32, #tpu.memory_space<hbm>>
    tpu.enqueue_indirect_dma source(%dma_start3A_6 : memref<1000000x128xf32, #tpu.memory_space<hbm>>) target(%arg8 : memref<200x128xf32, #tpu.memory_space<vmem>>) offsets(%dma_start3A_3 : memref<200xi32, #tpu.memory_space<vmem>>) semaphore(%arg11 : memref<!tpu.dma_semaphore, #tpu.memory_space<semaphore_mem>>)
    %dma_start3A_7 = arith.constant 200 : i32
    %dma_start3A_8 = tpu.memref_slice %arg6[%dma_start3A_7] : memref<6400xi32, #tpu.memory_space<vmem>> -> memref<200xi32, #tpu.memory_space<vmem>>
    %dma_start3A_9 = arith.constant 0 : i32
    %dma_start3A_10 = arith.constant 0 : i32
    %dma_start3A_11 = tpu.memref_slice %arg2[%dma_start3A_9, %dma_start3A_10] : memref<1000000x128xf32, #tpu.memory_space<hbm>> -> memref<1000000x128xf32, #tpu.memory_space<hbm>>
    tpu.enqueue_indirect_dma source(%dma_start3A_11 : memref<1000000x128xf32, #tpu.memory_space<hbm>>) target(%arg9 : memref<200x128xf32, #tpu.memory_space<vmem>>) offsets(%dma_start3A_8 : memref<200xi32, #tpu.memory_space<vmem>>) semaphore(%arg12 : memref<!tpu.dma_semaphore, #tpu.memory_space<semaphore_mem>>)
    %dma_start3A_12 = arith.constant 400 : i32
    %dma_start3A_13 = tpu.memref_slice %arg6[%dma_start3A_12] : memref<6400xi32, #tpu.memory_space<vmem>> -> memref<200xi32, #tpu.memory_space<vmem>>
    %dma_start3A_14 = arith.constant 0 : i32
    %dma_start3A_15 = arith.constant 0 : i32
    %dma_start3A_16 = tpu.memref_slice %arg2[%dma_start3A_14, %dma_start3A_15] : memref<1000000x128xf32, #tpu.memory_space<hbm>> -> memref<1000000x128xf32, #tpu.memory_space<hbm>>
    tpu.enqueue_indirect_dma source(%dma_start3A_16 : memref<1000000x128xf32, #tpu.memory_space<hbm>>) target(%arg10 : memref<200x128xf32, #tpu.memory_space<vmem>>) offsets(%dma_start3A_13 : memref<200xi32, #tpu.memory_space<vmem>>) semaphore(%arg13 : memref<!tpu.dma_semaphore, #tpu.memory_space<semaphore_mem>>)
    %dma_wait3A = arith.constant 0 : i32
    %dma_wait3A_17 = tpu.memref_slice %arg6[%dma_wait3A] : memref<6400xi32, #tpu.memory_space<vmem>> -> memref<200xi32, #tpu.memory_space<vmem>>
    %dma_wait3A_18 = arith.constant 0 : i32
    %dma_wait3A_19 = arith.constant 0 : i32
    %dma_wait3A_20 = tpu.memref_slice %arg2[%dma_wait3A_18, %dma_wait3A_19] : memref<1000000x128xf32, #tpu.memory_space<hbm>> -> memref<1000000x128xf32, #tpu.memory_space<hbm>>
    tpu.wait_indirect_dma semaphore(%arg11 : memref<!tpu.dma_semaphore, #tpu.memory_space<semaphore_mem>>) src(%dma_wait3A_20 : memref<1000000x128xf32, #tpu.memory_space<hbm>>) dst(%arg8 : memref<200x128xf32, #tpu.memory_space<vmem>>)
    %scan3A = arith.constant 0 : i32
    %scan3A_21 = arith.constant 0 : i32
    %scan3A_22 = arith.constant 200 : i32
    %scan3A_23 = arith.addi %scan3A_21, %scan3A_22 : i32
    %scan3A_24 = arith.constant 2 : i32
    scf.for %scan3A_832 = %scan3A_21 to %scan3A_23 step %scan3A_24  : i32 {
      %get3A = arith.index_cast %scan3A_832 : i32 to index
      %get3A_833 = arith.constant 0 : index
      %get3A_834 = tpu.vector_load %arg7[%get3A, %get3A_833] {strides = array<i32>} : memref<200x64xf32, #tpu.memory_space<vmem>>, vector<1x16xf32>,
      %get3A_835 = vector.shape_cast %get3A_834 : vector<1x16xf32> to vector<16xf32>
      %swap3A = arith.index_cast %scan3A_832 : i32 to index
      %swap3A_836 = arith.constant 0 : index
      %swap3A_837 = tpu.vector_load %arg8[%swap3A, %swap3A_836] {strides = array<i32>} : memref<200x128xf32, #tpu.memory_space<vmem>>, vector<1x16xf32>,
      %swap3A_838 = vector.shape_cast %swap3A_837 : vector<1x16xf32> to vector<16xf32>
      %swap3A_839 = vector.shape_cast %get3A_835 : vector<16xf32> to vector<1x16xf32>
      tpu.vector_store %arg8[%swap3A, %swap3A_836], %swap3A_839 {add = true, strides = array<i32>} : memref<200x128xf32, #tpu.memory_space<vmem>>, vector<1x16xf32>,
      %get3A_840 = arith.index_cast %scan3A_832 : i32 to index
      %get3A_841 = arith.constant 16 : index
      %get3A_842 = tpu.vector_load %arg7[%get3A_840, %get3A_841] {strides = array<i32>} : memref<200x64xf32, #tpu.memory_space<vmem>>, vector<1x16xf32>,
      %get3A_843 = vector.shape_cast %get3A_842 : vector<1x16xf32> to vector<16xf32>
      %swap3A_844 = arith.index_cast %scan3A_832 : i32 to index
      %swap3A_845 = arith.constant 16 : index
      %swap3A_846 = tpu.vector_load %arg8[%swap3A_844, %swap3A_845] {strides = array<i32>} : memref<200x128xf32, #tpu.memory_space<vmem>>, vector<1x16xf32>,
      %swap3A_847 = vector.shape_cast %swap3A_846 : vector<1x16xf32> to vector<16xf32>
      %swap3A_848 = vector.shape_cast %get3A_843 : vector<16xf32> to vector<1x16xf32>
      tpu.vector_store %arg8[%swap3A_844, %swap3A_845], %swap3A_848 {add = true, strides = array<i32>} : memref<200x128xf32, #tpu.memory_space<vmem>>, vector<1x16xf32>,
      %get3A_849 = arith.index_cast %scan3A_832 : i32 to index
      %get3A_850 = arith.constant 32 : index
      %get3A_851 = tpu.vector_load %arg7[%get3A_849, %get3A_850] {strides = array<i32>} : memref<200x64xf32, #tpu.memory_space<vmem>>, vector<1x16xf32>,
      %get3A_852 = vector.shape_cast %get3A_851 : vector<1x16xf32> to vector<16xf32>
      %swap3A_853 = arith.index_cast %scan3A_832 : i32 to index
      %swap3A_854 = arith.constant 32 : index
      %swap3A_855 = tpu.vector_load %arg8[%swap3A_853, %swap3A_854] {strides = array<i32>} : memref<200x128xf32, #tpu.memory_space<vmem>>, vector<1x16xf32>,
      %swap3A_856 = vector.shape_cast %swap3A_855 : vector<1x16xf32> to vector<16xf32>
      %swap3A_857 = vector.shape_cast %get3A_852 : vector<16xf32> to vector<1x16xf32>
      tpu.vector_store %arg8[%swap3A_853, %swap3A_854], %swap3A_857 {add = true, strides = array<i32>} : memref<200x128xf32, #tpu.memory_space<vmem>>, vector<1x16xf32>,
      %get3A_858 = arith.index_cast %scan3A_832 : i32 to index
      %get3A_859 = arith.constant 48 : index
      %get3A_860 = tpu.vector_load %arg7[%get3A_858, %get3A_859] {strides = array<i32>} : memref<200x64xf32, #tpu.memory_space<vmem>>, vector<1x16xf32>,
      %get3A_861 = vector.shape_cast %get3A_860 : vector<1x16xf32> to vector<16xf32>
      %swap3A_862 = arith.index_cast %scan3A_832 : i32 to index
      %swap3A_863 = arith.constant 48 : index
      %swap3A_864 = tpu.vector_load %arg8[%swap3A_862, %swap3A_863] {strides = array<i32>} : memref<200x128xf32, #tpu.memory_space<vmem>>, vector<1x16xf32>,
      %swap3A_865 = vector.shape_cast %swap3A_864 : vector<1x16xf32> to vector<16xf32>
      %swap3A_866 = vector.shape_cast %get3A_861 : vector<16xf32> to vector<1x16xf32>
      tpu.vector_store %arg8[%swap3A_862, %swap3A_863], %swap3A_866 {add = true, strides = array<i32>} : memref<200x128xf32, #tpu.memory_space<vmem>>, vector<1x16xf32>,
      %scan3A_867 = arith.constant 1 : i32
      %scan3A_868 = arith.addi %scan3A_832, %scan3A_867 : i32
      %get3A_869 = arith.index_cast %scan3A_868 : i32 to index
      %get3A_870 = arith.constant 0 : index
      %get3A_871 = tpu.vector_load %arg7[%get3A_869, %get3A_870] {strides = array<i32>} : memref<200x64xf32, #tpu.memory_space<vmem>>, vector<1x16xf32>,
      %get3A_872 = vector.shape_cast %get3A_871 : vector<1x16xf32> to vector<16xf32>
      %swap3A_873 = arith.index_cast %scan3A_868 : i32 to index
      %swap3A_874 = arith.constant 0 : index
      %swap3A_875 = tpu.vector_load %arg8[%swap3A_873, %swap3A_874] {strides = array<i32>} : memref<200x128xf32, #tpu.memory_space<vmem>>, vector<1x16xf32>,
      %swap3A_876 = vector.shape_cast %swap3A_875 : vector<1x16xf32> to vector<16xf32>
      %swap3A_877 = vector.shape_cast %get3A_872 : vector<16xf32> to vector<1x16xf32>
      tpu.vector_store %arg8[%swap3A_873, %swap3A_874], %swap3A_877 {add = true, strides = array<i32>} : memref<200x128xf32, #tpu.memory_space<vmem>>, vector<1x16xf32>,
      %get3A_878 = arith.index_cast %scan3A_868 : i32 to index
      %get3A_879 = arith.constant 16 : index
      %get3A_880 = tpu.vector_load %arg7[%get3A_878, %get3A_879] {strides = array<i32>} : memref<200x64xf32, #tpu.memory_space<vmem>>, vector<1x16xf32>,
      %get3A_881 = vector.shape_cast %get3A_880 : vector<1x16xf32> to vector<16xf32>
      %swap3A_882 = arith.index_cast %scan3A_868 : i32 to index
      %swap3A_883 = arith.constant 16 : index
      %swap3A_884 = tpu.vector_load %arg8[%swap3A_882, %swap3A_883] {strides = array<i32>} : memref<200x128xf32, #tpu.memory_space<vmem>>, vector<1x16xf32>,
      %swap3A_885 = vector.shape_cast %swap3A_884 : vector<1x16xf32> to vector<16xf32>
      %swap3A_886 = vector.shape_cast %get3A_881 : vector<16xf32> to vector<1x16xf32>
      tpu.vector_store %arg8[%swap3A_882, %swap3A_883], %swap3A_886 {add = true, strides = array<i32>} : memref<200x128xf32, #tpu.memory_space<vmem>>, vector<1x16xf32>,
      %get3A_887 = arith.index_cast %scan3A_868 : i32 to index
      %get3A_888 = arith.constant 32 : index
      %get3A_889 = tpu.vector_load %arg7[%get3A_887, %get3A_888] {strides = array<i32>} : memref<200x64xf32, #tpu.memory_space<vmem>>, vector<1x16xf32>,
      %get3A_890 = vector.shape_cast %get3A_889 : vector<1x16xf32> to vector<16xf32>
      %swap3A_891 = arith.index_cast %scan3A_868 : i32 to index
      %swap3A_892 = arith.constant 32 : index
      %swap3A_893 = tpu.vector_load %arg8[%swap3A_891, %swap3A_892] {strides = array<i32>} : memref<200x128xf32, #tpu.memory_space<vmem>>, vector<1x16xf32>,
      %swap3A_894 = vector.shape_cast %swap3A_893 : vector<1x16xf32> to vector<16xf32>
      %swap3A_895 = vector.shape_cast %get3A_890 : vector<16xf32> to vector<1x16xf32>
      tpu.vector_store %arg8[%swap3A_891, %swap3A_892], %swap3A_895 {add = true, strides = array<i32>} : memref<200x128xf32, #tpu.memory_space<vmem>>, vector<1x16xf32>,
      %get3A_896 = arith.index_cast %scan3A_868 : i32 to index
      %get3A_897 = arith.constant 48 : index
      %get3A_898 = tpu.vector_load %arg7[%get3A_896, %get3A_897] {strides = array<i32>} : memref<200x64xf32, #tpu.memory_space<vmem>>, vector<1x16xf32>,
      %get3A_899 = vector.shape_cast %get3A_898 : vector<1x16xf32> to vector<16xf32>
      %swap3A_900 = arith.index_cast %scan3A_868 : i32 to index
      %swap3A_901 = arith.constant 48 : index
      %swap3A_902 = tpu.vector_load %arg8[%swap3A_900, %swap3A_901] {strides = array<i32>} : memref<200x128xf32, #tpu.memory_space<vmem>>, vector<1x16xf32>,
      %swap3A_903 = vector.shape_cast %swap3A_902 : vector<1x16xf32> to vector<16xf32>
      %swap3A_904 = vector.shape_cast %get3A_899 : vector<16xf32> to vector<1x16xf32>
      tpu.vector_store %arg8[%swap3A_900, %swap3A_901], %swap3A_904 {add = true, strides = array<i32>} : memref<200x128xf32, #tpu.memory_space<vmem>>, vector<1x16xf32>,
    }
    %scan3A_25 = arith.constant 200 : i32
    %add3A_26 = arith.constant 0 : i32
    %add3A_27 = arith.addi %mul3A_2, %add3A_26 : i32
    %dma_start3A_28 = arith.constant 0 : i32
    %dma_start3A_29 = tpu.memref_slice %arg5[%add3A_27, %dma_start3A_28] : memref<204800x128xf32, #tpu.memory_space<hbm>> -> memref<200x128xf32, #tpu.memory_space<hbm>>
    %dma_start3A_30 = arith.constant 0 : i32
    %dma_start3A_31 = tpu.memref_slice %arg5[%add3A_27, %dma_start3A_30] : memref<204800x128xf32, #tpu.memory_space<hbm>> -> memref<200x128xf32, #tpu.memory_space<hbm>>
    tpu.enqueue_dma source(%arg8 : memref<200x128xf32, #tpu.memory_space<vmem>>) target(%dma_start3A_31 : memref<200x128xf32, #tpu.memory_space<hbm>>) target_semaphore(%arg14 : memref<!tpu.dma_semaphore, #tpu.memory_space<semaphore_mem>>)
    %dma_wait3A_32 = arith.constant 0 : i32
    %dma_wait3A_33 = tpu.memref_slice %arg5[%add3A_27, %dma_wait3A_32] : memref<204800x128xf32, #tpu.memory_space<hbm>> -> memref<200x128xf32, #tpu.memory_space<hbm>>
    %dma_wait3A_34 = arith.constant 0 : i32
    %dma_wait3A_35 = tpu.memref_slice %arg5[%add3A_27, %dma_wait3A_34] : memref<204800x128xf32, #tpu.memory_space<hbm>> -> memref<200x128xf32, #tpu.memory_space<hbm>>
    tpu.wait_dma2 semaphore(%arg14 : memref<!tpu.dma_semaphore, #tpu.memory_space<semaphore_mem>>) src(%arg8 : memref<200x128xf32, #tpu.memory_space<vmem>>) dst(%dma_wait3A_35 : memref<200x128xf32, #tpu.memory_space<hbm>>)
    %dma_start3A_36 = arith.constant 600 : i32
    %dma_start3A_37 = tpu.memref_slice %arg6[%dma_start3A_36] : memref<6400xi32, #tpu.memory_space<vmem>> -> memref<200xi32, #tpu.memory_space<vmem>>
    %dma_start3A_38 = arith.constant 0 : i32
    %dma_start3A_39 = arith.constant 0 : i32
    %dma_start3A_40 = tpu.memref_slice %arg2[%dma_start3A_38, %dma_start3A_39] : memref<1000000x128xf32, #tpu.memory_space<hbm>> -> memref<1000000x128xf32, #tpu.memory_space<hbm>>
    tpu.enqueue_indirect_dma source(%dma_start3A_40 : memref<1000000x128xf32, #tpu.memory_space<hbm>>) target(%arg8 : memref<200x128xf32, #tpu.memory_space<vmem>>) offsets(%dma_start3A_37 : memref<200xi32, #tpu.memory_space<vmem>>) semaphore(%arg11 : memref<!tpu.dma_semaphore, #tpu.memory_space<semaphore_mem>>)
    %dma_wait3A_41 = arith.constant 200 : i32
    %dma_wait3A_42 = tpu.memref_slice %arg6[%dma_wait3A_41] : memref<6400xi32, #tpu.memory_space<vmem>> -> memref<200xi32, #tpu.memory_space<vmem>>
    %dma_wait3A_43 = arith.constant 0 : i32
    %dma_wait3A_44 = arith.constant 0 : i32
    %dma_wait3A_45 = tpu.memref_slice %arg2[%dma_wait3A_43, %dma_wait3A_44] : memref<1000000x128xf32, #tpu.memory_space<hbm>> -> memref<1000000x128xf32, #tpu.memory_space<hbm>>
    tpu.wait_indirect_dma semaphore(%arg12 : memref<!tpu.dma_semaphore, #tpu.memory_space<semaphore_mem>>) src(%dma_wait3A_45 : memref<1000000x128xf32, #tpu.memory_space<hbm>>) dst(%arg9 : memref<200x128xf32, #tpu.memory_space<vmem>>)
    %scan3A_46 = arith.constant 0 : i32
    %scan3A_47 = arith.constant 0 : i32
    %scan3A_48 = arith.constant 200 : i32
    %scan3A_49 = arith.addi %scan3A_47, %scan3A_48 : i32
    %scan3A_50 = arith.constant 2 : i32
    scf.for %scan3A_832 = %scan3A_47 to %scan3A_49 step %scan3A_50  : i32 {
      %get3A = arith.index_cast %scan3A_832 : i32 to index
      %get3A_833 = arith.constant 0 : index
      %get3A_834 = tpu.vector_load %arg7[%get3A, %get3A_833] {strides = array<i32>} : memref<200x64xf32, #tpu.memory_space<vmem>>, vector<1x16xf32>,
      %get3A_835 = vector.shape_cast %get3A_834 : vector<1x16xf32> to vector<16xf32>
      %swap3A = arith.index_cast %scan3A_832 : i32 to index
      %swap3A_836 = arith.constant 0 : index
      %swap3A_837 = tpu.vector_load %arg9[%swap3A, %swap3A_836] {strides = array<i32>} : memref<200x128xf32, #tpu.memory_space<vmem>>, vector<1x16xf32>,
      %swap3A_838 = vector.shape_cast %swap3A_837 : vector<1x16xf32> to vector<16xf32>
      %swap3A_839 = vector.shape_cast %get3A_835 : vector<16xf32> to vector<1x16xf32>
      tpu.vector_store %arg9[%swap3A, %swap3A_836], %swap3A_839 {add = true, strides = array<i32>} : memref<200x128xf32, #tpu.memory_space<vmem>>, vector<1x16xf32>,
      %get3A_840 = arith.index_cast %scan3A_832 : i32 to index
      %get3A_841 = arith.constant 16 : index
      %get3A_842 = tpu.vector_load %arg7[%get3A_840, %get3A_841] {strides = array<i32>} : memref<200x64xf32, #tpu.memory_space<vmem>>, vector<1x16xf32>,
      %get3A_843 = vector.shape_cast %get3A_842 : vector<1x16xf32> to vector<16xf32>
      %swap3A_844 = arith.index_cast %scan3A_832 : i32 to index
      %swap3A_845 = arith.constant 16 : index
      %swap3A_846 = tpu.vector_load %arg9[%swap3A_844, %swap3A_845] {strides = array<i32>} : memref<200x128xf32, #tpu.memory_space<vmem>>, vector<1x16xf32>,
      %swap3A_847 = vector.shape_cast %swap3A_846 : vector<1x16xf32> to vector<16xf32>
      %swap3A_848 = vector.shape_cast %get3A_843 : vector<16xf32> to vector<1x16xf32>
      tpu.vector_store %arg9[%swap3A_844, %swap3A_845], %swap3A_848 {add = true, strides = array<i32>} : memref<200x128xf32, #tpu.memory_space<vmem>>, vector<1x16xf32>,
      %get3A_849 = arith.index_cast %scan3A_832 : i32 to index
      %get3A_850 = arith.constant 32 : index
      %get3A_851 = tpu.vector_load %arg7[%get3A_849, %get3A_850] {strides = array<i32>} : memref<200x64xf32, #tpu.memory_space<vmem>>, vector<1x16xf32>,
      %get3A_852 = vector.shape_cast %get3A_851 : vector<1x16xf32> to vector<16xf32>
      %swap3A_853 = arith.index_cast %scan3A_832 : i32 to index
      %swap3A_854 = arith.constant 32 : index
      %swap3A_855 = tpu.vector_load %arg9[%swap3A_853, %swap3A_854] {strides = array<i32>} : memref<200x128xf32, #tpu.memory_space<vmem>>, vector<1x16xf32>,
      %swap3A_856 = vector.shape_cast %swap3A_855 : vector<1x16xf32> to vector<16xf32>
      %swap3A_857 = vector.shape_cast %get3A_852 : vector<16xf32> to vector<1x16xf32>
      tpu.vector_store %arg9[%swap3A_853, %swap3A_854], %swap3A_857 {add = true, strides = array<i32>} : memref<200x128xf32, #tpu.memory_space<vmem>>, vector<1x16xf32>,
      %get3A_858 = arith.index_cast %scan3A_832 : i32 to index
      %get3A_859 = arith.constant 48 : index
      %get3A_860 = tpu.vector_load %arg7[%get3A_858, %get3A_859] {strides = array<i32>} : memref<200x64xf32, #tpu.memory_space<vmem>>, vector<1x16xf32>,
      %get3A_861 = vector.shape_cast %get3A_860 : vector<1x16xf32> to vector<16xf32>
      %swap3A_862 = arith.index_cast %scan3A_832 : i32 to index
      %swap3A_863 = arith.constant 48 : index
      %swap3A_864 = tpu.vector_load %arg9[%swap3A_862, %swap3A_863] {strides = array<i32>} : memref<200x128xf32, #tpu.memory_space<vmem>>, vector<1x16xf32>,
      %swap3A_865 = vector.shape_cast %swap3A_864 : vector<1x16xf32> to vector<16xf32>
      %swap3A_866 = vector.shape_cast %get3A_861 : vector<16xf32> to vector<1x16xf32>
      tpu.vector_store %arg9[%swap3A_862, %swap3A_863], %swap3A_866 {add = true, strides = array<i32>} : memref<200x128xf32, #tpu.memory_space<vmem>>, vector<1x16xf32>,
      %scan3A_867 = arith.constant 1 : i32
      %scan3A_868 = arith.addi %scan3A_832, %scan3A_867 : i32
      %get3A_869 = arith.index_cast %scan3A_868 : i32 to index
      %get3A_870 = arith.constant 0 : index
      %get3A_871 = tpu.vector_load %arg7[%get3A_869, %get3A_870] {strides = array<i32>} : memref<200x64xf32, #tpu.memory_space<vmem>>, vector<1x16xf32>,
      %get3A_872 = vector.shape_cast %get3A_871 : vector<1x16xf32> to vector<16xf32>
      %swap3A_873 = arith.index_cast %scan3A_868 : i32 to index
      %swap3A_874 = arith.constant 0 : index
      %swap3A_875 = tpu.vector_load %arg9[%swap3A_873, %swap3A_874] {strides = array<i32>} : memref<200x128xf32, #tpu.memory_space<vmem>>, vector<1x16xf32>,
      %swap3A_876 = vector.shape_cast %swap3A_875 : vector<1x16xf32> to vector<16xf32>
      %swap3A_877 = vector.shape_cast %get3A_872 : vector<16xf32> to vector<1x16xf32>
      tpu.vector_store %arg9[%swap3A_873, %swap3A_874], %swap3A_877 {add = true, strides = array<i32>} : memref<200x128xf32, #tpu.memory_space<vmem>>, vector<1x16xf32>,
      %get3A_878 = arith.index_cast %scan3A_868 : i32 to index
      %get3A_879 = arith.constant 16 : index
      %get3A_880 = tpu.vector_load %arg7[%get3A_878, %get3A_879] {strides = array<i32>} : memref<200x64xf32, #tpu.memory_space<vmem>>, vector<1x16xf32>,
      %get3A_881 = vector.shape_cast %get3A_880 : vector<1x16xf32> to vector<16xf32>
      %swap3A_882 = arith.index_cast %scan3A_868 : i32 to index
      %swap3A_883 = arith.constant 16 : index
      %swap3A_884 = tpu.vector_load %arg9[%swap3A_882, %swap3A_883] {strides = array<i32>} : memref<200x128xf32, #tpu.memory_space<vmem>>, vector<1x16xf32>,
      %swap3A_885 = vector.shape_cast %swap3A_884 : vector<1x16xf32> to vector<16xf32>
      %swap3A_886 = vector.shape_cast %get3A_881 : vector<16xf32> to vector<1x16xf32>
      tpu.vector_store %arg9[%swap3A_882, %swap3A_883], %swap3A_886 {add = true, strides = array<i32>} : memref<200x128xf32, #tpu.memory_space<vmem>>, vector<1x16xf32>,
      %get3A_887 = arith.index_cast %scan3A_868 : i32 to index
      %get3A_888 = arith.constant 32 : index
      %get3A_889 = tpu.vector_load %arg7[%get3A_887, %get3A_888] {strides = array<i32>} : memref<200x64xf32, #tpu.memory_space<vmem>>, vector<1x16xf32>,
      %get3A_890 = vector.shape_cast %get3A_889 : vector<1x16xf32> to vector<16xf32>
      %swap3A_891 = arith.index_cast %scan3A_868 : i32 to index
      %swap3A_892 = arith.constant 32 : index
      %swap3A_893 = tpu.vector_load %arg9[%swap3A_891, %swap3A_892] {strides = array<i32>} : memref<200x128xf32, #tpu.memory_space<vmem>>, vector<1x16xf32>,
      %swap3A_894 = vector.shape_cast %swap3A_893 : vector<1x16xf32> to vector<16xf32>
      %swap3A_895 = vector.shape_cast %get3A_890 : vector<16xf32> to vector<1x16xf32>
      tpu.vector_store %arg9[%swap3A_891, %swap3A_892], %swap3A_895 {add = true, strides = array<i32>} : memref<200x128xf32, #tpu.memory_space<vmem>>, vector<1x16xf32>,
      %get3A_896 = arith.index_cast %scan3A_868 : i32 to index
      %get3A_897 = arith.constant 48 : index
      %get3A_898 = tpu.vector_load %arg7[%get3A_896, %get3A_897] {strides = array<i32>} : memref<200x64xf32, #tpu.memory_space<vmem>>, vector<1x16xf32>,
      %get3A_899 = vector.shape_cast %get3A_898 : vector<1x16xf32> to vector<16xf32>
      %swap3A_900 = arith.index_cast %scan3A_868 : i32 to index
      %swap3A_901 = arith.constant 48 : index
      %swap3A_902 = tpu.vector_load %arg9[%swap3A_900, %swap3A_901] {strides = array<i32>} : memref<200x128xf32, #tpu.memory_space<vmem>>, vector<1x16xf32>,
      %swap3A_903 = vector.shape_cast %swap3A_902 : vector<1x16xf32> to vector<16xf32>
      %swap3A_904 = vector.shape_cast %get3A_899 : vector<16xf32> to vector<1x16xf32>
      tpu.vector_store %arg9[%swap3A_900, %swap3A_901], %swap3A_904 {add = true, strides = array<i32>} : memref<200x128xf32, #tpu.memory_space<vmem>>, vector<1x16xf32>,
    }
    %scan3A_51 = arith.constant 200 : i32
    %add3A_52 = arith.constant 200 : i32
    %add3A_53 = arith.addi %mul3A_2, %add3A_52 : i32
    %dma_start3A_54 = arith.constant 0 : i32
    %dma_start3A_55 = tpu.memref_slice %arg5[%add3A_53, %dma_start3A_54] : memref<204800x128xf32, #tpu.memory_space<hbm>> -> memref<200x128xf32, #tpu.memory_space<hbm>>
    %dma_start3A_56 = arith.constant 0 : i32
    %dma_start3A_57 = tpu.memref_slice %arg5[%add3A_53, %dma_start3A_56] : memref<204800x128xf32, #tpu.memory_space<hbm>> -> memref<200x128xf32, #tpu.memory_space<hbm>>
    tpu.enqueue_dma source(%arg9 : memref<200x128xf32, #tpu.memory_space<vmem>>) target(%dma_start3A_57 : memref<200x128xf32, #tpu.memory_space<hbm>>) target_semaphore(%arg15 : memref<!tpu.dma_semaphore, #tpu.memory_space<semaphore_mem>>)
    %dma_wait3A_58 = arith.constant 0 : i32
    %dma_wait3A_59 = tpu.memref_slice %arg5[%add3A_53, %dma_wait3A_58] : memref<204800x128xf32, #tpu.memory_space<hbm>> -> memref<200x128xf32, #tpu.memory_space<hbm>>
    %dma_wait3A_60 = arith.constant 0 : i32
    %dma_wait3A_61 = tpu.memref_slice %arg5[%add3A_53, %dma_wait3A_60] : memref<204800x128xf32, #tpu.memory_space<hbm>> -> memref<200x128xf32, #tpu.memory_space<hbm>>
    tpu.wait_dma2 semaphore(%arg15 : memref<!tpu.dma_semaphore, #tpu.memory_space<semaphore_mem>>) src(%arg9 : memref<200x128xf32, #tpu.memory_space<vmem>>) dst(%dma_wait3A_61 : memref<200x128xf32, #tpu.memory_space<hbm>>)
    %dma_start3A_62 = arith.constant 800 : i32
    %dma_start3A_63 = tpu.memref_slice %arg6[%dma_start3A_62] : memref<6400xi32, #tpu.memory_space<vmem>> -> memref<200xi32, #tpu.memory_space<vmem>>
    %dma_start3A_64 = arith.constant 0 : i32
    %dma_start3A_65 = arith.constant 0 : i32
    %dma_start3A_66 = tpu.memref_slice %arg2[%dma_start3A_64, %dma_start3A_65] : memref<1000000x128xf32, #tpu.memory_space<hbm>> -> memref<1000000x128xf32, #tpu.memory_space<hbm>>
    tpu.enqueue_indirect_dma source(%dma_start3A_66 : memref<1000000x128xf32, #tpu.memory_space<hbm>>) target(%arg9 : memref<200x128xf32, #tpu.memory_space<vmem>>) offsets(%dma_start3A_63 : memref<200xi32, #tpu.memory_space<vmem>>) semaphore(%arg12 : memref<!tpu.dma_semaphore, #tpu.memory_space<semaphore_mem>>)
    %dma_wait3A_67 = arith.constant 400 : i32
    %dma_wait3A_68 = tpu.memref_slice %arg6[%dma_wait3A_67] : memref<6400xi32, #tpu.memory_space<vmem>> -> memref<200xi32, #tpu.memory_space<vmem>>
    %dma_wait3A_69 = arith.constant 0 : i32
    %dma_wait3A_70 = arith.constant 0 : i32
    %dma_wait3A_71 = tpu.memref_slice %arg2[%dma_wait3A_69, %dma_wait3A_70] : memref<1000000x128xf32, #tpu.memory_space<hbm>> -> memref<1000000x128xf32, #tpu.memory_space<hbm>>
    tpu.wait_indirect_dma semaphore(%arg13 : memref<!tpu.dma_semaphore, #tpu.memory_space<semaphore_mem>>) src(%dma_wait3A_71 : memref<1000000x128xf32, #tpu.memory_space<hbm>>) dst(%arg10 : memref<200x128xf32, #tpu.memory_space<vmem>>)
    %scan3A_72 = arith.constant 0 : i32
    %scan3A_73 = arith.constant 0 : i32
    %scan3A_74 = arith.constant 200 : i32
    %scan3A_75 = arith.addi %scan3A_73, %scan3A_74 : i32
    %scan3A_76 = arith.constant 2 : i32
    scf.for %scan3A_832 = %scan3A_73 to %scan3A_75 step %scan3A_76  : i32 {
      %get3A = arith.index_cast %scan3A_832 : i32 to index
      %get3A_833 = arith.constant 0 : index
      %get3A_834 = tpu.vector_load %arg7[%get3A, %get3A_833] {strides = array<i32>} : memref<200x64xf32, #tpu.memory_space<vmem>>, vector<1x16xf32>,
      %get3A_835 = vector.shape_cast %get3A_834 : vector<1x16xf32> to vector<16xf32>
      %swap3A = arith.index_cast %scan3A_832 : i32 to index
      %swap3A_836 = arith.constant 0 : index
      %swap3A_837 = tpu.vector_load %arg10[%swap3A, %swap3A_836] {strides = array<i32>} : memref<200x128xf32, #tpu.memory_space<vmem>>, vector<1x16xf32>,
      %swap3A_838 = vector.shape_cast %swap3A_837 : vector<1x16xf32> to vector<16xf32>
      %swap3A_839 = vector.shape_cast %get3A_835 : vector<16xf32> to vector<1x16xf32>
      tpu.vector_store %arg10[%swap3A, %swap3A_836], %swap3A_839 {add = true, strides = array<i32>} : memref<200x128xf32, #tpu.memory_space<vmem>>, vector<1x16xf32>,
      %get3A_840 = arith.index_cast %scan3A_832 : i32 to index
      %get3A_841 = arith.constant 16 : index
      %get3A_842 = tpu.vector_load %arg7[%get3A_840, %get3A_841] {strides = array<i32>} : memref<200x64xf32, #tpu.memory_space<vmem>>, vector<1x16xf32>,
      %get3A_843 = vector.shape_cast %get3A_842 : vector<1x16xf32> to vector<16xf32>
      %swap3A_844 = arith.index_cast %scan3A_832 : i32 to index
      %swap3A_845 = arith.constant 16 : index
      %swap3A_846 = tpu.vector_load %arg10[%swap3A_844, %swap3A_845] {strides = array<i32>} : memref<200x128xf32, #tpu.memory_space<vmem>>, vector<1x16xf32>,
      %swap3A_847 = vector.shape_cast %swap3A_846 : vector<1x16xf32> to vector<16xf32>
      %swap3A_848 = vector.shape_cast %get3A_843 : vector<16xf32> to vector<1x16xf32>
      tpu.vector_store %arg10[%swap3A_844, %swap3A_845], %swap3A_848 {add = true, strides = array<i32>} : memref<200x128xf32, #tpu.memory_space<vmem>>, vector<1x16xf32>,
      %get3A_849 = arith.index_cast %scan3A_832 : i32 to index
      %get3A_850 = arith.constant 32 : index
      %get3A_851 = tpu.vector_load %arg7[%get3A_849, %get3A_850] {strides = array<i32>} : memref<200x64xf32, #tpu.memory_space<vmem>>, vector<1x16xf32>,
      %get3A_852 = vector.shape_cast %get3A_851 : vector<1x16xf32> to vector<16xf32>
      %swap3A_853 = arith.index_cast %scan3A_832 : i32 to index
      %swap3A_854 = arith.constant 32 : index
      %swap3A_855 = tpu.vector_load %arg10[%swap3A_853, %swap3A_854] {strides = array<i32>} : memref<200x128xf32, #tpu.memory_space<vmem>>, vector<1x16xf32>,
      %swap3A_856 = vector.shape_cast %swap3A_855 : vector<1x16xf32> to vector<16xf32>
      %swap3A_857 = vector.shape_cast %get3A_852 : vector<16xf32> to vector<1x16xf32>
      tpu.vector_store %arg10[%swap3A_853, %swap3A_854], %swap3A_857 {add = true, strides = array<i32>} : memref<200x128xf32, #tpu.memory_space<vmem>>, vector<1x16xf32>,
      %get3A_858 = arith.index_cast %scan3A_832 : i32 to index
      %get3A_859 = arith.constant 48 : index
      %get3A_860 = tpu.vector_load %arg7[%get3A_858, %get3A_859] {strides = array<i32>} : memref<200x64xf32, #tpu.memory_space<vmem>>, vector<1x16xf32>,
      %get3A_861 = vector.shape_cast %get3A_860 : vector<1x16xf32> to vector<16xf32>
      %swap3A_862 = arith.index_cast %scan3A_832 : i32 to index
      %swap3A_863 = arith.constant 48 : index
      %swap3A_864 = tpu.vector_load %arg10[%swap3A_862, %swap3A_863] {strides = array<i32>} : memref<200x128xf32, #tpu.memory_space<vmem>>, vector<1x16xf32>,
      %swap3A_865 = vector.shape_cast %swap3A_864 : vector<1x16xf32> to vector<16xf32>
      %swap3A_866 = vector.shape_cast %get3A_861 : vector<16xf32> to vector<1x16xf32>
      tpu.vector_store %arg10[%swap3A_862, %swap3A_863], %swap3A_866 {add = true, strides = array<i32>} : memref<200x128xf32, #tpu.memory_space<vmem>>, vector<1x16xf32>,
      %scan3A_867 = arith.constant 1 : i32
      %scan3A_868 = arith.addi %scan3A_832, %scan3A_867 : i32
      %get3A_869 = arith.index_cast %scan3A_868 : i32 to index
      %get3A_870 = arith.constant 0 : index
      %get3A_871 = tpu.vector_load %arg7[%get3A_869, %get3A_870] {strides = array<i32>} : memref<200x64xf32, #tpu.memory_space<vmem>>, vector<1x16xf32>,
      %get3A_872 = vector.shape_cast %get3A_871 : vector<1x16xf32> to vector<16xf32>
      %swap3A_873 = arith.index_cast %scan3A_868 : i32 to index
      %swap3A_874 = arith.constant 0 : index
      %swap3A_875 = tpu.vector_load %arg10[%swap3A_873, %swap3A_874] {strides = array<i32>} : memref<200x128xf32, #tpu.memory_space<vmem>>, vector<1x16xf32>,
      %swap3A_876 = vector.shape_cast %swap3A_875 : vector<1x16xf32> to vector<16xf32>
      %swap3A_877 = vector.shape_cast %get3A_872 : vector<16xf32> to vector<1x16xf32>
      tpu.vector_store %arg10[%swap3A_873, %swap3A_874], %swap3A_877 {add = true, strides = array<i32>} : memref<200x128xf32, #tpu.memory_space<vmem>>, vector<1x16xf32>,
      %get3A_878 = arith.index_cast %scan3A_868 : i32 to index
      %get3A_879 = arith.constant 16 : index
      %get3A_880 = tpu.vector_load %arg7[%get3A_878, %get3A_879] {strides = array<i32>} : memref<200x64xf32, #tpu.memory_space<vmem>>, vector<1x16xf32>,
      %get3A_881 = vector.shape_cast %get3A_880 : vector<1x16xf32> to vector<16xf32>
      %swap3A_882 = arith.index_cast %scan3A_868 : i32 to index
      %swap3A_883 = arith.constant 16 : index
      %swap3A_884 = tpu.vector_load %arg10[%swap3A_882, %swap3A_883] {strides = array<i32>} : memref<200x128xf32, #tpu.memory_space<vmem>>, vector<1x16xf32>,
      %swap3A_885 = vector.shape_cast %swap3A_884 : vector<1x16xf32> to vector<16xf32>
      %swap3A_886 = vector.shape_cast %get3A_881 : vector<16xf32> to vector<1x16xf32>
      tpu.vector_store %arg10[%swap3A_882, %swap3A_883], %swap3A_886 {add = true, strides = array<i32>} : memref<200x128xf32, #tpu.memory_space<vmem>>, vector<1x16xf32>,
      %get3A_887 = arith.index_cast %scan3A_868 : i32 to index
      %get3A_888 = arith.constant 32 : index
      %get3A_889 = tpu.vector_load %arg7[%get3A_887, %get3A_888] {strides = array<i32>} : memref<200x64xf32, #tpu.memory_space<vmem>>, vector<1x16xf32>,
      %get3A_890 = vector.shape_cast %get3A_889 : vector<1x16xf32> to vector<16xf32>
      %swap3A_891 = arith.index_cast %scan3A_868 : i32 to index
      %swap3A_892 = arith.constant 32 : index
      %swap3A_893 = tpu.vector_load %arg10[%swap3A_891, %swap3A_892] {strides = array<i32>} : memref<200x128xf32, #tpu.memory_space<vmem>>, vector<1x16xf32>,
      %swap3A_894 = vector.shape_cast %swap3A_893 : vector<1x16xf32> to vector<16xf32>
      %swap3A_895 = vector.shape_cast %get3A_890 : vector<16xf32> to vector<1x16xf32>
      tpu.vector_store %arg10[%swap3A_891, %swap3A_892], %swap3A_895 {add = true, strides = array<i32>} : memref<200x128xf32, #tpu.memory_space<vmem>>, vector<1x16xf32>,
      %get3A_896 = arith.index_cast %scan3A_868 : i32 to index
      %get3A_897 = arith.constant 48 : index
      %get3A_898 = tpu.vector_load %arg7[%get3A_896, %get3A_897] {strides = array<i32>} : memref<200x64xf32, #tpu.memory_space<vmem>>, vector<1x16xf32>,
      %get3A_899 = vector.shape_cast %get3A_898 : vector<1x16xf32> to vector<16xf32>
      %swap3A_900 = arith.index_cast %scan3A_868 : i32 to index
      %swap3A_901 = arith.constant 48 : index
      %swap3A_902 = tpu.vector_load %arg10[%swap3A_900, %swap3A_901] {strides = array<i32>} : memref<200x128xf32, #tpu.memory_space<vmem>>, vector<1x16xf32>,
      %swap3A_903 = vector.shape_cast %swap3A_902 : vector<1x16xf32> to vector<16xf32>
      %swap3A_904 = vector.shape_cast %get3A_899 : vector<16xf32> to vector<1x16xf32>
      tpu.vector_store %arg10[%swap3A_900, %swap3A_901], %swap3A_904 {add = true, strides = array<i32>} : memref<200x128xf32, #tpu.memory_space<vmem>>, vector<1x16xf32>,
    }
    %scan3A_77 = arith.constant 200 : i32
    %add3A_78 = arith.constant 400 : i32
    %add3A_79 = arith.addi %mul3A_2, %add3A_78 : i32
    %dma_start3A_80 = arith.constant 0 : i32
    %dma_start3A_81 = tpu.memref_slice %arg5[%add3A_79, %dma_start3A_80] : memref<204800x128xf32, #tpu.memory_space<hbm>> -> memref<200x128xf32, #tpu.memory_space<hbm>>
    %dma_start3A_82 = arith.constant 0 : i32
    %dma_start3A_83 = tpu.memref_slice %arg5[%add3A_79, %dma_start3A_82] : memref<204800x128xf32, #tpu.memory_space<hbm>> -> memref<200x128xf32, #tpu.memory_space<hbm>>
    tpu.enqueue_dma source(%arg10 : memref<200x128xf32, #tpu.memory_space<vmem>>) target(%dma_start3A_83 : memref<200x128xf32, #tpu.memory_space<hbm>>) target_semaphore(%arg16 : memref<!tpu.dma_semaphore, #tpu.memory_space<semaphore_mem>>)
    %dma_wait3A_84 = arith.constant 0 : i32
    %dma_wait3A_85 = tpu.memref_slice %arg5[%add3A_79, %dma_wait3A_84] : memref<204800x128xf32, #tpu.memory_space<hbm>> -> memref<200x128xf32, #tpu.memory_space<hbm>>
    %dma_wait3A_86 = arith.constant 0 : i32
    %dma_wait3A_87 = tpu.memref_slice %arg5[%add3A_79, %dma_wait3A_86] : memref<204800x128xf32, #tpu.memory_space<hbm>> -> memref<200x128xf32, #tpu.memory_space<hbm>>
    tpu.wait_dma2 semaphore(%arg16 : memref<!tpu.dma_semaphore, #tpu.memory_space<semaphore_mem>>) src(%arg10 : memref<200x128xf32, #tpu.memory_space<vmem>>) dst(%dma_wait3A_87 : memref<200x128xf32, #tpu.memory_space<hbm>>)
    %dma_start3A_88 = arith.constant 1000 : i32
    %dma_start3A_89 = tpu.memref_slice %arg6[%dma_start3A_88] : memref<6400xi32, #tpu.memory_space<vmem>> -> memref<200xi32, #tpu.memory_space<vmem>>
    %dma_start3A_90 = arith.constant 0 : i32
    %dma_start3A_91 = arith.constant 0 : i32
    %dma_start3A_92 = tpu.memref_slice %arg2[%dma_start3A_90, %dma_start3A_91] : memref<1000000x128xf32, #tpu.memory_space<hbm>> -> memref<1000000x128xf32, #tpu.memory_space<hbm>>
    tpu.enqueue_indirect_dma source(%dma_start3A_92 : memref<1000000x128xf32, #tpu.memory_space<hbm>>) target(%arg10 : memref<200x128xf32, #tpu.memory_space<vmem>>) offsets(%dma_start3A_89 : memref<200xi32, #tpu.memory_space<vmem>>) semaphore(%arg13 : memref<!tpu.dma_semaphore, #tpu.memory_space<semaphore_mem>>)
    %dma_wait3A_93 = arith.constant 600 : i32
    %dma_wait3A_94 = tpu.memref_slice %arg6[%dma_wait3A_93] : memref<6400xi32, #tpu.memory_space<vmem>> -> memref<200xi32, #tpu.memory_space<vmem>>
    %dma_wait3A_95 = arith.constant 0 : i32
    %dma_wait3A_96 = arith.constant 0 : i32
    %dma_wait3A_97 = tpu.memref_slice %arg2[%dma_wait3A_95, %dma_wait3A_96] : memref<1000000x128xf32, #tpu.memory_space<hbm>> -> memref<1000000x128xf32, #tpu.memory_space<hbm>>
    tpu.wait_indirect_dma semaphore(%arg11 : memref<!tpu.dma_semaphore, #tpu.memory_space<semaphore_mem>>) src(%dma_wait3A_97 : memref<1000000x128xf32, #tpu.memory_space<hbm>>) dst(%arg8 : memref<200x128xf32, #tpu.memory_space<vmem>>)
    %scan3A_98 = arith.constant 0 : i32
    %scan3A_99 = arith.constant 0 : i32
    %scan3A_100 = arith.constant 200 : i32
    %scan3A_101 = arith.addi %scan3A_99, %scan3A_100 : i32
    %scan3A_102 = arith.constant 2 : i32
    scf.for %scan3A_832 = %scan3A_99 to %scan3A_101 step %scan3A_102  : i32 {
      %get3A = arith.index_cast %scan3A_832 : i32 to index
      %get3A_833 = arith.constant 0 : index
      %get3A_834 = tpu.vector_load %arg7[%get3A, %get3A_833] {strides = array<i32>} : memref<200x64xf32, #tpu.memory_space<vmem>>, vector<1x16xf32>,
      %get3A_835 = vector.shape_cast %get3A_834 : vector<1x16xf32> to vector<16xf32>
      %swap3A = arith.index_cast %scan3A_832 : i32 to index
      %swap3A_836 = arith.constant 0 : index
      %swap3A_837 = tpu.vector_load %arg8[%swap3A, %swap3A_836] {strides = array<i32>} : memref<200x128xf32, #tpu.memory_space<vmem>>, vector<1x16xf32>,
      %swap3A_838 = vector.shape_cast %swap3A_837 : vector<1x16xf32> to vector<16xf32>
      %swap3A_839 = vector.shape_cast %get3A_835 : vector<16xf32> to vector<1x16xf32>
      tpu.vector_store %arg8[%swap3A, %swap3A_836], %swap3A_839 {add = true, strides = array<i32>} : memref<200x128xf32, #tpu.memory_space<vmem>>, vector<1x16xf32>,
      %get3A_840 = arith.index_cast %scan3A_832 : i32 to index
      %get3A_841 = arith.constant 16 : index
      %get3A_842 = tpu.vector_load %arg7[%get3A_840, %get3A_841] {strides = array<i32>} : memref<200x64xf32, #tpu.memory_space<vmem>>, vector<1x16xf32>,
      %get3A_843 = vector.shape_cast %get3A_842 : vector<1x16xf32> to vector<16xf32>
      %swap3A_844 = arith.index_cast %scan3A_832 : i32 to index
      %swap3A_845 = arith.constant 16 : index
      %swap3A_846 = tpu.vector_load %arg8[%swap3A_844, %swap3A_845] {strides = array<i32>} : memref<200x128xf32, #tpu.memory_space<vmem>>, vector<1x16xf32>,
      %swap3A_847 = vector.shape_cast %swap3A_846 : vector<1x16xf32> to vector<16xf32>
      %swap3A_848 = vector.shape_cast %get3A_843 : vector<16xf32> to vector<1x16xf32>
      tpu.vector_store %arg8[%swap3A_844, %swap3A_845], %swap3A_848 {add = true, strides = array<i32>} : memref<200x128xf32, #tpu.memory_space<vmem>>, vector<1x16xf32>,
      %get3A_849 = arith.index_cast %scan3A_832 : i32 to index
      %get3A_850 = arith.constant 32 : index
      %get3A_851 = tpu.vector_load %arg7[%get3A_849, %get3A_850] {strides = array<i32>} : memref<200x64xf32, #tpu.memory_space<vmem>>, vector<1x16xf32>,
      %get3A_852 = vector.shape_cast %get3A_851 : vector<1x16xf32> to vector<16xf32>
      %swap3A_853 = arith.index_cast %scan3A_832 : i32 to index
      %swap3A_854 = arith.constant 32 : index
      %swap3A_855 = tpu.vector_load %arg8[%swap3A_853, %swap3A_854] {strides = array<i32>} : memref<200x128xf32, #tpu.memory_space<vmem>>, vector<1x16xf32>,
      %swap3A_856 = vector.shape_cast %swap3A_855 : vector<1x16xf32> to vector<16xf32>
      %swap3A_857 = vector.shape_cast %get3A_852 : vector<16xf32> to vector<1x16xf32>
      tpu.vector_store %arg8[%swap3A_853, %swap3A_854], %swap3A_857 {add = true, strides = array<i32>} : memref<200x128xf32, #tpu.memory_space<vmem>>, vector<1x16xf32>,
      %get3A_858 = arith.index_cast %scan3A_832 : i32 to index
      %get3A_859 = arith.constant 48 : index
      %get3A_860 = tpu.vector_load %arg7[%get3A_858, %get3A_859] {strides = array<i32>} : memref<200x64xf32, #tpu.memory_space<vmem>>, vector<1x16xf32>,
      %get3A_861 = vector.shape_cast %get3A_860 : vector<1x16xf32> to vector<16xf32>
      %swap3A_862 = arith.index_cast %scan3A_832 : i32 to index
      %swap3A_863 = arith.constant 48 : index
      %swap3A_864 = tpu.vector_load %arg8[%swap3A_862, %swap3A_863] {strides = array<i32>} : memref<200x128xf32, #tpu.memory_space<vmem>>, vector<1x16xf32>,
      %swap3A_865 = vector.shape_cast %swap3A_864 : vector<1x16xf32> to vector<16xf32>
      %swap3A_866 = vector.shape_cast %get3A_861 : vector<16xf32> to vector<1x16xf32>
      tpu.vector_store %arg8[%swap3A_862, %swap3A_863], %swap3A_866 {add = true, strides = array<i32>} : memref<200x128xf32, #tpu.memory_space<vmem>>, vector<1x16xf32>,
      %scan3A_867 = arith.constant 1 : i32
      %scan3A_868 = arith.addi %scan3A_832, %scan3A_867 : i32
      %get3A_869 = arith.index_cast %scan3A_868 : i32 to index
      %get3A_870 = arith.constant 0 : index
      %get3A_871 = tpu.vector_load %arg7[%get3A_869, %get3A_870] {strides = array<i32>} : memref<200x64xf32, #tpu.memory_space<vmem>>, vector<1x16xf32>,
      %get3A_872 = vector.shape_cast %get3A_871 : vector<1x16xf32> to vector<16xf32>
      %swap3A_873 = arith.index_cast %scan3A_868 : i32 to index
      %swap3A_874 = arith.constant 0 : index
      %swap3A_875 = tpu.vector_load %arg8[%swap3A_873, %swap3A_874] {strides = array<i32>} : memref<200x128xf32, #tpu.memory_space<vmem>>, vector<1x16xf32>,
      %swap3A_876 = vector.shape_cast %swap3A_875 : vector<1x16xf32> to vector<16xf32>
      %swap3A_877 = vector.shape_cast %get3A_872 : vector<16xf32> to vector<1x16xf32>
      tpu.vector_store %arg8[%swap3A_873, %swap3A_874], %swap3A_877 {add = true, strides = array<i32>} : memref<200x128xf32, #tpu.memory_space<vmem>>, vector<1x16xf32>,
      %get3A_878 = arith.index_cast %scan3A_868 : i32 to index
      %get3A_879 = arith.constant 16 : index
      %get3A_880 = tpu.vector_load %arg7[%get3A_878, %get3A_879] {strides = array<i32>} : memref<200x64xf32, #tpu.memory_space<vmem>>, vector<1x16xf32>,
      %get3A_881 = vector.shape_cast %get3A_880 : vector<1x16xf32> to vector<16xf32>
      %swap3A_882 = arith.index_cast %scan3A_868 : i32 to index
      %swap3A_883 = arith.constant 16 : index
      %swap3A_884 = tpu.vector_load %arg8[%swap3A_882, %swap3A_883] {strides = array<i32>} : memref<200x128xf32, #tpu.memory_space<vmem>>, vector<1x16xf32>,
      %swap3A_885 = vector.shape_cast %swap3A_884 : vector<1x16xf32> to vector<16xf32>
      %swap3A_886 = vector.shape_cast %get3A_881 : vector<16xf32> to vector<1x16xf32>
      tpu.vector_store %arg8[%swap3A_882, %swap3A_883], %swap3A_886 {add = true, strides = array<i32>} : memref<200x128xf32, #tpu.memory_space<vmem>>, vector<1x16xf32>,
      %get3A_887 = arith.index_cast %scan3A_868 : i32 to index
      %get3A_888 = arith.constant 32 : index
      %get3A_889 = tpu.vector_load %arg7[%get3A_887, %get3A_888] {strides = array<i32>} : memref<200x64xf32, #tpu.memory_space<vmem>>, vector<1x16xf32>,
      %get3A_890 = vector.shape_cast %get3A_889 : vector<1x16xf32> to vector<16xf32>
      %swap3A_891 = arith.index_cast %scan3A_868 : i32 to index
      %swap3A_892 = arith.constant 32 : index
      %swap3A_893 = tpu.vector_load %arg8[%swap3A_891, %swap3A_892] {strides = array<i32>} : memref<200x128xf32, #tpu.memory_space<vmem>>, vector<1x16xf32>,
      %swap3A_894 = vector.shape_cast %swap3A_893 : vector<1x16xf32> to vector<16xf32>
      %swap3A_895 = vector.shape_cast %get3A_890 : vector<16xf32> to vector<1x16xf32>
      tpu.vector_store %arg8[%swap3A_891, %swap3A_892], %swap3A_895 {add = true, strides = array<i32>} : memref<200x128xf32, #tpu.memory_space<vmem>>, vector<1x16xf32>,
      %get3A_896 = arith.index_cast %scan3A_868 : i32 to index
      %get3A_897 = arith.constant 48 : index
      %get3A_898 = tpu.vector_load %arg7[%get3A_896, %get3A_897] {strides = array<i32>} : memref<200x64xf32, #tpu.memory_space<vmem>>, vector<1x16xf32>,
      %get3A_899 = vector.shape_cast %get3A_898 : vector<1x16xf32> to vector<16xf32>
      %swap3A_900 = arith.index_cast %scan3A_868 : i32 to index
      %swap3A_901 = arith.constant 48 : index
      %swap3A_902 = tpu.vector_load %arg8[%swap3A_900, %swap3A_901] {strides = array<i32>} : memref<200x128xf32, #tpu.memory_space<vmem>>, vector<1x16xf32>,
      %swap3A_903 = vector.shape_cast %swap3A_902 : vector<1x16xf32> to vector<16xf32>
      %swap3A_904 = vector.shape_cast %get3A_899 : vector<16xf32> to vector<1x16xf32>
      tpu.vector_store %arg8[%swap3A_900, %swap3A_901], %swap3A_904 {add = true, strides = array<i32>} : memref<200x128xf32, #tpu.memory_space<vmem>>, vector<1x16xf32>,
    }
    %scan3A_103 = arith.constant 200 : i32
    %add3A_104 = arith.constant 600 : i32
    %add3A_105 = arith.addi %mul3A_2, %add3A_104 : i32
    %dma_start3A_106 = arith.constant 0 : i32
    %dma_start3A_107 = tpu.memref_slice %arg5[%add3A_105, %dma_start3A_106] : memref<204800x128xf32, #tpu.memory_space<hbm>> -> memref<200x128xf32, #tpu.memory_space<hbm>>
    %dma_start3A_108 = arith.constant 0 : i32
    %dma_start3A_109 = tpu.memref_slice %arg5[%add3A_105, %dma_start3A_108] : memref<204800x128xf32, #tpu.memory_space<hbm>> -> memref<200x128xf32, #tpu.memory_space<hbm>>
    tpu.enqueue_dma source(%arg8 : memref<200x128xf32, #tpu.memory_space<vmem>>) target(%dma_start3A_109 : memref<200x128xf32, #tpu.memory_space<hbm>>) target_semaphore(%arg14 : memref<!tpu.dma_semaphore, #tpu.memory_space<semaphore_mem>>)
    %dma_wait3A_110 = arith.constant 0 : i32
    %dma_wait3A_111 = tpu.memref_slice %arg5[%add3A_105, %dma_wait3A_110] : memref<204800x128xf32, #tpu.memory_space<hbm>> -> memref<200x128xf32, #tpu.memory_space<hbm>>
    %dma_wait3A_112 = arith.constant 0 : i32
    %dma_wait3A_113 = tpu.memref_slice %arg5[%add3A_105, %dma_wait3A_112] : memref<204800x128xf32, #tpu.memory_space<hbm>> -> memref<200x128xf32, #tpu.memory_space<hbm>>
    tpu.wait_dma2 semaphore(%arg14 : memref<!tpu.dma_semaphore, #tpu.memory_space<semaphore_mem>>) src(%arg8 : memref<200x128xf32, #tpu.memory_space<vmem>>) dst(%dma_wait3A_113 : memref<200x128xf32, #tpu.memory_space<hbm>>)
    %dma_start3A_114 = arith.constant 1200 : i32
    %dma_start3A_115 = tpu.memref_slice %arg6[%dma_start3A_114] : memref<6400xi32, #tpu.memory_space<vmem>> -> memref<200xi32, #tpu.memory_space<vmem>>
    %dma_start3A_116 = arith.constant 0 : i32
    %dma_start3A_117 = arith.constant 0 : i32
    %dma_start3A_118 = tpu.memref_slice %arg2[%dma_start3A_116, %dma_start3A_117] : memref<1000000x128xf32, #tpu.memory_space<hbm>> -> memref<1000000x128xf32, #tpu.memory_space<hbm>>
    tpu.enqueue_indirect_dma source(%dma_start3A_118 : memref<1000000x128xf32, #tpu.memory_space<hbm>>) target(%arg8 : memref<200x128xf32, #tpu.memory_space<vmem>>) offsets(%dma_start3A_115 : memref<200xi32, #tpu.memory_space<vmem>>) semaphore(%arg11 : memref<!tpu.dma_semaphore, #tpu.memory_space<semaphore_mem>>)
    %dma_wait3A_119 = arith.constant 800 : i32
    %dma_wait3A_120 = tpu.memref_slice %arg6[%dma_wait3A_119] : memref<6400xi32, #tpu.memory_space<vmem>> -> memref<200xi32, #tpu.memory_space<vmem>>
    %dma_wait3A_121 = arith.constant 0 : i32
    %dma_wait3A_122 = arith.constant 0 : i32
    %dma_wait3A_123 = tpu.memref_slice %arg2[%dma_wait3A_121, %dma_wait3A_122] : memref<1000000x128xf32, #tpu.memory_space<hbm>> -> memref<1000000x128xf32, #tpu.memory_space<hbm>>
    tpu.wait_indirect_dma semaphore(%arg12 : memref<!tpu.dma_semaphore, #tpu.memory_space<semaphore_mem>>) src(%dma_wait3A_123 : memref<1000000x128xf32, #tpu.memory_space<hbm>>) dst(%arg9 : memref<200x128xf32, #tpu.memory_space<vmem>>)
    %scan3A_124 = arith.constant 0 : i32
    %scan3A_125 = arith.constant 0 : i32
    %scan3A_126 = arith.constant 200 : i32
    %scan3A_127 = arith.addi %scan3A_125, %scan3A_126 : i32
    %scan3A_128 = arith.constant 2 : i32
    scf.for %scan3A_832 = %scan3A_125 to %scan3A_127 step %scan3A_128  : i32 {
      %get3A = arith.index_cast %scan3A_832 : i32 to index
      %get3A_833 = arith.constant 0 : index
      %get3A_834 = tpu.vector_load %arg7[%get3A, %get3A_833] {strides = array<i32>} : memref<200x64xf32, #tpu.memory_space<vmem>>, vector<1x16xf32>,
      %get3A_835 = vector.shape_cast %get3A_834 : vector<1x16xf32> to vector<16xf32>
      %swap3A = arith.index_cast %scan3A_832 : i32 to index
      %swap3A_836 = arith.constant 0 : index
      %swap3A_837 = tpu.vector_load %arg9[%swap3A, %swap3A_836] {strides = array<i32>} : memref<200x128xf32, #tpu.memory_space<vmem>>, vector<1x16xf32>,
      %swap3A_838 = vector.shape_cast %swap3A_837 : vector<1x16xf32> to vector<16xf32>
      %swap3A_839 = vector.shape_cast %get3A_835 : vector<16xf32> to vector<1x16xf32>
      tpu.vector_store %arg9[%swap3A, %swap3A_836], %swap3A_839 {add = true, strides = array<i32>} : memref<200x128xf32, #tpu.memory_space<vmem>>, vector<1x16xf32>,
      %get3A_840 = arith.index_cast %scan3A_832 : i32 to index
      %get3A_841 = arith.constant 16 : index
      %get3A_842 = tpu.vector_load %arg7[%get3A_840, %get3A_841] {strides = array<i32>} : memref<200x64xf32, #tpu.memory_space<vmem>>, vector<1x16xf32>,
      %get3A_843 = vector.shape_cast %get3A_842 : vector<1x16xf32> to vector<16xf32>
      %swap3A_844 = arith.index_cast %scan3A_832 : i32 to index
      %swap3A_845 = arith.constant 16 : index
      %swap3A_846 = tpu.vector_load %arg9[%swap3A_844, %swap3A_845] {strides = array<i32>} : memref<200x128xf32, #tpu.memory_space<vmem>>, vector<1x16xf32>,
      %swap3A_847 = vector.shape_cast %swap3A_846 : vector<1x16xf32> to vector<16xf32>
      %swap3A_848 = vector.shape_cast %get3A_843 : vector<16xf32> to vector<1x16xf32>
      tpu.vector_store %arg9[%swap3A_844, %swap3A_845], %swap3A_848 {add = true, strides = array<i32>} : memref<200x128xf32, #tpu.memory_space<vmem>>, vector<1x16xf32>,
      %get3A_849 = arith.index_cast %scan3A_832 : i32 to index
      %get3A_850 = arith.constant 32 : index
      %get3A_851 = tpu.vector_load %arg7[%get3A_849, %get3A_850] {strides = array<i32>} : memref<200x64xf32, #tpu.memory_space<vmem>>, vector<1x16xf32>,
      %get3A_852 = vector.shape_cast %get3A_851 : vector<1x16xf32> to vector<16xf32>
      %swap3A_853 = arith.index_cast %scan3A_832 : i32 to index
      %swap3A_854 = arith.constant 32 : index
      %swap3A_855 = tpu.vector_load %arg9[%swap3A_853, %swap3A_854] {strides = array<i32>} : memref<200x128xf32, #tpu.memory_space<vmem>>, vector<1x16xf32>,
      %swap3A_856 = vector.shape_cast %swap3A_855 : vector<1x16xf32> to vector<16xf32>
      %swap3A_857 = vector.shape_cast %get3A_852 : vector<16xf32> to vector<1x16xf32>
      tpu.vector_store %arg9[%swap3A_853, %swap3A_854], %swap3A_857 {add = true, strides = array<i32>} : memref<200x128xf32, #tpu.memory_space<vmem>>, vector<1x16xf32>,
      %get3A_858 = arith.index_cast %scan3A_832 : i32 to index
      %get3A_859 = arith.constant 48 : index
      %get3A_860 = tpu.vector_load %arg7[%get3A_858, %get3A_859] {strides = array<i32>} : memref<200x64xf32, #tpu.memory_space<vmem>>, vector<1x16xf32>,
      %get3A_861 = vector.shape_cast %get3A_860 : vector<1x16xf32> to vector<16xf32>
      %swap3A_862 = arith.index_cast %scan3A_832 : i32 to index
      %swap3A_863 = arith.constant 48 : index
      %swap3A_864 = tpu.vector_load %arg9[%swap3A_862, %swap3A_863] {strides = array<i32>} : memref<200x128xf32, #tpu.memory_space<vmem>>, vector<1x16xf32>,
      %swap3A_865 = vector.shape_cast %swap3A_864 : vector<1x16xf32> to vector<16xf32>
      %swap3A_866 = vector.shape_cast %get3A_861 : vector<16xf32> to vector<1x16xf32>
      tpu.vector_store %arg9[%swap3A_862, %swap3A_863], %swap3A_866 {add = true, strides = array<i32>} : memref<200x128xf32, #tpu.memory_space<vmem>>, vector<1x16xf32>,
      %scan3A_867 = arith.constant 1 : i32
      %scan3A_868 = arith.addi %scan3A_832, %scan3A_867 : i32
      %get3A_869 = arith.index_cast %scan3A_868 : i32 to index
      %get3A_870 = arith.constant 0 : index
      %get3A_871 = tpu.vector_load %arg7[%get3A_869, %get3A_870] {strides = array<i32>} : memref<200x64xf32, #tpu.memory_space<vmem>>, vector<1x16xf32>,
      %get3A_872 = vector.shape_cast %get3A_871 : vector<1x16xf32> to vector<16xf32>
      %swap3A_873 = arith.index_cast %scan3A_868 : i32 to index
      %swap3A_874 = arith.constant 0 : index
      %swap3A_875 = tpu.vector_load %arg9[%swap3A_873, %swap3A_874] {strides = array<i32>} : memref<200x128xf32, #tpu.memory_space<vmem>>, vector<1x16xf32>,
      %swap3A_876 = vector.shape_cast %swap3A_875 : vector<1x16xf32> to vector<16xf32>
      %swap3A_877 = vector.shape_cast %get3A_872 : vector<16xf32> to vector<1x16xf32>
      tpu.vector_store %arg9[%swap3A_873, %swap3A_874], %swap3A_877 {add = true, strides = array<i32>} : memref<200x128xf32, #tpu.memory_space<vmem>>, vector<1x16xf32>,
      %get3A_878 = arith.index_cast %scan3A_868 : i32 to index
      %get3A_879 = arith.constant 16 : index
      %get3A_880 = tpu.vector_load %arg7[%get3A_878, %get3A_879] {strides = array<i32>} : memref<200x64xf32, #tpu.memory_space<vmem>>, vector<1x16xf32>,
      %get3A_881 = vector.shape_cast %get3A_880 : vector<1x16xf32> to vector<16xf32>
      %swap3A_882 = arith.index_cast %scan3A_868 : i32 to index
      %swap3A_883 = arith.constant 16 : index
      %swap3A_884 = tpu.vector_load %arg9[%swap3A_882, %swap3A_883] {strides = array<i32>} : memref<200x128xf32, #tpu.memory_space<vmem>>, vector<1x16xf32>,
      %swap3A_885 = vector.shape_cast %swap3A_884 : vector<1x16xf32> to vector<16xf32>
      %swap3A_886 = vector.shape_cast %get3A_881 : vector<16xf32> to vector<1x16xf32>
      tpu.vector_store %arg9[%swap3A_882, %swap3A_883], %swap3A_886 {add = true, strides = array<i32>} : memref<200x128xf32, #tpu.memory_space<vmem>>, vector<1x16xf32>,
      %get3A_887 = arith.index_cast %scan3A_868 : i32 to index
      %get3A_888 = arith.constant 32 : index
      %get3A_889 = tpu.vector_load %arg7[%get3A_887, %get3A_888] {strides = array<i32>} : memref<200x64xf32, #tpu.memory_space<vmem>>, vector<1x16xf32>,
      %get3A_890 = vector.shape_cast %get3A_889 : vector<1x16xf32> to vector<16xf32>
      %swap3A_891 = arith.index_cast %scan3A_868 : i32 to index
      %swap3A_892 = arith.constant 32 : index
      %swap3A_893 = tpu.vector_load %arg9[%swap3A_891, %swap3A_892] {strides = array<i32>} : memref<200x128xf32, #tpu.memory_space<vmem>>, vector<1x16xf32>,
      %swap3A_894 = vector.shape_cast %swap3A_893 : vector<1x16xf32> to vector<16xf32>
      %swap3A_895 = vector.shape_cast %get3A_890 : vector<16xf32> to vector<1x16xf32>
      tpu.vector_store %arg9[%swap3A_891, %swap3A_892], %swap3A_895 {add = true, strides = array<i32>} : memref<200x128xf32, #tpu.memory_space<vmem>>, vector<1x16xf32>,
      %get3A_896 = arith.index_cast %scan3A_868 : i32 to index
      %get3A_897 = arith.constant 48 : index
      %get3A_898 = tpu.vector_load %arg7[%get3A_896, %get3A_897] {strides = array<i32>} : memref<200x64xf32, #tpu.memory_space<vmem>>, vector<1x16xf32>,
      %get3A_899 = vector.shape_cast %get3A_898 : vector<1x16xf32> to vector<16xf32>
      %swap3A_900 = arith.index_cast %scan3A_868 : i32 to index
      %swap3A_901 = arith.constant 48 : index
      %swap3A_902 = tpu.vector_load %arg9[%swap3A_900, %swap3A_901] {strides = array<i32>} : memref<200x128xf32, #tpu.memory_space<vmem>>, vector<1x16xf32>,
      %swap3A_903 = vector.shape_cast %swap3A_902 : vector<1x16xf32> to vector<16xf32>
      %swap3A_904 = vector.shape_cast %get3A_899 : vector<16xf32> to vector<1x16xf32>
      tpu.vector_store %arg9[%swap3A_900, %swap3A_901], %swap3A_904 {add = true, strides = array<i32>} : memref<200x128xf32, #tpu.memory_space<vmem>>, vector<1x16xf32>,
    }
    %scan3A_129 = arith.constant 200 : i32
    %add3A_130 = arith.constant 800 : i32
    %add3A_131 = arith.addi %mul3A_2, %add3A_130 : i32
    %dma_start3A_132 = arith.constant 0 : i32
    %dma_start3A_133 = tpu.memref_slice %arg5[%add3A_131, %dma_start3A_132] : memref<204800x128xf32, #tpu.memory_space<hbm>> -> memref<200x128xf32, #tpu.memory_space<hbm>>
    %dma_start3A_134 = arith.constant 0 : i32
    %dma_start3A_135 = tpu.memref_slice %arg5[%add3A_131, %dma_start3A_134] : memref<204800x128xf32, #tpu.memory_space<hbm>> -> memref<200x128xf32, #tpu.memory_space<hbm>>
    tpu.enqueue_dma source(%arg9 : memref<200x128xf32, #tpu.memory_space<vmem>>) target(%dma_start3A_135 : memref<200x128xf32, #tpu.memory_space<hbm>>) target_semaphore(%arg15 : memref<!tpu.dma_semaphore, #tpu.memory_space<semaphore_mem>>)
    %dma_wait3A_136 = arith.constant 0 : i32
    %dma_wait3A_137 = tpu.memref_slice %arg5[%add3A_131, %dma_wait3A_136] : memref<204800x128xf32, #tpu.memory_space<hbm>> -> memref<200x128xf32, #tpu.memory_space<hbm>>
    %dma_wait3A_138 = arith.constant 0 : i32
    %dma_wait3A_139 = tpu.memref_slice %arg5[%add3A_131, %dma_wait3A_138] : memref<204800x128xf32, #tpu.memory_space<hbm>> -> memref<200x128xf32, #tpu.memory_space<hbm>>
    tpu.wait_dma2 semaphore(%arg15 : memref<!tpu.dma_semaphore, #tpu.memory_space<semaphore_mem>>) src(%arg9 : memref<200x128xf32, #tpu.memory_space<vmem>>) dst(%dma_wait3A_139 : memref<200x128xf32, #tpu.memory_space<hbm>>)
    %dma_start3A_140 = arith.constant 1400 : i32
    %dma_start3A_141 = tpu.memref_slice %arg6[%dma_start3A_140] : memref<6400xi32, #tpu.memory_space<vmem>> -> memref<200xi32, #tpu.memory_space<vmem>>
    %dma_start3A_142 = arith.constant 0 : i32
    %dma_start3A_143 = arith.constant 0 : i32
    %dma_start3A_144 = tpu.memref_slice %arg2[%dma_start3A_142, %dma_start3A_143] : memref<1000000x128xf32, #tpu.memory_space<hbm>> -> memref<1000000x128xf32, #tpu.memory_space<hbm>>
    tpu.enqueue_indirect_dma source(%dma_start3A_144 : memref<1000000x128xf32, #tpu.memory_space<hbm>>) target(%arg9 : memref<200x128xf32, #tpu.memory_space<vmem>>) offsets(%dma_start3A_141 : memref<200xi32, #tpu.memory_space<vmem>>) semaphore(%arg12 : memref<!tpu.dma_semaphore, #tpu.memory_space<semaphore_mem>>)
    %dma_wait3A_145 = arith.constant 1000 : i32
    %dma_wait3A_146 = tpu.memref_slice %arg6[%dma_wait3A_145] : memref<6400xi32, #tpu.memory_space<vmem>> -> memref<200xi32, #tpu.memory_space<vmem>>
    %dma_wait3A_147 = arith.constant 0 : i32
    %dma_wait3A_148 = arith.constant 0 : i32
    %dma_wait3A_149 = tpu.memref_slice %arg2[%dma_wait3A_147, %dma_wait3A_148] : memref<1000000x128xf32, #tpu.memory_space<hbm>> -> memref<1000000x128xf32, #tpu.memory_space<hbm>>
    tpu.wait_indirect_dma semaphore(%arg13 : memref<!tpu.dma_semaphore, #tpu.memory_space<semaphore_mem>>) src(%dma_wait3A_149 : memref<1000000x128xf32, #tpu.memory_space<hbm>>) dst(%arg10 : memref<200x128xf32, #tpu.memory_space<vmem>>)
    %scan3A_150 = arith.constant 0 : i32
    %scan3A_151 = arith.constant 0 : i32
    %scan3A_152 = arith.constant 200 : i32
    %scan3A_153 = arith.addi %scan3A_151, %scan3A_152 : i32
    %scan3A_154 = arith.constant 2 : i32
    scf.for %scan3A_832 = %scan3A_151 to %scan3A_153 step %scan3A_154  : i32 {
      %get3A = arith.index_cast %scan3A_832 : i32 to index
      %get3A_833 = arith.constant 0 : index
      %get3A_834 = tpu.vector_load %arg7[%get3A, %get3A_833] {strides = array<i32>} : memref<200x64xf32, #tpu.memory_space<vmem>>, vector<1x16xf32>,
      %get3A_835 = vector.shape_cast %get3A_834 : vector<1x16xf32> to vector<16xf32>
      %swap3A = arith.index_cast %scan3A_832 : i32 to index
      %swap3A_836 = arith.constant 0 : index
      %swap3A_837 = tpu.vector_load %arg10[%swap3A, %swap3A_836] {strides = array<i32>} : memref<200x128xf32, #tpu.memory_space<vmem>>, vector<1x16xf32>,
      %swap3A_838 = vector.shape_cast %swap3A_837 : vector<1x16xf32> to vector<16xf32>
      %swap3A_839 = vector.shape_cast %get3A_835 : vector<16xf32> to vector<1x16xf32>
      tpu.vector_store %arg10[%swap3A, %swap3A_836], %swap3A_839 {add = true, strides = array<i32>} : memref<200x128xf32, #tpu.memory_space<vmem>>, vector<1x16xf32>,
      %get3A_840 = arith.index_cast %scan3A_832 : i32 to index
      %get3A_841 = arith.constant 16 : index
      %get3A_842 = tpu.vector_load %arg7[%get3A_840, %get3A_841] {strides = array<i32>} : memref<200x64xf32, #tpu.memory_space<vmem>>, vector<1x16xf32>,
      %get3A_843 = vector.shape_cast %get3A_842 : vector<1x16xf32> to vector<16xf32>
      %swap3A_844 = arith.index_cast %scan3A_832 : i32 to index
      %swap3A_845 = arith.constant 16 : index
      %swap3A_846 = tpu.vector_load %arg10[%swap3A_844, %swap3A_845] {strides = array<i32>} : memref<200x128xf32, #tpu.memory_space<vmem>>, vector<1x16xf32>,
      %swap3A_847 = vector.shape_cast %swap3A_846 : vector<1x16xf32> to vector<16xf32>
      %swap3A_848 = vector.shape_cast %get3A_843 : vector<16xf32> to vector<1x16xf32>
      tpu.vector_store %arg10[%swap3A_844, %swap3A_845], %swap3A_848 {add = true, strides = array<i32>} : memref<200x128xf32, #tpu.memory_space<vmem>>, vector<1x16xf32>,
      %get3A_849 = arith.index_cast %scan3A_832 : i32 to index
      %get3A_850 = arith.constant 32 : index
      %get3A_851 = tpu.vector_load %arg7[%get3A_849, %get3A_850] {strides = array<i32>} : memref<200x64xf32, #tpu.memory_space<vmem>>, vector<1x16xf32>,
      %get3A_852 = vector.shape_cast %get3A_851 : vector<1x16xf32> to vector<16xf32>
      %swap3A_853 = arith.index_cast %scan3A_832 : i32 to index
      %swap3A_854 = arith.constant 32 : index
      %swap3A_855 = tpu.vector_load %arg10[%swap3A_853, %swap3A_854] {strides = array<i32>} : memref<200x128xf32, #tpu.memory_space<vmem>>, vector<1x16xf32>,
      %swap3A_856 = vector.shape_cast %swap3A_855 : vector<1x16xf32> to vector<16xf32>
      %swap3A_857 = vector.shape_cast %get3A_852 : vector<16xf32> to vector<1x16xf32>
      tpu.vector_store %arg10[%swap3A_853, %swap3A_854], %swap3A_857 {add = true, strides = array<i32>} : memref<200x128xf32, #tpu.memory_space<vmem>>, vector<1x16xf32>,
      %get3A_858 = arith.index_cast %scan3A_832 : i32 to index
      %get3A_859 = arith.constant 48 : index
      %get3A_860 = tpu.vector_load %arg7[%get3A_858, %get3A_859] {strides = array<i32>} : memref<200x64xf32, #tpu.memory_space<vmem>>, vector<1x16xf32>,
      %get3A_861 = vector.shape_cast %get3A_860 : vector<1x16xf32> to vector<16xf32>
      %swap3A_862 = arith.index_cast %scan3A_832 : i32 to index
      %swap3A_863 = arith.constant 48 : index
      %swap3A_864 = tpu.vector_load %arg10[%swap3A_862, %swap3A_863] {strides = array<i32>} : memref<200x128xf32, #tpu.memory_space<vmem>>, vector<1x16xf32>,
      %swap3A_865 = vector.shape_cast %swap3A_864 : vector<1x16xf32> to vector<16xf32>
      %swap3A_866 = vector.shape_cast %get3A_861 : vector<16xf32> to vector<1x16xf32>
      tpu.vector_store %arg10[%swap3A_862, %swap3A_863], %swap3A_866 {add = true, strides = array<i32>} : memref<200x128xf32, #tpu.memory_space<vmem>>, vector<1x16xf32>,
      %scan3A_867 = arith.constant 1 : i32
      %scan3A_868 = arith.addi %scan3A_832, %scan3A_867 : i32
      %get3A_869 = arith.index_cast %scan3A_868 : i32 to index
      %get3A_870 = arith.constant 0 : index
      %get3A_871 = tpu.vector_load %arg7[%get3A_869, %get3A_870] {strides = array<i32>} : memref<200x64xf32, #tpu.memory_space<vmem>>, vector<1x16xf32>,
      %get3A_872 = vector.shape_cast %get3A_871 : vector<1x16xf32> to vector<16xf32>
      %swap3A_873 = arith.index_cast %scan3A_868 : i32 to index
      %swap3A_874 = arith.constant 0 : index
      %swap3A_875 = tpu.vector_load %arg10[%swap3A_873, %swap3A_874] {strides = array<i32>} : memref<200x128xf32, #tpu.memory_space<vmem>>, vector<1x16xf32>,
      %swap3A_876 = vector.shape_cast %swap3A_875 : vector<1x16xf32> to vector<16xf32>
      %swap3A_877 = vector.shape_cast %get3A_872 : vector<16xf32> to vector<1x16xf32>
      tpu.vector_store %arg10[%swap3A_873, %swap3A_874], %swap3A_877 {add = true, strides = array<i32>} : memref<200x128xf32, #tpu.memory_space<vmem>>, vector<1x16xf32>,
      %get3A_878 = arith.index_cast %scan3A_868 : i32 to index
      %get3A_879 = arith.constant 16 : index
      %get3A_880 = tpu.vector_load %arg7[%get3A_878, %get3A_879] {strides = array<i32>} : memref<200x64xf32, #tpu.memory_space<vmem>>, vector<1x16xf32>,
      %get3A_881 = vector.shape_cast %get3A_880 : vector<1x16xf32> to vector<16xf32>
      %swap3A_882 = arith.index_cast %scan3A_868 : i32 to index
      %swap3A_883 = arith.constant 16 : index
      %swap3A_884 = tpu.vector_load %arg10[%swap3A_882, %swap3A_883] {strides = array<i32>} : memref<200x128xf32, #tpu.memory_space<vmem>>, vector<1x16xf32>,
      %swap3A_885 = vector.shape_cast %swap3A_884 : vector<1x16xf32> to vector<16xf32>
      %swap3A_886 = vector.shape_cast %get3A_881 : vector<16xf32> to vector<1x16xf32>
      tpu.vector_store %arg10[%swap3A_882, %swap3A_883], %swap3A_886 {add = true, strides = array<i32>} : memref<200x128xf32, #tpu.memory_space<vmem>>, vector<1x16xf32>,
      %get3A_887 = arith.index_cast %scan3A_868 : i32 to index
      %get3A_888 = arith.constant 32 : index
      %get3A_889 = tpu.vector_load %arg7[%get3A_887, %get3A_888] {strides = array<i32>} : memref<200x64xf32, #tpu.memory_space<vmem>>, vector<1x16xf32>,
      %get3A_890 = vector.shape_cast %get3A_889 : vector<1x16xf32> to vector<16xf32>
      %swap3A_891 = arith.index_cast %scan3A_868 : i32 to index
      %swap3A_892 = arith.constant 32 : index
      %swap3A_893 = tpu.vector_load %arg10[%swap3A_891, %swap3A_892] {strides = array<i32>} : memref<200x128xf32, #tpu.memory_space<vmem>>, vector<1x16xf32>,
      %swap3A_894 = vector.shape_cast %swap3A_893 : vector<1x16xf32> to vector<16xf32>
      %swap3A_895 = vector.shape_cast %get3A_890 : vector<16xf32> to vector<1x16xf32>
      tpu.vector_store %arg10[%swap3A_891, %swap3A_892], %swap3A_895 {add = true, strides = array<i32>} : memref<200x128xf32, #tpu.memory_space<vmem>>, vector<1x16xf32>,
      %get3A_896 = arith.index_cast %scan3A_868 : i32 to index
      %get3A_897 = arith.constant 48 : index
      %get3A_898 = tpu.vector_load %arg7[%get3A_896, %get3A_897] {strides = array<i32>} : memref<200x64xf32, #tpu.memory_space<vmem>>, vector<1x16xf32>,
      %get3A_899 = vector.shape_cast %get3A_898 : vector<1x16xf32> to vector<16xf32>
      %swap3A_900 = arith.index_cast %scan3A_868 : i32 to index
      %swap3A_901 = arith.constant 48 : index
      %swap3A_902 = tpu.vector_load %arg10[%swap3A_900, %swap3A_901] {strides = array<i32>} : memref<200x128xf32, #tpu.memory_space<vmem>>, vector<1x16xf32>,
      %swap3A_903 = vector.shape_cast %swap3A_902 : vector<1x16xf32> to vector<16xf32>
      %swap3A_904 = vector.shape_cast %get3A_899 : vector<16xf32> to vector<1x16xf32>
      tpu.vector_store %arg10[%swap3A_900, %swap3A_901], %swap3A_904 {add = true, strides = array<i32>} : memref<200x128xf32, #tpu.memory_space<vmem>>, vector<1x16xf32>,
    }
    %scan3A_155 = arith.constant 200 : i32
    %add3A_156 = arith.constant 1000 : i32
    %add3A_157 = arith.addi %mul3A_2, %add3A_156 : i32
    %dma_start3A_158 = arith.constant 0 : i32
    %dma_start3A_159 = tpu.memref_slice %arg5[%add3A_157, %dma_start3A_158] : memref<204800x128xf32, #tpu.memory_space<hbm>> -> memref<200x128xf32, #tpu.memory_space<hbm>>
    %dma_start3A_160 = arith.constant 0 : i32
    %dma_start3A_161 = tpu.memref_slice %arg5[%add3A_157, %dma_start3A_160] : memref<204800x128xf32, #tpu.memory_space<hbm>> -> memref<200x128xf32, #tpu.memory_space<hbm>>
    tpu.enqueue_dma source(%arg10 : memref<200x128xf32, #tpu.memory_space<vmem>>) target(%dma_start3A_161 : memref<200x128xf32, #tpu.memory_space<hbm>>) target_semaphore(%arg16 : memref<!tpu.dma_semaphore, #tpu.memory_space<semaphore_mem>>)
    %dma_wait3A_162 = arith.constant 0 : i32
    %dma_wait3A_163 = tpu.memref_slice %arg5[%add3A_157, %dma_wait3A_162] : memref<204800x128xf32, #tpu.memory_space<hbm>> -> memref<200x128xf32, #tpu.memory_space<hbm>>
    %dma_wait3A_164 = arith.constant 0 : i32
    %dma_wait3A_165 = tpu.memref_slice %arg5[%add3A_157, %dma_wait3A_164] : memref<204800x128xf32, #tpu.memory_space<hbm>> -> memref<200x128xf32, #tpu.memory_space<hbm>>
    tpu.wait_dma2 semaphore(%arg16 : memref<!tpu.dma_semaphore, #tpu.memory_space<semaphore_mem>>) src(%arg10 : memref<200x128xf32, #tpu.memory_space<vmem>>) dst(%dma_wait3A_165 : memref<200x128xf32, #tpu.memory_space<hbm>>)
    %dma_start3A_166 = arith.constant 1600 : i32
    %dma_start3A_167 = tpu.memref_slice %arg6[%dma_start3A_166] : memref<6400xi32, #tpu.memory_space<vmem>> -> memref<200xi32, #tpu.memory_space<vmem>>
    %dma_start3A_168 = arith.constant 0 : i32
    %dma_start3A_169 = arith.constant 0 : i32
    %dma_start3A_170 = tpu.memref_slice %arg2[%dma_start3A_168, %dma_start3A_169] : memref<1000000x128xf32, #tpu.memory_space<hbm>> -> memref<1000000x128xf32, #tpu.memory_space<hbm>>
    tpu.enqueue_indirect_dma source(%dma_start3A_170 : memref<1000000x128xf32, #tpu.memory_space<hbm>>) target(%arg10 : memref<200x128xf32, #tpu.memory_space<vmem>>) offsets(%dma_start3A_167 : memref<200xi32, #tpu.memory_space<vmem>>) semaphore(%arg13 : memref<!tpu.dma_semaphore, #tpu.memory_space<semaphore_mem>>)
    %dma_wait3A_171 = arith.constant 1200 : i32
    %dma_wait3A_172 = tpu.memref_slice %arg6[%dma_wait3A_171] : memref<6400xi32, #tpu.memory_space<vmem>> -> memref<200xi32, #tpu.memory_space<vmem>>
    %dma_wait3A_173 = arith.constant 0 : i32
    %dma_wait3A_174 = arith.constant 0 : i32
    %dma_wait3A_175 = tpu.memref_slice %arg2[%dma_wait3A_173, %dma_wait3A_174] : memref<1000000x128xf32, #tpu.memory_space<hbm>> -> memref<1000000x128xf32, #tpu.memory_space<hbm>>
    tpu.wait_indirect_dma semaphore(%arg11 : memref<!tpu.dma_semaphore, #tpu.memory_space<semaphore_mem>>) src(%dma_wait3A_175 : memref<1000000x128xf32, #tpu.memory_space<hbm>>) dst(%arg8 : memref<200x128xf32, #tpu.memory_space<vmem>>)
    %scan3A_176 = arith.constant 0 : i32
    %scan3A_177 = arith.constant 0 : i32
    %scan3A_178 = arith.constant 200 : i32
    %scan3A_179 = arith.addi %scan3A_177, %scan3A_178 : i32
    %scan3A_180 = arith.constant 2 : i32
    scf.for %scan3A_832 = %scan3A_177 to %scan3A_179 step %scan3A_180  : i32 {
      %get3A = arith.index_cast %scan3A_832 : i32 to index
      %get3A_833 = arith.constant 0 : index
      %get3A_834 = tpu.vector_load %arg7[%get3A, %get3A_833] {strides = array<i32>} : memref<200x64xf32, #tpu.memory_space<vmem>>, vector<1x16xf32>,
      %get3A_835 = vector.shape_cast %get3A_834 : vector<1x16xf32> to vector<16xf32>
      %swap3A = arith.index_cast %scan3A_832 : i32 to index
      %swap3A_836 = arith.constant 0 : index
      %swap3A_837 = tpu.vector_load %arg8[%swap3A, %swap3A_836] {strides = array<i32>} : memref<200x128xf32, #tpu.memory_space<vmem>>, vector<1x16xf32>,
      %swap3A_838 = vector.shape_cast %swap3A_837 : vector<1x16xf32> to vector<16xf32>
      %swap3A_839 = vector.shape_cast %get3A_835 : vector<16xf32> to vector<1x16xf32>
      tpu.vector_store %arg8[%swap3A, %swap3A_836], %swap3A_839 {add = true, strides = array<i32>} : memref<200x128xf32, #tpu.memory_space<vmem>>, vector<1x16xf32>,
      %get3A_840 = arith.index_cast %scan3A_832 : i32 to index
      %get3A_841 = arith.constant 16 : index
      %get3A_842 = tpu.vector_load %arg7[%get3A_840, %get3A_841] {strides = array<i32>} : memref<200x64xf32, #tpu.memory_space<vmem>>, vector<1x16xf32>,
      %get3A_843 = vector.shape_cast %get3A_842 : vector<1x16xf32> to vector<16xf32>
      %swap3A_844 = arith.index_cast %scan3A_832 : i32 to index
      %swap3A_845 = arith.constant 16 : index
      %swap3A_846 = tpu.vector_load %arg8[%swap3A_844, %swap3A_845] {strides = array<i32>} : memref<200x128xf32, #tpu.memory_space<vmem>>, vector<1x16xf32>,
      %swap3A_847 = vector.shape_cast %swap3A_846 : vector<1x16xf32> to vector<16xf32>
      %swap3A_848 = vector.shape_cast %get3A_843 : vector<16xf32> to vector<1x16xf32>
      tpu.vector_store %arg8[%swap3A_844, %swap3A_845], %swap3A_848 {add = true, strides = array<i32>} : memref<200x128xf32, #tpu.memory_space<vmem>>, vector<1x16xf32>,
      %get3A_849 = arith.index_cast %scan3A_832 : i32 to index
      %get3A_850 = arith.constant 32 : index
      %get3A_851 = tpu.vector_load %arg7[%get3A_849, %get3A_850] {strides = array<i32>} : memref<200x64xf32, #tpu.memory_space<vmem>>, vector<1x16xf32>,
      %get3A_852 = vector.shape_cast %get3A_851 : vector<1x16xf32> to vector<16xf32>
      %swap3A_853 = arith.index_cast %scan3A_832 : i32 to index
      %swap3A_854 = arith.constant 32 : index
      %swap3A_855 = tpu.vector_load %arg8[%swap3A_853, %swap3A_854] {strides = array<i32>} : memref<200x128xf32, #tpu.memory_space<vmem>>, vector<1x16xf32>,
      %swap3A_856 = vector.shape_cast %swap3A_855 : vector<1x16xf32> to vector<16xf32>
      %swap3A_857 = vector.shape_cast %get3A_852 : vector<16xf32> to vector<1x16xf32>
      tpu.vector_store %arg8[%swap3A_853, %swap3A_854], %swap3A_857 {add = true, strides = array<i32>} : memref<200x128xf32, #tpu.memory_space<vmem>>, vector<1x16xf32>,
      %get3A_858 = arith.index_cast %scan3A_832 : i32 to index
      %get3A_859 = arith.constant 48 : index
      %get3A_860 = tpu.vector_load %arg7[%get3A_858, %get3A_859] {strides = array<i32>} : memref<200x64xf32, #tpu.memory_space<vmem>>, vector<1x16xf32>,
      %get3A_861 = vector.shape_cast %get3A_860 : vector<1x16xf32> to vector<16xf32>
      %swap3A_862 = arith.index_cast %scan3A_832 : i32 to index
      %swap3A_863 = arith.constant 48 : index
      %swap3A_864 = tpu.vector_load %arg8[%swap3A_862, %swap3A_863] {strides = array<i32>} : memref<200x128xf32, #tpu.memory_space<vmem>>, vector<1x16xf32>,
      %swap3A_865 = vector.shape_cast %swap3A_864 : vector<1x16xf32> to vector<16xf32>
      %swap3A_866 = vector.shape_cast %get3A_861 : vector<16xf32> to vector<1x16xf32>
      tpu.vector_store %arg8[%swap3A_862, %swap3A_863], %swap3A_866 {add = true, strides = array<i32>} : memref<200x128xf32, #tpu.memory_space<vmem>>, vector<1x16xf32>,
      %scan3A_867 = arith.constant 1 : i32
      %scan3A_868 = arith.addi %scan3A_832, %scan3A_867 : i32
      %get3A_869 = arith.index_cast %scan3A_868 : i32 to index
      %get3A_870 = arith.constant 0 : index
      %get3A_871 = tpu.vector_load %arg7[%get3A_869, %get3A_870] {strides = array<i32>} : memref<200x64xf32, #tpu.memory_space<vmem>>, vector<1x16xf32>,
      %get3A_872 = vector.shape_cast %get3A_871 : vector<1x16xf32> to vector<16xf32>
      %swap3A_873 = arith.index_cast %scan3A_868 : i32 to index
      %swap3A_874 = arith.constant 0 : index
      %swap3A_875 = tpu.vector_load %arg8[%swap3A_873, %swap3A_874] {strides = array<i32>} : memref<200x128xf32, #tpu.memory_space<vmem>>, vector<1x16xf32>,
      %swap3A_876 = vector.shape_cast %swap3A_875 : vector<1x16xf32> to vector<16xf32>
      %swap3A_877 = vector.shape_cast %get3A_872 : vector<16xf32> to vector<1x16xf32>
      tpu.vector_store %arg8[%swap3A_873, %swap3A_874], %swap3A_877 {add = true, strides = array<i32>} : memref<200x128xf32, #tpu.memory_space<vmem>>, vector<1x16xf32>,
      %get3A_878 = arith.index_cast %scan3A_868 : i32 to index
      %get3A_879 = arith.constant 16 : index
      %get3A_880 = tpu.vector_load %arg7[%get3A_878, %get3A_879] {strides = array<i32>} : memref<200x64xf32, #tpu.memory_space<vmem>>, vector<1x16xf32>,
      %get3A_881 = vector.shape_cast %get3A_880 : vector<1x16xf32> to vector<16xf32>
      %swap3A_882 = arith.index_cast %scan3A_868 : i32 to index
      %swap3A_883 = arith.constant 16 : index
      %swap3A_884 = tpu.vector_load %arg8[%swap3A_882, %swap3A_883] {strides = array<i32>} : memref<200x128xf32, #tpu.memory_space<vmem>>, vector<1x16xf32>,
      %swap3A_885 = vector.shape_cast %swap3A_884 : vector<1x16xf32> to vector<16xf32>
      %swap3A_886 = vector.shape_cast %get3A_881 : vector<16xf32> to vector<1x16xf32>
      tpu.vector_store %arg8[%swap3A_882, %swap3A_883], %swap3A_886 {add = true, strides = array<i32>} : memref<200x128xf32, #tpu.memory_space<vmem>>, vector<1x16xf32>,
      %get3A_887 = arith.index_cast %scan3A_868 : i32 to index
      %get3A_888 = arith.constant 32 : index
      %get3A_889 = tpu.vector_load %arg7[%get3A_887, %get3A_888] {strides = array<i32>} : memref<200x64xf32, #tpu.memory_space<vmem>>, vector<1x16xf32>,
      %get3A_890 = vector.shape_cast %get3A_889 : vector<1x16xf32> to vector<16xf32>
      %swap3A_891 = arith.index_cast %scan3A_868 : i32 to index
      %swap3A_892 = arith.constant 32 : index
      %swap3A_893 = tpu.vector_load %arg8[%swap3A_891, %swap3A_892] {strides = array<i32>} : memref<200x128xf32, #tpu.memory_space<vmem>>, vector<1x16xf32>,
      %swap3A_894 = vector.shape_cast %swap3A_893 : vector<1x16xf32> to vector<16xf32>
      %swap3A_895 = vector.shape_cast %get3A_890 : vector<16xf32> to vector<1x16xf32>
      tpu.vector_store %arg8[%swap3A_891, %swap3A_892], %swap3A_895 {add = true, strides = array<i32>} : memref<200x128xf32, #tpu.memory_space<vmem>>, vector<1x16xf32>,
      %get3A_896 = arith.index_cast %scan3A_868 : i32 to index
      %get3A_897 = arith.constant 48 : index
      %get3A_898 = tpu.vector_load %arg7[%get3A_896, %get3A_897] {strides = array<i32>} : memref<200x64xf32, #tpu.memory_space<vmem>>, vector<1x16xf32>,
      %get3A_899 = vector.shape_cast %get3A_898 : vector<1x16xf32> to vector<16xf32>
      %swap3A_900 = arith.index_cast %scan3A_868 : i32 to index
      %swap3A_901 = arith.constant 48 : index
      %swap3A_902 = tpu.vector_load %arg8[%swap3A_900, %swap3A_901] {strides = array<i32>} : memref<200x128xf32, #tpu.memory_space<vmem>>, vector<1x16xf32>,
      %swap3A_903 = vector.shape_cast %swap3A_902 : vector<1x16xf32> to vector<16xf32>
      %swap3A_904 = vector.shape_cast %get3A_899 : vector<16xf32> to vector<1x16xf32>
      tpu.vector_store %arg8[%swap3A_900, %swap3A_901], %swap3A_904 {add = true, strides = array<i32>} : memref<200x128xf32, #tpu.memory_space<vmem>>, vector<1x16xf32>,
    }
    %scan3A_181 = arith.constant 200 : i32
    %add3A_182 = arith.constant 1200 : i32
    %add3A_183 = arith.addi %mul3A_2, %add3A_182 : i32
    %dma_start3A_184 = arith.constant 0 : i32
    %dma_start3A_185 = tpu.memref_slice %arg5[%add3A_183, %dma_start3A_184] : memref<204800x128xf32, #tpu.memory_space<hbm>> -> memref<200x128xf32, #tpu.memory_space<hbm>>
    %dma_start3A_186 = arith.constant 0 : i32
    %dma_start3A_187 = tpu.memref_slice %arg5[%add3A_183, %dma_start3A_186] : memref<204800x128xf32, #tpu.memory_space<hbm>> -> memref<200x128xf32, #tpu.memory_space<hbm>>
    tpu.enqueue_dma source(%arg8 : memref<200x128xf32, #tpu.memory_space<vmem>>) target(%dma_start3A_187 : memref<200x128xf32, #tpu.memory_space<hbm>>) target_semaphore(%arg14 : memref<!tpu.dma_semaphore, #tpu.memory_space<semaphore_mem>>)
    %dma_wait3A_188 = arith.constant 0 : i32
    %dma_wait3A_189 = tpu.memref_slice %arg5[%add3A_183, %dma_wait3A_188] : memref<204800x128xf32, #tpu.memory_space<hbm>> -> memref<200x128xf32, #tpu.memory_space<hbm>>
    %dma_wait3A_190 = arith.constant 0 : i32
    %dma_wait3A_191 = tpu.memref_slice %arg5[%add3A_183, %dma_wait3A_190] : memref<204800x128xf32, #tpu.memory_space<hbm>> -> memref<200x128xf32, #tpu.memory_space<hbm>>
    tpu.wait_dma2 semaphore(%arg14 : memref<!tpu.dma_semaphore, #tpu.memory_space<semaphore_mem>>) src(%arg8 : memref<200x128xf32, #tpu.memory_space<vmem>>) dst(%dma_wait3A_191 : memref<200x128xf32, #tpu.memory_space<hbm>>)
    %dma_start3A_192 = arith.constant 1800 : i32
    %dma_start3A_193 = tpu.memref_slice %arg6[%dma_start3A_192] : memref<6400xi32, #tpu.memory_space<vmem>> -> memref<200xi32, #tpu.memory_space<vmem>>
    %dma_start3A_194 = arith.constant 0 : i32
    %dma_start3A_195 = arith.constant 0 : i32
    %dma_start3A_196 = tpu.memref_slice %arg2[%dma_start3A_194, %dma_start3A_195] : memref<1000000x128xf32, #tpu.memory_space<hbm>> -> memref<1000000x128xf32, #tpu.memory_space<hbm>>
    tpu.enqueue_indirect_dma source(%dma_start3A_196 : memref<1000000x128xf32, #tpu.memory_space<hbm>>) target(%arg8 : memref<200x128xf32, #tpu.memory_space<vmem>>) offsets(%dma_start3A_193 : memref<200xi32, #tpu.memory_space<vmem>>) semaphore(%arg11 : memref<!tpu.dma_semaphore, #tpu.memory_space<semaphore_mem>>)
    %dma_wait3A_197 = arith.constant 1400 : i32
    %dma_wait3A_198 = tpu.memref_slice %arg6[%dma_wait3A_197] : memref<6400xi32, #tpu.memory_space<vmem>> -> memref<200xi32, #tpu.memory_space<vmem>>
    %dma_wait3A_199 = arith.constant 0 : i32
    %dma_wait3A_200 = arith.constant 0 : i32
    %dma_wait3A_201 = tpu.memref_slice %arg2[%dma_wait3A_199, %dma_wait3A_200] : memref<1000000x128xf32, #tpu.memory_space<hbm>> -> memref<1000000x128xf32, #tpu.memory_space<hbm>>
    tpu.wait_indirect_dma semaphore(%arg12 : memref<!tpu.dma_semaphore, #tpu.memory_space<semaphore_mem>>) src(%dma_wait3A_201 : memref<1000000x128xf32, #tpu.memory_space<hbm>>) dst(%arg9 : memref<200x128xf32, #tpu.memory_space<vmem>>)
    %scan3A_202 = arith.constant 0 : i32
    %scan3A_203 = arith.constant 0 : i32
    %scan3A_204 = arith.constant 200 : i32
    %scan3A_205 = arith.addi %scan3A_203, %scan3A_204 : i32
    %scan3A_206 = arith.constant 2 : i32
    scf.for %scan3A_832 = %scan3A_203 to %scan3A_205 step %scan3A_206  : i32 {
      %get3A = arith.index_cast %scan3A_832 : i32 to index
      %get3A_833 = arith.constant 0 : index
      %get3A_834 = tpu.vector_load %arg7[%get3A, %get3A_833] {strides = array<i32>} : memref<200x64xf32, #tpu.memory_space<vmem>>, vector<1x16xf32>,
      %get3A_835 = vector.shape_cast %get3A_834 : vector<1x16xf32> to vector<16xf32>
      %swap3A = arith.index_cast %scan3A_832 : i32 to index
      %swap3A_836 = arith.constant 0 : index
      %swap3A_837 = tpu.vector_load %arg9[%swap3A, %swap3A_836] {strides = array<i32>} : memref<200x128xf32, #tpu.memory_space<vmem>>, vector<1x16xf32>,
      %swap3A_838 = vector.shape_cast %swap3A_837 : vector<1x16xf32> to vector<16xf32>
      %swap3A_839 = vector.shape_cast %get3A_835 : vector<16xf32> to vector<1x16xf32>
      tpu.vector_store %arg9[%swap3A, %swap3A_836], %swap3A_839 {add = true, strides = array<i32>} : memref<200x128xf32, #tpu.memory_space<vmem>>, vector<1x16xf32>,
      %get3A_840 = arith.index_cast %scan3A_832 : i32 to index
      %get3A_841 = arith.constant 16 : index
      %get3A_842 = tpu.vector_load %arg7[%get3A_840, %get3A_841] {strides = array<i32>} : memref<200x64xf32, #tpu.memory_space<vmem>>, vector<1x16xf32>,
      %get3A_843 = vector.shape_cast %get3A_842 : vector<1x16xf32> to vector<16xf32>
      %swap3A_844 = arith.index_cast %scan3A_832 : i32 to index
      %swap3A_845 = arith.constant 16 : index
      %swap3A_846 = tpu.vector_load %arg9[%swap3A_844, %swap3A_845] {strides = array<i32>} : memref<200x128xf32, #tpu.memory_space<vmem>>, vector<1x16xf32>,
      %swap3A_847 = vector.shape_cast %swap3A_846 : vector<1x16xf32> to vector<16xf32>
      %swap3A_848 = vector.shape_cast %get3A_843 : vector<16xf32> to vector<1x16xf32>
      tpu.vector_store %arg9[%swap3A_844, %swap3A_845], %swap3A_848 {add = true, strides = array<i32>} : memref<200x128xf32, #tpu.memory_space<vmem>>, vector<1x16xf32>,
      %get3A_849 = arith.index_cast %scan3A_832 : i32 to index
      %get3A_850 = arith.constant 32 : index
      %get3A_851 = tpu.vector_load %arg7[%get3A_849, %get3A_850] {strides = array<i32>} : memref<200x64xf32, #tpu.memory_space<vmem>>, vector<1x16xf32>,
      %get3A_852 = vector.shape_cast %get3A_851 : vector<1x16xf32> to vector<16xf32>
      %swap3A_853 = arith.index_cast %scan3A_832 : i32 to index
      %swap3A_854 = arith.constant 32 : index
      %swap3A_855 = tpu.vector_load %arg9[%swap3A_853, %swap3A_854] {strides = array<i32>} : memref<200x128xf32, #tpu.memory_space<vmem>>, vector<1x16xf32>,
      %swap3A_856 = vector.shape_cast %swap3A_855 : vector<1x16xf32> to vector<16xf32>
      %swap3A_857 = vector.shape_cast %get3A_852 : vector<16xf32> to vector<1x16xf32>
      tpu.vector_store %arg9[%swap3A_853, %swap3A_854], %swap3A_857 {add = true, strides = array<i32>} : memref<200x128xf32, #tpu.memory_space<vmem>>, vector<1x16xf32>,
      %get3A_858 = arith.index_cast %scan3A_832 : i32 to index
      %get3A_859 = arith.constant 48 : index
      %get3A_860 = tpu.vector_load %arg7[%get3A_858, %get3A_859] {strides = array<i32>} : memref<200x64xf32, #tpu.memory_space<vmem>>, vector<1x16xf32>,
      %get3A_861 = vector.shape_cast %get3A_860 : vector<1x16xf32> to vector<16xf32>
      %swap3A_862 = arith.index_cast %scan3A_832 : i32 to index
      %swap3A_863 = arith.constant 48 : index
      %swap3A_864 = tpu.vector_load %arg9[%swap3A_862, %swap3A_863] {strides = array<i32>} : memref<200x128xf32, #tpu.memory_space<vmem>>, vector<1x16xf32>,
      %swap3A_865 = vector.shape_cast %swap3A_864 : vector<1x16xf32> to vector<16xf32>
      %swap3A_866 = vector.shape_cast %get3A_861 : vector<16xf32> to vector<1x16xf32>
      tpu.vector_store %arg9[%swap3A_862, %swap3A_863], %swap3A_866 {add = true, strides = array<i32>} : memref<200x128xf32, #tpu.memory_space<vmem>>, vector<1x16xf32>,
      %scan3A_867 = arith.constant 1 : i32
      %scan3A_868 = arith.addi %scan3A_832, %scan3A_867 : i32
      %get3A_869 = arith.index_cast %scan3A_868 : i32 to index
      %get3A_870 = arith.constant 0 : index
      %get3A_871 = tpu.vector_load %arg7[%get3A_869, %get3A_870] {strides = array<i32>} : memref<200x64xf32, #tpu.memory_space<vmem>>, vector<1x16xf32>,
      %get3A_872 = vector.shape_cast %get3A_871 : vector<1x16xf32> to vector<16xf32>
      %swap3A_873 = arith.index_cast %scan3A_868 : i32 to index
      %swap3A_874 = arith.constant 0 : index
      %swap3A_875 = tpu.vector_load %arg9[%swap3A_873, %swap3A_874] {strides = array<i32>} : memref<200x128xf32, #tpu.memory_space<vmem>>, vector<1x16xf32>,
      %swap3A_876 = vector.shape_cast %swap3A_875 : vector<1x16xf32> to vector<16xf32>
      %swap3A_877 = vector.shape_cast %get3A_872 : vector<16xf32> to vector<1x16xf32>
      tpu.vector_store %arg9[%swap3A_873, %swap3A_874], %swap3A_877 {add = true, strides = array<i32>} : memref<200x128xf32, #tpu.memory_space<vmem>>, vector<1x16xf32>,
      %get3A_878 = arith.index_cast %scan3A_868 : i32 to index
      %get3A_879 = arith.constant 16 : index
      %get3A_880 = tpu.vector_load %arg7[%get3A_878, %get3A_879] {strides = array<i32>} : memref<200x64xf32, #tpu.memory_space<vmem>>, vector<1x16xf32>,
      %get3A_881 = vector.shape_cast %get3A_880 : vector<1x16xf32> to vector<16xf32>
      %swap3A_882 = arith.index_cast %scan3A_868 : i32 to index
      %swap3A_883 = arith.constant 16 : index
      %swap3A_884 = tpu.vector_load %arg9[%swap3A_882, %swap3A_883] {strides = array<i32>} : memref<200x128xf32, #tpu.memory_space<vmem>>, vector<1x16xf32>,
      %swap3A_885 = vector.shape_cast %swap3A_884 : vector<1x16xf32> to vector<16xf32>
      %swap3A_886 = vector.shape_cast %get3A_881 : vector<16xf32> to vector<1x16xf32>
      tpu.vector_store %arg9[%swap3A_882, %swap3A_883], %swap3A_886 {add = true, strides = array<i32>} : memref<200x128xf32, #tpu.memory_space<vmem>>, vector<1x16xf32>,
      %get3A_887 = arith.index_cast %scan3A_868 : i32 to index
      %get3A_888 = arith.constant 32 : index
      %get3A_889 = tpu.vector_load %arg7[%get3A_887, %get3A_888] {strides = array<i32>} : memref<200x64xf32, #tpu.memory_space<vmem>>, vector<1x16xf32>,
      %get3A_890 = vector.shape_cast %get3A_889 : vector<1x16xf32> to vector<16xf32>
      %swap3A_891 = arith.index_cast %scan3A_868 : i32 to index
      %swap3A_892 = arith.constant 32 : index
      %swap3A_893 = tpu.vector_load %arg9[%swap3A_891, %swap3A_892] {strides = array<i32>} : memref<200x128xf32, #tpu.memory_space<vmem>>, vector<1x16xf32>,
      %swap3A_894 = vector.shape_cast %swap3A_893 : vector<1x16xf32> to vector<16xf32>
      %swap3A_895 = vector.shape_cast %get3A_890 : vector<16xf32> to vector<1x16xf32>
      tpu.vector_store %arg9[%swap3A_891, %swap3A_892], %swap3A_895 {add = true, strides = array<i32>} : memref<200x128xf32, #tpu.memory_space<vmem>>, vector<1x16xf32>,
      %get3A_896 = arith.index_cast %scan3A_868 : i32 to index
      %get3A_897 = arith.constant 48 : index
      %get3A_898 = tpu.vector_load %arg7[%get3A_896, %get3A_897] {strides = array<i32>} : memref<200x64xf32, #tpu.memory_space<vmem>>, vector<1x16xf32>,
      %get3A_899 = vector.shape_cast %get3A_898 : vector<1x16xf32> to vector<16xf32>
      %swap3A_900 = arith.index_cast %scan3A_868 : i32 to index
      %swap3A_901 = arith.constant 48 : index
      %swap3A_902 = tpu.vector_load %arg9[%swap3A_900, %swap3A_901] {strides = array<i32>} : memref<200x128xf32, #tpu.memory_space<vmem>>, vector<1x16xf32>,
      %swap3A_903 = vector.shape_cast %swap3A_902 : vector<1x16xf32> to vector<16xf32>
      %swap3A_904 = vector.shape_cast %get3A_899 : vector<16xf32> to vector<1x16xf32>
      tpu.vector_store %arg9[%swap3A_900, %swap3A_901], %swap3A_904 {add = true, strides = array<i32>} : memref<200x128xf32, #tpu.memory_space<vmem>>, vector<1x16xf32>,
    }
    %scan3A_207 = arith.constant 200 : i32
    %add3A_208 = arith.constant 1400 : i32
    %add3A_209 = arith.addi %mul3A_2, %add3A_208 : i32
    %dma_start3A_210 = arith.constant 0 : i32
    %dma_start3A_211 = tpu.memref_slice %arg5[%add3A_209, %dma_start3A_210] : memref<204800x128xf32, #tpu.memory_space<hbm>> -> memref<200x128xf32, #tpu.memory_space<hbm>>
    %dma_start3A_212 = arith.constant 0 : i32
    %dma_start3A_213 = tpu.memref_slice %arg5[%add3A_209, %dma_start3A_212] : memref<204800x128xf32, #tpu.memory_space<hbm>> -> memref<200x128xf32, #tpu.memory_space<hbm>>
    tpu.enqueue_dma source(%arg9 : memref<200x128xf32, #tpu.memory_space<vmem>>) target(%dma_start3A_213 : memref<200x128xf32, #tpu.memory_space<hbm>>) target_semaphore(%arg15 : memref<!tpu.dma_semaphore, #tpu.memory_space<semaphore_mem>>)
    %dma_wait3A_214 = arith.constant 0 : i32
    %dma_wait3A_215 = tpu.memref_slice %arg5[%add3A_209, %dma_wait3A_214] : memref<204800x128xf32, #tpu.memory_space<hbm>> -> memref<200x128xf32, #tpu.memory_space<hbm>>
    %dma_wait3A_216 = arith.constant 0 : i32
    %dma_wait3A_217 = tpu.memref_slice %arg5[%add3A_209, %dma_wait3A_216] : memref<204800x128xf32, #tpu.memory_space<hbm>> -> memref<200x128xf32, #tpu.memory_space<hbm>>
    tpu.wait_dma2 semaphore(%arg15 : memref<!tpu.dma_semaphore, #tpu.memory_space<semaphore_mem>>) src(%arg9 : memref<200x128xf32, #tpu.memory_space<vmem>>) dst(%dma_wait3A_217 : memref<200x128xf32, #tpu.memory_space<hbm>>)
    %dma_start3A_218 = arith.constant 2000 : i32
    %dma_start3A_219 = tpu.memref_slice %arg6[%dma_start3A_218] : memref<6400xi32, #tpu.memory_space<vmem>> -> memref<200xi32, #tpu.memory_space<vmem>>
    %dma_start3A_220 = arith.constant 0 : i32
    %dma_start3A_221 = arith.constant 0 : i32
    %dma_start3A_222 = tpu.memref_slice %arg2[%dma_start3A_220, %dma_start3A_221] : memref<1000000x128xf32, #tpu.memory_space<hbm>> -> memref<1000000x128xf32, #tpu.memory_space<hbm>>
    tpu.enqueue_indirect_dma source(%dma_start3A_222 : memref<1000000x128xf32, #tpu.memory_space<hbm>>) target(%arg9 : memref<200x128xf32, #tpu.memory_space<vmem>>) offsets(%dma_start3A_219 : memref<200xi32, #tpu.memory_space<vmem>>) semaphore(%arg12 : memref<!tpu.dma_semaphore, #tpu.memory_space<semaphore_mem>>)
    %dma_wait3A_223 = arith.constant 1600 : i32
    %dma_wait3A_224 = tpu.memref_slice %arg6[%dma_wait3A_223] : memref<6400xi32, #tpu.memory_space<vmem>> -> memref<200xi32, #tpu.memory_space<vmem>>
    %dma_wait3A_225 = arith.constant 0 : i32
    %dma_wait3A_226 = arith.constant 0 : i32
    %dma_wait3A_227 = tpu.memref_slice %arg2[%dma_wait3A_225, %dma_wait3A_226] : memref<1000000x128xf32, #tpu.memory_space<hbm>> -> memref<1000000x128xf32, #tpu.memory_space<hbm>>
    tpu.wait_indirect_dma semaphore(%arg13 : memref<!tpu.dma_semaphore, #tpu.memory_space<semaphore_mem>>) src(%dma_wait3A_227 : memref<1000000x128xf32, #tpu.memory_space<hbm>>) dst(%arg10 : memref<200x128xf32, #tpu.memory_space<vmem>>)
    %scan3A_228 = arith.constant 0 : i32
    %scan3A_229 = arith.constant 0 : i32
    %scan3A_230 = arith.constant 200 : i32
    %scan3A_231 = arith.addi %scan3A_229, %scan3A_230 : i32
    %scan3A_232 = arith.constant 2 : i32
    scf.for %scan3A_832 = %scan3A_229 to %scan3A_231 step %scan3A_232  : i32 {
      %get3A = arith.index_cast %scan3A_832 : i32 to index
      %get3A_833 = arith.constant 0 : index
      %get3A_834 = tpu.vector_load %arg7[%get3A, %get3A_833] {strides = array<i32>} : memref<200x64xf32, #tpu.memory_space<vmem>>, vector<1x16xf32>,
      %get3A_835 = vector.shape_cast %get3A_834 : vector<1x16xf32> to vector<16xf32>
      %swap3A = arith.index_cast %scan3A_832 : i32 to index
      %swap3A_836 = arith.constant 0 : index
      %swap3A_837 = tpu.vector_load %arg10[%swap3A, %swap3A_836] {strides = array<i32>} : memref<200x128xf32, #tpu.memory_space<vmem>>, vector<1x16xf32>,
      %swap3A_838 = vector.shape_cast %swap3A_837 : vector<1x16xf32> to vector<16xf32>
      %swap3A_839 = vector.shape_cast %get3A_835 : vector<16xf32> to vector<1x16xf32>
      tpu.vector_store %arg10[%swap3A, %swap3A_836], %swap3A_839 {add = true, strides = array<i32>} : memref<200x128xf32, #tpu.memory_space<vmem>>, vector<1x16xf32>,
      %get3A_840 = arith.index_cast %scan3A_832 : i32 to index
      %get3A_841 = arith.constant 16 : index
      %get3A_842 = tpu.vector_load %arg7[%get3A_840, %get3A_841] {strides = array<i32>} : memref<200x64xf32, #tpu.memory_space<vmem>>, vector<1x16xf32>,
      %get3A_843 = vector.shape_cast %get3A_842 : vector<1x16xf32> to vector<16xf32>
      %swap3A_844 = arith.index_cast %scan3A_832 : i32 to index
      %swap3A_845 = arith.constant 16 : index
      %swap3A_846 = tpu.vector_load %arg10[%swap3A_844, %swap3A_845] {strides = array<i32>} : memref<200x128xf32, #tpu.memory_space<vmem>>, vector<1x16xf32>,
      %swap3A_847 = vector.shape_cast %swap3A_846 : vector<1x16xf32> to vector<16xf32>
      %swap3A_848 = vector.shape_cast %get3A_843 : vector<16xf32> to vector<1x16xf32>
      tpu.vector_store %arg10[%swap3A_844, %swap3A_845], %swap3A_848 {add = true, strides = array<i32>} : memref<200x128xf32, #tpu.memory_space<vmem>>, vector<1x16xf32>,
      %get3A_849 = arith.index_cast %scan3A_832 : i32 to index
      %get3A_850 = arith.constant 32 : index
      %get3A_851 = tpu.vector_load %arg7[%get3A_849, %get3A_850] {strides = array<i32>} : memref<200x64xf32, #tpu.memory_space<vmem>>, vector<1x16xf32>,
      %get3A_852 = vector.shape_cast %get3A_851 : vector<1x16xf32> to vector<16xf32>
      %swap3A_853 = arith.index_cast %scan3A_832 : i32 to index
      %swap3A_854 = arith.constant 32 : index
      %swap3A_855 = tpu.vector_load %arg10[%swap3A_853, %swap3A_854] {strides = array<i32>} : memref<200x128xf32, #tpu.memory_space<vmem>>, vector<1x16xf32>,
      %swap3A_856 = vector.shape_cast %swap3A_855 : vector<1x16xf32> to vector<16xf32>
      %swap3A_857 = vector.shape_cast %get3A_852 : vector<16xf32> to vector<1x16xf32>
      tpu.vector_store %arg10[%swap3A_853, %swap3A_854], %swap3A_857 {add = true, strides = array<i32>} : memref<200x128xf32, #tpu.memory_space<vmem>>, vector<1x16xf32>,
      %get3A_858 = arith.index_cast %scan3A_832 : i32 to index
      %get3A_859 = arith.constant 48 : index
      %get3A_860 = tpu.vector_load %arg7[%get3A_858, %get3A_859] {strides = array<i32>} : memref<200x64xf32, #tpu.memory_space<vmem>>, vector<1x16xf32>,
      %get3A_861 = vector.shape_cast %get3A_860 : vector<1x16xf32> to vector<16xf32>
      %swap3A_862 = arith.index_cast %scan3A_832 : i32 to index
      %swap3A_863 = arith.constant 48 : index
      %swap3A_864 = tpu.vector_load %arg10[%swap3A_862, %swap3A_863] {strides = array<i32>} : memref<200x128xf32, #tpu.memory_space<vmem>>, vector<1x16xf32>,
      %swap3A_865 = vector.shape_cast %swap3A_864 : vector<1x16xf32> to vector<16xf32>
      %swap3A_866 = vector.shape_cast %get3A_861 : vector<16xf32> to vector<1x16xf32>
      tpu.vector_store %arg10[%swap3A_862, %swap3A_863], %swap3A_866 {add = true, strides = array<i32>} : memref<200x128xf32, #tpu.memory_space<vmem>>, vector<1x16xf32>,
      %scan3A_867 = arith.constant 1 : i32
      %scan3A_868 = arith.addi %scan3A_832, %scan3A_867 : i32
      %get3A_869 = arith.index_cast %scan3A_868 : i32 to index
      %get3A_870 = arith.constant 0 : index
      %get3A_871 = tpu.vector_load %arg7[%get3A_869, %get3A_870] {strides = array<i32>} : memref<200x64xf32, #tpu.memory_space<vmem>>, vector<1x16xf32>,
      %get3A_872 = vector.shape_cast %get3A_871 : vector<1x16xf32> to vector<16xf32>
      %swap3A_873 = arith.index_cast %scan3A_868 : i32 to index
      %swap3A_874 = arith.constant 0 : index
      %swap3A_875 = tpu.vector_load %arg10[%swap3A_873, %swap3A_874] {strides = array<i32>} : memref<200x128xf32, #tpu.memory_space<vmem>>, vector<1x16xf32>,
      %swap3A_876 = vector.shape_cast %swap3A_875 : vector<1x16xf32> to vector<16xf32>
      %swap3A_877 = vector.shape_cast %get3A_872 : vector<16xf32> to vector<1x16xf32>
      tpu.vector_store %arg10[%swap3A_873, %swap3A_874], %swap3A_877 {add = true, strides = array<i32>} : memref<200x128xf32, #tpu.memory_space<vmem>>, vector<1x16xf32>,
      %get3A_878 = arith.index_cast %scan3A_868 : i32 to index
      %get3A_879 = arith.constant 16 : index
      %get3A_880 = tpu.vector_load %arg7[%get3A_878, %get3A_879] {strides = array<i32>} : memref<200x64xf32, #tpu.memory_space<vmem>>, vector<1x16xf32>,
      %get3A_881 = vector.shape_cast %get3A_880 : vector<1x16xf32> to vector<16xf32>
      %swap3A_882 = arith.index_cast %scan3A_868 : i32 to index
      %swap3A_883 = arith.constant 16 : index
      %swap3A_884 = tpu.vector_load %arg10[%swap3A_882, %swap3A_883] {strides = array<i32>} : memref<200x128xf32, #tpu.memory_space<vmem>>, vector<1x16xf32>,
      %swap3A_885 = vector.shape_cast %swap3A_884 : vector<1x16xf32> to vector<16xf32>
      %swap3A_886 = vector.shape_cast %get3A_881 : vector<16xf32> to vector<1x16xf32>
      tpu.vector_store %arg10[%swap3A_882, %swap3A_883], %swap3A_886 {add = true, strides = array<i32>} : memref<200x128xf32, #tpu.memory_space<vmem>>, vector<1x16xf32>,
      %get3A_887 = arith.index_cast %scan3A_868 : i32 to index
      %get3A_888 = arith.constant 32 : index
      %get3A_889 = tpu.vector_load %arg7[%get3A_887, %get3A_888] {strides = array<i32>} : memref<200x64xf32, #tpu.memory_space<vmem>>, vector<1x16xf32>,
      %get3A_890 = vector.shape_cast %get3A_889 : vector<1x16xf32> to vector<16xf32>
      %swap3A_891 = arith.index_cast %scan3A_868 : i32 to index
      %swap3A_892 = arith.constant 32 : index
      %swap3A_893 = tpu.vector_load %arg10[%swap3A_891, %swap3A_892] {strides = array<i32>} : memref<200x128xf32, #tpu.memory_space<vmem>>, vector<1x16xf32>,
      %swap3A_894 = vector.shape_cast %swap3A_893 : vector<1x16xf32> to vector<16xf32>
      %swap3A_895 = vector.shape_cast %get3A_890 : vector<16xf32> to vector<1x16xf32>
      tpu.vector_store %arg10[%swap3A_891, %swap3A_892], %swap3A_895 {add = true, strides = array<i32>} : memref<200x128xf32, #tpu.memory_space<vmem>>, vector<1x16xf32>,
      %get3A_896 = arith.index_cast %scan3A_868 : i32 to index
      %get3A_897 = arith.constant 48 : index
      %get3A_898 = tpu.vector_load %arg7[%get3A_896, %get3A_897] {strides = array<i32>} : memref<200x64xf32, #tpu.memory_space<vmem>>, vector<1x16xf32>,
      %get3A_899 = vector.shape_cast %get3A_898 : vector<1x16xf32> to vector<16xf32>
      %swap3A_900 = arith.index_cast %scan3A_868 : i32 to index
      %swap3A_901 = arith.constant 48 : index
      %swap3A_902 = tpu.vector_load %arg10[%swap3A_900, %swap3A_901] {strides = array<i32>} : memref<200x128xf32, #tpu.memory_space<vmem>>, vector<1x16xf32>,
      %swap3A_903 = vector.shape_cast %swap3A_902 : vector<1x16xf32> to vector<16xf32>
      %swap3A_904 = vector.shape_cast %get3A_899 : vector<16xf32> to vector<1x16xf32>
      tpu.vector_store %arg10[%swap3A_900, %swap3A_901], %swap3A_904 {add = true, strides = array<i32>} : memref<200x128xf32, #tpu.memory_space<vmem>>, vector<1x16xf32>,
    }
    %scan3A_233 = arith.constant 200 : i32
    %add3A_234 = arith.constant 1600 : i32
    %add3A_235 = arith.addi %mul3A_2, %add3A_234 : i32
    %dma_start3A_236 = arith.constant 0 : i32
    %dma_start3A_237 = tpu.memref_slice %arg5[%add3A_235, %dma_start3A_236] : memref<204800x128xf32, #tpu.memory_space<hbm>> -> memref<200x128xf32, #tpu.memory_space<hbm>>
    %dma_start3A_238 = arith.constant 0 : i32
    %dma_start3A_239 = tpu.memref_slice %arg5[%add3A_235, %dma_start3A_238] : memref<204800x128xf32, #tpu.memory_space<hbm>> -> memref<200x128xf32, #tpu.memory_space<hbm>>
    tpu.enqueue_dma source(%arg10 : memref<200x128xf32, #tpu.memory_space<vmem>>) target(%dma_start3A_239 : memref<200x128xf32, #tpu.memory_space<hbm>>) target_semaphore(%arg16 : memref<!tpu.dma_semaphore, #tpu.memory_space<semaphore_mem>>)
    %dma_wait3A_240 = arith.constant 0 : i32
    %dma_wait3A_241 = tpu.memref_slice %arg5[%add3A_235, %dma_wait3A_240] : memref<204800x128xf32, #tpu.memory_space<hbm>> -> memref<200x128xf32, #tpu.memory_space<hbm>>
    %dma_wait3A_242 = arith.constant 0 : i32
    %dma_wait3A_243 = tpu.memref_slice %arg5[%add3A_235, %dma_wait3A_242] : memref<204800x128xf32, #tpu.memory_space<hbm>> -> memref<200x128xf32, #tpu.memory_space<hbm>>
    tpu.wait_dma2 semaphore(%arg16 : memref<!tpu.dma_semaphore, #tpu.memory_space<semaphore_mem>>) src(%arg10 : memref<200x128xf32, #tpu.memory_space<vmem>>) dst(%dma_wait3A_243 : memref<200x128xf32, #tpu.memory_space<hbm>>)
    %dma_start3A_244 = arith.constant 2200 : i32
    %dma_start3A_245 = tpu.memref_slice %arg6[%dma_start3A_244] : memref<6400xi32, #tpu.memory_space<vmem>> -> memref<200xi32, #tpu.memory_space<vmem>>
    %dma_start3A_246 = arith.constant 0 : i32
    %dma_start3A_247 = arith.constant 0 : i32
    %dma_start3A_248 = tpu.memref_slice %arg2[%dma_start3A_246, %dma_start3A_247] : memref<1000000x128xf32, #tpu.memory_space<hbm>> -> memref<1000000x128xf32, #tpu.memory_space<hbm>>
    tpu.enqueue_indirect_dma source(%dma_start3A_248 : memref<1000000x128xf32, #tpu.memory_space<hbm>>) target(%arg10 : memref<200x128xf32, #tpu.memory_space<vmem>>) offsets(%dma_start3A_245 : memref<200xi32, #tpu.memory_space<vmem>>) semaphore(%arg13 : memref<!tpu.dma_semaphore, #tpu.memory_space<semaphore_mem>>)
    %dma_wait3A_249 = arith.constant 1800 : i32
    %dma_wait3A_250 = tpu.memref_slice %arg6[%dma_wait3A_249] : memref<6400xi32, #tpu.memory_space<vmem>> -> memref<200xi32, #tpu.memory_space<vmem>>
    %dma_wait3A_251 = arith.constant 0 : i32
    %dma_wait3A_252 = arith.constant 0 : i32
    %dma_wait3A_253 = tpu.memref_slice %arg2[%dma_wait3A_251, %dma_wait3A_252] : memref<1000000x128xf32, #tpu.memory_space<hbm>> -> memref<1000000x128xf32, #tpu.memory_space<hbm>>
    tpu.wait_indirect_dma semaphore(%arg11 : memref<!tpu.dma_semaphore, #tpu.memory_space<semaphore_mem>>) src(%dma_wait3A_253 : memref<1000000x128xf32, #tpu.memory_space<hbm>>) dst(%arg8 : memref<200x128xf32, #tpu.memory_space<vmem>>)
    %scan3A_254 = arith.constant 0 : i32
    %scan3A_255 = arith.constant 0 : i32
    %scan3A_256 = arith.constant 200 : i32
    %scan3A_257 = arith.addi %scan3A_255, %scan3A_256 : i32
    %scan3A_258 = arith.constant 2 : i32
    scf.for %scan3A_832 = %scan3A_255 to %scan3A_257 step %scan3A_258  : i32 {
      %get3A = arith.index_cast %scan3A_832 : i32 to index
      %get3A_833 = arith.constant 0 : index
      %get3A_834 = tpu.vector_load %arg7[%get3A, %get3A_833] {strides = array<i32>} : memref<200x64xf32, #tpu.memory_space<vmem>>, vector<1x16xf32>,
      %get3A_835 = vector.shape_cast %get3A_834 : vector<1x16xf32> to vector<16xf32>
      %swap3A = arith.index_cast %scan3A_832 : i32 to index
      %swap3A_836 = arith.constant 0 : index
      %swap3A_837 = tpu.vector_load %arg8[%swap3A, %swap3A_836] {strides = array<i32>} : memref<200x128xf32, #tpu.memory_space<vmem>>, vector<1x16xf32>,
      %swap3A_838 = vector.shape_cast %swap3A_837 : vector<1x16xf32> to vector<16xf32>
      %swap3A_839 = vector.shape_cast %get3A_835 : vector<16xf32> to vector<1x16xf32>
      tpu.vector_store %arg8[%swap3A, %swap3A_836], %swap3A_839 {add = true, strides = array<i32>} : memref<200x128xf32, #tpu.memory_space<vmem>>, vector<1x16xf32>,
      %get3A_840 = arith.index_cast %scan3A_832 : i32 to index
      %get3A_841 = arith.constant 16 : index
      %get3A_842 = tpu.vector_load %arg7[%get3A_840, %get3A_841] {strides = array<i32>} : memref<200x64xf32, #tpu.memory_space<vmem>>, vector<1x16xf32>,
      %get3A_843 = vector.shape_cast %get3A_842 : vector<1x16xf32> to vector<16xf32>
      %swap3A_844 = arith.index_cast %scan3A_832 : i32 to index
      %swap3A_845 = arith.constant 16 : index
      %swap3A_846 = tpu.vector_load %arg8[%swap3A_844, %swap3A_845] {strides = array<i32>} : memref<200x128xf32, #tpu.memory_space<vmem>>, vector<1x16xf32>,
      %swap3A_847 = vector.shape_cast %swap3A_846 : vector<1x16xf32> to vector<16xf32>
      %swap3A_848 = vector.shape_cast %get3A_843 : vector<16xf32> to vector<1x16xf32>
      tpu.vector_store %arg8[%swap3A_844, %swap3A_845], %swap3A_848 {add = true, strides = array<i32>} : memref<200x128xf32, #tpu.memory_space<vmem>>, vector<1x16xf32>,
      %get3A_849 = arith.index_cast %scan3A_832 : i32 to index
      %get3A_850 = arith.constant 32 : index
      %get3A_851 = tpu.vector_load %arg7[%get3A_849, %get3A_850] {strides = array<i32>} : memref<200x64xf32, #tpu.memory_space<vmem>>, vector<1x16xf32>,
      %get3A_852 = vector.shape_cast %get3A_851 : vector<1x16xf32> to vector<16xf32>
      %swap3A_853 = arith.index_cast %scan3A_832 : i32 to index
      %swap3A_854 = arith.constant 32 : index
      %swap3A_855 = tpu.vector_load %arg8[%swap3A_853, %swap3A_854] {strides = array<i32>} : memref<200x128xf32, #tpu.memory_space<vmem>>, vector<1x16xf32>,
      %swap3A_856 = vector.shape_cast %swap3A_855 : vector<1x16xf32> to vector<16xf32>
      %swap3A_857 = vector.shape_cast %get3A_852 : vector<16xf32> to vector<1x16xf32>
      tpu.vector_store %arg8[%swap3A_853, %swap3A_854], %swap3A_857 {add = true, strides = array<i32>} : memref<200x128xf32, #tpu.memory_space<vmem>>, vector<1x16xf32>,
      %get3A_858 = arith.index_cast %scan3A_832 : i32 to index
      %get3A_859 = arith.constant 48 : index
      %get3A_860 = tpu.vector_load %arg7[%get3A_858, %get3A_859] {strides = array<i32>} : memref<200x64xf32, #tpu.memory_space<vmem>>, vector<1x16xf32>,
      %get3A_861 = vector.shape_cast %get3A_860 : vector<1x16xf32> to vector<16xf32>
      %swap3A_862 = arith.index_cast %scan3A_832 : i32 to index
      %swap3A_863 = arith.constant 48 : index
      %swap3A_864 = tpu.vector_load %arg8[%swap3A_862, %swap3A_863] {strides = array<i32>} : memref<200x128xf32, #tpu.memory_space<vmem>>, vector<1x16xf32>,
      %swap3A_865 = vector.shape_cast %swap3A_864 : vector<1x16xf32> to vector<16xf32>
      %swap3A_866 = vector.shape_cast %get3A_861 : vector<16xf32> to vector<1x16xf32>
      tpu.vector_store %arg8[%swap3A_862, %swap3A_863], %swap3A_866 {add = true, strides = array<i32>} : memref<200x128xf32, #tpu.memory_space<vmem>>, vector<1x16xf32>,
      %scan3A_867 = arith.constant 1 : i32
      %scan3A_868 = arith.addi %scan3A_832, %scan3A_867 : i32
      %get3A_869 = arith.index_cast %scan3A_868 : i32 to index
      %get3A_870 = arith.constant 0 : index
      %get3A_871 = tpu.vector_load %arg7[%get3A_869, %get3A_870] {strides = array<i32>} : memref<200x64xf32, #tpu.memory_space<vmem>>, vector<1x16xf32>,
      %get3A_872 = vector.shape_cast %get3A_871 : vector<1x16xf32> to vector<16xf32>
      %swap3A_873 = arith.index_cast %scan3A_868 : i32 to index
      %swap3A_874 = arith.constant 0 : index
      %swap3A_875 = tpu.vector_load %arg8[%swap3A_873, %swap3A_874] {strides = array<i32>} : memref<200x128xf32, #tpu.memory_space<vmem>>, vector<1x16xf32>,
      %swap3A_876 = vector.shape_cast %swap3A_875 : vector<1x16xf32> to vector<16xf32>
      %swap3A_877 = vector.shape_cast %get3A_872 : vector<16xf32> to vector<1x16xf32>
      tpu.vector_store %arg8[%swap3A_873, %swap3A_874], %swap3A_877 {add = true, strides = array<i32>} : memref<200x128xf32, #tpu.memory_space<vmem>>, vector<1x16xf32>,
      %get3A_878 = arith.index_cast %scan3A_868 : i32 to index
      %get3A_879 = arith.constant 16 : index
      %get3A_880 = tpu.vector_load %arg7[%get3A_878, %get3A_879] {strides = array<i32>} : memref<200x64xf32, #tpu.memory_space<vmem>>, vector<1x16xf32>,
      %get3A_881 = vector.shape_cast %get3A_880 : vector<1x16xf32> to vector<16xf32>
      %swap3A_882 = arith.index_cast %scan3A_868 : i32 to index
      %swap3A_883 = arith.constant 16 : index
      %swap3A_884 = tpu.vector_load %arg8[%swap3A_882, %swap3A_883] {strides = array<i32>} : memref<200x128xf32, #tpu.memory_space<vmem>>, vector<1x16xf32>,
      %swap3A_885 = vector.shape_cast %swap3A_884 : vector<1x16xf32> to vector<16xf32>
      %swap3A_886 = vector.shape_cast %get3A_881 : vector<16xf32> to vector<1x16xf32>
      tpu.vector_store %arg8[%swap3A_882, %swap3A_883], %swap3A_886 {add = true, strides = array<i32>} : memref<200x128xf32, #tpu.memory_space<vmem>>, vector<1x16xf32>,
      %get3A_887 = arith.index_cast %scan3A_868 : i32 to index
      %get3A_888 = arith.constant 32 : index
      %get3A_889 = tpu.vector_load %arg7[%get3A_887, %get3A_888] {strides = array<i32>} : memref<200x64xf32, #tpu.memory_space<vmem>>, vector<1x16xf32>,
      %get3A_890 = vector.shape_cast %get3A_889 : vector<1x16xf32> to vector<16xf32>
      %swap3A_891 = arith.index_cast %scan3A_868 : i32 to index
      %swap3A_892 = arith.constant 32 : index
      %swap3A_893 = tpu.vector_load %arg8[%swap3A_891, %swap3A_892] {strides = array<i32>} : memref<200x128xf32, #tpu.memory_space<vmem>>, vector<1x16xf32>,
      %swap3A_894 = vector.shape_cast %swap3A_893 : vector<1x16xf32> to vector<16xf32>
      %swap3A_895 = vector.shape_cast %get3A_890 : vector<16xf32> to vector<1x16xf32>
      tpu.vector_store %arg8[%swap3A_891, %swap3A_892], %swap3A_895 {add = true, strides = array<i32>} : memref<200x128xf32, #tpu.memory_space<vmem>>, vector<1x16xf32>,
      %get3A_896 = arith.index_cast %scan3A_868 : i32 to index
      %get3A_897 = arith.constant 48 : index
      %get3A_898 = tpu.vector_load %arg7[%get3A_896, %get3A_897] {strides = array<i32>} : memref<200x64xf32, #tpu.memory_space<vmem>>, vector<1x16xf32>,
      %get3A_899 = vector.shape_cast %get3A_898 : vector<1x16xf32> to vector<16xf32>
      %swap3A_900 = arith.index_cast %scan3A_868 : i32 to index
      %swap3A_901 = arith.constant 48 : index
      %swap3A_902 = tpu.vector_load %arg8[%swap3A_900, %swap3A_901] {strides = array<i32>} : memref<200x128xf32, #tpu.memory_space<vmem>>, vector<1x16xf32>,
      %swap3A_903 = vector.shape_cast %swap3A_902 : vector<1x16xf32> to vector<16xf32>
      %swap3A_904 = vector.shape_cast %get3A_899 : vector<16xf32> to vector<1x16xf32>
      tpu.vector_store %arg8[%swap3A_900, %swap3A_901], %swap3A_904 {add = true, strides = array<i32>} : memref<200x128xf32, #tpu.memory_space<vmem>>, vector<1x16xf32>,
    }
    %scan3A_259 = arith.constant 200 : i32
    %add3A_260 = arith.constant 1800 : i32
    %add3A_261 = arith.addi %mul3A_2, %add3A_260 : i32
    %dma_start3A_262 = arith.constant 0 : i32
    %dma_start3A_263 = tpu.memref_slice %arg5[%add3A_261, %dma_start3A_262] : memref<204800x128xf32, #tpu.memory_space<hbm>> -> memref<200x128xf32, #tpu.memory_space<hbm>>
    %dma_start3A_264 = arith.constant 0 : i32
    %dma_start3A_265 = tpu.memref_slice %arg5[%add3A_261, %dma_start3A_264] : memref<204800x128xf32, #tpu.memory_space<hbm>> -> memref<200x128xf32, #tpu.memory_space<hbm>>
    tpu.enqueue_dma source(%arg8 : memref<200x128xf32, #tpu.memory_space<vmem>>) target(%dma_start3A_265 : memref<200x128xf32, #tpu.memory_space<hbm>>) target_semaphore(%arg14 : memref<!tpu.dma_semaphore, #tpu.memory_space<semaphore_mem>>)
    %dma_wait3A_266 = arith.constant 0 : i32
    %dma_wait3A_267 = tpu.memref_slice %arg5[%add3A_261, %dma_wait3A_266] : memref<204800x128xf32, #tpu.memory_space<hbm>> -> memref<200x128xf32, #tpu.memory_space<hbm>>
    %dma_wait3A_268 = arith.constant 0 : i32
    %dma_wait3A_269 = tpu.memref_slice %arg5[%add3A_261, %dma_wait3A_268] : memref<204800x128xf32, #tpu.memory_space<hbm>> -> memref<200x128xf32, #tpu.memory_space<hbm>>
    tpu.wait_dma2 semaphore(%arg14 : memref<!tpu.dma_semaphore, #tpu.memory_space<semaphore_mem>>) src(%arg8 : memref<200x128xf32, #tpu.memory_space<vmem>>) dst(%dma_wait3A_269 : memref<200x128xf32, #tpu.memory_space<hbm>>)
    %dma_start3A_270 = arith.constant 2400 : i32
    %dma_start3A_271 = tpu.memref_slice %arg6[%dma_start3A_270] : memref<6400xi32, #tpu.memory_space<vmem>> -> memref<200xi32, #tpu.memory_space<vmem>>
    %dma_start3A_272 = arith.constant 0 : i32
    %dma_start3A_273 = arith.constant 0 : i32
    %dma_start3A_274 = tpu.memref_slice %arg2[%dma_start3A_272, %dma_start3A_273] : memref<1000000x128xf32, #tpu.memory_space<hbm>> -> memref<1000000x128xf32, #tpu.memory_space<hbm>>
    tpu.enqueue_indirect_dma source(%dma_start3A_274 : memref<1000000x128xf32, #tpu.memory_space<hbm>>) target(%arg8 : memref<200x128xf32, #tpu.memory_space<vmem>>) offsets(%dma_start3A_271 : memref<200xi32, #tpu.memory_space<vmem>>) semaphore(%arg11 : memref<!tpu.dma_semaphore, #tpu.memory_space<semaphore_mem>>)
    %dma_wait3A_275 = arith.constant 2000 : i32
    %dma_wait3A_276 = tpu.memref_slice %arg6[%dma_wait3A_275] : memref<6400xi32, #tpu.memory_space<vmem>> -> memref<200xi32, #tpu.memory_space<vmem>>
    %dma_wait3A_277 = arith.constant 0 : i32
    %dma_wait3A_278 = arith.constant 0 : i32
    %dma_wait3A_279 = tpu.memref_slice %arg2[%dma_wait3A_277, %dma_wait3A_278] : memref<1000000x128xf32, #tpu.memory_space<hbm>> -> memref<1000000x128xf32, #tpu.memory_space<hbm>>
    tpu.wait_indirect_dma semaphore(%arg12 : memref<!tpu.dma_semaphore, #tpu.memory_space<semaphore_mem>>) src(%dma_wait3A_279 : memref<1000000x128xf32, #tpu.memory_space<hbm>>) dst(%arg9 : memref<200x128xf32, #tpu.memory_space<vmem>>)
    %scan3A_280 = arith.constant 0 : i32
    %scan3A_281 = arith.constant 0 : i32
    %scan3A_282 = arith.constant 200 : i32
    %scan3A_283 = arith.addi %scan3A_281, %scan3A_282 : i32
    %scan3A_284 = arith.constant 2 : i32
    scf.for %scan3A_832 = %scan3A_281 to %scan3A_283 step %scan3A_284  : i32 {
      %get3A = arith.index_cast %scan3A_832 : i32 to index
      %get3A_833 = arith.constant 0 : index
      %get3A_834 = tpu.vector_load %arg7[%get3A, %get3A_833] {strides = array<i32>} : memref<200x64xf32, #tpu.memory_space<vmem>>, vector<1x16xf32>,
      %get3A_835 = vector.shape_cast %get3A_834 : vector<1x16xf32> to vector<16xf32>
      %swap3A = arith.index_cast %scan3A_832 : i32 to index
      %swap3A_836 = arith.constant 0 : index
      %swap3A_837 = tpu.vector_load %arg9[%swap3A, %swap3A_836] {strides = array<i32>} : memref<200x128xf32, #tpu.memory_space<vmem>>, vector<1x16xf32>,
      %swap3A_838 = vector.shape_cast %swap3A_837 : vector<1x16xf32> to vector<16xf32>
      %swap3A_839 = vector.shape_cast %get3A_835 : vector<16xf32> to vector<1x16xf32>
      tpu.vector_store %arg9[%swap3A, %swap3A_836], %swap3A_839 {add = true, strides = array<i32>} : memref<200x128xf32, #tpu.memory_space<vmem>>, vector<1x16xf32>,
      %get3A_840 = arith.index_cast %scan3A_832 : i32 to index
      %get3A_841 = arith.constant 16 : index
      %get3A_842 = tpu.vector_load %arg7[%get3A_840, %get3A_841] {strides = array<i32>} : memref<200x64xf32, #tpu.memory_space<vmem>>, vector<1x16xf32>,
      %get3A_843 = vector.shape_cast %get3A_842 : vector<1x16xf32> to vector<16xf32>
      %swap3A_844 = arith.index_cast %scan3A_832 : i32 to index
      %swap3A_845 = arith.constant 16 : index
      %swap3A_846 = tpu.vector_load %arg9[%swap3A_844, %swap3A_845] {strides = array<i32>} : memref<200x128xf32, #tpu.memory_space<vmem>>, vector<1x16xf32>,
      %swap3A_847 = vector.shape_cast %swap3A_846 : vector<1x16xf32> to vector<16xf32>
      %swap3A_848 = vector.shape_cast %get3A_843 : vector<16xf32> to vector<1x16xf32>
      tpu.vector_store %arg9[%swap3A_844, %swap3A_845], %swap3A_848 {add = true, strides = array<i32>} : memref<200x128xf32, #tpu.memory_space<vmem>>, vector<1x16xf32>,
      %get3A_849 = arith.index_cast %scan3A_832 : i32 to index
      %get3A_850 = arith.constant 32 : index
      %get3A_851 = tpu.vector_load %arg7[%get3A_849, %get3A_850] {strides = array<i32>} : memref<200x64xf32, #tpu.memory_space<vmem>>, vector<1x16xf32>,
      %get3A_852 = vector.shape_cast %get3A_851 : vector<1x16xf32> to vector<16xf32>
      %swap3A_853 = arith.index_cast %scan3A_832 : i32 to index
      %swap3A_854 = arith.constant 32 : index
      %swap3A_855 = tpu.vector_load %arg9[%swap3A_853, %swap3A_854] {strides = array<i32>} : memref<200x128xf32, #tpu.memory_space<vmem>>, vector<1x16xf32>,
      %swap3A_856 = vector.shape_cast %swap3A_855 : vector<1x16xf32> to vector<16xf32>
      %swap3A_857 = vector.shape_cast %get3A_852 : vector<16xf32> to vector<1x16xf32>
      tpu.vector_store %arg9[%swap3A_853, %swap3A_854], %swap3A_857 {add = true, strides = array<i32>} : memref<200x128xf32, #tpu.memory_space<vmem>>, vector<1x16xf32>,
      %get3A_858 = arith.index_cast %scan3A_832 : i32 to index
      %get3A_859 = arith.constant 48 : index
      %get3A_860 = tpu.vector_load %arg7[%get3A_858, %get3A_859] {strides = array<i32>} : memref<200x64xf32, #tpu.memory_space<vmem>>, vector<1x16xf32>,
      %get3A_861 = vector.shape_cast %get3A_860 : vector<1x16xf32> to vector<16xf32>
      %swap3A_862 = arith.index_cast %scan3A_832 : i32 to index
      %swap3A_863 = arith.constant 48 : index
      %swap3A_864 = tpu.vector_load %arg9[%swap3A_862, %swap3A_863] {strides = array<i32>} : memref<200x128xf32, #tpu.memory_space<vmem>>, vector<1x16xf32>,
      %swap3A_865 = vector.shape_cast %swap3A_864 : vector<1x16xf32> to vector<16xf32>
      %swap3A_866 = vector.shape_cast %get3A_861 : vector<16xf32> to vector<1x16xf32>
      tpu.vector_store %arg9[%swap3A_862, %swap3A_863], %swap3A_866 {add = true, strides = array<i32>} : memref<200x128xf32, #tpu.memory_space<vmem>>, vector<1x16xf32>,
      %scan3A_867 = arith.constant 1 : i32
      %scan3A_868 = arith.addi %scan3A_832, %scan3A_867 : i32
      %get3A_869 = arith.index_cast %scan3A_868 : i32 to index
      %get3A_870 = arith.constant 0 : index
      %get3A_871 = tpu.vector_load %arg7[%get3A_869, %get3A_870] {strides = array<i32>} : memref<200x64xf32, #tpu.memory_space<vmem>>, vector<1x16xf32>,
      %get3A_872 = vector.shape_cast %get3A_871 : vector<1x16xf32> to vector<16xf32>
      %swap3A_873 = arith.index_cast %scan3A_868 : i32 to index
      %swap3A_874 = arith.constant 0 : index
      %swap3A_875 = tpu.vector_load %arg9[%swap3A_873, %swap3A_874] {strides = array<i32>} : memref<200x128xf32, #tpu.memory_space<vmem>>, vector<1x16xf32>,
      %swap3A_876 = vector.shape_cast %swap3A_875 : vector<1x16xf32> to vector<16xf32>
      %swap3A_877 = vector.shape_cast %get3A_872 : vector<16xf32> to vector<1x16xf32>
      tpu.vector_store %arg9[%swap3A_873, %swap3A_874], %swap3A_877 {add = true, strides = array<i32>} : memref<200x128xf32, #tpu.memory_space<vmem>>, vector<1x16xf32>,
      %get3A_878 = arith.index_cast %scan3A_868 : i32 to index
      %get3A_879 = arith.constant 16 : index
      %get3A_880 = tpu.vector_load %arg7[%get3A_878, %get3A_879] {strides = array<i32>} : memref<200x64xf32, #tpu.memory_space<vmem>>, vector<1x16xf32>,
      %get3A_881 = vector.shape_cast %get3A_880 : vector<1x16xf32> to vector<16xf32>
      %swap3A_882 = arith.index_cast %scan3A_868 : i32 to index
      %swap3A_883 = arith.constant 16 : index
      %swap3A_884 = tpu.vector_load %arg9[%swap3A_882, %swap3A_883] {strides = array<i32>} : memref<200x128xf32, #tpu.memory_space<vmem>>, vector<1x16xf32>,
      %swap3A_885 = vector.shape_cast %swap3A_884 : vector<1x16xf32> to vector<16xf32>
      %swap3A_886 = vector.shape_cast %get3A_881 : vector<16xf32> to vector<1x16xf32>
      tpu.vector_store %arg9[%swap3A_882, %swap3A_883], %swap3A_886 {add = true, strides = array<i32>} : memref<200x128xf32, #tpu.memory_space<vmem>>, vector<1x16xf32>,
      %get3A_887 = arith.index_cast %scan3A_868 : i32 to index
      %get3A_888 = arith.constant 32 : index
      %get3A_889 = tpu.vector_load %arg7[%get3A_887, %get3A_888] {strides = array<i32>} : memref<200x64xf32, #tpu.memory_space<vmem>>, vector<1x16xf32>,
      %get3A_890 = vector.shape_cast %get3A_889 : vector<1x16xf32> to vector<16xf32>
      %swap3A_891 = arith.index_cast %scan3A_868 : i32 to index
      %swap3A_892 = arith.constant 32 : index
      %swap3A_893 = tpu.vector_load %arg9[%swap3A_891, %swap3A_892] {strides = array<i32>} : memref<200x128xf32, #tpu.memory_space<vmem>>, vector<1x16xf32>,
      %swap3A_894 = vector.shape_cast %swap3A_893 : vector<1x16xf32> to vector<16xf32>
      %swap3A_895 = vector.shape_cast %get3A_890 : vector<16xf32> to vector<1x16xf32>
      tpu.vector_store %arg9[%swap3A_891, %swap3A_892], %swap3A_895 {add = true, strides = array<i32>} : memref<200x128xf32, #tpu.memory_space<vmem>>, vector<1x16xf32>,
      %get3A_896 = arith.index_cast %scan3A_868 : i32 to index
      %get3A_897 = arith.constant 48 : index
      %get3A_898 = tpu.vector_load %arg7[%get3A_896, %get3A_897] {strides = array<i32>} : memref<200x64xf32, #tpu.memory_space<vmem>>, vector<1x16xf32>,
      %get3A_899 = vector.shape_cast %get3A_898 : vector<1x16xf32> to vector<16xf32>
      %swap3A_900 = arith.index_cast %scan3A_868 : i32 to index
      %swap3A_901 = arith.constant 48 : index
      %swap3A_902 = tpu.vector_load %arg9[%swap3A_900, %swap3A_901] {strides = array<i32>} : memref<200x128xf32, #tpu.memory_space<vmem>>, vector<1x16xf32>,
      %swap3A_903 = vector.shape_cast %swap3A_902 : vector<1x16xf32> to vector<16xf32>
      %swap3A_904 = vector.shape_cast %get3A_899 : vector<16xf32> to vector<1x16xf32>
      tpu.vector_store %arg9[%swap3A_900, %swap3A_901], %swap3A_904 {add = true, strides = array<i32>} : memref<200x128xf32, #tpu.memory_space<vmem>>, vector<1x16xf32>,
    }
    %scan3A_285 = arith.constant 200 : i32
    %add3A_286 = arith.constant 2000 : i32
    %add3A_287 = arith.addi %mul3A_2, %add3A_286 : i32
    %dma_start3A_288 = arith.constant 0 : i32
    %dma_start3A_289 = tpu.memref_slice %arg5[%add3A_287, %dma_start3A_288] : memref<204800x128xf32, #tpu.memory_space<hbm>> -> memref<200x128xf32, #tpu.memory_space<hbm>>
    %dma_start3A_290 = arith.constant 0 : i32
    %dma_start3A_291 = tpu.memref_slice %arg5[%add3A_287, %dma_start3A_290] : memref<204800x128xf32, #tpu.memory_space<hbm>> -> memref<200x128xf32, #tpu.memory_space<hbm>>
    tpu.enqueue_dma source(%arg9 : memref<200x128xf32, #tpu.memory_space<vmem>>) target(%dma_start3A_291 : memref<200x128xf32, #tpu.memory_space<hbm>>) target_semaphore(%arg15 : memref<!tpu.dma_semaphore, #tpu.memory_space<semaphore_mem>>)
    %dma_wait3A_292 = arith.constant 0 : i32
    %dma_wait3A_293 = tpu.memref_slice %arg5[%add3A_287, %dma_wait3A_292] : memref<204800x128xf32, #tpu.memory_space<hbm>> -> memref<200x128xf32, #tpu.memory_space<hbm>>
    %dma_wait3A_294 = arith.constant 0 : i32
    %dma_wait3A_295 = tpu.memref_slice %arg5[%add3A_287, %dma_wait3A_294] : memref<204800x128xf32, #tpu.memory_space<hbm>> -> memref<200x128xf32, #tpu.memory_space<hbm>>
    tpu.wait_dma2 semaphore(%arg15 : memref<!tpu.dma_semaphore, #tpu.memory_space<semaphore_mem>>) src(%arg9 : memref<200x128xf32, #tpu.memory_space<vmem>>) dst(%dma_wait3A_295 : memref<200x128xf32, #tpu.memory_space<hbm>>)
    %dma_start3A_296 = arith.constant 2600 : i32
    %dma_start3A_297 = tpu.memref_slice %arg6[%dma_start3A_296] : memref<6400xi32, #tpu.memory_space<vmem>> -> memref<200xi32, #tpu.memory_space<vmem>>
    %dma_start3A_298 = arith.constant 0 : i32
    %dma_start3A_299 = arith.constant 0 : i32
    %dma_start3A_300 = tpu.memref_slice %arg2[%dma_start3A_298, %dma_start3A_299] : memref<1000000x128xf32, #tpu.memory_space<hbm>> -> memref<1000000x128xf32, #tpu.memory_space<hbm>>
    tpu.enqueue_indirect_dma source(%dma_start3A_300 : memref<1000000x128xf32, #tpu.memory_space<hbm>>) target(%arg9 : memref<200x128xf32, #tpu.memory_space<vmem>>) offsets(%dma_start3A_297 : memref<200xi32, #tpu.memory_space<vmem>>) semaphore(%arg12 : memref<!tpu.dma_semaphore, #tpu.memory_space<semaphore_mem>>)
    %dma_wait3A_301 = arith.constant 2200 : i32
    %dma_wait3A_302 = tpu.memref_slice %arg6[%dma_wait3A_301] : memref<6400xi32, #tpu.memory_space<vmem>> -> memref<200xi32, #tpu.memory_space<vmem>>
    %dma_wait3A_303 = arith.constant 0 : i32
    %dma_wait3A_304 = arith.constant 0 : i32
    %dma_wait3A_305 = tpu.memref_slice %arg2[%dma_wait3A_303, %dma_wait3A_304] : memref<1000000x128xf32, #tpu.memory_space<hbm>> -> memref<1000000x128xf32, #tpu.memory_space<hbm>>
    tpu.wait_indirect_dma semaphore(%arg13 : memref<!tpu.dma_semaphore, #tpu.memory_space<semaphore_mem>>) src(%dma_wait3A_305 : memref<1000000x128xf32, #tpu.memory_space<hbm>>) dst(%arg10 : memref<200x128xf32, #tpu.memory_space<vmem>>)
    %scan3A_306 = arith.constant 0 : i32
    %scan3A_307 = arith.constant 0 : i32
    %scan3A_308 = arith.constant 200 : i32
    %scan3A_309 = arith.addi %scan3A_307, %scan3A_308 : i32
    %scan3A_310 = arith.constant 2 : i32
    scf.for %scan3A_832 = %scan3A_307 to %scan3A_309 step %scan3A_310  : i32 {
      %get3A = arith.index_cast %scan3A_832 : i32 to index
      %get3A_833 = arith.constant 0 : index
      %get3A_834 = tpu.vector_load %arg7[%get3A, %get3A_833] {strides = array<i32>} : memref<200x64xf32, #tpu.memory_space<vmem>>, vector<1x16xf32>,
      %get3A_835 = vector.shape_cast %get3A_834 : vector<1x16xf32> to vector<16xf32>
      %swap3A = arith.index_cast %scan3A_832 : i32 to index
      %swap3A_836 = arith.constant 0 : index
      %swap3A_837 = tpu.vector_load %arg10[%swap3A, %swap3A_836] {strides = array<i32>} : memref<200x128xf32, #tpu.memory_space<vmem>>, vector<1x16xf32>,
      %swap3A_838 = vector.shape_cast %swap3A_837 : vector<1x16xf32> to vector<16xf32>
      %swap3A_839 = vector.shape_cast %get3A_835 : vector<16xf32> to vector<1x16xf32>
      tpu.vector_store %arg10[%swap3A, %swap3A_836], %swap3A_839 {add = true, strides = array<i32>} : memref<200x128xf32, #tpu.memory_space<vmem>>, vector<1x16xf32>,
      %get3A_840 = arith.index_cast %scan3A_832 : i32 to index
      %get3A_841 = arith.constant 16 : index
      %get3A_842 = tpu.vector_load %arg7[%get3A_840, %get3A_841] {strides = array<i32>} : memref<200x64xf32, #tpu.memory_space<vmem>>, vector<1x16xf32>,
      %get3A_843 = vector.shape_cast %get3A_842 : vector<1x16xf32> to vector<16xf32>
      %swap3A_844 = arith.index_cast %scan3A_832 : i32 to index
      %swap3A_845 = arith.constant 16 : index
      %swap3A_846 = tpu.vector_load %arg10[%swap3A_844, %swap3A_845] {strides = array<i32>} : memref<200x128xf32, #tpu.memory_space<vmem>>, vector<1x16xf32>,
      %swap3A_847 = vector.shape_cast %swap3A_846 : vector<1x16xf32> to vector<16xf32>
      %swap3A_848 = vector.shape_cast %get3A_843 : vector<16xf32> to vector<1x16xf32>
      tpu.vector_store %arg10[%swap3A_844, %swap3A_845], %swap3A_848 {add = true, strides = array<i32>} : memref<200x128xf32, #tpu.memory_space<vmem>>, vector<1x16xf32>,
      %get3A_849 = arith.index_cast %scan3A_832 : i32 to index
      %get3A_850 = arith.constant 32 : index
      %get3A_851 = tpu.vector_load %arg7[%get3A_849, %get3A_850] {strides = array<i32>} : memref<200x64xf32, #tpu.memory_space<vmem>>, vector<1x16xf32>,
      %get3A_852 = vector.shape_cast %get3A_851 : vector<1x16xf32> to vector<16xf32>
      %swap3A_853 = arith.index_cast %scan3A_832 : i32 to index
      %swap3A_854 = arith.constant 32 : index
      %swap3A_855 = tpu.vector_load %arg10[%swap3A_853, %swap3A_854] {strides = array<i32>} : memref<200x128xf32, #tpu.memory_space<vmem>>, vector<1x16xf32>,
      %swap3A_856 = vector.shape_cast %swap3A_855 : vector<1x16xf32> to vector<16xf32>
      %swap3A_857 = vector.shape_cast %get3A_852 : vector<16xf32> to vector<1x16xf32>
      tpu.vector_store %arg10[%swap3A_853, %swap3A_854], %swap3A_857 {add = true, strides = array<i32>} : memref<200x128xf32, #tpu.memory_space<vmem>>, vector<1x16xf32>,
      %get3A_858 = arith.index_cast %scan3A_832 : i32 to index
      %get3A_859 = arith.constant 48 : index
      %get3A_860 = tpu.vector_load %arg7[%get3A_858, %get3A_859] {strides = array<i32>} : memref<200x64xf32, #tpu.memory_space<vmem>>, vector<1x16xf32>,
      %get3A_861 = vector.shape_cast %get3A_860 : vector<1x16xf32> to vector<16xf32>
      %swap3A_862 = arith.index_cast %scan3A_832 : i32 to index
      %swap3A_863 = arith.constant 48 : index
      %swap3A_864 = tpu.vector_load %arg10[%swap3A_862, %swap3A_863] {strides = array<i32>} : memref<200x128xf32, #tpu.memory_space<vmem>>, vector<1x16xf32>,
      %swap3A_865 = vector.shape_cast %swap3A_864 : vector<1x16xf32> to vector<16xf32>
      %swap3A_866 = vector.shape_cast %get3A_861 : vector<16xf32> to vector<1x16xf32>
      tpu.vector_store %arg10[%swap3A_862, %swap3A_863], %swap3A_866 {add = true, strides = array<i32>} : memref<200x128xf32, #tpu.memory_space<vmem>>, vector<1x16xf32>,
      %scan3A_867 = arith.constant 1 : i32
      %scan3A_868 = arith.addi %scan3A_832, %scan3A_867 : i32
      %get3A_869 = arith.index_cast %scan3A_868 : i32 to index
      %get3A_870 = arith.constant 0 : index
      %get3A_871 = tpu.vector_load %arg7[%get3A_869, %get3A_870] {strides = array<i32>} : memref<200x64xf32, #tpu.memory_space<vmem>>, vector<1x16xf32>,
      %get3A_872 = vector.shape_cast %get3A_871 : vector<1x16xf32> to vector<16xf32>
      %swap3A_873 = arith.index_cast %scan3A_868 : i32 to index
      %swap3A_874 = arith.constant 0 : index
      %swap3A_875 = tpu.vector_load %arg10[%swap3A_873, %swap3A_874] {strides = array<i32>} : memref<200x128xf32, #tpu.memory_space<vmem>>, vector<1x16xf32>,
      %swap3A_876 = vector.shape_cast %swap3A_875 : vector<1x16xf32> to vector<16xf32>
      %swap3A_877 = vector.shape_cast %get3A_872 : vector<16xf32> to vector<1x16xf32>
      tpu.vector_store %arg10[%swap3A_873, %swap3A_874], %swap3A_877 {add = true, strides = array<i32>} : memref<200x128xf32, #tpu.memory_space<vmem>>, vector<1x16xf32>,
      %get3A_878 = arith.index_cast %scan3A_868 : i32 to index
      %get3A_879 = arith.constant 16 : index
      %get3A_880 = tpu.vector_load %arg7[%get3A_878, %get3A_879] {strides = array<i32>} : memref<200x64xf32, #tpu.memory_space<vmem>>, vector<1x16xf32>,
      %get3A_881 = vector.shape_cast %get3A_880 : vector<1x16xf32> to vector<16xf32>
      %swap3A_882 = arith.index_cast %scan3A_868 : i32 to index
      %swap3A_883 = arith.constant 16 : index
      %swap3A_884 = tpu.vector_load %arg10[%swap3A_882, %swap3A_883] {strides = array<i32>} : memref<200x128xf32, #tpu.memory_space<vmem>>, vector<1x16xf32>,
      %swap3A_885 = vector.shape_cast %swap3A_884 : vector<1x16xf32> to vector<16xf32>
      %swap3A_886 = vector.shape_cast %get3A_881 : vector<16xf32> to vector<1x16xf32>
      tpu.vector_store %arg10[%swap3A_882, %swap3A_883], %swap3A_886 {add = true, strides = array<i32>} : memref<200x128xf32, #tpu.memory_space<vmem>>, vector<1x16xf32>,
      %get3A_887 = arith.index_cast %scan3A_868 : i32 to index
      %get3A_888 = arith.constant 32 : index
      %get3A_889 = tpu.vector_load %arg7[%get3A_887, %get3A_888] {strides = array<i32>} : memref<200x64xf32, #tpu.memory_space<vmem>>, vector<1x16xf32>,
      %get3A_890 = vector.shape_cast %get3A_889 : vector<1x16xf32> to vector<16xf32>
      %swap3A_891 = arith.index_cast %scan3A_868 : i32 to index
      %swap3A_892 = arith.constant 32 : index
      %swap3A_893 = tpu.vector_load %arg10[%swap3A_891, %swap3A_892] {strides = array<i32>} : memref<200x128xf32, #tpu.memory_space<vmem>>, vector<1x16xf32>,
      %swap3A_894 = vector.shape_cast %swap3A_893 : vector<1x16xf32> to vector<16xf32>
      %swap3A_895 = vector.shape_cast %get3A_890 : vector<16xf32> to vector<1x16xf32>
      tpu.vector_store %arg10[%swap3A_891, %swap3A_892], %swap3A_895 {add = true, strides = array<i32>} : memref<200x128xf32, #tpu.memory_space<vmem>>, vector<1x16xf32>,
      %get3A_896 = arith.index_cast %scan3A_868 : i32 to index
      %get3A_897 = arith.constant 48 : index
      %get3A_898 = tpu.vector_load %arg7[%get3A_896, %get3A_897] {strides = array<i32>} : memref<200x64xf32, #tpu.memory_space<vmem>>, vector<1x16xf32>,
      %get3A_899 = vector.shape_cast %get3A_898 : vector<1x16xf32> to vector<16xf32>
      %swap3A_900 = arith.index_cast %scan3A_868 : i32 to index
      %swap3A_901 = arith.constant 48 : index
      %swap3A_902 = tpu.vector_load %arg10[%swap3A_900, %swap3A_901] {strides = array<i32>} : memref<200x128xf32, #tpu.memory_space<vmem>>, vector<1x16xf32>,
      %swap3A_903 = vector.shape_cast %swap3A_902 : vector<1x16xf32> to vector<16xf32>
      %swap3A_904 = vector.shape_cast %get3A_899 : vector<16xf32> to vector<1x16xf32>
      tpu.vector_store %arg10[%swap3A_900, %swap3A_901], %swap3A_904 {add = true, strides = array<i32>} : memref<200x128xf32, #tpu.memory_space<vmem>>, vector<1x16xf32>,
    }
    %scan3A_311 = arith.constant 200 : i32
    %add3A_312 = arith.constant 2200 : i32
    %add3A_313 = arith.addi %mul3A_2, %add3A_312 : i32
    %dma_start3A_314 = arith.constant 0 : i32
    %dma_start3A_315 = tpu.memref_slice %arg5[%add3A_313, %dma_start3A_314] : memref<204800x128xf32, #tpu.memory_space<hbm>> -> memref<200x128xf32, #tpu.memory_space<hbm>>
    %dma_start3A_316 = arith.constant 0 : i32
    %dma_start3A_317 = tpu.memref_slice %arg5[%add3A_313, %dma_start3A_316] : memref<204800x128xf32, #tpu.memory_space<hbm>> -> memref<200x128xf32, #tpu.memory_space<hbm>>
    tpu.enqueue_dma source(%arg10 : memref<200x128xf32, #tpu.memory_space<vmem>>) target(%dma_start3A_317 : memref<200x128xf32, #tpu.memory_space<hbm>>) target_semaphore(%arg16 : memref<!tpu.dma_semaphore, #tpu.memory_space<semaphore_mem>>)
    %dma_wait3A_318 = arith.constant 0 : i32
    %dma_wait3A_319 = tpu.memref_slice %arg5[%add3A_313, %dma_wait3A_318] : memref<204800x128xf32, #tpu.memory_space<hbm>> -> memref<200x128xf32, #tpu.memory_space<hbm>>
    %dma_wait3A_320 = arith.constant 0 : i32
    %dma_wait3A_321 = tpu.memref_slice %arg5[%add3A_313, %dma_wait3A_320] : memref<204800x128xf32, #tpu.memory_space<hbm>> -> memref<200x128xf32, #tpu.memory_space<hbm>>
    tpu.wait_dma2 semaphore(%arg16 : memref<!tpu.dma_semaphore, #tpu.memory_space<semaphore_mem>>) src(%arg10 : memref<200x128xf32, #tpu.memory_space<vmem>>) dst(%dma_wait3A_321 : memref<200x128xf32, #tpu.memory_space<hbm>>)
    %dma_start3A_322 = arith.constant 2800 : i32
    %dma_start3A_323 = tpu.memref_slice %arg6[%dma_start3A_322] : memref<6400xi32, #tpu.memory_space<vmem>> -> memref<200xi32, #tpu.memory_space<vmem>>
    %dma_start3A_324 = arith.constant 0 : i32
    %dma_start3A_325 = arith.constant 0 : i32
    %dma_start3A_326 = tpu.memref_slice %arg2[%dma_start3A_324, %dma_start3A_325] : memref<1000000x128xf32, #tpu.memory_space<hbm>> -> memref<1000000x128xf32, #tpu.memory_space<hbm>>
    tpu.enqueue_indirect_dma source(%dma_start3A_326 : memref<1000000x128xf32, #tpu.memory_space<hbm>>) target(%arg10 : memref<200x128xf32, #tpu.memory_space<vmem>>) offsets(%dma_start3A_323 : memref<200xi32, #tpu.memory_space<vmem>>) semaphore(%arg13 : memref<!tpu.dma_semaphore, #tpu.memory_space<semaphore_mem>>)
    %dma_wait3A_327 = arith.constant 2400 : i32
    %dma_wait3A_328 = tpu.memref_slice %arg6[%dma_wait3A_327] : memref<6400xi32, #tpu.memory_space<vmem>> -> memref<200xi32, #tpu.memory_space<vmem>>
    %dma_wait3A_329 = arith.constant 0 : i32
    %dma_wait3A_330 = arith.constant 0 : i32
    %dma_wait3A_331 = tpu.memref_slice %arg2[%dma_wait3A_329, %dma_wait3A_330] : memref<1000000x128xf32, #tpu.memory_space<hbm>> -> memref<1000000x128xf32, #tpu.memory_space<hbm>>
    tpu.wait_indirect_dma semaphore(%arg11 : memref<!tpu.dma_semaphore, #tpu.memory_space<semaphore_mem>>) src(%dma_wait3A_331 : memref<1000000x128xf32, #tpu.memory_space<hbm>>) dst(%arg8 : memref<200x128xf32, #tpu.memory_space<vmem>>)
    %scan3A_332 = arith.constant 0 : i32
    %scan3A_333 = arith.constant 0 : i32
    %scan3A_334 = arith.constant 200 : i32
    %scan3A_335 = arith.addi %scan3A_333, %scan3A_334 : i32
    %scan3A_336 = arith.constant 2 : i32
    scf.for %scan3A_832 = %scan3A_333 to %scan3A_335 step %scan3A_336  : i32 {
      %get3A = arith.index_cast %scan3A_832 : i32 to index
      %get3A_833 = arith.constant 0 : index
      %get3A_834 = tpu.vector_load %arg7[%get3A, %get3A_833] {strides = array<i32>} : memref<200x64xf32, #tpu.memory_space<vmem>>, vector<1x16xf32>,
      %get3A_835 = vector.shape_cast %get3A_834 : vector<1x16xf32> to vector<16xf32>
      %swap3A = arith.index_cast %scan3A_832 : i32 to index
      %swap3A_836 = arith.constant 0 : index
      %swap3A_837 = tpu.vector_load %arg8[%swap3A, %swap3A_836] {strides = array<i32>} : memref<200x128xf32, #tpu.memory_space<vmem>>, vector<1x16xf32>,
      %swap3A_838 = vector.shape_cast %swap3A_837 : vector<1x16xf32> to vector<16xf32>
      %swap3A_839 = vector.shape_cast %get3A_835 : vector<16xf32> to vector<1x16xf32>
      tpu.vector_store %arg8[%swap3A, %swap3A_836], %swap3A_839 {add = true, strides = array<i32>} : memref<200x128xf32, #tpu.memory_space<vmem>>, vector<1x16xf32>,
      %get3A_840 = arith.index_cast %scan3A_832 : i32 to index
      %get3A_841 = arith.constant 16 : index
      %get3A_842 = tpu.vector_load %arg7[%get3A_840, %get3A_841] {strides = array<i32>} : memref<200x64xf32, #tpu.memory_space<vmem>>, vector<1x16xf32>,
      %get3A_843 = vector.shape_cast %get3A_842 : vector<1x16xf32> to vector<16xf32>
      %swap3A_844 = arith.index_cast %scan3A_832 : i32 to index
      %swap3A_845 = arith.constant 16 : index
      %swap3A_846 = tpu.vector_load %arg8[%swap3A_844, %swap3A_845] {strides = array<i32>} : memref<200x128xf32, #tpu.memory_space<vmem>>, vector<1x16xf32>,
      %swap3A_847 = vector.shape_cast %swap3A_846 : vector<1x16xf32> to vector<16xf32>
      %swap3A_848 = vector.shape_cast %get3A_843 : vector<16xf32> to vector<1x16xf32>
      tpu.vector_store %arg8[%swap3A_844, %swap3A_845], %swap3A_848 {add = true, strides = array<i32>} : memref<200x128xf32, #tpu.memory_space<vmem>>, vector<1x16xf32>,
      %get3A_849 = arith.index_cast %scan3A_832 : i32 to index
      %get3A_850 = arith.constant 32 : index
      %get3A_851 = tpu.vector_load %arg7[%get3A_849, %get3A_850] {strides = array<i32>} : memref<200x64xf32, #tpu.memory_space<vmem>>, vector<1x16xf32>,
      %get3A_852 = vector.shape_cast %get3A_851 : vector<1x16xf32> to vector<16xf32>
      %swap3A_853 = arith.index_cast %scan3A_832 : i32 to index
      %swap3A_854 = arith.constant 32 : index
      %swap3A_855 = tpu.vector_load %arg8[%swap3A_853, %swap3A_854] {strides = array<i32>} : memref<200x128xf32, #tpu.memory_space<vmem>>, vector<1x16xf32>,
      %swap3A_856 = vector.shape_cast %swap3A_855 : vector<1x16xf32> to vector<16xf32>
      %swap3A_857 = vector.shape_cast %get3A_852 : vector<16xf32> to vector<1x16xf32>
      tpu.vector_store %arg8[%swap3A_853, %swap3A_854], %swap3A_857 {add = true, strides = array<i32>} : memref<200x128xf32, #tpu.memory_space<vmem>>, vector<1x16xf32>,
      %get3A_858 = arith.index_cast %scan3A_832 : i32 to index
      %get3A_859 = arith.constant 48 : index
      %get3A_860 = tpu.vector_load %arg7[%get3A_858, %get3A_859] {strides = array<i32>} : memref<200x64xf32, #tpu.memory_space<vmem>>, vector<1x16xf32>,
      %get3A_861 = vector.shape_cast %get3A_860 : vector<1x16xf32> to vector<16xf32>
      %swap3A_862 = arith.index_cast %scan3A_832 : i32 to index
      %swap3A_863 = arith.constant 48 : index
      %swap3A_864 = tpu.vector_load %arg8[%swap3A_862, %swap3A_863] {strides = array<i32>} : memref<200x128xf32, #tpu.memory_space<vmem>>, vector<1x16xf32>,
      %swap3A_865 = vector.shape_cast %swap3A_864 : vector<1x16xf32> to vector<16xf32>
      %swap3A_866 = vector.shape_cast %get3A_861 : vector<16xf32> to vector<1x16xf32>
      tpu.vector_store %arg8[%swap3A_862, %swap3A_863], %swap3A_866 {add = true, strides = array<i32>} : memref<200x128xf32, #tpu.memory_space<vmem>>, vector<1x16xf32>,
      %scan3A_867 = arith.constant 1 : i32
      %scan3A_868 = arith.addi %scan3A_832, %scan3A_867 : i32
      %get3A_869 = arith.index_cast %scan3A_868 : i32 to index
      %get3A_870 = arith.constant 0 : index
      %get3A_871 = tpu.vector_load %arg7[%get3A_869, %get3A_870] {strides = array<i32>} : memref<200x64xf32, #tpu.memory_space<vmem>>, vector<1x16xf32>,
      %get3A_872 = vector.shape_cast %get3A_871 : vector<1x16xf32> to vector<16xf32>
      %swap3A_873 = arith.index_cast %scan3A_868 : i32 to index
      %swap3A_874 = arith.constant 0 : index
      %swap3A_875 = tpu.vector_load %arg8[%swap3A_873, %swap3A_874] {strides = array<i32>} : memref<200x128xf32, #tpu.memory_space<vmem>>, vector<1x16xf32>,
      %swap3A_876 = vector.shape_cast %swap3A_875 : vector<1x16xf32> to vector<16xf32>
      %swap3A_877 = vector.shape_cast %get3A_872 : vector<16xf32> to vector<1x16xf32>
      tpu.vector_store %arg8[%swap3A_873, %swap3A_874], %swap3A_877 {add = true, strides = array<i32>} : memref<200x128xf32, #tpu.memory_space<vmem>>, vector<1x16xf32>,
      %get3A_878 = arith.index_cast %scan3A_868 : i32 to index
      %get3A_879 = arith.constant 16 : index
      %get3A_880 = tpu.vector_load %arg7[%get3A_878, %get3A_879] {strides = array<i32>} : memref<200x64xf32, #tpu.memory_space<vmem>>, vector<1x16xf32>,
      %get3A_881 = vector.shape_cast %get3A_880 : vector<1x16xf32> to vector<16xf32>
      %swap3A_882 = arith.index_cast %scan3A_868 : i32 to index
      %swap3A_883 = arith.constant 16 : index
      %swap3A_884 = tpu.vector_load %arg8[%swap3A_882, %swap3A_883] {strides = array<i32>} : memref<200x128xf32, #tpu.memory_space<vmem>>, vector<1x16xf32>,
      %swap3A_885 = vector.shape_cast %swap3A_884 : vector<1x16xf32> to vector<16xf32>
      %swap3A_886 = vector.shape_cast %get3A_881 : vector<16xf32> to vector<1x16xf32>
      tpu.vector_store %arg8[%swap3A_882, %swap3A_883], %swap3A_886 {add = true, strides = array<i32>} : memref<200x128xf32, #tpu.memory_space<vmem>>, vector<1x16xf32>,
      %get3A_887 = arith.index_cast %scan3A_868 : i32 to index
      %get3A_888 = arith.constant 32 : index
      %get3A_889 = tpu.vector_load %arg7[%get3A_887, %get3A_888] {strides = array<i32>} : memref<200x64xf32, #tpu.memory_space<vmem>>, vector<1x16xf32>,
      %get3A_890 = vector.shape_cast %get3A_889 : vector<1x16xf32> to vector<16xf32>
      %swap3A_891 = arith.index_cast %scan3A_868 : i32 to index
      %swap3A_892 = arith.constant 32 : index
      %swap3A_893 = tpu.vector_load %arg8[%swap3A_891, %swap3A_892] {strides = array<i32>} : memref<200x128xf32, #tpu.memory_space<vmem>>, vector<1x16xf32>,
      %swap3A_894 = vector.shape_cast %swap3A_893 : vector<1x16xf32> to vector<16xf32>
      %swap3A_895 = vector.shape_cast %get3A_890 : vector<16xf32> to vector<1x16xf32>
      tpu.vector_store %arg8[%swap3A_891, %swap3A_892], %swap3A_895 {add = true, strides = array<i32>} : memref<200x128xf32, #tpu.memory_space<vmem>>, vector<1x16xf32>,
      %get3A_896 = arith.index_cast %scan3A_868 : i32 to index
      %get3A_897 = arith.constant 48 : index
      %get3A_898 = tpu.vector_load %arg7[%get3A_896, %get3A_897] {strides = array<i32>} : memref<200x64xf32, #tpu.memory_space<vmem>>, vector<1x16xf32>,
      %get3A_899 = vector.shape_cast %get3A_898 : vector<1x16xf32> to vector<16xf32>
      %swap3A_900 = arith.index_cast %scan3A_868 : i32 to index
      %swap3A_901 = arith.constant 48 : index
      %swap3A_902 = tpu.vector_load %arg8[%swap3A_900, %swap3A_901] {strides = array<i32>} : memref<200x128xf32, #tpu.memory_space<vmem>>, vector<1x16xf32>,
      %swap3A_903 = vector.shape_cast %swap3A_902 : vector<1x16xf32> to vector<16xf32>
      %swap3A_904 = vector.shape_cast %get3A_899 : vector<16xf32> to vector<1x16xf32>
      tpu.vector_store %arg8[%swap3A_900, %swap3A_901], %swap3A_904 {add = true, strides = array<i32>} : memref<200x128xf32, #tpu.memory_space<vmem>>, vector<1x16xf32>,
    }
    %scan3A_337 = arith.constant 200 : i32
    %add3A_338 = arith.constant 2400 : i32
    %add3A_339 = arith.addi %mul3A_2, %add3A_338 : i32
    %dma_start3A_340 = arith.constant 0 : i32
    %dma_start3A_341 = tpu.memref_slice %arg5[%add3A_339, %dma_start3A_340] : memref<204800x128xf32, #tpu.memory_space<hbm>> -> memref<200x128xf32, #tpu.memory_space<hbm>>
    %dma_start3A_342 = arith.constant 0 : i32
    %dma_start3A_343 = tpu.memref_slice %arg5[%add3A_339, %dma_start3A_342] : memref<204800x128xf32, #tpu.memory_space<hbm>> -> memref<200x128xf32, #tpu.memory_space<hbm>>
    tpu.enqueue_dma source(%arg8 : memref<200x128xf32, #tpu.memory_space<vmem>>) target(%dma_start3A_343 : memref<200x128xf32, #tpu.memory_space<hbm>>) target_semaphore(%arg14 : memref<!tpu.dma_semaphore, #tpu.memory_space<semaphore_mem>>)
    %dma_wait3A_344 = arith.constant 0 : i32
    %dma_wait3A_345 = tpu.memref_slice %arg5[%add3A_339, %dma_wait3A_344] : memref<204800x128xf32, #tpu.memory_space<hbm>> -> memref<200x128xf32, #tpu.memory_space<hbm>>
    %dma_wait3A_346 = arith.constant 0 : i32
    %dma_wait3A_347 = tpu.memref_slice %arg5[%add3A_339, %dma_wait3A_346] : memref<204800x128xf32, #tpu.memory_space<hbm>> -> memref<200x128xf32, #tpu.memory_space<hbm>>
    tpu.wait_dma2 semaphore(%arg14 : memref<!tpu.dma_semaphore, #tpu.memory_space<semaphore_mem>>) src(%arg8 : memref<200x128xf32, #tpu.memory_space<vmem>>) dst(%dma_wait3A_347 : memref<200x128xf32, #tpu.memory_space<hbm>>)
    %dma_start3A_348 = arith.constant 3000 : i32
    %dma_start3A_349 = tpu.memref_slice %arg6[%dma_start3A_348] : memref<6400xi32, #tpu.memory_space<vmem>> -> memref<200xi32, #tpu.memory_space<vmem>>
    %dma_start3A_350 = arith.constant 0 : i32
    %dma_start3A_351 = arith.constant 0 : i32
    %dma_start3A_352 = tpu.memref_slice %arg2[%dma_start3A_350, %dma_start3A_351] : memref<1000000x128xf32, #tpu.memory_space<hbm>> -> memref<1000000x128xf32, #tpu.memory_space<hbm>>
    tpu.enqueue_indirect_dma source(%dma_start3A_352 : memref<1000000x128xf32, #tpu.memory_space<hbm>>) target(%arg8 : memref<200x128xf32, #tpu.memory_space<vmem>>) offsets(%dma_start3A_349 : memref<200xi32, #tpu.memory_space<vmem>>) semaphore(%arg11 : memref<!tpu.dma_semaphore, #tpu.memory_space<semaphore_mem>>)
    %dma_wait3A_353 = arith.constant 2600 : i32
    %dma_wait3A_354 = tpu.memref_slice %arg6[%dma_wait3A_353] : memref<6400xi32, #tpu.memory_space<vmem>> -> memref<200xi32, #tpu.memory_space<vmem>>
    %dma_wait3A_355 = arith.constant 0 : i32
    %dma_wait3A_356 = arith.constant 0 : i32
    %dma_wait3A_357 = tpu.memref_slice %arg2[%dma_wait3A_355, %dma_wait3A_356] : memref<1000000x128xf32, #tpu.memory_space<hbm>> -> memref<1000000x128xf32, #tpu.memory_space<hbm>>
    tpu.wait_indirect_dma semaphore(%arg12 : memref<!tpu.dma_semaphore, #tpu.memory_space<semaphore_mem>>) src(%dma_wait3A_357 : memref<1000000x128xf32, #tpu.memory_space<hbm>>) dst(%arg9 : memref<200x128xf32, #tpu.memory_space<vmem>>)
    %scan3A_358 = arith.constant 0 : i32
    %scan3A_359 = arith.constant 0 : i32
    %scan3A_360 = arith.constant 200 : i32
    %scan3A_361 = arith.addi %scan3A_359, %scan3A_360 : i32
    %scan3A_362 = arith.constant 2 : i32
    scf.for %scan3A_832 = %scan3A_359 to %scan3A_361 step %scan3A_362  : i32 {
      %get3A = arith.index_cast %scan3A_832 : i32 to index
      %get3A_833 = arith.constant 0 : index
      %get3A_834 = tpu.vector_load %arg7[%get3A, %get3A_833] {strides = array<i32>} : memref<200x64xf32, #tpu.memory_space<vmem>>, vector<1x16xf32>,
      %get3A_835 = vector.shape_cast %get3A_834 : vector<1x16xf32> to vector<16xf32>
      %swap3A = arith.index_cast %scan3A_832 : i32 to index
      %swap3A_836 = arith.constant 0 : index
      %swap3A_837 = tpu.vector_load %arg9[%swap3A, %swap3A_836] {strides = array<i32>} : memref<200x128xf32, #tpu.memory_space<vmem>>, vector<1x16xf32>,
      %swap3A_838 = vector.shape_cast %swap3A_837 : vector<1x16xf32> to vector<16xf32>
      %swap3A_839 = vector.shape_cast %get3A_835 : vector<16xf32> to vector<1x16xf32>
      tpu.vector_store %arg9[%swap3A, %swap3A_836], %swap3A_839 {add = true, strides = array<i32>} : memref<200x128xf32, #tpu.memory_space<vmem>>, vector<1x16xf32>,
      %get3A_840 = arith.index_cast %scan3A_832 : i32 to index
      %get3A_841 = arith.constant 16 : index
      %get3A_842 = tpu.vector_load %arg7[%get3A_840, %get3A_841] {strides = array<i32>} : memref<200x64xf32, #tpu.memory_space<vmem>>, vector<1x16xf32>,
      %get3A_843 = vector.shape_cast %get3A_842 : vector<1x16xf32> to vector<16xf32>
      %swap3A_844 = arith.index_cast %scan3A_832 : i32 to index
      %swap3A_845 = arith.constant 16 : index
      %swap3A_846 = tpu.vector_load %arg9[%swap3A_844, %swap3A_845] {strides = array<i32>} : memref<200x128xf32, #tpu.memory_space<vmem>>, vector<1x16xf32>,
      %swap3A_847 = vector.shape_cast %swap3A_846 : vector<1x16xf32> to vector<16xf32>
      %swap3A_848 = vector.shape_cast %get3A_843 : vector<16xf32> to vector<1x16xf32>
      tpu.vector_store %arg9[%swap3A_844, %swap3A_845], %swap3A_848 {add = true, strides = array<i32>} : memref<200x128xf32, #tpu.memory_space<vmem>>, vector<1x16xf32>,
      %get3A_849 = arith.index_cast %scan3A_832 : i32 to index
      %get3A_850 = arith.constant 32 : index
      %get3A_851 = tpu.vector_load %arg7[%get3A_849, %get3A_850] {strides = array<i32>} : memref<200x64xf32, #tpu.memory_space<vmem>>, vector<1x16xf32>,
      %get3A_852 = vector.shape_cast %get3A_851 : vector<1x16xf32> to vector<16xf32>
      %swap3A_853 = arith.index_cast %scan3A_832 : i32 to index
      %swap3A_854 = arith.constant 32 : index
      %swap3A_855 = tpu.vector_load %arg9[%swap3A_853, %swap3A_854] {strides = array<i32>} : memref<200x128xf32, #tpu.memory_space<vmem>>, vector<1x16xf32>,
      %swap3A_856 = vector.shape_cast %swap3A_855 : vector<1x16xf32> to vector<16xf32>
      %swap3A_857 = vector.shape_cast %get3A_852 : vector<16xf32> to vector<1x16xf32>
      tpu.vector_store %arg9[%swap3A_853, %swap3A_854], %swap3A_857 {add = true, strides = array<i32>} : memref<200x128xf32, #tpu.memory_space<vmem>>, vector<1x16xf32>,
      %get3A_858 = arith.index_cast %scan3A_832 : i32 to index
      %get3A_859 = arith.constant 48 : index
      %get3A_860 = tpu.vector_load %arg7[%get3A_858, %get3A_859] {strides = array<i32>} : memref<200x64xf32, #tpu.memory_space<vmem>>, vector<1x16xf32>,
      %get3A_861 = vector.shape_cast %get3A_860 : vector<1x16xf32> to vector<16xf32>
      %swap3A_862 = arith.index_cast %scan3A_832 : i32 to index
      %swap3A_863 = arith.constant 48 : index
      %swap3A_864 = tpu.vector_load %arg9[%swap3A_862, %swap3A_863] {strides = array<i32>} : memref<200x128xf32, #tpu.memory_space<vmem>>, vector<1x16xf32>,
      %swap3A_865 = vector.shape_cast %swap3A_864 : vector<1x16xf32> to vector<16xf32>
      %swap3A_866 = vector.shape_cast %get3A_861 : vector<16xf32> to vector<1x16xf32>
      tpu.vector_store %arg9[%swap3A_862, %swap3A_863], %swap3A_866 {add = true, strides = array<i32>} : memref<200x128xf32, #tpu.memory_space<vmem>>, vector<1x16xf32>,
      %scan3A_867 = arith.constant 1 : i32
      %scan3A_868 = arith.addi %scan3A_832, %scan3A_867 : i32
      %get3A_869 = arith.index_cast %scan3A_868 : i32 to index
      %get3A_870 = arith.constant 0 : index
      %get3A_871 = tpu.vector_load %arg7[%get3A_869, %get3A_870] {strides = array<i32>} : memref<200x64xf32, #tpu.memory_space<vmem>>, vector<1x16xf32>,
      %get3A_872 = vector.shape_cast %get3A_871 : vector<1x16xf32> to vector<16xf32>
      %swap3A_873 = arith.index_cast %scan3A_868 : i32 to index
      %swap3A_874 = arith.constant 0 : index
      %swap3A_875 = tpu.vector_load %arg9[%swap3A_873, %swap3A_874] {strides = array<i32>} : memref<200x128xf32, #tpu.memory_space<vmem>>, vector<1x16xf32>,
      %swap3A_876 = vector.shape_cast %swap3A_875 : vector<1x16xf32> to vector<16xf32>
      %swap3A_877 = vector.shape_cast %get3A_872 : vector<16xf32> to vector<1x16xf32>
      tpu.vector_store %arg9[%swap3A_873, %swap3A_874], %swap3A_877 {add = true, strides = array<i32>} : memref<200x128xf32, #tpu.memory_space<vmem>>, vector<1x16xf32>,
      %get3A_878 = arith.index_cast %scan3A_868 : i32 to index
      %get3A_879 = arith.constant 16 : index
      %get3A_880 = tpu.vector_load %arg7[%get3A_878, %get3A_879] {strides = array<i32>} : memref<200x64xf32, #tpu.memory_space<vmem>>, vector<1x16xf32>,
      %get3A_881 = vector.shape_cast %get3A_880 : vector<1x16xf32> to vector<16xf32>
      %swap3A_882 = arith.index_cast %scan3A_868 : i32 to index
      %swap3A_883 = arith.constant 16 : index
      %swap3A_884 = tpu.vector_load %arg9[%swap3A_882, %swap3A_883] {strides = array<i32>} : memref<200x128xf32, #tpu.memory_space<vmem>>, vector<1x16xf32>,
      %swap3A_885 = vector.shape_cast %swap3A_884 : vector<1x16xf32> to vector<16xf32>
      %swap3A_886 = vector.shape_cast %get3A_881 : vector<16xf32> to vector<1x16xf32>
      tpu.vector_store %arg9[%swap3A_882, %swap3A_883], %swap3A_886 {add = true, strides = array<i32>} : memref<200x128xf32, #tpu.memory_space<vmem>>, vector<1x16xf32>,
      %get3A_887 = arith.index_cast %scan3A_868 : i32 to index
      %get3A_888 = arith.constant 32 : index
      %get3A_889 = tpu.vector_load %arg7[%get3A_887, %get3A_888] {strides = array<i32>} : memref<200x64xf32, #tpu.memory_space<vmem>>, vector<1x16xf32>,
      %get3A_890 = vector.shape_cast %get3A_889 : vector<1x16xf32> to vector<16xf32>
      %swap3A_891 = arith.index_cast %scan3A_868 : i32 to index
      %swap3A_892 = arith.constant 32 : index
      %swap3A_893 = tpu.vector_load %arg9[%swap3A_891, %swap3A_892] {strides = array<i32>} : memref<200x128xf32, #tpu.memory_space<vmem>>, vector<1x16xf32>,
      %swap3A_894 = vector.shape_cast %swap3A_893 : vector<1x16xf32> to vector<16xf32>
      %swap3A_895 = vector.shape_cast %get3A_890 : vector<16xf32> to vector<1x16xf32>
      tpu.vector_store %arg9[%swap3A_891, %swap3A_892], %swap3A_895 {add = true, strides = array<i32>} : memref<200x128xf32, #tpu.memory_space<vmem>>, vector<1x16xf32>,
      %get3A_896 = arith.index_cast %scan3A_868 : i32 to index
      %get3A_897 = arith.constant 48 : index
      %get3A_898 = tpu.vector_load %arg7[%get3A_896, %get3A_897] {strides = array<i32>} : memref<200x64xf32, #tpu.memory_space<vmem>>, vector<1x16xf32>,
      %get3A_899 = vector.shape_cast %get3A_898 : vector<1x16xf32> to vector<16xf32>
      %swap3A_900 = arith.index_cast %scan3A_868 : i32 to index
      %swap3A_901 = arith.constant 48 : index
      %swap3A_902 = tpu.vector_load %arg9[%swap3A_900, %swap3A_901] {strides = array<i32>} : memref<200x128xf32, #tpu.memory_space<vmem>>, vector<1x16xf32>,
      %swap3A_903 = vector.shape_cast %swap3A_902 : vector<1x16xf32> to vector<16xf32>
      %swap3A_904 = vector.shape_cast %get3A_899 : vector<16xf32> to vector<1x16xf32>
      tpu.vector_store %arg9[%swap3A_900, %swap3A_901], %swap3A_904 {add = true, strides = array<i32>} : memref<200x128xf32, #tpu.memory_space<vmem>>, vector<1x16xf32>,
    }
    %scan3A_363 = arith.constant 200 : i32
    %add3A_364 = arith.constant 2600 : i32
    %add3A_365 = arith.addi %mul3A_2, %add3A_364 : i32
    %dma_start3A_366 = arith.constant 0 : i32
    %dma_start3A_367 = tpu.memref_slice %arg5[%add3A_365, %dma_start3A_366] : memref<204800x128xf32, #tpu.memory_space<hbm>> -> memref<200x128xf32, #tpu.memory_space<hbm>>
    %dma_start3A_368 = arith.constant 0 : i32
    %dma_start3A_369 = tpu.memref_slice %arg5[%add3A_365, %dma_start3A_368] : memref<204800x128xf32, #tpu.memory_space<hbm>> -> memref<200x128xf32, #tpu.memory_space<hbm>>
    tpu.enqueue_dma source(%arg9 : memref<200x128xf32, #tpu.memory_space<vmem>>) target(%dma_start3A_369 : memref<200x128xf32, #tpu.memory_space<hbm>>) target_semaphore(%arg15 : memref<!tpu.dma_semaphore, #tpu.memory_space<semaphore_mem>>)
    %dma_wait3A_370 = arith.constant 0 : i32
    %dma_wait3A_371 = tpu.memref_slice %arg5[%add3A_365, %dma_wait3A_370] : memref<204800x128xf32, #tpu.memory_space<hbm>> -> memref<200x128xf32, #tpu.memory_space<hbm>>
    %dma_wait3A_372 = arith.constant 0 : i32
    %dma_wait3A_373 = tpu.memref_slice %arg5[%add3A_365, %dma_wait3A_372] : memref<204800x128xf32, #tpu.memory_space<hbm>> -> memref<200x128xf32, #tpu.memory_space<hbm>>
    tpu.wait_dma2 semaphore(%arg15 : memref<!tpu.dma_semaphore, #tpu.memory_space<semaphore_mem>>) src(%arg9 : memref<200x128xf32, #tpu.memory_space<vmem>>) dst(%dma_wait3A_373 : memref<200x128xf32, #tpu.memory_space<hbm>>)
    %dma_start3A_374 = arith.constant 3200 : i32
    %dma_start3A_375 = tpu.memref_slice %arg6[%dma_start3A_374] : memref<6400xi32, #tpu.memory_space<vmem>> -> memref<200xi32, #tpu.memory_space<vmem>>
    %dma_start3A_376 = arith.constant 0 : i32
    %dma_start3A_377 = arith.constant 0 : i32
    %dma_start3A_378 = tpu.memref_slice %arg2[%dma_start3A_376, %dma_start3A_377] : memref<1000000x128xf32, #tpu.memory_space<hbm>> -> memref<1000000x128xf32, #tpu.memory_space<hbm>>
    tpu.enqueue_indirect_dma source(%dma_start3A_378 : memref<1000000x128xf32, #tpu.memory_space<hbm>>) target(%arg9 : memref<200x128xf32, #tpu.memory_space<vmem>>) offsets(%dma_start3A_375 : memref<200xi32, #tpu.memory_space<vmem>>) semaphore(%arg12 : memref<!tpu.dma_semaphore, #tpu.memory_space<semaphore_mem>>)
    %dma_wait3A_379 = arith.constant 2800 : i32
    %dma_wait3A_380 = tpu.memref_slice %arg6[%dma_wait3A_379] : memref<6400xi32, #tpu.memory_space<vmem>> -> memref<200xi32, #tpu.memory_space<vmem>>
    %dma_wait3A_381 = arith.constant 0 : i32
    %dma_wait3A_382 = arith.constant 0 : i32
    %dma_wait3A_383 = tpu.memref_slice %arg2[%dma_wait3A_381, %dma_wait3A_382] : memref<1000000x128xf32, #tpu.memory_space<hbm>> -> memref<1000000x128xf32, #tpu.memory_space<hbm>>
    tpu.wait_indirect_dma semaphore(%arg13 : memref<!tpu.dma_semaphore, #tpu.memory_space<semaphore_mem>>) src(%dma_wait3A_383 : memref<1000000x128xf32, #tpu.memory_space<hbm>>) dst(%arg10 : memref<200x128xf32, #tpu.memory_space<vmem>>)
    %scan3A_384 = arith.constant 0 : i32
    %scan3A_385 = arith.constant 0 : i32
    %scan3A_386 = arith.constant 200 : i32
    %scan3A_387 = arith.addi %scan3A_385, %scan3A_386 : i32
    %scan3A_388 = arith.constant 2 : i32
    scf.for %scan3A_832 = %scan3A_385 to %scan3A_387 step %scan3A_388  : i32 {
      %get3A = arith.index_cast %scan3A_832 : i32 to index
      %get3A_833 = arith.constant 0 : index
      %get3A_834 = tpu.vector_load %arg7[%get3A, %get3A_833] {strides = array<i32>} : memref<200x64xf32, #tpu.memory_space<vmem>>, vector<1x16xf32>,
      %get3A_835 = vector.shape_cast %get3A_834 : vector<1x16xf32> to vector<16xf32>
      %swap3A = arith.index_cast %scan3A_832 : i32 to index
      %swap3A_836 = arith.constant 0 : index
      %swap3A_837 = tpu.vector_load %arg10[%swap3A, %swap3A_836] {strides = array<i32>} : memref<200x128xf32, #tpu.memory_space<vmem>>, vector<1x16xf32>,
      %swap3A_838 = vector.shape_cast %swap3A_837 : vector<1x16xf32> to vector<16xf32>
      %swap3A_839 = vector.shape_cast %get3A_835 : vector<16xf32> to vector<1x16xf32>
      tpu.vector_store %arg10[%swap3A, %swap3A_836], %swap3A_839 {add = true, strides = array<i32>} : memref<200x128xf32, #tpu.memory_space<vmem>>, vector<1x16xf32>,
      %get3A_840 = arith.index_cast %scan3A_832 : i32 to index
      %get3A_841 = arith.constant 16 : index
      %get3A_842 = tpu.vector_load %arg7[%get3A_840, %get3A_841] {strides = array<i32>} : memref<200x64xf32, #tpu.memory_space<vmem>>, vector<1x16xf32>,
      %get3A_843 = vector.shape_cast %get3A_842 : vector<1x16xf32> to vector<16xf32>
      %swap3A_844 = arith.index_cast %scan3A_832 : i32 to index
      %swap3A_845 = arith.constant 16 : index
      %swap3A_846 = tpu.vector_load %arg10[%swap3A_844, %swap3A_845] {strides = array<i32>} : memref<200x128xf32, #tpu.memory_space<vmem>>, vector<1x16xf32>,
      %swap3A_847 = vector.shape_cast %swap3A_846 : vector<1x16xf32> to vector<16xf32>
      %swap3A_848 = vector.shape_cast %get3A_843 : vector<16xf32> to vector<1x16xf32>
      tpu.vector_store %arg10[%swap3A_844, %swap3A_845], %swap3A_848 {add = true, strides = array<i32>} : memref<200x128xf32, #tpu.memory_space<vmem>>, vector<1x16xf32>,
      %get3A_849 = arith.index_cast %scan3A_832 : i32 to index
      %get3A_850 = arith.constant 32 : index
      %get3A_851 = tpu.vector_load %arg7[%get3A_849, %get3A_850] {strides = array<i32>} : memref<200x64xf32, #tpu.memory_space<vmem>>, vector<1x16xf32>,
      %get3A_852 = vector.shape_cast %get3A_851 : vector<1x16xf32> to vector<16xf32>
      %swap3A_853 = arith.index_cast %scan3A_832 : i32 to index
      %swap3A_854 = arith.constant 32 : index
      %swap3A_855 = tpu.vector_load %arg10[%swap3A_853, %swap3A_854] {strides = array<i32>} : memref<200x128xf32, #tpu.memory_space<vmem>>, vector<1x16xf32>,
      %swap3A_856 = vector.shape_cast %swap3A_855 : vector<1x16xf32> to vector<16xf32>
      %swap3A_857 = vector.shape_cast %get3A_852 : vector<16xf32> to vector<1x16xf32>
      tpu.vector_store %arg10[%swap3A_853, %swap3A_854], %swap3A_857 {add = true, strides = array<i32>} : memref<200x128xf32, #tpu.memory_space<vmem>>, vector<1x16xf32>,
      %get3A_858 = arith.index_cast %scan3A_832 : i32 to index
      %get3A_859 = arith.constant 48 : index
      %get3A_860 = tpu.vector_load %arg7[%get3A_858, %get3A_859] {strides = array<i32>} : memref<200x64xf32, #tpu.memory_space<vmem>>, vector<1x16xf32>,
      %get3A_861 = vector.shape_cast %get3A_860 : vector<1x16xf32> to vector<16xf32>
      %swap3A_862 = arith.index_cast %scan3A_832 : i32 to index
      %swap3A_863 = arith.constant 48 : index
      %swap3A_864 = tpu.vector_load %arg10[%swap3A_862, %swap3A_863] {strides = array<i32>} : memref<200x128xf32, #tpu.memory_space<vmem>>, vector<1x16xf32>,
      %swap3A_865 = vector.shape_cast %swap3A_864 : vector<1x16xf32> to vector<16xf32>
      %swap3A_866 = vector.shape_cast %get3A_861 : vector<16xf32> to vector<1x16xf32>
      tpu.vector_store %arg10[%swap3A_862, %swap3A_863], %swap3A_866 {add = true, strides = array<i32>} : memref<200x128xf32, #tpu.memory_space<vmem>>, vector<1x16xf32>,
      %scan3A_867 = arith.constant 1 : i32
      %scan3A_868 = arith.addi %scan3A_832, %scan3A_867 : i32
      %get3A_869 = arith.index_cast %scan3A_868 : i32 to index
      %get3A_870 = arith.constant 0 : index
      %get3A_871 = tpu.vector_load %arg7[%get3A_869, %get3A_870] {strides = array<i32>} : memref<200x64xf32, #tpu.memory_space<vmem>>, vector<1x16xf32>,
      %get3A_872 = vector.shape_cast %get3A_871 : vector<1x16xf32> to vector<16xf32>
      %swap3A_873 = arith.index_cast %scan3A_868 : i32 to index
      %swap3A_874 = arith.constant 0 : index
      %swap3A_875 = tpu.vector_load %arg10[%swap3A_873, %swap3A_874] {strides = array<i32>} : memref<200x128xf32, #tpu.memory_space<vmem>>, vector<1x16xf32>,
      %swap3A_876 = vector.shape_cast %swap3A_875 : vector<1x16xf32> to vector<16xf32>
      %swap3A_877 = vector.shape_cast %get3A_872 : vector<16xf32> to vector<1x16xf32>
      tpu.vector_store %arg10[%swap3A_873, %swap3A_874], %swap3A_877 {add = true, strides = array<i32>} : memref<200x128xf32, #tpu.memory_space<vmem>>, vector<1x16xf32>,
      %get3A_878 = arith.index_cast %scan3A_868 : i32 to index
      %get3A_879 = arith.constant 16 : index
      %get3A_880 = tpu.vector_load %arg7[%get3A_878, %get3A_879] {strides = array<i32>} : memref<200x64xf32, #tpu.memory_space<vmem>>, vector<1x16xf32>,
      %get3A_881 = vector.shape_cast %get3A_880 : vector<1x16xf32> to vector<16xf32>
      %swap3A_882 = arith.index_cast %scan3A_868 : i32 to index
      %swap3A_883 = arith.constant 16 : index
      %swap3A_884 = tpu.vector_load %arg10[%swap3A_882, %swap3A_883] {strides = array<i32>} : memref<200x128xf32, #tpu.memory_space<vmem>>, vector<1x16xf32>,
      %swap3A_885 = vector.shape_cast %swap3A_884 : vector<1x16xf32> to vector<16xf32>
      %swap3A_886 = vector.shape_cast %get3A_881 : vector<16xf32> to vector<1x16xf32>
      tpu.vector_store %arg10[%swap3A_882, %swap3A_883], %swap3A_886 {add = true, strides = array<i32>} : memref<200x128xf32, #tpu.memory_space<vmem>>, vector<1x16xf32>,
      %get3A_887 = arith.index_cast %scan3A_868 : i32 to index
      %get3A_888 = arith.constant 32 : index
      %get3A_889 = tpu.vector_load %arg7[%get3A_887, %get3A_888] {strides = array<i32>} : memref<200x64xf32, #tpu.memory_space<vmem>>, vector<1x16xf32>,
      %get3A_890 = vector.shape_cast %get3A_889 : vector<1x16xf32> to vector<16xf32>
      %swap3A_891 = arith.index_cast %scan3A_868 : i32 to index
      %swap3A_892 = arith.constant 32 : index
      %swap3A_893 = tpu.vector_load %arg10[%swap3A_891, %swap3A_892] {strides = array<i32>} : memref<200x128xf32, #tpu.memory_space<vmem>>, vector<1x16xf32>,
      %swap3A_894 = vector.shape_cast %swap3A_893 : vector<1x16xf32> to vector<16xf32>
      %swap3A_895 = vector.shape_cast %get3A_890 : vector<16xf32> to vector<1x16xf32>
      tpu.vector_store %arg10[%swap3A_891, %swap3A_892], %swap3A_895 {add = true, strides = array<i32>} : memref<200x128xf32, #tpu.memory_space<vmem>>, vector<1x16xf32>,
      %get3A_896 = arith.index_cast %scan3A_868 : i32 to index
      %get3A_897 = arith.constant 48 : index
      %get3A_898 = tpu.vector_load %arg7[%get3A_896, %get3A_897] {strides = array<i32>} : memref<200x64xf32, #tpu.memory_space<vmem>>, vector<1x16xf32>,
      %get3A_899 = vector.shape_cast %get3A_898 : vector<1x16xf32> to vector<16xf32>
      %swap3A_900 = arith.index_cast %scan3A_868 : i32 to index
      %swap3A_901 = arith.constant 48 : index
      %swap3A_902 = tpu.vector_load %arg10[%swap3A_900, %swap3A_901] {strides = array<i32>} : memref<200x128xf32, #tpu.memory_space<vmem>>, vector<1x16xf32>,
      %swap3A_903 = vector.shape_cast %swap3A_902 : vector<1x16xf32> to vector<16xf32>
      %swap3A_904 = vector.shape_cast %get3A_899 : vector<16xf32> to vector<1x16xf32>
      tpu.vector_store %arg10[%swap3A_900, %swap3A_901], %swap3A_904 {add = true, strides = array<i32>} : memref<200x128xf32, #tpu.memory_space<vmem>>, vector<1x16xf32>,
    }
    %scan3A_389 = arith.constant 200 : i32
    %add3A_390 = arith.constant 2800 : i32
    %add3A_391 = arith.addi %mul3A_2, %add3A_390 : i32
    %dma_start3A_392 = arith.constant 0 : i32
    %dma_start3A_393 = tpu.memref_slice %arg5[%add3A_391, %dma_start3A_392] : memref<204800x128xf32, #tpu.memory_space<hbm>> -> memref<200x128xf32, #tpu.memory_space<hbm>>
    %dma_start3A_394 = arith.constant 0 : i32
    %dma_start3A_395 = tpu.memref_slice %arg5[%add3A_391, %dma_start3A_394] : memref<204800x128xf32, #tpu.memory_space<hbm>> -> memref<200x128xf32, #tpu.memory_space<hbm>>
    tpu.enqueue_dma source(%arg10 : memref<200x128xf32, #tpu.memory_space<vmem>>) target(%dma_start3A_395 : memref<200x128xf32, #tpu.memory_space<hbm>>) target_semaphore(%arg16 : memref<!tpu.dma_semaphore, #tpu.memory_space<semaphore_mem>>)
    %dma_wait3A_396 = arith.constant 0 : i32
    %dma_wait3A_397 = tpu.memref_slice %arg5[%add3A_391, %dma_wait3A_396] : memref<204800x128xf32, #tpu.memory_space<hbm>> -> memref<200x128xf32, #tpu.memory_space<hbm>>
    %dma_wait3A_398 = arith.constant 0 : i32
    %dma_wait3A_399 = tpu.memref_slice %arg5[%add3A_391, %dma_wait3A_398] : memref<204800x128xf32, #tpu.memory_space<hbm>> -> memref<200x128xf32, #tpu.memory_space<hbm>>
    tpu.wait_dma2 semaphore(%arg16 : memref<!tpu.dma_semaphore, #tpu.memory_space<semaphore_mem>>) src(%arg10 : memref<200x128xf32, #tpu.memory_space<vmem>>) dst(%dma_wait3A_399 : memref<200x128xf32, #tpu.memory_space<hbm>>)
    %dma_start3A_400 = arith.constant 3400 : i32
    %dma_start3A_401 = tpu.memref_slice %arg6[%dma_start3A_400] : memref<6400xi32, #tpu.memory_space<vmem>> -> memref<200xi32, #tpu.memory_space<vmem>>
    %dma_start3A_402 = arith.constant 0 : i32
    %dma_start3A_403 = arith.constant 0 : i32
    %dma_start3A_404 = tpu.memref_slice %arg2[%dma_start3A_402, %dma_start3A_403] : memref<1000000x128xf32, #tpu.memory_space<hbm>> -> memref<1000000x128xf32, #tpu.memory_space<hbm>>
    tpu.enqueue_indirect_dma source(%dma_start3A_404 : memref<1000000x128xf32, #tpu.memory_space<hbm>>) target(%arg10 : memref<200x128xf32, #tpu.memory_space<vmem>>) offsets(%dma_start3A_401 : memref<200xi32, #tpu.memory_space<vmem>>) semaphore(%arg13 : memref<!tpu.dma_semaphore, #tpu.memory_space<semaphore_mem>>)
    %dma_wait3A_405 = arith.constant 3000 : i32
    %dma_wait3A_406 = tpu.memref_slice %arg6[%dma_wait3A_405] : memref<6400xi32, #tpu.memory_space<vmem>> -> memref<200xi32, #tpu.memory_space<vmem>>
    %dma_wait3A_407 = arith.constant 0 : i32
    %dma_wait3A_408 = arith.constant 0 : i32
    %dma_wait3A_409 = tpu.memref_slice %arg2[%dma_wait3A_407, %dma_wait3A_408] : memref<1000000x128xf32, #tpu.memory_space<hbm>> -> memref<1000000x128xf32, #tpu.memory_space<hbm>>
    tpu.wait_indirect_dma semaphore(%arg11 : memref<!tpu.dma_semaphore, #tpu.memory_space<semaphore_mem>>) src(%dma_wait3A_409 : memref<1000000x128xf32, #tpu.memory_space<hbm>>) dst(%arg8 : memref<200x128xf32, #tpu.memory_space<vmem>>)
    %scan3A_410 = arith.constant 0 : i32
    %scan3A_411 = arith.constant 0 : i32
    %scan3A_412 = arith.constant 200 : i32
    %scan3A_413 = arith.addi %scan3A_411, %scan3A_412 : i32
    %scan3A_414 = arith.constant 2 : i32
    scf.for %scan3A_832 = %scan3A_411 to %scan3A_413 step %scan3A_414  : i32 {
      %get3A = arith.index_cast %scan3A_832 : i32 to index
      %get3A_833 = arith.constant 0 : index
      %get3A_834 = tpu.vector_load %arg7[%get3A, %get3A_833] {strides = array<i32>} : memref<200x64xf32, #tpu.memory_space<vmem>>, vector<1x16xf32>,
      %get3A_835 = vector.shape_cast %get3A_834 : vector<1x16xf32> to vector<16xf32>
      %swap3A = arith.index_cast %scan3A_832 : i32 to index
      %swap3A_836 = arith.constant 0 : index
      %swap3A_837 = tpu.vector_load %arg8[%swap3A, %swap3A_836] {strides = array<i32>} : memref<200x128xf32, #tpu.memory_space<vmem>>, vector<1x16xf32>,
      %swap3A_838 = vector.shape_cast %swap3A_837 : vector<1x16xf32> to vector<16xf32>
      %swap3A_839 = vector.shape_cast %get3A_835 : vector<16xf32> to vector<1x16xf32>
      tpu.vector_store %arg8[%swap3A, %swap3A_836], %swap3A_839 {add = true, strides = array<i32>} : memref<200x128xf32, #tpu.memory_space<vmem>>, vector<1x16xf32>,
      %get3A_840 = arith.index_cast %scan3A_832 : i32 to index
      %get3A_841 = arith.constant 16 : index
      %get3A_842 = tpu.vector_load %arg7[%get3A_840, %get3A_841] {strides = array<i32>} : memref<200x64xf32, #tpu.memory_space<vmem>>, vector<1x16xf32>,
      %get3A_843 = vector.shape_cast %get3A_842 : vector<1x16xf32> to vector<16xf32>
      %swap3A_844 = arith.index_cast %scan3A_832 : i32 to index
      %swap3A_845 = arith.constant 16 : index
      %swap3A_846 = tpu.vector_load %arg8[%swap3A_844, %swap3A_845] {strides = array<i32>} : memref<200x128xf32, #tpu.memory_space<vmem>>, vector<1x16xf32>,
      %swap3A_847 = vector.shape_cast %swap3A_846 : vector<1x16xf32> to vector<16xf32>
      %swap3A_848 = vector.shape_cast %get3A_843 : vector<16xf32> to vector<1x16xf32>
      tpu.vector_store %arg8[%swap3A_844, %swap3A_845], %swap3A_848 {add = true, strides = array<i32>} : memref<200x128xf32, #tpu.memory_space<vmem>>, vector<1x16xf32>,
      %get3A_849 = arith.index_cast %scan3A_832 : i32 to index
      %get3A_850 = arith.constant 32 : index
      %get3A_851 = tpu.vector_load %arg7[%get3A_849, %get3A_850] {strides = array<i32>} : memref<200x64xf32, #tpu.memory_space<vmem>>, vector<1x16xf32>,
      %get3A_852 = vector.shape_cast %get3A_851 : vector<1x16xf32> to vector<16xf32>
      %swap3A_853 = arith.index_cast %scan3A_832 : i32 to index
      %swap3A_854 = arith.constant 32 : index
      %swap3A_855 = tpu.vector_load %arg8[%swap3A_853, %swap3A_854] {strides = array<i32>} : memref<200x128xf32, #tpu.memory_space<vmem>>, vector<1x16xf32>,
      %swap3A_856 = vector.shape_cast %swap3A_855 : vector<1x16xf32> to vector<16xf32>
      %swap3A_857 = vector.shape_cast %get3A_852 : vector<16xf32> to vector<1x16xf32>
      tpu.vector_store %arg8[%swap3A_853, %swap3A_854], %swap3A_857 {add = true, strides = array<i32>} : memref<200x128xf32, #tpu.memory_space<vmem>>, vector<1x16xf32>,
      %get3A_858 = arith.index_cast %scan3A_832 : i32 to index
      %get3A_859 = arith.constant 48 : index
      %get3A_860 = tpu.vector_load %arg7[%get3A_858, %get3A_859] {strides = array<i32>} : memref<200x64xf32, #tpu.memory_space<vmem>>, vector<1x16xf32>,
      %get3A_861 = vector.shape_cast %get3A_860 : vector<1x16xf32> to vector<16xf32>
      %swap3A_862 = arith.index_cast %scan3A_832 : i32 to index
      %swap3A_863 = arith.constant 48 : index
      %swap3A_864 = tpu.vector_load %arg8[%swap3A_862, %swap3A_863] {strides = array<i32>} : memref<200x128xf32, #tpu.memory_space<vmem>>, vector<1x16xf32>,
      %swap3A_865 = vector.shape_cast %swap3A_864 : vector<1x16xf32> to vector<16xf32>
      %swap3A_866 = vector.shape_cast %get3A_861 : vector<16xf32> to vector<1x16xf32>
      tpu.vector_store %arg8[%swap3A_862, %swap3A_863], %swap3A_866 {add = true, strides = array<i32>} : memref<200x128xf32, #tpu.memory_space<vmem>>, vector<1x16xf32>,
      %scan3A_867 = arith.constant 1 : i32
      %scan3A_868 = arith.addi %scan3A_832, %scan3A_867 : i32
      %get3A_869 = arith.index_cast %scan3A_868 : i32 to index
      %get3A_870 = arith.constant 0 : index
      %get3A_871 = tpu.vector_load %arg7[%get3A_869, %get3A_870] {strides = array<i32>} : memref<200x64xf32, #tpu.memory_space<vmem>>, vector<1x16xf32>,
      %get3A_872 = vector.shape_cast %get3A_871 : vector<1x16xf32> to vector<16xf32>
      %swap3A_873 = arith.index_cast %scan3A_868 : i32 to index
      %swap3A_874 = arith.constant 0 : index
      %swap3A_875 = tpu.vector_load %arg8[%swap3A_873, %swap3A_874] {strides = array<i32>} : memref<200x128xf32, #tpu.memory_space<vmem>>, vector<1x16xf32>,
      %swap3A_876 = vector.shape_cast %swap3A_875 : vector<1x16xf32> to vector<16xf32>
      %swap3A_877 = vector.shape_cast %get3A_872 : vector<16xf32> to vector<1x16xf32>
      tpu.vector_store %arg8[%swap3A_873, %swap3A_874], %swap3A_877 {add = true, strides = array<i32>} : memref<200x128xf32, #tpu.memory_space<vmem>>, vector<1x16xf32>,
      %get3A_878 = arith.index_cast %scan3A_868 : i32 to index
      %get3A_879 = arith.constant 16 : index
      %get3A_880 = tpu.vector_load %arg7[%get3A_878, %get3A_879] {strides = array<i32>} : memref<200x64xf32, #tpu.memory_space<vmem>>, vector<1x16xf32>,
      %get3A_881 = vector.shape_cast %get3A_880 : vector<1x16xf32> to vector<16xf32>
      %swap3A_882 = arith.index_cast %scan3A_868 : i32 to index
      %swap3A_883 = arith.constant 16 : index
      %swap3A_884 = tpu.vector_load %arg8[%swap3A_882, %swap3A_883] {strides = array<i32>} : memref<200x128xf32, #tpu.memory_space<vmem>>, vector<1x16xf32>,
      %swap3A_885 = vector.shape_cast %swap3A_884 : vector<1x16xf32> to vector<16xf32>
      %swap3A_886 = vector.shape_cast %get3A_881 : vector<16xf32> to vector<1x16xf32>
      tpu.vector_store %arg8[%swap3A_882, %swap3A_883], %swap3A_886 {add = true, strides = array<i32>} : memref<200x128xf32, #tpu.memory_space<vmem>>, vector<1x16xf32>,
      %get3A_887 = arith.index_cast %scan3A_868 : i32 to index
      %get3A_888 = arith.constant 32 : index
      %get3A_889 = tpu.vector_load %arg7[%get3A_887, %get3A_888] {strides = array<i32>} : memref<200x64xf32, #tpu.memory_space<vmem>>, vector<1x16xf32>,
      %get3A_890 = vector.shape_cast %get3A_889 : vector<1x16xf32> to vector<16xf32>
      %swap3A_891 = arith.index_cast %scan3A_868 : i32 to index
      %swap3A_892 = arith.constant 32 : index
      %swap3A_893 = tpu.vector_load %arg8[%swap3A_891, %swap3A_892] {strides = array<i32>} : memref<200x128xf32, #tpu.memory_space<vmem>>, vector<1x16xf32>,
      %swap3A_894 = vector.shape_cast %swap3A_893 : vector<1x16xf32> to vector<16xf32>
      %swap3A_895 = vector.shape_cast %get3A_890 : vector<16xf32> to vector<1x16xf32>
      tpu.vector_store %arg8[%swap3A_891, %swap3A_892], %swap3A_895 {add = true, strides = array<i32>} : memref<200x128xf32, #tpu.memory_space<vmem>>, vector<1x16xf32>,
      %get3A_896 = arith.index_cast %scan3A_868 : i32 to index
      %get3A_897 = arith.constant 48 : index
      %get3A_898 = tpu.vector_load %arg7[%get3A_896, %get3A_897] {strides = array<i32>} : memref<200x64xf32, #tpu.memory_space<vmem>>, vector<1x16xf32>,
      %get3A_899 = vector.shape_cast %get3A_898 : vector<1x16xf32> to vector<16xf32>
      %swap3A_900 = arith.index_cast %scan3A_868 : i32 to index
      %swap3A_901 = arith.constant 48 : index
      %swap3A_902 = tpu.vector_load %arg8[%swap3A_900, %swap3A_901] {strides = array<i32>} : memref<200x128xf32, #tpu.memory_space<vmem>>, vector<1x16xf32>,
      %swap3A_903 = vector.shape_cast %swap3A_902 : vector<1x16xf32> to vector<16xf32>
      %swap3A_904 = vector.shape_cast %get3A_899 : vector<16xf32> to vector<1x16xf32>
      tpu.vector_store %arg8[%swap3A_900, %swap3A_901], %swap3A_904 {add = true, strides = array<i32>} : memref<200x128xf32, #tpu.memory_space<vmem>>, vector<1x16xf32>,
    }
    %scan3A_415 = arith.constant 200 : i32
    %add3A_416 = arith.constant 3000 : i32
    %add3A_417 = arith.addi %mul3A_2, %add3A_416 : i32
    %dma_start3A_418 = arith.constant 0 : i32
    %dma_start3A_419 = tpu.memref_slice %arg5[%add3A_417, %dma_start3A_418] : memref<204800x128xf32, #tpu.memory_space<hbm>> -> memref<200x128xf32, #tpu.memory_space<hbm>>
    %dma_start3A_420 = arith.constant 0 : i32
    %dma_start3A_421 = tpu.memref_slice %arg5[%add3A_417, %dma_start3A_420] : memref<204800x128xf32, #tpu.memory_space<hbm>> -> memref<200x128xf32, #tpu.memory_space<hbm>>
    tpu.enqueue_dma source(%arg8 : memref<200x128xf32, #tpu.memory_space<vmem>>) target(%dma_start3A_421 : memref<200x128xf32, #tpu.memory_space<hbm>>) target_semaphore(%arg14 : memref<!tpu.dma_semaphore, #tpu.memory_space<semaphore_mem>>)
    %dma_wait3A_422 = arith.constant 0 : i32
    %dma_wait3A_423 = tpu.memref_slice %arg5[%add3A_417, %dma_wait3A_422] : memref<204800x128xf32, #tpu.memory_space<hbm>> -> memref<200x128xf32, #tpu.memory_space<hbm>>
    %dma_wait3A_424 = arith.constant 0 : i32
    %dma_wait3A_425 = tpu.memref_slice %arg5[%add3A_417, %dma_wait3A_424] : memref<204800x128xf32, #tpu.memory_space<hbm>> -> memref<200x128xf32, #tpu.memory_space<hbm>>
    tpu.wait_dma2 semaphore(%arg14 : memref<!tpu.dma_semaphore, #tpu.memory_space<semaphore_mem>>) src(%arg8 : memref<200x128xf32, #tpu.memory_space<vmem>>) dst(%dma_wait3A_425 : memref<200x128xf32, #tpu.memory_space<hbm>>)
    %dma_start3A_426 = arith.constant 3600 : i32
    %dma_start3A_427 = tpu.memref_slice %arg6[%dma_start3A_426] : memref<6400xi32, #tpu.memory_space<vmem>> -> memref<200xi32, #tpu.memory_space<vmem>>
    %dma_start3A_428 = arith.constant 0 : i32
    %dma_start3A_429 = arith.constant 0 : i32
    %dma_start3A_430 = tpu.memref_slice %arg2[%dma_start3A_428, %dma_start3A_429] : memref<1000000x128xf32, #tpu.memory_space<hbm>> -> memref<1000000x128xf32, #tpu.memory_space<hbm>>
    tpu.enqueue_indirect_dma source(%dma_start3A_430 : memref<1000000x128xf32, #tpu.memory_space<hbm>>) target(%arg8 : memref<200x128xf32, #tpu.memory_space<vmem>>) offsets(%dma_start3A_427 : memref<200xi32, #tpu.memory_space<vmem>>) semaphore(%arg11 : memref<!tpu.dma_semaphore, #tpu.memory_space<semaphore_mem>>)
    %dma_wait3A_431 = arith.constant 3200 : i32
    %dma_wait3A_432 = tpu.memref_slice %arg6[%dma_wait3A_431] : memref<6400xi32, #tpu.memory_space<vmem>> -> memref<200xi32, #tpu.memory_space<vmem>>
    %dma_wait3A_433 = arith.constant 0 : i32
    %dma_wait3A_434 = arith.constant 0 : i32
    %dma_wait3A_435 = tpu.memref_slice %arg2[%dma_wait3A_433, %dma_wait3A_434] : memref<1000000x128xf32, #tpu.memory_space<hbm>> -> memref<1000000x128xf32, #tpu.memory_space<hbm>>
    tpu.wait_indirect_dma semaphore(%arg12 : memref<!tpu.dma_semaphore, #tpu.memory_space<semaphore_mem>>) src(%dma_wait3A_435 : memref<1000000x128xf32, #tpu.memory_space<hbm>>) dst(%arg9 : memref<200x128xf32, #tpu.memory_space<vmem>>)
    %scan3A_436 = arith.constant 0 : i32
    %scan3A_437 = arith.constant 0 : i32
    %scan3A_438 = arith.constant 200 : i32
    %scan3A_439 = arith.addi %scan3A_437, %scan3A_438 : i32
    %scan3A_440 = arith.constant 2 : i32
    scf.for %scan3A_832 = %scan3A_437 to %scan3A_439 step %scan3A_440  : i32 {
      %get3A = arith.index_cast %scan3A_832 : i32 to index
      %get3A_833 = arith.constant 0 : index
      %get3A_834 = tpu.vector_load %arg7[%get3A, %get3A_833] {strides = array<i32>} : memref<200x64xf32, #tpu.memory_space<vmem>>, vector<1x16xf32>,
      %get3A_835 = vector.shape_cast %get3A_834 : vector<1x16xf32> to vector<16xf32>
      %swap3A = arith.index_cast %scan3A_832 : i32 to index
      %swap3A_836 = arith.constant 0 : index
      %swap3A_837 = tpu.vector_load %arg9[%swap3A, %swap3A_836] {strides = array<i32>} : memref<200x128xf32, #tpu.memory_space<vmem>>, vector<1x16xf32>,
      %swap3A_838 = vector.shape_cast %swap3A_837 : vector<1x16xf32> to vector<16xf32>
      %swap3A_839 = vector.shape_cast %get3A_835 : vector<16xf32> to vector<1x16xf32>
      tpu.vector_store %arg9[%swap3A, %swap3A_836], %swap3A_839 {add = true, strides = array<i32>} : memref<200x128xf32, #tpu.memory_space<vmem>>, vector<1x16xf32>,
      %get3A_840 = arith.index_cast %scan3A_832 : i32 to index
      %get3A_841 = arith.constant 16 : index
      %get3A_842 = tpu.vector_load %arg7[%get3A_840, %get3A_841] {strides = array<i32>} : memref<200x64xf32, #tpu.memory_space<vmem>>, vector<1x16xf32>,
      %get3A_843 = vector.shape_cast %get3A_842 : vector<1x16xf32> to vector<16xf32>
      %swap3A_844 = arith.index_cast %scan3A_832 : i32 to index
      %swap3A_845 = arith.constant 16 : index
      %swap3A_846 = tpu.vector_load %arg9[%swap3A_844, %swap3A_845] {strides = array<i32>} : memref<200x128xf32, #tpu.memory_space<vmem>>, vector<1x16xf32>,
      %swap3A_847 = vector.shape_cast %swap3A_846 : vector<1x16xf32> to vector<16xf32>
      %swap3A_848 = vector.shape_cast %get3A_843 : vector<16xf32> to vector<1x16xf32>
      tpu.vector_store %arg9[%swap3A_844, %swap3A_845], %swap3A_848 {add = true, strides = array<i32>} : memref<200x128xf32, #tpu.memory_space<vmem>>, vector<1x16xf32>,
      %get3A_849 = arith.index_cast %scan3A_832 : i32 to index
      %get3A_850 = arith.constant 32 : index
      %get3A_851 = tpu.vector_load %arg7[%get3A_849, %get3A_850] {strides = array<i32>} : memref<200x64xf32, #tpu.memory_space<vmem>>, vector<1x16xf32>,
      %get3A_852 = vector.shape_cast %get3A_851 : vector<1x16xf32> to vector<16xf32>
      %swap3A_853 = arith.index_cast %scan3A_832 : i32 to index
      %swap3A_854 = arith.constant 32 : index
      %swap3A_855 = tpu.vector_load %arg9[%swap3A_853, %swap3A_854] {strides = array<i32>} : memref<200x128xf32, #tpu.memory_space<vmem>>, vector<1x16xf32>,
      %swap3A_856 = vector.shape_cast %swap3A_855 : vector<1x16xf32> to vector<16xf32>
      %swap3A_857 = vector.shape_cast %get3A_852 : vector<16xf32> to vector<1x16xf32>
      tpu.vector_store %arg9[%swap3A_853, %swap3A_854], %swap3A_857 {add = true, strides = array<i32>} : memref<200x128xf32, #tpu.memory_space<vmem>>, vector<1x16xf32>,
      %get3A_858 = arith.index_cast %scan3A_832 : i32 to index
      %get3A_859 = arith.constant 48 : index
      %get3A_860 = tpu.vector_load %arg7[%get3A_858, %get3A_859] {strides = array<i32>} : memref<200x64xf32, #tpu.memory_space<vmem>>, vector<1x16xf32>,
      %get3A_861 = vector.shape_cast %get3A_860 : vector<1x16xf32> to vector<16xf32>
      %swap3A_862 = arith.index_cast %scan3A_832 : i32 to index
      %swap3A_863 = arith.constant 48 : index
      %swap3A_864 = tpu.vector_load %arg9[%swap3A_862, %swap3A_863] {strides = array<i32>} : memref<200x128xf32, #tpu.memory_space<vmem>>, vector<1x16xf32>,
      %swap3A_865 = vector.shape_cast %swap3A_864 : vector<1x16xf32> to vector<16xf32>
      %swap3A_866 = vector.shape_cast %get3A_861 : vector<16xf32> to vector<1x16xf32>
      tpu.vector_store %arg9[%swap3A_862, %swap3A_863], %swap3A_866 {add = true, strides = array<i32>} : memref<200x128xf32, #tpu.memory_space<vmem>>, vector<1x16xf32>,
      %scan3A_867 = arith.constant 1 : i32
      %scan3A_868 = arith.addi %scan3A_832, %scan3A_867 : i32
      %get3A_869 = arith.index_cast %scan3A_868 : i32 to index
      %get3A_870 = arith.constant 0 : index
      %get3A_871 = tpu.vector_load %arg7[%get3A_869, %get3A_870] {strides = array<i32>} : memref<200x64xf32, #tpu.memory_space<vmem>>, vector<1x16xf32>,
      %get3A_872 = vector.shape_cast %get3A_871 : vector<1x16xf32> to vector<16xf32>
      %swap3A_873 = arith.index_cast %scan3A_868 : i32 to index
      %swap3A_874 = arith.constant 0 : index
      %swap3A_875 = tpu.vector_load %arg9[%swap3A_873, %swap3A_874] {strides = array<i32>} : memref<200x128xf32, #tpu.memory_space<vmem>>, vector<1x16xf32>,
      %swap3A_876 = vector.shape_cast %swap3A_875 : vector<1x16xf32> to vector<16xf32>
      %swap3A_877 = vector.shape_cast %get3A_872 : vector<16xf32> to vector<1x16xf32>
      tpu.vector_store %arg9[%swap3A_873, %swap3A_874], %swap3A_877 {add = true, strides = array<i32>} : memref<200x128xf32, #tpu.memory_space<vmem>>, vector<1x16xf32>,
      %get3A_878 = arith.index_cast %scan3A_868 : i32 to index
      %get3A_879 = arith.constant 16 : index
      %get3A_880 = tpu.vector_load %arg7[%get3A_878, %get3A_879] {strides = array<i32>} : memref<200x64xf32, #tpu.memory_space<vmem>>, vector<1x16xf32>,
      %get3A_881 = vector.shape_cast %get3A_880 : vector<1x16xf32> to vector<16xf32>
      %swap3A_882 = arith.index_cast %scan3A_868 : i32 to index
      %swap3A_883 = arith.constant 16 : index
      %swap3A_884 = tpu.vector_load %arg9[%swap3A_882, %swap3A_883] {strides = array<i32>} : memref<200x128xf32, #tpu.memory_space<vmem>>, vector<1x16xf32>,
      %swap3A_885 = vector.shape_cast %swap3A_884 : vector<1x16xf32> to vector<16xf32>
      %swap3A_886 = vector.shape_cast %get3A_881 : vector<16xf32> to vector<1x16xf32>
      tpu.vector_store %arg9[%swap3A_882, %swap3A_883], %swap3A_886 {add = true, strides = array<i32>} : memref<200x128xf32, #tpu.memory_space<vmem>>, vector<1x16xf32>,
      %get3A_887 = arith.index_cast %scan3A_868 : i32 to index
      %get3A_888 = arith.constant 32 : index
      %get3A_889 = tpu.vector_load %arg7[%get3A_887, %get3A_888] {strides = array<i32>} : memref<200x64xf32, #tpu.memory_space<vmem>>, vector<1x16xf32>,
      %get3A_890 = vector.shape_cast %get3A_889 : vector<1x16xf32> to vector<16xf32>
      %swap3A_891 = arith.index_cast %scan3A_868 : i32 to index
      %swap3A_892 = arith.constant 32 : index
      %swap3A_893 = tpu.vector_load %arg9[%swap3A_891, %swap3A_892] {strides = array<i32>} : memref<200x128xf32, #tpu.memory_space<vmem>>, vector<1x16xf32>,
      %swap3A_894 = vector.shape_cast %swap3A_893 : vector<1x16xf32> to vector<16xf32>
      %swap3A_895 = vector.shape_cast %get3A_890 : vector<16xf32> to vector<1x16xf32>
      tpu.vector_store %arg9[%swap3A_891, %swap3A_892], %swap3A_895 {add = true, strides = array<i32>} : memref<200x128xf32, #tpu.memory_space<vmem>>, vector<1x16xf32>,
      %get3A_896 = arith.index_cast %scan3A_868 : i32 to index
      %get3A_897 = arith.constant 48 : index
      %get3A_898 = tpu.vector_load %arg7[%get3A_896, %get3A_897] {strides = array<i32>} : memref<200x64xf32, #tpu.memory_space<vmem>>, vector<1x16xf32>,
      %get3A_899 = vector.shape_cast %get3A_898 : vector<1x16xf32> to vector<16xf32>
      %swap3A_900 = arith.index_cast %scan3A_868 : i32 to index
      %swap3A_901 = arith.constant 48 : index
      %swap3A_902 = tpu.vector_load %arg9[%swap3A_900, %swap3A_901] {strides = array<i32>} : memref<200x128xf32, #tpu.memory_space<vmem>>, vector<1x16xf32>,
      %swap3A_903 = vector.shape_cast %swap3A_902 : vector<1x16xf32> to vector<16xf32>
      %swap3A_904 = vector.shape_cast %get3A_899 : vector<16xf32> to vector<1x16xf32>
      tpu.vector_store %arg9[%swap3A_900, %swap3A_901], %swap3A_904 {add = true, strides = array<i32>} : memref<200x128xf32, #tpu.memory_space<vmem>>, vector<1x16xf32>,
    }
    %scan3A_441 = arith.constant 200 : i32
    %add3A_442 = arith.constant 3200 : i32
    %add3A_443 = arith.addi %mul3A_2, %add3A_442 : i32
    %dma_start3A_444 = arith.constant 0 : i32
    %dma_start3A_445 = tpu.memref_slice %arg5[%add3A_443, %dma_start3A_444] : memref<204800x128xf32, #tpu.memory_space<hbm>> -> memref<200x128xf32, #tpu.memory_space<hbm>>
    %dma_start3A_446 = arith.constant 0 : i32
    %dma_start3A_447 = tpu.memref_slice %arg5[%add3A_443, %dma_start3A_446] : memref<204800x128xf32, #tpu.memory_space<hbm>> -> memref<200x128xf32, #tpu.memory_space<hbm>>
    tpu.enqueue_dma source(%arg9 : memref<200x128xf32, #tpu.memory_space<vmem>>) target(%dma_start3A_447 : memref<200x128xf32, #tpu.memory_space<hbm>>) target_semaphore(%arg15 : memref<!tpu.dma_semaphore, #tpu.memory_space<semaphore_mem>>)
    %dma_wait3A_448 = arith.constant 0 : i32
    %dma_wait3A_449 = tpu.memref_slice %arg5[%add3A_443, %dma_wait3A_448] : memref<204800x128xf32, #tpu.memory_space<hbm>> -> memref<200x128xf32, #tpu.memory_space<hbm>>
    %dma_wait3A_450 = arith.constant 0 : i32
    %dma_wait3A_451 = tpu.memref_slice %arg5[%add3A_443, %dma_wait3A_450] : memref<204800x128xf32, #tpu.memory_space<hbm>> -> memref<200x128xf32, #tpu.memory_space<hbm>>
    tpu.wait_dma2 semaphore(%arg15 : memref<!tpu.dma_semaphore, #tpu.memory_space<semaphore_mem>>) src(%arg9 : memref<200x128xf32, #tpu.memory_space<vmem>>) dst(%dma_wait3A_451 : memref<200x128xf32, #tpu.memory_space<hbm>>)
    %dma_start3A_452 = arith.constant 3800 : i32
    %dma_start3A_453 = tpu.memref_slice %arg6[%dma_start3A_452] : memref<6400xi32, #tpu.memory_space<vmem>> -> memref<200xi32, #tpu.memory_space<vmem>>
    %dma_start3A_454 = arith.constant 0 : i32
    %dma_start3A_455 = arith.constant 0 : i32
    %dma_start3A_456 = tpu.memref_slice %arg2[%dma_start3A_454, %dma_start3A_455] : memref<1000000x128xf32, #tpu.memory_space<hbm>> -> memref<1000000x128xf32, #tpu.memory_space<hbm>>
    tpu.enqueue_indirect_dma source(%dma_start3A_456 : memref<1000000x128xf32, #tpu.memory_space<hbm>>) target(%arg9 : memref<200x128xf32, #tpu.memory_space<vmem>>) offsets(%dma_start3A_453 : memref<200xi32, #tpu.memory_space<vmem>>) semaphore(%arg12 : memref<!tpu.dma_semaphore, #tpu.memory_space<semaphore_mem>>)
    %dma_wait3A_457 = arith.constant 3400 : i32
    %dma_wait3A_458 = tpu.memref_slice %arg6[%dma_wait3A_457] : memref<6400xi32, #tpu.memory_space<vmem>> -> memref<200xi32, #tpu.memory_space<vmem>>
    %dma_wait3A_459 = arith.constant 0 : i32
    %dma_wait3A_460 = arith.constant 0 : i32
    %dma_wait3A_461 = tpu.memref_slice %arg2[%dma_wait3A_459, %dma_wait3A_460] : memref<1000000x128xf32, #tpu.memory_space<hbm>> -> memref<1000000x128xf32, #tpu.memory_space<hbm>>
    tpu.wait_indirect_dma semaphore(%arg13 : memref<!tpu.dma_semaphore, #tpu.memory_space<semaphore_mem>>) src(%dma_wait3A_461 : memref<1000000x128xf32, #tpu.memory_space<hbm>>) dst(%arg10 : memref<200x128xf32, #tpu.memory_space<vmem>>)
    %scan3A_462 = arith.constant 0 : i32
    %scan3A_463 = arith.constant 0 : i32
    %scan3A_464 = arith.constant 200 : i32
    %scan3A_465 = arith.addi %scan3A_463, %scan3A_464 : i32
    %scan3A_466 = arith.constant 2 : i32
    scf.for %scan3A_832 = %scan3A_463 to %scan3A_465 step %scan3A_466  : i32 {
      %get3A = arith.index_cast %scan3A_832 : i32 to index
      %get3A_833 = arith.constant 0 : index
      %get3A_834 = tpu.vector_load %arg7[%get3A, %get3A_833] {strides = array<i32>} : memref<200x64xf32, #tpu.memory_space<vmem>>, vector<1x16xf32>,
      %get3A_835 = vector.shape_cast %get3A_834 : vector<1x16xf32> to vector<16xf32>
      %swap3A = arith.index_cast %scan3A_832 : i32 to index
      %swap3A_836 = arith.constant 0 : index
      %swap3A_837 = tpu.vector_load %arg10[%swap3A, %swap3A_836] {strides = array<i32>} : memref<200x128xf32, #tpu.memory_space<vmem>>, vector<1x16xf32>,
      %swap3A_838 = vector.shape_cast %swap3A_837 : vector<1x16xf32> to vector<16xf32>
      %swap3A_839 = vector.shape_cast %get3A_835 : vector<16xf32> to vector<1x16xf32>
      tpu.vector_store %arg10[%swap3A, %swap3A_836], %swap3A_839 {add = true, strides = array<i32>} : memref<200x128xf32, #tpu.memory_space<vmem>>, vector<1x16xf32>,
      %get3A_840 = arith.index_cast %scan3A_832 : i32 to index
      %get3A_841 = arith.constant 16 : index
      %get3A_842 = tpu.vector_load %arg7[%get3A_840, %get3A_841] {strides = array<i32>} : memref<200x64xf32, #tpu.memory_space<vmem>>, vector<1x16xf32>,
      %get3A_843 = vector.shape_cast %get3A_842 : vector<1x16xf32> to vector<16xf32>
      %swap3A_844 = arith.index_cast %scan3A_832 : i32 to index
      %swap3A_845 = arith.constant 16 : index
      %swap3A_846 = tpu.vector_load %arg10[%swap3A_844, %swap3A_845] {strides = array<i32>} : memref<200x128xf32, #tpu.memory_space<vmem>>, vector<1x16xf32>,
      %swap3A_847 = vector.shape_cast %swap3A_846 : vector<1x16xf32> to vector<16xf32>
      %swap3A_848 = vector.shape_cast %get3A_843 : vector<16xf32> to vector<1x16xf32>
      tpu.vector_store %arg10[%swap3A_844, %swap3A_845], %swap3A_848 {add = true, strides = array<i32>} : memref<200x128xf32, #tpu.memory_space<vmem>>, vector<1x16xf32>,
      %get3A_849 = arith.index_cast %scan3A_832 : i32 to index
      %get3A_850 = arith.constant 32 : index
      %get3A_851 = tpu.vector_load %arg7[%get3A_849, %get3A_850] {strides = array<i32>} : memref<200x64xf32, #tpu.memory_space<vmem>>, vector<1x16xf32>,
      %get3A_852 = vector.shape_cast %get3A_851 : vector<1x16xf32> to vector<16xf32>
      %swap3A_853 = arith.index_cast %scan3A_832 : i32 to index
      %swap3A_854 = arith.constant 32 : index
      %swap3A_855 = tpu.vector_load %arg10[%swap3A_853, %swap3A_854] {strides = array<i32>} : memref<200x128xf32, #tpu.memory_space<vmem>>, vector<1x16xf32>,
      %swap3A_856 = vector.shape_cast %swap3A_855 : vector<1x16xf32> to vector<16xf32>
      %swap3A_857 = vector.shape_cast %get3A_852 : vector<16xf32> to vector<1x16xf32>
      tpu.vector_store %arg10[%swap3A_853, %swap3A_854], %swap3A_857 {add = true, strides = array<i32>} : memref<200x128xf32, #tpu.memory_space<vmem>>, vector<1x16xf32>,
      %get3A_858 = arith.index_cast %scan3A_832 : i32 to index
      %get3A_859 = arith.constant 48 : index
      %get3A_860 = tpu.vector_load %arg7[%get3A_858, %get3A_859] {strides = array<i32>} : memref<200x64xf32, #tpu.memory_space<vmem>>, vector<1x16xf32>,
      %get3A_861 = vector.shape_cast %get3A_860 : vector<1x16xf32> to vector<16xf32>
      %swap3A_862 = arith.index_cast %scan3A_832 : i32 to index
      %swap3A_863 = arith.constant 48 : index
      %swap3A_864 = tpu.vector_load %arg10[%swap3A_862, %swap3A_863] {strides = array<i32>} : memref<200x128xf32, #tpu.memory_space<vmem>>, vector<1x16xf32>,
      %swap3A_865 = vector.shape_cast %swap3A_864 : vector<1x16xf32> to vector<16xf32>
      %swap3A_866 = vector.shape_cast %get3A_861 : vector<16xf32> to vector<1x16xf32>
      tpu.vector_store %arg10[%swap3A_862, %swap3A_863], %swap3A_866 {add = true, strides = array<i32>} : memref<200x128xf32, #tpu.memory_space<vmem>>, vector<1x16xf32>,
      %scan3A_867 = arith.constant 1 : i32
      %scan3A_868 = arith.addi %scan3A_832, %scan3A_867 : i32
      %get3A_869 = arith.index_cast %scan3A_868 : i32 to index
      %get3A_870 = arith.constant 0 : index
      %get3A_871 = tpu.vector_load %arg7[%get3A_869, %get3A_870] {strides = array<i32>} : memref<200x64xf32, #tpu.memory_space<vmem>>, vector<1x16xf32>,
      %get3A_872 = vector.shape_cast %get3A_871 : vector<1x16xf32> to vector<16xf32>
      %swap3A_873 = arith.index_cast %scan3A_868 : i32 to index
      %swap3A_874 = arith.constant 0 : index
      %swap3A_875 = tpu.vector_load %arg10[%swap3A_873, %swap3A_874] {strides = array<i32>} : memref<200x128xf32, #tpu.memory_space<vmem>>, vector<1x16xf32>,
      %swap3A_876 = vector.shape_cast %swap3A_875 : vector<1x16xf32> to vector<16xf32>
      %swap3A_877 = vector.shape_cast %get3A_872 : vector<16xf32> to vector<1x16xf32>
      tpu.vector_store %arg10[%swap3A_873, %swap3A_874], %swap3A_877 {add = true, strides = array<i32>} : memref<200x128xf32, #tpu.memory_space<vmem>>, vector<1x16xf32>,
      %get3A_878 = arith.index_cast %scan3A_868 : i32 to index
      %get3A_879 = arith.constant 16 : index
      %get3A_880 = tpu.vector_load %arg7[%get3A_878, %get3A_879] {strides = array<i32>} : memref<200x64xf32, #tpu.memory_space<vmem>>, vector<1x16xf32>,
      %get3A_881 = vector.shape_cast %get3A_880 : vector<1x16xf32> to vector<16xf32>
      %swap3A_882 = arith.index_cast %scan3A_868 : i32 to index
      %swap3A_883 = arith.constant 16 : index
      %swap3A_884 = tpu.vector_load %arg10[%swap3A_882, %swap3A_883] {strides = array<i32>} : memref<200x128xf32, #tpu.memory_space<vmem>>, vector<1x16xf32>,
      %swap3A_885 = vector.shape_cast %swap3A_884 : vector<1x16xf32> to vector<16xf32>
      %swap3A_886 = vector.shape_cast %get3A_881 : vector<16xf32> to vector<1x16xf32>
      tpu.vector_store %arg10[%swap3A_882, %swap3A_883], %swap3A_886 {add = true, strides = array<i32>} : memref<200x128xf32, #tpu.memory_space<vmem>>, vector<1x16xf32>,
      %get3A_887 = arith.index_cast %scan3A_868 : i32 to index
      %get3A_888 = arith.constant 32 : index
      %get3A_889 = tpu.vector_load %arg7[%get3A_887, %get3A_888] {strides = array<i32>} : memref<200x64xf32, #tpu.memory_space<vmem>>, vector<1x16xf32>,
      %get3A_890 = vector.shape_cast %get3A_889 : vector<1x16xf32> to vector<16xf32>
      %swap3A_891 = arith.index_cast %scan3A_868 : i32 to index
      %swap3A_892 = arith.constant 32 : index
      %swap3A_893 = tpu.vector_load %arg10[%swap3A_891, %swap3A_892] {strides = array<i32>} : memref<200x128xf32, #tpu.memory_space<vmem>>, vector<1x16xf32>,
      %swap3A_894 = vector.shape_cast %swap3A_893 : vector<1x16xf32> to vector<16xf32>
      %swap3A_895 = vector.shape_cast %get3A_890 : vector<16xf32> to vector<1x16xf32>
      tpu.vector_store %arg10[%swap3A_891, %swap3A_892], %swap3A_895 {add = true, strides = array<i32>} : memref<200x128xf32, #tpu.memory_space<vmem>>, vector<1x16xf32>,
      %get3A_896 = arith.index_cast %scan3A_868 : i32 to index
      %get3A_897 = arith.constant 48 : index
      %get3A_898 = tpu.vector_load %arg7[%get3A_896, %get3A_897] {strides = array<i32>} : memref<200x64xf32, #tpu.memory_space<vmem>>, vector<1x16xf32>,
      %get3A_899 = vector.shape_cast %get3A_898 : vector<1x16xf32> to vector<16xf32>
      %swap3A_900 = arith.index_cast %scan3A_868 : i32 to index
      %swap3A_901 = arith.constant 48 : index
      %swap3A_902 = tpu.vector_load %arg10[%swap3A_900, %swap3A_901] {strides = array<i32>} : memref<200x128xf32, #tpu.memory_space<vmem>>, vector<1x16xf32>,
      %swap3A_903 = vector.shape_cast %swap3A_902 : vector<1x16xf32> to vector<16xf32>
      %swap3A_904 = vector.shape_cast %get3A_899 : vector<16xf32> to vector<1x16xf32>
      tpu.vector_store %arg10[%swap3A_900, %swap3A_901], %swap3A_904 {add = true, strides = array<i32>} : memref<200x128xf32, #tpu.memory_space<vmem>>, vector<1x16xf32>,
    }
    %scan3A_467 = arith.constant 200 : i32
    %add3A_468 = arith.constant 3400 : i32
    %add3A_469 = arith.addi %mul3A_2, %add3A_468 : i32
    %dma_start3A_470 = arith.constant 0 : i32
    %dma_start3A_471 = tpu.memref_slice %arg5[%add3A_469, %dma_start3A_470] : memref<204800x128xf32, #tpu.memory_space<hbm>> -> memref<200x128xf32, #tpu.memory_space<hbm>>
    %dma_start3A_472 = arith.constant 0 : i32
    %dma_start3A_473 = tpu.memref_slice %arg5[%add3A_469, %dma_start3A_472] : memref<204800x128xf32, #tpu.memory_space<hbm>> -> memref<200x128xf32, #tpu.memory_space<hbm>>
    tpu.enqueue_dma source(%arg10 : memref<200x128xf32, #tpu.memory_space<vmem>>) target(%dma_start3A_473 : memref<200x128xf32, #tpu.memory_space<hbm>>) target_semaphore(%arg16 : memref<!tpu.dma_semaphore, #tpu.memory_space<semaphore_mem>>)
    %dma_wait3A_474 = arith.constant 0 : i32
    %dma_wait3A_475 = tpu.memref_slice %arg5[%add3A_469, %dma_wait3A_474] : memref<204800x128xf32, #tpu.memory_space<hbm>> -> memref<200x128xf32, #tpu.memory_space<hbm>>
    %dma_wait3A_476 = arith.constant 0 : i32
    %dma_wait3A_477 = tpu.memref_slice %arg5[%add3A_469, %dma_wait3A_476] : memref<204800x128xf32, #tpu.memory_space<hbm>> -> memref<200x128xf32, #tpu.memory_space<hbm>>
    tpu.wait_dma2 semaphore(%arg16 : memref<!tpu.dma_semaphore, #tpu.memory_space<semaphore_mem>>) src(%arg10 : memref<200x128xf32, #tpu.memory_space<vmem>>) dst(%dma_wait3A_477 : memref<200x128xf32, #tpu.memory_space<hbm>>)
    %dma_start3A_478 = arith.constant 4000 : i32
    %dma_start3A_479 = tpu.memref_slice %arg6[%dma_start3A_478] : memref<6400xi32, #tpu.memory_space<vmem>> -> memref<200xi32, #tpu.memory_space<vmem>>
    %dma_start3A_480 = arith.constant 0 : i32
    %dma_start3A_481 = arith.constant 0 : i32
    %dma_start3A_482 = tpu.memref_slice %arg2[%dma_start3A_480, %dma_start3A_481] : memref<1000000x128xf32, #tpu.memory_space<hbm>> -> memref<1000000x128xf32, #tpu.memory_space<hbm>>
    tpu.enqueue_indirect_dma source(%dma_start3A_482 : memref<1000000x128xf32, #tpu.memory_space<hbm>>) target(%arg10 : memref<200x128xf32, #tpu.memory_space<vmem>>) offsets(%dma_start3A_479 : memref<200xi32, #tpu.memory_space<vmem>>) semaphore(%arg13 : memref<!tpu.dma_semaphore, #tpu.memory_space<semaphore_mem>>)
    %dma_wait3A_483 = arith.constant 3600 : i32
    %dma_wait3A_484 = tpu.memref_slice %arg6[%dma_wait3A_483] : memref<6400xi32, #tpu.memory_space<vmem>> -> memref<200xi32, #tpu.memory_space<vmem>>
    %dma_wait3A_485 = arith.constant 0 : i32
    %dma_wait3A_486 = arith.constant 0 : i32
    %dma_wait3A_487 = tpu.memref_slice %arg2[%dma_wait3A_485, %dma_wait3A_486] : memref<1000000x128xf32, #tpu.memory_space<hbm>> -> memref<1000000x128xf32, #tpu.memory_space<hbm>>
    tpu.wait_indirect_dma semaphore(%arg11 : memref<!tpu.dma_semaphore, #tpu.memory_space<semaphore_mem>>) src(%dma_wait3A_487 : memref<1000000x128xf32, #tpu.memory_space<hbm>>) dst(%arg8 : memref<200x128xf32, #tpu.memory_space<vmem>>)
    %scan3A_488 = arith.constant 0 : i32
    %scan3A_489 = arith.constant 0 : i32
    %scan3A_490 = arith.constant 200 : i32
    %scan3A_491 = arith.addi %scan3A_489, %scan3A_490 : i32
    %scan3A_492 = arith.constant 2 : i32
    scf.for %scan3A_832 = %scan3A_489 to %scan3A_491 step %scan3A_492  : i32 {
      %get3A = arith.index_cast %scan3A_832 : i32 to index
      %get3A_833 = arith.constant 0 : index
      %get3A_834 = tpu.vector_load %arg7[%get3A, %get3A_833] {strides = array<i32>} : memref<200x64xf32, #tpu.memory_space<vmem>>, vector<1x16xf32>,
      %get3A_835 = vector.shape_cast %get3A_834 : vector<1x16xf32> to vector<16xf32>
      %swap3A = arith.index_cast %scan3A_832 : i32 to index
      %swap3A_836 = arith.constant 0 : index
      %swap3A_837 = tpu.vector_load %arg8[%swap3A, %swap3A_836] {strides = array<i32>} : memref<200x128xf32, #tpu.memory_space<vmem>>, vector<1x16xf32>,
      %swap3A_838 = vector.shape_cast %swap3A_837 : vector<1x16xf32> to vector<16xf32>
      %swap3A_839 = vector.shape_cast %get3A_835 : vector<16xf32> to vector<1x16xf32>
      tpu.vector_store %arg8[%swap3A, %swap3A_836], %swap3A_839 {add = true, strides = array<i32>} : memref<200x128xf32, #tpu.memory_space<vmem>>, vector<1x16xf32>,
      %get3A_840 = arith.index_cast %scan3A_832 : i32 to index
      %get3A_841 = arith.constant 16 : index
      %get3A_842 = tpu.vector_load %arg7[%get3A_840, %get3A_841] {strides = array<i32>} : memref<200x64xf32, #tpu.memory_space<vmem>>, vector<1x16xf32>,
      %get3A_843 = vector.shape_cast %get3A_842 : vector<1x16xf32> to vector<16xf32>
      %swap3A_844 = arith.index_cast %scan3A_832 : i32 to index
      %swap3A_845 = arith.constant 16 : index
      %swap3A_846 = tpu.vector_load %arg8[%swap3A_844, %swap3A_845] {strides = array<i32>} : memref<200x128xf32, #tpu.memory_space<vmem>>, vector<1x16xf32>,
      %swap3A_847 = vector.shape_cast %swap3A_846 : vector<1x16xf32> to vector<16xf32>
      %swap3A_848 = vector.shape_cast %get3A_843 : vector<16xf32> to vector<1x16xf32>
      tpu.vector_store %arg8[%swap3A_844, %swap3A_845], %swap3A_848 {add = true, strides = array<i32>} : memref<200x128xf32, #tpu.memory_space<vmem>>, vector<1x16xf32>,
      %get3A_849 = arith.index_cast %scan3A_832 : i32 to index
      %get3A_850 = arith.constant 32 : index
      %get3A_851 = tpu.vector_load %arg7[%get3A_849, %get3A_850] {strides = array<i32>} : memref<200x64xf32, #tpu.memory_space<vmem>>, vector<1x16xf32>,
      %get3A_852 = vector.shape_cast %get3A_851 : vector<1x16xf32> to vector<16xf32>
      %swap3A_853 = arith.index_cast %scan3A_832 : i32 to index
      %swap3A_854 = arith.constant 32 : index
      %swap3A_855 = tpu.vector_load %arg8[%swap3A_853, %swap3A_854] {strides = array<i32>} : memref<200x128xf32, #tpu.memory_space<vmem>>, vector<1x16xf32>,
      %swap3A_856 = vector.shape_cast %swap3A_855 : vector<1x16xf32> to vector<16xf32>
      %swap3A_857 = vector.shape_cast %get3A_852 : vector<16xf32> to vector<1x16xf32>
      tpu.vector_store %arg8[%swap3A_853, %swap3A_854], %swap3A_857 {add = true, strides = array<i32>} : memref<200x128xf32, #tpu.memory_space<vmem>>, vector<1x16xf32>,
      %get3A_858 = arith.index_cast %scan3A_832 : i32 to index
      %get3A_859 = arith.constant 48 : index
      %get3A_860 = tpu.vector_load %arg7[%get3A_858, %get3A_859] {strides = array<i32>} : memref<200x64xf32, #tpu.memory_space<vmem>>, vector<1x16xf32>,
      %get3A_861 = vector.shape_cast %get3A_860 : vector<1x16xf32> to vector<16xf32>
      %swap3A_862 = arith.index_cast %scan3A_832 : i32 to index
      %swap3A_863 = arith.constant 48 : index
      %swap3A_864 = tpu.vector_load %arg8[%swap3A_862, %swap3A_863] {strides = array<i32>} : memref<200x128xf32, #tpu.memory_space<vmem>>, vector<1x16xf32>,
      %swap3A_865 = vector.shape_cast %swap3A_864 : vector<1x16xf32> to vector<16xf32>
      %swap3A_866 = vector.shape_cast %get3A_861 : vector<16xf32> to vector<1x16xf32>
      tpu.vector_store %arg8[%swap3A_862, %swap3A_863], %swap3A_866 {add = true, strides = array<i32>} : memref<200x128xf32, #tpu.memory_space<vmem>>, vector<1x16xf32>,
      %scan3A_867 = arith.constant 1 : i32
      %scan3A_868 = arith.addi %scan3A_832, %scan3A_867 : i32
      %get3A_869 = arith.index_cast %scan3A_868 : i32 to index
      %get3A_870 = arith.constant 0 : index
      %get3A_871 = tpu.vector_load %arg7[%get3A_869, %get3A_870] {strides = array<i32>} : memref<200x64xf32, #tpu.memory_space<vmem>>, vector<1x16xf32>,
      %get3A_872 = vector.shape_cast %get3A_871 : vector<1x16xf32> to vector<16xf32>
      %swap3A_873 = arith.index_cast %scan3A_868 : i32 to index
      %swap3A_874 = arith.constant 0 : index
      %swap3A_875 = tpu.vector_load %arg8[%swap3A_873, %swap3A_874] {strides = array<i32>} : memref<200x128xf32, #tpu.memory_space<vmem>>, vector<1x16xf32>,
      %swap3A_876 = vector.shape_cast %swap3A_875 : vector<1x16xf32> to vector<16xf32>
      %swap3A_877 = vector.shape_cast %get3A_872 : vector<16xf32> to vector<1x16xf32>
      tpu.vector_store %arg8[%swap3A_873, %swap3A_874], %swap3A_877 {add = true, strides = array<i32>} : memref<200x128xf32, #tpu.memory_space<vmem>>, vector<1x16xf32>,
      %get3A_878 = arith.index_cast %scan3A_868 : i32 to index
      %get3A_879 = arith.constant 16 : index
      %get3A_880 = tpu.vector_load %arg7[%get3A_878, %get3A_879] {strides = array<i32>} : memref<200x64xf32, #tpu.memory_space<vmem>>, vector<1x16xf32>,
      %get3A_881 = vector.shape_cast %get3A_880 : vector<1x16xf32> to vector<16xf32>
      %swap3A_882 = arith.index_cast %scan3A_868 : i32 to index
      %swap3A_883 = arith.constant 16 : index
      %swap3A_884 = tpu.vector_load %arg8[%swap3A_882, %swap3A_883] {strides = array<i32>} : memref<200x128xf32, #tpu.memory_space<vmem>>, vector<1x16xf32>,
      %swap3A_885 = vector.shape_cast %swap3A_884 : vector<1x16xf32> to vector<16xf32>
      %swap3A_886 = vector.shape_cast %get3A_881 : vector<16xf32> to vector<1x16xf32>
      tpu.vector_store %arg8[%swap3A_882, %swap3A_883], %swap3A_886 {add = true, strides = array<i32>} : memref<200x128xf32, #tpu.memory_space<vmem>>, vector<1x16xf32>,
      %get3A_887 = arith.index_cast %scan3A_868 : i32 to index
      %get3A_888 = arith.constant 32 : index
      %get3A_889 = tpu.vector_load %arg7[%get3A_887, %get3A_888] {strides = array<i32>} : memref<200x64xf32, #tpu.memory_space<vmem>>, vector<1x16xf32>,
      %get3A_890 = vector.shape_cast %get3A_889 : vector<1x16xf32> to vector<16xf32>
      %swap3A_891 = arith.index_cast %scan3A_868 : i32 to index
      %swap3A_892 = arith.constant 32 : index
      %swap3A_893 = tpu.vector_load %arg8[%swap3A_891, %swap3A_892] {strides = array<i32>} : memref<200x128xf32, #tpu.memory_space<vmem>>, vector<1x16xf32>,
      %swap3A_894 = vector.shape_cast %swap3A_893 : vector<1x16xf32> to vector<16xf32>
      %swap3A_895 = vector.shape_cast %get3A_890 : vector<16xf32> to vector<1x16xf32>
      tpu.vector_store %arg8[%swap3A_891, %swap3A_892], %swap3A_895 {add = true, strides = array<i32>} : memref<200x128xf32, #tpu.memory_space<vmem>>, vector<1x16xf32>,
      %get3A_896 = arith.index_cast %scan3A_868 : i32 to index
      %get3A_897 = arith.constant 48 : index
      %get3A_898 = tpu.vector_load %arg7[%get3A_896, %get3A_897] {strides = array<i32>} : memref<200x64xf32, #tpu.memory_space<vmem>>, vector<1x16xf32>,
      %get3A_899 = vector.shape_cast %get3A_898 : vector<1x16xf32> to vector<16xf32>
      %swap3A_900 = arith.index_cast %scan3A_868 : i32 to index
      %swap3A_901 = arith.constant 48 : index
      %swap3A_902 = tpu.vector_load %arg8[%swap3A_900, %swap3A_901] {strides = array<i32>} : memref<200x128xf32, #tpu.memory_space<vmem>>, vector<1x16xf32>,
      %swap3A_903 = vector.shape_cast %swap3A_902 : vector<1x16xf32> to vector<16xf32>
      %swap3A_904 = vector.shape_cast %get3A_899 : vector<16xf32> to vector<1x16xf32>
      tpu.vector_store %arg8[%swap3A_900, %swap3A_901], %swap3A_904 {add = true, strides = array<i32>} : memref<200x128xf32, #tpu.memory_space<vmem>>, vector<1x16xf32>,
    }
    %scan3A_493 = arith.constant 200 : i32
    %add3A_494 = arith.constant 3600 : i32
    %add3A_495 = arith.addi %mul3A_2, %add3A_494 : i32
    %dma_start3A_496 = arith.constant 0 : i32
    %dma_start3A_497 = tpu.memref_slice %arg5[%add3A_495, %dma_start3A_496] : memref<204800x128xf32, #tpu.memory_space<hbm>> -> memref<200x128xf32, #tpu.memory_space<hbm>>
    %dma_start3A_498 = arith.constant 0 : i32
    %dma_start3A_499 = tpu.memref_slice %arg5[%add3A_495, %dma_start3A_498] : memref<204800x128xf32, #tpu.memory_space<hbm>> -> memref<200x128xf32, #tpu.memory_space<hbm>>
    tpu.enqueue_dma source(%arg8 : memref<200x128xf32, #tpu.memory_space<vmem>>) target(%dma_start3A_499 : memref<200x128xf32, #tpu.memory_space<hbm>>) target_semaphore(%arg14 : memref<!tpu.dma_semaphore, #tpu.memory_space<semaphore_mem>>)
    %dma_wait3A_500 = arith.constant 0 : i32
    %dma_wait3A_501 = tpu.memref_slice %arg5[%add3A_495, %dma_wait3A_500] : memref<204800x128xf32, #tpu.memory_space<hbm>> -> memref<200x128xf32, #tpu.memory_space<hbm>>
    %dma_wait3A_502 = arith.constant 0 : i32
    %dma_wait3A_503 = tpu.memref_slice %arg5[%add3A_495, %dma_wait3A_502] : memref<204800x128xf32, #tpu.memory_space<hbm>> -> memref<200x128xf32, #tpu.memory_space<hbm>>
    tpu.wait_dma2 semaphore(%arg14 : memref<!tpu.dma_semaphore, #tpu.memory_space<semaphore_mem>>) src(%arg8 : memref<200x128xf32, #tpu.memory_space<vmem>>) dst(%dma_wait3A_503 : memref<200x128xf32, #tpu.memory_space<hbm>>)
    %dma_start3A_504 = arith.constant 4200 : i32
    %dma_start3A_505 = tpu.memref_slice %arg6[%dma_start3A_504] : memref<6400xi32, #tpu.memory_space<vmem>> -> memref<200xi32, #tpu.memory_space<vmem>>
    %dma_start3A_506 = arith.constant 0 : i32
    %dma_start3A_507 = arith.constant 0 : i32
    %dma_start3A_508 = tpu.memref_slice %arg2[%dma_start3A_506, %dma_start3A_507] : memref<1000000x128xf32, #tpu.memory_space<hbm>> -> memref<1000000x128xf32, #tpu.memory_space<hbm>>
    tpu.enqueue_indirect_dma source(%dma_start3A_508 : memref<1000000x128xf32, #tpu.memory_space<hbm>>) target(%arg8 : memref<200x128xf32, #tpu.memory_space<vmem>>) offsets(%dma_start3A_505 : memref<200xi32, #tpu.memory_space<vmem>>) semaphore(%arg11 : memref<!tpu.dma_semaphore, #tpu.memory_space<semaphore_mem>>)
    %dma_wait3A_509 = arith.constant 3800 : i32
    %dma_wait3A_510 = tpu.memref_slice %arg6[%dma_wait3A_509] : memref<6400xi32, #tpu.memory_space<vmem>> -> memref<200xi32, #tpu.memory_space<vmem>>
    %dma_wait3A_511 = arith.constant 0 : i32
    %dma_wait3A_512 = arith.constant 0 : i32
    %dma_wait3A_513 = tpu.memref_slice %arg2[%dma_wait3A_511, %dma_wait3A_512] : memref<1000000x128xf32, #tpu.memory_space<hbm>> -> memref<1000000x128xf32, #tpu.memory_space<hbm>>
    tpu.wait_indirect_dma semaphore(%arg12 : memref<!tpu.dma_semaphore, #tpu.memory_space<semaphore_mem>>) src(%dma_wait3A_513 : memref<1000000x128xf32, #tpu.memory_space<hbm>>) dst(%arg9 : memref<200x128xf32, #tpu.memory_space<vmem>>)
    %scan3A_514 = arith.constant 0 : i32
    %scan3A_515 = arith.constant 0 : i32
    %scan3A_516 = arith.constant 200 : i32
    %scan3A_517 = arith.addi %scan3A_515, %scan3A_516 : i32
    %scan3A_518 = arith.constant 2 : i32
    scf.for %scan3A_832 = %scan3A_515 to %scan3A_517 step %scan3A_518  : i32 {
      %get3A = arith.index_cast %scan3A_832 : i32 to index
      %get3A_833 = arith.constant 0 : index
      %get3A_834 = tpu.vector_load %arg7[%get3A, %get3A_833] {strides = array<i32>} : memref<200x64xf32, #tpu.memory_space<vmem>>, vector<1x16xf32>,
      %get3A_835 = vector.shape_cast %get3A_834 : vector<1x16xf32> to vector<16xf32>
      %swap3A = arith.index_cast %scan3A_832 : i32 to index
      %swap3A_836 = arith.constant 0 : index
      %swap3A_837 = tpu.vector_load %arg9[%swap3A, %swap3A_836] {strides = array<i32>} : memref<200x128xf32, #tpu.memory_space<vmem>>, vector<1x16xf32>,
      %swap3A_838 = vector.shape_cast %swap3A_837 : vector<1x16xf32> to vector<16xf32>
      %swap3A_839 = vector.shape_cast %get3A_835 : vector<16xf32> to vector<1x16xf32>
      tpu.vector_store %arg9[%swap3A, %swap3A_836], %swap3A_839 {add = true, strides = array<i32>} : memref<200x128xf32, #tpu.memory_space<vmem>>, vector<1x16xf32>,
      %get3A_840 = arith.index_cast %scan3A_832 : i32 to index
      %get3A_841 = arith.constant 16 : index
      %get3A_842 = tpu.vector_load %arg7[%get3A_840, %get3A_841] {strides = array<i32>} : memref<200x64xf32, #tpu.memory_space<vmem>>, vector<1x16xf32>,
      %get3A_843 = vector.shape_cast %get3A_842 : vector<1x16xf32> to vector<16xf32>
      %swap3A_844 = arith.index_cast %scan3A_832 : i32 to index
      %swap3A_845 = arith.constant 16 : index
      %swap3A_846 = tpu.vector_load %arg9[%swap3A_844, %swap3A_845] {strides = array<i32>} : memref<200x128xf32, #tpu.memory_space<vmem>>, vector<1x16xf32>,
      %swap3A_847 = vector.shape_cast %swap3A_846 : vector<1x16xf32> to vector<16xf32>
      %swap3A_848 = vector.shape_cast %get3A_843 : vector<16xf32> to vector<1x16xf32>
      tpu.vector_store %arg9[%swap3A_844, %swap3A_845], %swap3A_848 {add = true, strides = array<i32>} : memref<200x128xf32, #tpu.memory_space<vmem>>, vector<1x16xf32>,
      %get3A_849 = arith.index_cast %scan3A_832 : i32 to index
      %get3A_850 = arith.constant 32 : index
      %get3A_851 = tpu.vector_load %arg7[%get3A_849, %get3A_850] {strides = array<i32>} : memref<200x64xf32, #tpu.memory_space<vmem>>, vector<1x16xf32>,
      %get3A_852 = vector.shape_cast %get3A_851 : vector<1x16xf32> to vector<16xf32>
      %swap3A_853 = arith.index_cast %scan3A_832 : i32 to index
      %swap3A_854 = arith.constant 32 : index
      %swap3A_855 = tpu.vector_load %arg9[%swap3A_853, %swap3A_854] {strides = array<i32>} : memref<200x128xf32, #tpu.memory_space<vmem>>, vector<1x16xf32>,
      %swap3A_856 = vector.shape_cast %swap3A_855 : vector<1x16xf32> to vector<16xf32>
      %swap3A_857 = vector.shape_cast %get3A_852 : vector<16xf32> to vector<1x16xf32>
      tpu.vector_store %arg9[%swap3A_853, %swap3A_854], %swap3A_857 {add = true, strides = array<i32>} : memref<200x128xf32, #tpu.memory_space<vmem>>, vector<1x16xf32>,
      %get3A_858 = arith.index_cast %scan3A_832 : i32 to index
      %get3A_859 = arith.constant 48 : index
      %get3A_860 = tpu.vector_load %arg7[%get3A_858, %get3A_859] {strides = array<i32>} : memref<200x64xf32, #tpu.memory_space<vmem>>, vector<1x16xf32>,
      %get3A_861 = vector.shape_cast %get3A_860 : vector<1x16xf32> to vector<16xf32>
      %swap3A_862 = arith.index_cast %scan3A_832 : i32 to index
      %swap3A_863 = arith.constant 48 : index
      %swap3A_864 = tpu.vector_load %arg9[%swap3A_862, %swap3A_863] {strides = array<i32>} : memref<200x128xf32, #tpu.memory_space<vmem>>, vector<1x16xf32>,
      %swap3A_865 = vector.shape_cast %swap3A_864 : vector<1x16xf32> to vector<16xf32>
      %swap3A_866 = vector.shape_cast %get3A_861 : vector<16xf32> to vector<1x16xf32>
      tpu.vector_store %arg9[%swap3A_862, %swap3A_863], %swap3A_866 {add = true, strides = array<i32>} : memref<200x128xf32, #tpu.memory_space<vmem>>, vector<1x16xf32>,
      %scan3A_867 = arith.constant 1 : i32
      %scan3A_868 = arith.addi %scan3A_832, %scan3A_867 : i32
      %get3A_869 = arith.index_cast %scan3A_868 : i32 to index
      %get3A_870 = arith.constant 0 : index
      %get3A_871 = tpu.vector_load %arg7[%get3A_869, %get3A_870] {strides = array<i32>} : memref<200x64xf32, #tpu.memory_space<vmem>>, vector<1x16xf32>,
      %get3A_872 = vector.shape_cast %get3A_871 : vector<1x16xf32> to vector<16xf32>
      %swap3A_873 = arith.index_cast %scan3A_868 : i32 to index
      %swap3A_874 = arith.constant 0 : index
      %swap3A_875 = tpu.vector_load %arg9[%swap3A_873, %swap3A_874] {strides = array<i32>} : memref<200x128xf32, #tpu.memory_space<vmem>>, vector<1x16xf32>,
      %swap3A_876 = vector.shape_cast %swap3A_875 : vector<1x16xf32> to vector<16xf32>
      %swap3A_877 = vector.shape_cast %get3A_872 : vector<16xf32> to vector<1x16xf32>
      tpu.vector_store %arg9[%swap3A_873, %swap3A_874], %swap3A_877 {add = true, strides = array<i32>} : memref<200x128xf32, #tpu.memory_space<vmem>>, vector<1x16xf32>,
      %get3A_878 = arith.index_cast %scan3A_868 : i32 to index
      %get3A_879 = arith.constant 16 : index
      %get3A_880 = tpu.vector_load %arg7[%get3A_878, %get3A_879] {strides = array<i32>} : memref<200x64xf32, #tpu.memory_space<vmem>>, vector<1x16xf32>,
      %get3A_881 = vector.shape_cast %get3A_880 : vector<1x16xf32> to vector<16xf32>
      %swap3A_882 = arith.index_cast %scan3A_868 : i32 to index
      %swap3A_883 = arith.constant 16 : index
      %swap3A_884 = tpu.vector_load %arg9[%swap3A_882, %swap3A_883] {strides = array<i32>} : memref<200x128xf32, #tpu.memory_space<vmem>>, vector<1x16xf32>,
      %swap3A_885 = vector.shape_cast %swap3A_884 : vector<1x16xf32> to vector<16xf32>
      %swap3A_886 = vector.shape_cast %get3A_881 : vector<16xf32> to vector<1x16xf32>
      tpu.vector_store %arg9[%swap3A_882, %swap3A_883], %swap3A_886 {add = true, strides = array<i32>} : memref<200x128xf32, #tpu.memory_space<vmem>>, vector<1x16xf32>,
      %get3A_887 = arith.index_cast %scan3A_868 : i32 to index
      %get3A_888 = arith.constant 32 : index
      %get3A_889 = tpu.vector_load %arg7[%get3A_887, %get3A_888] {strides = array<i32>} : memref<200x64xf32, #tpu.memory_space<vmem>>, vector<1x16xf32>,
      %get3A_890 = vector.shape_cast %get3A_889 : vector<1x16xf32> to vector<16xf32>
      %swap3A_891 = arith.index_cast %scan3A_868 : i32 to index
      %swap3A_892 = arith.constant 32 : index
      %swap3A_893 = tpu.vector_load %arg9[%swap3A_891, %swap3A_892] {strides = array<i32>} : memref<200x128xf32, #tpu.memory_space<vmem>>, vector<1x16xf32>,
      %swap3A_894 = vector.shape_cast %swap3A_893 : vector<1x16xf32> to vector<16xf32>
      %swap3A_895 = vector.shape_cast %get3A_890 : vector<16xf32> to vector<1x16xf32>
      tpu.vector_store %arg9[%swap3A_891, %swap3A_892], %swap3A_895 {add = true, strides = array<i32>} : memref<200x128xf32, #tpu.memory_space<vmem>>, vector<1x16xf32>,
      %get3A_896 = arith.index_cast %scan3A_868 : i32 to index
      %get3A_897 = arith.constant 48 : index
      %get3A_898 = tpu.vector_load %arg7[%get3A_896, %get3A_897] {strides = array<i32>} : memref<200x64xf32, #tpu.memory_space<vmem>>, vector<1x16xf32>,
      %get3A_899 = vector.shape_cast %get3A_898 : vector<1x16xf32> to vector<16xf32>
      %swap3A_900 = arith.index_cast %scan3A_868 : i32 to index
      %swap3A_901 = arith.constant 48 : index
      %swap3A_902 = tpu.vector_load %arg9[%swap3A_900, %swap3A_901] {strides = array<i32>} : memref<200x128xf32, #tpu.memory_space<vmem>>, vector<1x16xf32>,
      %swap3A_903 = vector.shape_cast %swap3A_902 : vector<1x16xf32> to vector<16xf32>
      %swap3A_904 = vector.shape_cast %get3A_899 : vector<16xf32> to vector<1x16xf32>
      tpu.vector_store %arg9[%swap3A_900, %swap3A_901], %swap3A_904 {add = true, strides = array<i32>} : memref<200x128xf32, #tpu.memory_space<vmem>>, vector<1x16xf32>,
    }
    %scan3A_519 = arith.constant 200 : i32
    %add3A_520 = arith.constant 3800 : i32
    %add3A_521 = arith.addi %mul3A_2, %add3A_520 : i32
    %dma_start3A_522 = arith.constant 0 : i32
    %dma_start3A_523 = tpu.memref_slice %arg5[%add3A_521, %dma_start3A_522] : memref<204800x128xf32, #tpu.memory_space<hbm>> -> memref<200x128xf32, #tpu.memory_space<hbm>>
    %dma_start3A_524 = arith.constant 0 : i32
    %dma_start3A_525 = tpu.memref_slice %arg5[%add3A_521, %dma_start3A_524] : memref<204800x128xf32, #tpu.memory_space<hbm>> -> memref<200x128xf32, #tpu.memory_space<hbm>>
    tpu.enqueue_dma source(%arg9 : memref<200x128xf32, #tpu.memory_space<vmem>>) target(%dma_start3A_525 : memref<200x128xf32, #tpu.memory_space<hbm>>) target_semaphore(%arg15 : memref<!tpu.dma_semaphore, #tpu.memory_space<semaphore_mem>>)
    %dma_wait3A_526 = arith.constant 0 : i32
    %dma_wait3A_527 = tpu.memref_slice %arg5[%add3A_521, %dma_wait3A_526] : memref<204800x128xf32, #tpu.memory_space<hbm>> -> memref<200x128xf32, #tpu.memory_space<hbm>>
    %dma_wait3A_528 = arith.constant 0 : i32
    %dma_wait3A_529 = tpu.memref_slice %arg5[%add3A_521, %dma_wait3A_528] : memref<204800x128xf32, #tpu.memory_space<hbm>> -> memref<200x128xf32, #tpu.memory_space<hbm>>
    tpu.wait_dma2 semaphore(%arg15 : memref<!tpu.dma_semaphore, #tpu.memory_space<semaphore_mem>>) src(%arg9 : memref<200x128xf32, #tpu.memory_space<vmem>>) dst(%dma_wait3A_529 : memref<200x128xf32, #tpu.memory_space<hbm>>)
    %dma_start3A_530 = arith.constant 4400 : i32
    %dma_start3A_531 = tpu.memref_slice %arg6[%dma_start3A_530] : memref<6400xi32, #tpu.memory_space<vmem>> -> memref<200xi32, #tpu.memory_space<vmem>>
    %dma_start3A_532 = arith.constant 0 : i32
    %dma_start3A_533 = arith.constant 0 : i32
    %dma_start3A_534 = tpu.memref_slice %arg2[%dma_start3A_532, %dma_start3A_533] : memref<1000000x128xf32, #tpu.memory_space<hbm>> -> memref<1000000x128xf32, #tpu.memory_space<hbm>>
    tpu.enqueue_indirect_dma source(%dma_start3A_534 : memref<1000000x128xf32, #tpu.memory_space<hbm>>) target(%arg9 : memref<200x128xf32, #tpu.memory_space<vmem>>) offsets(%dma_start3A_531 : memref<200xi32, #tpu.memory_space<vmem>>) semaphore(%arg12 : memref<!tpu.dma_semaphore, #tpu.memory_space<semaphore_mem>>)
    %dma_wait3A_535 = arith.constant 4000 : i32
    %dma_wait3A_536 = tpu.memref_slice %arg6[%dma_wait3A_535] : memref<6400xi32, #tpu.memory_space<vmem>> -> memref<200xi32, #tpu.memory_space<vmem>>
    %dma_wait3A_537 = arith.constant 0 : i32
    %dma_wait3A_538 = arith.constant 0 : i32
    %dma_wait3A_539 = tpu.memref_slice %arg2[%dma_wait3A_537, %dma_wait3A_538] : memref<1000000x128xf32, #tpu.memory_space<hbm>> -> memref<1000000x128xf32, #tpu.memory_space<hbm>>
    tpu.wait_indirect_dma semaphore(%arg13 : memref<!tpu.dma_semaphore, #tpu.memory_space<semaphore_mem>>) src(%dma_wait3A_539 : memref<1000000x128xf32, #tpu.memory_space<hbm>>) dst(%arg10 : memref<200x128xf32, #tpu.memory_space<vmem>>)
    %scan3A_540 = arith.constant 0 : i32
    %scan3A_541 = arith.constant 0 : i32
    %scan3A_542 = arith.constant 200 : i32
    %scan3A_543 = arith.addi %scan3A_541, %scan3A_542 : i32
    %scan3A_544 = arith.constant 2 : i32
    scf.for %scan3A_832 = %scan3A_541 to %scan3A_543 step %scan3A_544  : i32 {
      %get3A = arith.index_cast %scan3A_832 : i32 to index
      %get3A_833 = arith.constant 0 : index
      %get3A_834 = tpu.vector_load %arg7[%get3A, %get3A_833] {strides = array<i32>} : memref<200x64xf32, #tpu.memory_space<vmem>>, vector<1x16xf32>,
      %get3A_835 = vector.shape_cast %get3A_834 : vector<1x16xf32> to vector<16xf32>
      %swap3A = arith.index_cast %scan3A_832 : i32 to index
      %swap3A_836 = arith.constant 0 : index
      %swap3A_837 = tpu.vector_load %arg10[%swap3A, %swap3A_836] {strides = array<i32>} : memref<200x128xf32, #tpu.memory_space<vmem>>, vector<1x16xf32>,
      %swap3A_838 = vector.shape_cast %swap3A_837 : vector<1x16xf32> to vector<16xf32>
      %swap3A_839 = vector.shape_cast %get3A_835 : vector<16xf32> to vector<1x16xf32>
      tpu.vector_store %arg10[%swap3A, %swap3A_836], %swap3A_839 {add = true, strides = array<i32>} : memref<200x128xf32, #tpu.memory_space<vmem>>, vector<1x16xf32>,
      %get3A_840 = arith.index_cast %scan3A_832 : i32 to index
      %get3A_841 = arith.constant 16 : index
      %get3A_842 = tpu.vector_load %arg7[%get3A_840, %get3A_841] {strides = array<i32>} : memref<200x64xf32, #tpu.memory_space<vmem>>, vector<1x16xf32>,
      %get3A_843 = vector.shape_cast %get3A_842 : vector<1x16xf32> to vector<16xf32>
      %swap3A_844 = arith.index_cast %scan3A_832 : i32 to index
      %swap3A_845 = arith.constant 16 : index
      %swap3A_846 = tpu.vector_load %arg10[%swap3A_844, %swap3A_845] {strides = array<i32>} : memref<200x128xf32, #tpu.memory_space<vmem>>, vector<1x16xf32>,
      %swap3A_847 = vector.shape_cast %swap3A_846 : vector<1x16xf32> to vector<16xf32>
      %swap3A_848 = vector.shape_cast %get3A_843 : vector<16xf32> to vector<1x16xf32>
      tpu.vector_store %arg10[%swap3A_844, %swap3A_845], %swap3A_848 {add = true, strides = array<i32>} : memref<200x128xf32, #tpu.memory_space<vmem>>, vector<1x16xf32>,
      %get3A_849 = arith.index_cast %scan3A_832 : i32 to index
      %get3A_850 = arith.constant 32 : index
      %get3A_851 = tpu.vector_load %arg7[%get3A_849, %get3A_850] {strides = array<i32>} : memref<200x64xf32, #tpu.memory_space<vmem>>, vector<1x16xf32>,
      %get3A_852 = vector.shape_cast %get3A_851 : vector<1x16xf32> to vector<16xf32>
      %swap3A_853 = arith.index_cast %scan3A_832 : i32 to index
      %swap3A_854 = arith.constant 32 : index
      %swap3A_855 = tpu.vector_load %arg10[%swap3A_853, %swap3A_854] {strides = array<i32>} : memref<200x128xf32, #tpu.memory_space<vmem>>, vector<1x16xf32>,
      %swap3A_856 = vector.shape_cast %swap3A_855 : vector<1x16xf32> to vector<16xf32>
      %swap3A_857 = vector.shape_cast %get3A_852 : vector<16xf32> to vector<1x16xf32>
      tpu.vector_store %arg10[%swap3A_853, %swap3A_854], %swap3A_857 {add = true, strides = array<i32>} : memref<200x128xf32, #tpu.memory_space<vmem>>, vector<1x16xf32>,
      %get3A_858 = arith.index_cast %scan3A_832 : i32 to index
      %get3A_859 = arith.constant 48 : index
      %get3A_860 = tpu.vector_load %arg7[%get3A_858, %get3A_859] {strides = array<i32>} : memref<200x64xf32, #tpu.memory_space<vmem>>, vector<1x16xf32>,
      %get3A_861 = vector.shape_cast %get3A_860 : vector<1x16xf32> to vector<16xf32>
      %swap3A_862 = arith.index_cast %scan3A_832 : i32 to index
      %swap3A_863 = arith.constant 48 : index
      %swap3A_864 = tpu.vector_load %arg10[%swap3A_862, %swap3A_863] {strides = array<i32>} : memref<200x128xf32, #tpu.memory_space<vmem>>, vector<1x16xf32>,
      %swap3A_865 = vector.shape_cast %swap3A_864 : vector<1x16xf32> to vector<16xf32>
      %swap3A_866 = vector.shape_cast %get3A_861 : vector<16xf32> to vector<1x16xf32>
      tpu.vector_store %arg10[%swap3A_862, %swap3A_863], %swap3A_866 {add = true, strides = array<i32>} : memref<200x128xf32, #tpu.memory_space<vmem>>, vector<1x16xf32>,
      %scan3A_867 = arith.constant 1 : i32
      %scan3A_868 = arith.addi %scan3A_832, %scan3A_867 : i32
      %get3A_869 = arith.index_cast %scan3A_868 : i32 to index
      %get3A_870 = arith.constant 0 : index
      %get3A_871 = tpu.vector_load %arg7[%get3A_869, %get3A_870] {strides = array<i32>} : memref<200x64xf32, #tpu.memory_space<vmem>>, vector<1x16xf32>,
      %get3A_872 = vector.shape_cast %get3A_871 : vector<1x16xf32> to vector<16xf32>
      %swap3A_873 = arith.index_cast %scan3A_868 : i32 to index
      %swap3A_874 = arith.constant 0 : index
      %swap3A_875 = tpu.vector_load %arg10[%swap3A_873, %swap3A_874] {strides = array<i32>} : memref<200x128xf32, #tpu.memory_space<vmem>>, vector<1x16xf32>,
      %swap3A_876 = vector.shape_cast %swap3A_875 : vector<1x16xf32> to vector<16xf32>
      %swap3A_877 = vector.shape_cast %get3A_872 : vector<16xf32> to vector<1x16xf32>
      tpu.vector_store %arg10[%swap3A_873, %swap3A_874], %swap3A_877 {add = true, strides = array<i32>} : memref<200x128xf32, #tpu.memory_space<vmem>>, vector<1x16xf32>,
      %get3A_878 = arith.index_cast %scan3A_868 : i32 to index
      %get3A_879 = arith.constant 16 : index
      %get3A_880 = tpu.vector_load %arg7[%get3A_878, %get3A_879] {strides = array<i32>} : memref<200x64xf32, #tpu.memory_space<vmem>>, vector<1x16xf32>,
      %get3A_881 = vector.shape_cast %get3A_880 : vector<1x16xf32> to vector<16xf32>
      %swap3A_882 = arith.index_cast %scan3A_868 : i32 to index
      %swap3A_883 = arith.constant 16 : index
      %swap3A_884 = tpu.vector_load %arg10[%swap3A_882, %swap3A_883] {strides = array<i32>} : memref<200x128xf32, #tpu.memory_space<vmem>>, vector<1x16xf32>,
      %swap3A_885 = vector.shape_cast %swap3A_884 : vector<1x16xf32> to vector<16xf32>
      %swap3A_886 = vector.shape_cast %get3A_881 : vector<16xf32> to vector<1x16xf32>
      tpu.vector_store %arg10[%swap3A_882, %swap3A_883], %swap3A_886 {add = true, strides = array<i32>} : memref<200x128xf32, #tpu.memory_space<vmem>>, vector<1x16xf32>,
      %get3A_887 = arith.index_cast %scan3A_868 : i32 to index
      %get3A_888 = arith.constant 32 : index
      %get3A_889 = tpu.vector_load %arg7[%get3A_887, %get3A_888] {strides = array<i32>} : memref<200x64xf32, #tpu.memory_space<vmem>>, vector<1x16xf32>,
      %get3A_890 = vector.shape_cast %get3A_889 : vector<1x16xf32> to vector<16xf32>
      %swap3A_891 = arith.index_cast %scan3A_868 : i32 to index
      %swap3A_892 = arith.constant 32 : index
      %swap3A_893 = tpu.vector_load %arg10[%swap3A_891, %swap3A_892] {strides = array<i32>} : memref<200x128xf32, #tpu.memory_space<vmem>>, vector<1x16xf32>,
      %swap3A_894 = vector.shape_cast %swap3A_893 : vector<1x16xf32> to vector<16xf32>
      %swap3A_895 = vector.shape_cast %get3A_890 : vector<16xf32> to vector<1x16xf32>
      tpu.vector_store %arg10[%swap3A_891, %swap3A_892], %swap3A_895 {add = true, strides = array<i32>} : memref<200x128xf32, #tpu.memory_space<vmem>>, vector<1x16xf32>,
      %get3A_896 = arith.index_cast %scan3A_868 : i32 to index
      %get3A_897 = arith.constant 48 : index
      %get3A_898 = tpu.vector_load %arg7[%get3A_896, %get3A_897] {strides = array<i32>} : memref<200x64xf32, #tpu.memory_space<vmem>>, vector<1x16xf32>,
      %get3A_899 = vector.shape_cast %get3A_898 : vector<1x16xf32> to vector<16xf32>
      %swap3A_900 = arith.index_cast %scan3A_868 : i32 to index
      %swap3A_901 = arith.constant 48 : index
      %swap3A_902 = tpu.vector_load %arg10[%swap3A_900, %swap3A_901] {strides = array<i32>} : memref<200x128xf32, #tpu.memory_space<vmem>>, vector<1x16xf32>,
      %swap3A_903 = vector.shape_cast %swap3A_902 : vector<1x16xf32> to vector<16xf32>
      %swap3A_904 = vector.shape_cast %get3A_899 : vector<16xf32> to vector<1x16xf32>
      tpu.vector_store %arg10[%swap3A_900, %swap3A_901], %swap3A_904 {add = true, strides = array<i32>} : memref<200x128xf32, #tpu.memory_space<vmem>>, vector<1x16xf32>,
    }
    %scan3A_545 = arith.constant 200 : i32
    %add3A_546 = arith.constant 4000 : i32
    %add3A_547 = arith.addi %mul3A_2, %add3A_546 : i32
    %dma_start3A_548 = arith.constant 0 : i32
    %dma_start3A_549 = tpu.memref_slice %arg5[%add3A_547, %dma_start3A_548] : memref<204800x128xf32, #tpu.memory_space<hbm>> -> memref<200x128xf32, #tpu.memory_space<hbm>>
    %dma_start3A_550 = arith.constant 0 : i32
    %dma_start3A_551 = tpu.memref_slice %arg5[%add3A_547, %dma_start3A_550] : memref<204800x128xf32, #tpu.memory_space<hbm>> -> memref<200x128xf32, #tpu.memory_space<hbm>>
    tpu.enqueue_dma source(%arg10 : memref<200x128xf32, #tpu.memory_space<vmem>>) target(%dma_start3A_551 : memref<200x128xf32, #tpu.memory_space<hbm>>) target_semaphore(%arg16 : memref<!tpu.dma_semaphore, #tpu.memory_space<semaphore_mem>>)
    %dma_wait3A_552 = arith.constant 0 : i32
    %dma_wait3A_553 = tpu.memref_slice %arg5[%add3A_547, %dma_wait3A_552] : memref<204800x128xf32, #tpu.memory_space<hbm>> -> memref<200x128xf32, #tpu.memory_space<hbm>>
    %dma_wait3A_554 = arith.constant 0 : i32
    %dma_wait3A_555 = tpu.memref_slice %arg5[%add3A_547, %dma_wait3A_554] : memref<204800x128xf32, #tpu.memory_space<hbm>> -> memref<200x128xf32, #tpu.memory_space<hbm>>
    tpu.wait_dma2 semaphore(%arg16 : memref<!tpu.dma_semaphore, #tpu.memory_space<semaphore_mem>>) src(%arg10 : memref<200x128xf32, #tpu.memory_space<vmem>>) dst(%dma_wait3A_555 : memref<200x128xf32, #tpu.memory_space<hbm>>)
    %dma_start3A_556 = arith.constant 4600 : i32
    %dma_start3A_557 = tpu.memref_slice %arg6[%dma_start3A_556] : memref<6400xi32, #tpu.memory_space<vmem>> -> memref<200xi32, #tpu.memory_space<vmem>>
    %dma_start3A_558 = arith.constant 0 : i32
    %dma_start3A_559 = arith.constant 0 : i32
    %dma_start3A_560 = tpu.memref_slice %arg2[%dma_start3A_558, %dma_start3A_559] : memref<1000000x128xf32, #tpu.memory_space<hbm>> -> memref<1000000x128xf32, #tpu.memory_space<hbm>>
    tpu.enqueue_indirect_dma source(%dma_start3A_560 : memref<1000000x128xf32, #tpu.memory_space<hbm>>) target(%arg10 : memref<200x128xf32, #tpu.memory_space<vmem>>) offsets(%dma_start3A_557 : memref<200xi32, #tpu.memory_space<vmem>>) semaphore(%arg13 : memref<!tpu.dma_semaphore, #tpu.memory_space<semaphore_mem>>)
    %dma_wait3A_561 = arith.constant 4200 : i32
    %dma_wait3A_562 = tpu.memref_slice %arg6[%dma_wait3A_561] : memref<6400xi32, #tpu.memory_space<vmem>> -> memref<200xi32, #tpu.memory_space<vmem>>
    %dma_wait3A_563 = arith.constant 0 : i32
    %dma_wait3A_564 = arith.constant 0 : i32
    %dma_wait3A_565 = tpu.memref_slice %arg2[%dma_wait3A_563, %dma_wait3A_564] : memref<1000000x128xf32, #tpu.memory_space<hbm>> -> memref<1000000x128xf32, #tpu.memory_space<hbm>>
    tpu.wait_indirect_dma semaphore(%arg11 : memref<!tpu.dma_semaphore, #tpu.memory_space<semaphore_mem>>) src(%dma_wait3A_565 : memref<1000000x128xf32, #tpu.memory_space<hbm>>) dst(%arg8 : memref<200x128xf32, #tpu.memory_space<vmem>>)
    %scan3A_566 = arith.constant 0 : i32
    %scan3A_567 = arith.constant 0 : i32
    %scan3A_568 = arith.constant 200 : i32
    %scan3A_569 = arith.addi %scan3A_567, %scan3A_568 : i32
    %scan3A_570 = arith.constant 2 : i32
    scf.for %scan3A_832 = %scan3A_567 to %scan3A_569 step %scan3A_570  : i32 {
      %get3A = arith.index_cast %scan3A_832 : i32 to index
      %get3A_833 = arith.constant 0 : index
      %get3A_834 = tpu.vector_load %arg7[%get3A, %get3A_833] {strides = array<i32>} : memref<200x64xf32, #tpu.memory_space<vmem>>, vector<1x16xf32>,
      %get3A_835 = vector.shape_cast %get3A_834 : vector<1x16xf32> to vector<16xf32>
      %swap3A = arith.index_cast %scan3A_832 : i32 to index
      %swap3A_836 = arith.constant 0 : index
      %swap3A_837 = tpu.vector_load %arg8[%swap3A, %swap3A_836] {strides = array<i32>} : memref<200x128xf32, #tpu.memory_space<vmem>>, vector<1x16xf32>,
      %swap3A_838 = vector.shape_cast %swap3A_837 : vector<1x16xf32> to vector<16xf32>
      %swap3A_839 = vector.shape_cast %get3A_835 : vector<16xf32> to vector<1x16xf32>
      tpu.vector_store %arg8[%swap3A, %swap3A_836], %swap3A_839 {add = true, strides = array<i32>} : memref<200x128xf32, #tpu.memory_space<vmem>>, vector<1x16xf32>,
      %get3A_840 = arith.index_cast %scan3A_832 : i32 to index
      %get3A_841 = arith.constant 16 : index
      %get3A_842 = tpu.vector_load %arg7[%get3A_840, %get3A_841] {strides = array<i32>} : memref<200x64xf32, #tpu.memory_space<vmem>>, vector<1x16xf32>,
      %get3A_843 = vector.shape_cast %get3A_842 : vector<1x16xf32> to vector<16xf32>
      %swap3A_844 = arith.index_cast %scan3A_832 : i32 to index
      %swap3A_845 = arith.constant 16 : index
      %swap3A_846 = tpu.vector_load %arg8[%swap3A_844, %swap3A_845] {strides = array<i32>} : memref<200x128xf32, #tpu.memory_space<vmem>>, vector<1x16xf32>,
      %swap3A_847 = vector.shape_cast %swap3A_846 : vector<1x16xf32> to vector<16xf32>
      %swap3A_848 = vector.shape_cast %get3A_843 : vector<16xf32> to vector<1x16xf32>
      tpu.vector_store %arg8[%swap3A_844, %swap3A_845], %swap3A_848 {add = true, strides = array<i32>} : memref<200x128xf32, #tpu.memory_space<vmem>>, vector<1x16xf32>,
      %get3A_849 = arith.index_cast %scan3A_832 : i32 to index
      %get3A_850 = arith.constant 32 : index
      %get3A_851 = tpu.vector_load %arg7[%get3A_849, %get3A_850] {strides = array<i32>} : memref<200x64xf32, #tpu.memory_space<vmem>>, vector<1x16xf32>,
      %get3A_852 = vector.shape_cast %get3A_851 : vector<1x16xf32> to vector<16xf32>
      %swap3A_853 = arith.index_cast %scan3A_832 : i32 to index
      %swap3A_854 = arith.constant 32 : index
      %swap3A_855 = tpu.vector_load %arg8[%swap3A_853, %swap3A_854] {strides = array<i32>} : memref<200x128xf32, #tpu.memory_space<vmem>>, vector<1x16xf32>,
      %swap3A_856 = vector.shape_cast %swap3A_855 : vector<1x16xf32> to vector<16xf32>
      %swap3A_857 = vector.shape_cast %get3A_852 : vector<16xf32> to vector<1x16xf32>
      tpu.vector_store %arg8[%swap3A_853, %swap3A_854], %swap3A_857 {add = true, strides = array<i32>} : memref<200x128xf32, #tpu.memory_space<vmem>>, vector<1x16xf32>,
      %get3A_858 = arith.index_cast %scan3A_832 : i32 to index
      %get3A_859 = arith.constant 48 : index
      %get3A_860 = tpu.vector_load %arg7[%get3A_858, %get3A_859] {strides = array<i32>} : memref<200x64xf32, #tpu.memory_space<vmem>>, vector<1x16xf32>,
      %get3A_861 = vector.shape_cast %get3A_860 : vector<1x16xf32> to vector<16xf32>
      %swap3A_862 = arith.index_cast %scan3A_832 : i32 to index
      %swap3A_863 = arith.constant 48 : index
      %swap3A_864 = tpu.vector_load %arg8[%swap3A_862, %swap3A_863] {strides = array<i32>} : memref<200x128xf32, #tpu.memory_space<vmem>>, vector<1x16xf32>,
      %swap3A_865 = vector.shape_cast %swap3A_864 : vector<1x16xf32> to vector<16xf32>
      %swap3A_866 = vector.shape_cast %get3A_861 : vector<16xf32> to vector<1x16xf32>
      tpu.vector_store %arg8[%swap3A_862, %swap3A_863], %swap3A_866 {add = true, strides = array<i32>} : memref<200x128xf32, #tpu.memory_space<vmem>>, vector<1x16xf32>,
      %scan3A_867 = arith.constant 1 : i32
      %scan3A_868 = arith.addi %scan3A_832, %scan3A_867 : i32
      %get3A_869 = arith.index_cast %scan3A_868 : i32 to index
      %get3A_870 = arith.constant 0 : index
      %get3A_871 = tpu.vector_load %arg7[%get3A_869, %get3A_870] {strides = array<i32>} : memref<200x64xf32, #tpu.memory_space<vmem>>, vector<1x16xf32>,
      %get3A_872 = vector.shape_cast %get3A_871 : vector<1x16xf32> to vector<16xf32>
      %swap3A_873 = arith.index_cast %scan3A_868 : i32 to index
      %swap3A_874 = arith.constant 0 : index
      %swap3A_875 = tpu.vector_load %arg8[%swap3A_873, %swap3A_874] {strides = array<i32>} : memref<200x128xf32, #tpu.memory_space<vmem>>, vector<1x16xf32>,
      %swap3A_876 = vector.shape_cast %swap3A_875 : vector<1x16xf32> to vector<16xf32>
      %swap3A_877 = vector.shape_cast %get3A_872 : vector<16xf32> to vector<1x16xf32>
      tpu.vector_store %arg8[%swap3A_873, %swap3A_874], %swap3A_877 {add = true, strides = array<i32>} : memref<200x128xf32, #tpu.memory_space<vmem>>, vector<1x16xf32>,
      %get3A_878 = arith.index_cast %scan3A_868 : i32 to index
      %get3A_879 = arith.constant 16 : index
      %get3A_880 = tpu.vector_load %arg7[%get3A_878, %get3A_879] {strides = array<i32>} : memref<200x64xf32, #tpu.memory_space<vmem>>, vector<1x16xf32>,
      %get3A_881 = vector.shape_cast %get3A_880 : vector<1x16xf32> to vector<16xf32>
      %swap3A_882 = arith.index_cast %scan3A_868 : i32 to index
      %swap3A_883 = arith.constant 16 : index
      %swap3A_884 = tpu.vector_load %arg8[%swap3A_882, %swap3A_883] {strides = array<i32>} : memref<200x128xf32, #tpu.memory_space<vmem>>, vector<1x16xf32>,
      %swap3A_885 = vector.shape_cast %swap3A_884 : vector<1x16xf32> to vector<16xf32>
      %swap3A_886 = vector.shape_cast %get3A_881 : vector<16xf32> to vector<1x16xf32>
      tpu.vector_store %arg8[%swap3A_882, %swap3A_883], %swap3A_886 {add = true, strides = array<i32>} : memref<200x128xf32, #tpu.memory_space<vmem>>, vector<1x16xf32>,
      %get3A_887 = arith.index_cast %scan3A_868 : i32 to index
      %get3A_888 = arith.constant 32 : index
      %get3A_889 = tpu.vector_load %arg7[%get3A_887, %get3A_888] {strides = array<i32>} : memref<200x64xf32, #tpu.memory_space<vmem>>, vector<1x16xf32>,
      %get3A_890 = vector.shape_cast %get3A_889 : vector<1x16xf32> to vector<16xf32>
      %swap3A_891 = arith.index_cast %scan3A_868 : i32 to index
      %swap3A_892 = arith.constant 32 : index
      %swap3A_893 = tpu.vector_load %arg8[%swap3A_891, %swap3A_892] {strides = array<i32>} : memref<200x128xf32, #tpu.memory_space<vmem>>, vector<1x16xf32>,
      %swap3A_894 = vector.shape_cast %swap3A_893 : vector<1x16xf32> to vector<16xf32>
      %swap3A_895 = vector.shape_cast %get3A_890 : vector<16xf32> to vector<1x16xf32>
      tpu.vector_store %arg8[%swap3A_891, %swap3A_892], %swap3A_895 {add = true, strides = array<i32>} : memref<200x128xf32, #tpu.memory_space<vmem>>, vector<1x16xf32>,
      %get3A_896 = arith.index_cast %scan3A_868 : i32 to index
      %get3A_897 = arith.constant 48 : index
      %get3A_898 = tpu.vector_load %arg7[%get3A_896, %get3A_897] {strides = array<i32>} : memref<200x64xf32, #tpu.memory_space<vmem>>, vector<1x16xf32>,
      %get3A_899 = vector.shape_cast %get3A_898 : vector<1x16xf32> to vector<16xf32>
      %swap3A_900 = arith.index_cast %scan3A_868 : i32 to index
      %swap3A_901 = arith.constant 48 : index
      %swap3A_902 = tpu.vector_load %arg8[%swap3A_900, %swap3A_901] {strides = array<i32>} : memref<200x128xf32, #tpu.memory_space<vmem>>, vector<1x16xf32>,
      %swap3A_903 = vector.shape_cast %swap3A_902 : vector<1x16xf32> to vector<16xf32>
      %swap3A_904 = vector.shape_cast %get3A_899 : vector<16xf32> to vector<1x16xf32>
      tpu.vector_store %arg8[%swap3A_900, %swap3A_901], %swap3A_904 {add = true, strides = array<i32>} : memref<200x128xf32, #tpu.memory_space<vmem>>, vector<1x16xf32>,
    }
    %scan3A_571 = arith.constant 200 : i32
    %add3A_572 = arith.constant 4200 : i32
    %add3A_573 = arith.addi %mul3A_2, %add3A_572 : i32
    %dma_start3A_574 = arith.constant 0 : i32
    %dma_start3A_575 = tpu.memref_slice %arg5[%add3A_573, %dma_start3A_574] : memref<204800x128xf32, #tpu.memory_space<hbm>> -> memref<200x128xf32, #tpu.memory_space<hbm>>
    %dma_start3A_576 = arith.constant 0 : i32
    %dma_start3A_577 = tpu.memref_slice %arg5[%add3A_573, %dma_start3A_576] : memref<204800x128xf32, #tpu.memory_space<hbm>> -> memref<200x128xf32, #tpu.memory_space<hbm>>
    tpu.enqueue_dma source(%arg8 : memref<200x128xf32, #tpu.memory_space<vmem>>) target(%dma_start3A_577 : memref<200x128xf32, #tpu.memory_space<hbm>>) target_semaphore(%arg14 : memref<!tpu.dma_semaphore, #tpu.memory_space<semaphore_mem>>)
    %dma_wait3A_578 = arith.constant 0 : i32
    %dma_wait3A_579 = tpu.memref_slice %arg5[%add3A_573, %dma_wait3A_578] : memref<204800x128xf32, #tpu.memory_space<hbm>> -> memref<200x128xf32, #tpu.memory_space<hbm>>
    %dma_wait3A_580 = arith.constant 0 : i32
    %dma_wait3A_581 = tpu.memref_slice %arg5[%add3A_573, %dma_wait3A_580] : memref<204800x128xf32, #tpu.memory_space<hbm>> -> memref<200x128xf32, #tpu.memory_space<hbm>>
    tpu.wait_dma2 semaphore(%arg14 : memref<!tpu.dma_semaphore, #tpu.memory_space<semaphore_mem>>) src(%arg8 : memref<200x128xf32, #tpu.memory_space<vmem>>) dst(%dma_wait3A_581 : memref<200x128xf32, #tpu.memory_space<hbm>>)
    %dma_start3A_582 = arith.constant 4800 : i32
    %dma_start3A_583 = tpu.memref_slice %arg6[%dma_start3A_582] : memref<6400xi32, #tpu.memory_space<vmem>> -> memref<200xi32, #tpu.memory_space<vmem>>
    %dma_start3A_584 = arith.constant 0 : i32
    %dma_start3A_585 = arith.constant 0 : i32
    %dma_start3A_586 = tpu.memref_slice %arg2[%dma_start3A_584, %dma_start3A_585] : memref<1000000x128xf32, #tpu.memory_space<hbm>> -> memref<1000000x128xf32, #tpu.memory_space<hbm>>
    tpu.enqueue_indirect_dma source(%dma_start3A_586 : memref<1000000x128xf32, #tpu.memory_space<hbm>>) target(%arg8 : memref<200x128xf32, #tpu.memory_space<vmem>>) offsets(%dma_start3A_583 : memref<200xi32, #tpu.memory_space<vmem>>) semaphore(%arg11 : memref<!tpu.dma_semaphore, #tpu.memory_space<semaphore_mem>>)
    %dma_wait3A_587 = arith.constant 4400 : i32
    %dma_wait3A_588 = tpu.memref_slice %arg6[%dma_wait3A_587] : memref<6400xi32, #tpu.memory_space<vmem>> -> memref<200xi32, #tpu.memory_space<vmem>>
    %dma_wait3A_589 = arith.constant 0 : i32
    %dma_wait3A_590 = arith.constant 0 : i32
    %dma_wait3A_591 = tpu.memref_slice %arg2[%dma_wait3A_589, %dma_wait3A_590] : memref<1000000x128xf32, #tpu.memory_space<hbm>> -> memref<1000000x128xf32, #tpu.memory_space<hbm>>
    tpu.wait_indirect_dma semaphore(%arg12 : memref<!tpu.dma_semaphore, #tpu.memory_space<semaphore_mem>>) src(%dma_wait3A_591 : memref<1000000x128xf32, #tpu.memory_space<hbm>>) dst(%arg9 : memref<200x128xf32, #tpu.memory_space<vmem>>)
    %scan3A_592 = arith.constant 0 : i32
    %scan3A_593 = arith.constant 0 : i32
    %scan3A_594 = arith.constant 200 : i32
    %scan3A_595 = arith.addi %scan3A_593, %scan3A_594 : i32
    %scan3A_596 = arith.constant 2 : i32
    scf.for %scan3A_832 = %scan3A_593 to %scan3A_595 step %scan3A_596  : i32 {
      %get3A = arith.index_cast %scan3A_832 : i32 to index
      %get3A_833 = arith.constant 0 : index
      %get3A_834 = tpu.vector_load %arg7[%get3A, %get3A_833] {strides = array<i32>} : memref<200x64xf32, #tpu.memory_space<vmem>>, vector<1x16xf32>,
      %get3A_835 = vector.shape_cast %get3A_834 : vector<1x16xf32> to vector<16xf32>
      %swap3A = arith.index_cast %scan3A_832 : i32 to index
      %swap3A_836 = arith.constant 0 : index
      %swap3A_837 = tpu.vector_load %arg9[%swap3A, %swap3A_836] {strides = array<i32>} : memref<200x128xf32, #tpu.memory_space<vmem>>, vector<1x16xf32>,
      %swap3A_838 = vector.shape_cast %swap3A_837 : vector<1x16xf32> to vector<16xf32>
      %swap3A_839 = vector.shape_cast %get3A_835 : vector<16xf32> to vector<1x16xf32>
      tpu.vector_store %arg9[%swap3A, %swap3A_836], %swap3A_839 {add = true, strides = array<i32>} : memref<200x128xf32, #tpu.memory_space<vmem>>, vector<1x16xf32>,
      %get3A_840 = arith.index_cast %scan3A_832 : i32 to index
      %get3A_841 = arith.constant 16 : index
      %get3A_842 = tpu.vector_load %arg7[%get3A_840, %get3A_841] {strides = array<i32>} : memref<200x64xf32, #tpu.memory_space<vmem>>, vector<1x16xf32>,
      %get3A_843 = vector.shape_cast %get3A_842 : vector<1x16xf32> to vector<16xf32>
      %swap3A_844 = arith.index_cast %scan3A_832 : i32 to index
      %swap3A_845 = arith.constant 16 : index
      %swap3A_846 = tpu.vector_load %arg9[%swap3A_844, %swap3A_845] {strides = array<i32>} : memref<200x128xf32, #tpu.memory_space<vmem>>, vector<1x16xf32>,
      %swap3A_847 = vector.shape_cast %swap3A_846 : vector<1x16xf32> to vector<16xf32>
      %swap3A_848 = vector.shape_cast %get3A_843 : vector<16xf32> to vector<1x16xf32>
      tpu.vector_store %arg9[%swap3A_844, %swap3A_845], %swap3A_848 {add = true, strides = array<i32>} : memref<200x128xf32, #tpu.memory_space<vmem>>, vector<1x16xf32>,
      %get3A_849 = arith.index_cast %scan3A_832 : i32 to index
      %get3A_850 = arith.constant 32 : index
      %get3A_851 = tpu.vector_load %arg7[%get3A_849, %get3A_850] {strides = array<i32>} : memref<200x64xf32, #tpu.memory_space<vmem>>, vector<1x16xf32>,
      %get3A_852 = vector.shape_cast %get3A_851 : vector<1x16xf32> to vector<16xf32>
      %swap3A_853 = arith.index_cast %scan3A_832 : i32 to index
      %swap3A_854 = arith.constant 32 : index
      %swap3A_855 = tpu.vector_load %arg9[%swap3A_853, %swap3A_854] {strides = array<i32>} : memref<200x128xf32, #tpu.memory_space<vmem>>, vector<1x16xf32>,
      %swap3A_856 = vector.shape_cast %swap3A_855 : vector<1x16xf32> to vector<16xf32>
      %swap3A_857 = vector.shape_cast %get3A_852 : vector<16xf32> to vector<1x16xf32>
      tpu.vector_store %arg9[%swap3A_853, %swap3A_854], %swap3A_857 {add = true, strides = array<i32>} : memref<200x128xf32, #tpu.memory_space<vmem>>, vector<1x16xf32>,
      %get3A_858 = arith.index_cast %scan3A_832 : i32 to index
      %get3A_859 = arith.constant 48 : index
      %get3A_860 = tpu.vector_load %arg7[%get3A_858, %get3A_859] {strides = array<i32>} : memref<200x64xf32, #tpu.memory_space<vmem>>, vector<1x16xf32>,
      %get3A_861 = vector.shape_cast %get3A_860 : vector<1x16xf32> to vector<16xf32>
      %swap3A_862 = arith.index_cast %scan3A_832 : i32 to index
      %swap3A_863 = arith.constant 48 : index
      %swap3A_864 = tpu.vector_load %arg9[%swap3A_862, %swap3A_863] {strides = array<i32>} : memref<200x128xf32, #tpu.memory_space<vmem>>, vector<1x16xf32>,
      %swap3A_865 = vector.shape_cast %swap3A_864 : vector<1x16xf32> to vector<16xf32>
      %swap3A_866 = vector.shape_cast %get3A_861 : vector<16xf32> to vector<1x16xf32>
      tpu.vector_store %arg9[%swap3A_862, %swap3A_863], %swap3A_866 {add = true, strides = array<i32>} : memref<200x128xf32, #tpu.memory_space<vmem>>, vector<1x16xf32>,
      %scan3A_867 = arith.constant 1 : i32
      %scan3A_868 = arith.addi %scan3A_832, %scan3A_867 : i32
      %get3A_869 = arith.index_cast %scan3A_868 : i32 to index
      %get3A_870 = arith.constant 0 : index
      %get3A_871 = tpu.vector_load %arg7[%get3A_869, %get3A_870] {strides = array<i32>} : memref<200x64xf32, #tpu.memory_space<vmem>>, vector<1x16xf32>,
      %get3A_872 = vector.shape_cast %get3A_871 : vector<1x16xf32> to vector<16xf32>
      %swap3A_873 = arith.index_cast %scan3A_868 : i32 to index
      %swap3A_874 = arith.constant 0 : index
      %swap3A_875 = tpu.vector_load %arg9[%swap3A_873, %swap3A_874] {strides = array<i32>} : memref<200x128xf32, #tpu.memory_space<vmem>>, vector<1x16xf32>,
      %swap3A_876 = vector.shape_cast %swap3A_875 : vector<1x16xf32> to vector<16xf32>
      %swap3A_877 = vector.shape_cast %get3A_872 : vector<16xf32> to vector<1x16xf32>
      tpu.vector_store %arg9[%swap3A_873, %swap3A_874], %swap3A_877 {add = true, strides = array<i32>} : memref<200x128xf32, #tpu.memory_space<vmem>>, vector<1x16xf32>,
      %get3A_878 = arith.index_cast %scan3A_868 : i32 to index
      %get3A_879 = arith.constant 16 : index
      %get3A_880 = tpu.vector_load %arg7[%get3A_878, %get3A_879] {strides = array<i32>} : memref<200x64xf32, #tpu.memory_space<vmem>>, vector<1x16xf32>,
      %get3A_881 = vector.shape_cast %get3A_880 : vector<1x16xf32> to vector<16xf32>
      %swap3A_882 = arith.index_cast %scan3A_868 : i32 to index
      %swap3A_883 = arith.constant 16 : index
      %swap3A_884 = tpu.vector_load %arg9[%swap3A_882, %swap3A_883] {strides = array<i32>} : memref<200x128xf32, #tpu.memory_space<vmem>>, vector<1x16xf32>,
      %swap3A_885 = vector.shape_cast %swap3A_884 : vector<1x16xf32> to vector<16xf32>
      %swap3A_886 = vector.shape_cast %get3A_881 : vector<16xf32> to vector<1x16xf32>
      tpu.vector_store %arg9[%swap3A_882, %swap3A_883], %swap3A_886 {add = true, strides = array<i32>} : memref<200x128xf32, #tpu.memory_space<vmem>>, vector<1x16xf32>,
      %get3A_887 = arith.index_cast %scan3A_868 : i32 to index
      %get3A_888 = arith.constant 32 : index
      %get3A_889 = tpu.vector_load %arg7[%get3A_887, %get3A_888] {strides = array<i32>} : memref<200x64xf32, #tpu.memory_space<vmem>>, vector<1x16xf32>,
      %get3A_890 = vector.shape_cast %get3A_889 : vector<1x16xf32> to vector<16xf32>
      %swap3A_891 = arith.index_cast %scan3A_868 : i32 to index
      %swap3A_892 = arith.constant 32 : index
      %swap3A_893 = tpu.vector_load %arg9[%swap3A_891, %swap3A_892] {strides = array<i32>} : memref<200x128xf32, #tpu.memory_space<vmem>>, vector<1x16xf32>,
      %swap3A_894 = vector.shape_cast %swap3A_893 : vector<1x16xf32> to vector<16xf32>
      %swap3A_895 = vector.shape_cast %get3A_890 : vector<16xf32> to vector<1x16xf32>
      tpu.vector_store %arg9[%swap3A_891, %swap3A_892], %swap3A_895 {add = true, strides = array<i32>} : memref<200x128xf32, #tpu.memory_space<vmem>>, vector<1x16xf32>,
      %get3A_896 = arith.index_cast %scan3A_868 : i32 to index
      %get3A_897 = arith.constant 48 : index
      %get3A_898 = tpu.vector_load %arg7[%get3A_896, %get3A_897] {strides = array<i32>} : memref<200x64xf32, #tpu.memory_space<vmem>>, vector<1x16xf32>,
      %get3A_899 = vector.shape_cast %get3A_898 : vector<1x16xf32> to vector<16xf32>
      %swap3A_900 = arith.index_cast %scan3A_868 : i32 to index
      %swap3A_901 = arith.constant 48 : index
      %swap3A_902 = tpu.vector_load %arg9[%swap3A_900, %swap3A_901] {strides = array<i32>} : memref<200x128xf32, #tpu.memory_space<vmem>>, vector<1x16xf32>,
      %swap3A_903 = vector.shape_cast %swap3A_902 : vector<1x16xf32> to vector<16xf32>
      %swap3A_904 = vector.shape_cast %get3A_899 : vector<16xf32> to vector<1x16xf32>
      tpu.vector_store %arg9[%swap3A_900, %swap3A_901], %swap3A_904 {add = true, strides = array<i32>} : memref<200x128xf32, #tpu.memory_space<vmem>>, vector<1x16xf32>,
    }
    %scan3A_597 = arith.constant 200 : i32
    %add3A_598 = arith.constant 4400 : i32
    %add3A_599 = arith.addi %mul3A_2, %add3A_598 : i32
    %dma_start3A_600 = arith.constant 0 : i32
    %dma_start3A_601 = tpu.memref_slice %arg5[%add3A_599, %dma_start3A_600] : memref<204800x128xf32, #tpu.memory_space<hbm>> -> memref<200x128xf32, #tpu.memory_space<hbm>>
    %dma_start3A_602 = arith.constant 0 : i32
    %dma_start3A_603 = tpu.memref_slice %arg5[%add3A_599, %dma_start3A_602] : memref<204800x128xf32, #tpu.memory_space<hbm>> -> memref<200x128xf32, #tpu.memory_space<hbm>>
    tpu.enqueue_dma source(%arg9 : memref<200x128xf32, #tpu.memory_space<vmem>>) target(%dma_start3A_603 : memref<200x128xf32, #tpu.memory_space<hbm>>) target_semaphore(%arg15 : memref<!tpu.dma_semaphore, #tpu.memory_space<semaphore_mem>>)
    %dma_wait3A_604 = arith.constant 0 : i32
    %dma_wait3A_605 = tpu.memref_slice %arg5[%add3A_599, %dma_wait3A_604] : memref<204800x128xf32, #tpu.memory_space<hbm>> -> memref<200x128xf32, #tpu.memory_space<hbm>>
    %dma_wait3A_606 = arith.constant 0 : i32
    %dma_wait3A_607 = tpu.memref_slice %arg5[%add3A_599, %dma_wait3A_606] : memref<204800x128xf32, #tpu.memory_space<hbm>> -> memref<200x128xf32, #tpu.memory_space<hbm>>
    tpu.wait_dma2 semaphore(%arg15 : memref<!tpu.dma_semaphore, #tpu.memory_space<semaphore_mem>>) src(%arg9 : memref<200x128xf32, #tpu.memory_space<vmem>>) dst(%dma_wait3A_607 : memref<200x128xf32, #tpu.memory_space<hbm>>)
    %dma_start3A_608 = arith.constant 5000 : i32
    %dma_start3A_609 = tpu.memref_slice %arg6[%dma_start3A_608] : memref<6400xi32, #tpu.memory_space<vmem>> -> memref<200xi32, #tpu.memory_space<vmem>>
    %dma_start3A_610 = arith.constant 0 : i32
    %dma_start3A_611 = arith.constant 0 : i32
    %dma_start3A_612 = tpu.memref_slice %arg2[%dma_start3A_610, %dma_start3A_611] : memref<1000000x128xf32, #tpu.memory_space<hbm>> -> memref<1000000x128xf32, #tpu.memory_space<hbm>>
    tpu.enqueue_indirect_dma source(%dma_start3A_612 : memref<1000000x128xf32, #tpu.memory_space<hbm>>) target(%arg9 : memref<200x128xf32, #tpu.memory_space<vmem>>) offsets(%dma_start3A_609 : memref<200xi32, #tpu.memory_space<vmem>>) semaphore(%arg12 : memref<!tpu.dma_semaphore, #tpu.memory_space<semaphore_mem>>)
    %dma_wait3A_613 = arith.constant 4600 : i32
    %dma_wait3A_614 = tpu.memref_slice %arg6[%dma_wait3A_613] : memref<6400xi32, #tpu.memory_space<vmem>> -> memref<200xi32, #tpu.memory_space<vmem>>
    %dma_wait3A_615 = arith.constant 0 : i32
    %dma_wait3A_616 = arith.constant 0 : i32
    %dma_wait3A_617 = tpu.memref_slice %arg2[%dma_wait3A_615, %dma_wait3A_616] : memref<1000000x128xf32, #tpu.memory_space<hbm>> -> memref<1000000x128xf32, #tpu.memory_space<hbm>>
    tpu.wait_indirect_dma semaphore(%arg13 : memref<!tpu.dma_semaphore, #tpu.memory_space<semaphore_mem>>) src(%dma_wait3A_617 : memref<1000000x128xf32, #tpu.memory_space<hbm>>) dst(%arg10 : memref<200x128xf32, #tpu.memory_space<vmem>>)
    %scan3A_618 = arith.constant 0 : i32
    %scan3A_619 = arith.constant 0 : i32
    %scan3A_620 = arith.constant 200 : i32
    %scan3A_621 = arith.addi %scan3A_619, %scan3A_620 : i32
    %scan3A_622 = arith.constant 2 : i32
    scf.for %scan3A_832 = %scan3A_619 to %scan3A_621 step %scan3A_622  : i32 {
      %get3A = arith.index_cast %scan3A_832 : i32 to index
      %get3A_833 = arith.constant 0 : index
      %get3A_834 = tpu.vector_load %arg7[%get3A, %get3A_833] {strides = array<i32>} : memref<200x64xf32, #tpu.memory_space<vmem>>, vector<1x16xf32>,
      %get3A_835 = vector.shape_cast %get3A_834 : vector<1x16xf32> to vector<16xf32>
      %swap3A = arith.index_cast %scan3A_832 : i32 to index
      %swap3A_836 = arith.constant 0 : index
      %swap3A_837 = tpu.vector_load %arg10[%swap3A, %swap3A_836] {strides = array<i32>} : memref<200x128xf32, #tpu.memory_space<vmem>>, vector<1x16xf32>,
      %swap3A_838 = vector.shape_cast %swap3A_837 : vector<1x16xf32> to vector<16xf32>
      %swap3A_839 = vector.shape_cast %get3A_835 : vector<16xf32> to vector<1x16xf32>
      tpu.vector_store %arg10[%swap3A, %swap3A_836], %swap3A_839 {add = true, strides = array<i32>} : memref<200x128xf32, #tpu.memory_space<vmem>>, vector<1x16xf32>,
      %get3A_840 = arith.index_cast %scan3A_832 : i32 to index
      %get3A_841 = arith.constant 16 : index
      %get3A_842 = tpu.vector_load %arg7[%get3A_840, %get3A_841] {strides = array<i32>} : memref<200x64xf32, #tpu.memory_space<vmem>>, vector<1x16xf32>,
      %get3A_843 = vector.shape_cast %get3A_842 : vector<1x16xf32> to vector<16xf32>
      %swap3A_844 = arith.index_cast %scan3A_832 : i32 to index
      %swap3A_845 = arith.constant 16 : index
      %swap3A_846 = tpu.vector_load %arg10[%swap3A_844, %swap3A_845] {strides = array<i32>} : memref<200x128xf32, #tpu.memory_space<vmem>>, vector<1x16xf32>,
      %swap3A_847 = vector.shape_cast %swap3A_846 : vector<1x16xf32> to vector<16xf32>
      %swap3A_848 = vector.shape_cast %get3A_843 : vector<16xf32> to vector<1x16xf32>
      tpu.vector_store %arg10[%swap3A_844, %swap3A_845], %swap3A_848 {add = true, strides = array<i32>} : memref<200x128xf32, #tpu.memory_space<vmem>>, vector<1x16xf32>,
      %get3A_849 = arith.index_cast %scan3A_832 : i32 to index
      %get3A_850 = arith.constant 32 : index
      %get3A_851 = tpu.vector_load %arg7[%get3A_849, %get3A_850] {strides = array<i32>} : memref<200x64xf32, #tpu.memory_space<vmem>>, vector<1x16xf32>,
      %get3A_852 = vector.shape_cast %get3A_851 : vector<1x16xf32> to vector<16xf32>
      %swap3A_853 = arith.index_cast %scan3A_832 : i32 to index
      %swap3A_854 = arith.constant 32 : index
      %swap3A_855 = tpu.vector_load %arg10[%swap3A_853, %swap3A_854] {strides = array<i32>} : memref<200x128xf32, #tpu.memory_space<vmem>>, vector<1x16xf32>,
      %swap3A_856 = vector.shape_cast %swap3A_855 : vector<1x16xf32> to vector<16xf32>
      %swap3A_857 = vector.shape_cast %get3A_852 : vector<16xf32> to vector<1x16xf32>
      tpu.vector_store %arg10[%swap3A_853, %swap3A_854], %swap3A_857 {add = true, strides = array<i32>} : memref<200x128xf32, #tpu.memory_space<vmem>>, vector<1x16xf32>,
      %get3A_858 = arith.index_cast %scan3A_832 : i32 to index
      %get3A_859 = arith.constant 48 : index
      %get3A_860 = tpu.vector_load %arg7[%get3A_858, %get3A_859] {strides = array<i32>} : memref<200x64xf32, #tpu.memory_space<vmem>>, vector<1x16xf32>,
      %get3A_861 = vector.shape_cast %get3A_860 : vector<1x16xf32> to vector<16xf32>
      %swap3A_862 = arith.index_cast %scan3A_832 : i32 to index
      %swap3A_863 = arith.constant 48 : index
      %swap3A_864 = tpu.vector_load %arg10[%swap3A_862, %swap3A_863] {strides = array<i32>} : memref<200x128xf32, #tpu.memory_space<vmem>>, vector<1x16xf32>,
      %swap3A_865 = vector.shape_cast %swap3A_864 : vector<1x16xf32> to vector<16xf32>
      %swap3A_866 = vector.shape_cast %get3A_861 : vector<16xf32> to vector<1x16xf32>
      tpu.vector_store %arg10[%swap3A_862, %swap3A_863], %swap3A_866 {add = true, strides = array<i32>} : memref<200x128xf32, #tpu.memory_space<vmem>>, vector<1x16xf32>,
      %scan3A_867 = arith.constant 1 : i32
      %scan3A_868 = arith.addi %scan3A_832, %scan3A_867 : i32
      %get3A_869 = arith.index_cast %scan3A_868 : i32 to index
      %get3A_870 = arith.constant 0 : index
      %get3A_871 = tpu.vector_load %arg7[%get3A_869, %get3A_870] {strides = array<i32>} : memref<200x64xf32, #tpu.memory_space<vmem>>, vector<1x16xf32>,
      %get3A_872 = vector.shape_cast %get3A_871 : vector<1x16xf32> to vector<16xf32>
      %swap3A_873 = arith.index_cast %scan3A_868 : i32 to index
      %swap3A_874 = arith.constant 0 : index
      %swap3A_875 = tpu.vector_load %arg10[%swap3A_873, %swap3A_874] {strides = array<i32>} : memref<200x128xf32, #tpu.memory_space<vmem>>, vector<1x16xf32>,
      %swap3A_876 = vector.shape_cast %swap3A_875 : vector<1x16xf32> to vector<16xf32>
      %swap3A_877 = vector.shape_cast %get3A_872 : vector<16xf32> to vector<1x16xf32>
      tpu.vector_store %arg10[%swap3A_873, %swap3A_874], %swap3A_877 {add = true, strides = array<i32>} : memref<200x128xf32, #tpu.memory_space<vmem>>, vector<1x16xf32>,
      %get3A_878 = arith.index_cast %scan3A_868 : i32 to index
      %get3A_879 = arith.constant 16 : index
      %get3A_880 = tpu.vector_load %arg7[%get3A_878, %get3A_879] {strides = array<i32>} : memref<200x64xf32, #tpu.memory_space<vmem>>, vector<1x16xf32>,
      %get3A_881 = vector.shape_cast %get3A_880 : vector<1x16xf32> to vector<16xf32>
      %swap3A_882 = arith.index_cast %scan3A_868 : i32 to index
      %swap3A_883 = arith.constant 16 : index
      %swap3A_884 = tpu.vector_load %arg10[%swap3A_882, %swap3A_883] {strides = array<i32>} : memref<200x128xf32, #tpu.memory_space<vmem>>, vector<1x16xf32>,
      %swap3A_885 = vector.shape_cast %swap3A_884 : vector<1x16xf32> to vector<16xf32>
      %swap3A_886 = vector.shape_cast %get3A_881 : vector<16xf32> to vector<1x16xf32>
      tpu.vector_store %arg10[%swap3A_882, %swap3A_883], %swap3A_886 {add = true, strides = array<i32>} : memref<200x128xf32, #tpu.memory_space<vmem>>, vector<1x16xf32>,
      %get3A_887 = arith.index_cast %scan3A_868 : i32 to index
      %get3A_888 = arith.constant 32 : index
      %get3A_889 = tpu.vector_load %arg7[%get3A_887, %get3A_888] {strides = array<i32>} : memref<200x64xf32, #tpu.memory_space<vmem>>, vector<1x16xf32>,
      %get3A_890 = vector.shape_cast %get3A_889 : vector<1x16xf32> to vector<16xf32>
      %swap3A_891 = arith.index_cast %scan3A_868 : i32 to index
      %swap3A_892 = arith.constant 32 : index
      %swap3A_893 = tpu.vector_load %arg10[%swap3A_891, %swap3A_892] {strides = array<i32>} : memref<200x128xf32, #tpu.memory_space<vmem>>, vector<1x16xf32>,
      %swap3A_894 = vector.shape_cast %swap3A_893 : vector<1x16xf32> to vector<16xf32>
      %swap3A_895 = vector.shape_cast %get3A_890 : vector<16xf32> to vector<1x16xf32>
      tpu.vector_store %arg10[%swap3A_891, %swap3A_892], %swap3A_895 {add = true, strides = array<i32>} : memref<200x128xf32, #tpu.memory_space<vmem>>, vector<1x16xf32>,
      %get3A_896 = arith.index_cast %scan3A_868 : i32 to index
      %get3A_897 = arith.constant 48 : index
      %get3A_898 = tpu.vector_load %arg7[%get3A_896, %get3A_897] {strides = array<i32>} : memref<200x64xf32, #tpu.memory_space<vmem>>, vector<1x16xf32>,
      %get3A_899 = vector.shape_cast %get3A_898 : vector<1x16xf32> to vector<16xf32>
      %swap3A_900 = arith.index_cast %scan3A_868 : i32 to index
      %swap3A_901 = arith.constant 48 : index
      %swap3A_902 = tpu.vector_load %arg10[%swap3A_900, %swap3A_901] {strides = array<i32>} : memref<200x128xf32, #tpu.memory_space<vmem>>, vector<1x16xf32>,
      %swap3A_903 = vector.shape_cast %swap3A_902 : vector<1x16xf32> to vector<16xf32>
      %swap3A_904 = vector.shape_cast %get3A_899 : vector<16xf32> to vector<1x16xf32>
      tpu.vector_store %arg10[%swap3A_900, %swap3A_901], %swap3A_904 {add = true, strides = array<i32>} : memref<200x128xf32, #tpu.memory_space<vmem>>, vector<1x16xf32>,
    }
    %scan3A_623 = arith.constant 200 : i32
    %add3A_624 = arith.constant 4600 : i32
    %add3A_625 = arith.addi %mul3A_2, %add3A_624 : i32
    %dma_start3A_626 = arith.constant 0 : i32
    %dma_start3A_627 = tpu.memref_slice %arg5[%add3A_625, %dma_start3A_626] : memref<204800x128xf32, #tpu.memory_space<hbm>> -> memref<200x128xf32, #tpu.memory_space<hbm>>
    %dma_start3A_628 = arith.constant 0 : i32
    %dma_start3A_629 = tpu.memref_slice %arg5[%add3A_625, %dma_start3A_628] : memref<204800x128xf32, #tpu.memory_space<hbm>> -> memref<200x128xf32, #tpu.memory_space<hbm>>
    tpu.enqueue_dma source(%arg10 : memref<200x128xf32, #tpu.memory_space<vmem>>) target(%dma_start3A_629 : memref<200x128xf32, #tpu.memory_space<hbm>>) target_semaphore(%arg16 : memref<!tpu.dma_semaphore, #tpu.memory_space<semaphore_mem>>)
    %dma_wait3A_630 = arith.constant 0 : i32
    %dma_wait3A_631 = tpu.memref_slice %arg5[%add3A_625, %dma_wait3A_630] : memref<204800x128xf32, #tpu.memory_space<hbm>> -> memref<200x128xf32, #tpu.memory_space<hbm>>
    %dma_wait3A_632 = arith.constant 0 : i32
    %dma_wait3A_633 = tpu.memref_slice %arg5[%add3A_625, %dma_wait3A_632] : memref<204800x128xf32, #tpu.memory_space<hbm>> -> memref<200x128xf32, #tpu.memory_space<hbm>>
    tpu.wait_dma2 semaphore(%arg16 : memref<!tpu.dma_semaphore, #tpu.memory_space<semaphore_mem>>) src(%arg10 : memref<200x128xf32, #tpu.memory_space<vmem>>) dst(%dma_wait3A_633 : memref<200x128xf32, #tpu.memory_space<hbm>>)
    %dma_start3A_634 = arith.constant 5200 : i32
    %dma_start3A_635 = tpu.memref_slice %arg6[%dma_start3A_634] : memref<6400xi32, #tpu.memory_space<vmem>> -> memref<200xi32, #tpu.memory_space<vmem>>
    %dma_start3A_636 = arith.constant 0 : i32
    %dma_start3A_637 = arith.constant 0 : i32
    %dma_start3A_638 = tpu.memref_slice %arg2[%dma_start3A_636, %dma_start3A_637] : memref<1000000x128xf32, #tpu.memory_space<hbm>> -> memref<1000000x128xf32, #tpu.memory_space<hbm>>
    tpu.enqueue_indirect_dma source(%dma_start3A_638 : memref<1000000x128xf32, #tpu.memory_space<hbm>>) target(%arg10 : memref<200x128xf32, #tpu.memory_space<vmem>>) offsets(%dma_start3A_635 : memref<200xi32, #tpu.memory_space<vmem>>) semaphore(%arg13 : memref<!tpu.dma_semaphore, #tpu.memory_space<semaphore_mem>>)
    %dma_wait3A_639 = arith.constant 4800 : i32
    %dma_wait3A_640 = tpu.memref_slice %arg6[%dma_wait3A_639] : memref<6400xi32, #tpu.memory_space<vmem>> -> memref<200xi32, #tpu.memory_space<vmem>>
    %dma_wait3A_641 = arith.constant 0 : i32
    %dma_wait3A_642 = arith.constant 0 : i32
    %dma_wait3A_643 = tpu.memref_slice %arg2[%dma_wait3A_641, %dma_wait3A_642] : memref<1000000x128xf32, #tpu.memory_space<hbm>> -> memref<1000000x128xf32, #tpu.memory_space<hbm>>
    tpu.wait_indirect_dma semaphore(%arg11 : memref<!tpu.dma_semaphore, #tpu.memory_space<semaphore_mem>>) src(%dma_wait3A_643 : memref<1000000x128xf32, #tpu.memory_space<hbm>>) dst(%arg8 : memref<200x128xf32, #tpu.memory_space<vmem>>)
    %scan3A_644 = arith.constant 0 : i32
    %scan3A_645 = arith.constant 0 : i32
    %scan3A_646 = arith.constant 200 : i32
    %scan3A_647 = arith.addi %scan3A_645, %scan3A_646 : i32
    %scan3A_648 = arith.constant 2 : i32
    scf.for %scan3A_832 = %scan3A_645 to %scan3A_647 step %scan3A_648  : i32 {
      %get3A = arith.index_cast %scan3A_832 : i32 to index
      %get3A_833 = arith.constant 0 : index
      %get3A_834 = tpu.vector_load %arg7[%get3A, %get3A_833] {strides = array<i32>} : memref<200x64xf32, #tpu.memory_space<vmem>>, vector<1x16xf32>,
      %get3A_835 = vector.shape_cast %get3A_834 : vector<1x16xf32> to vector<16xf32>
      %swap3A = arith.index_cast %scan3A_832 : i32 to index
      %swap3A_836 = arith.constant 0 : index
      %swap3A_837 = tpu.vector_load %arg8[%swap3A, %swap3A_836] {strides = array<i32>} : memref<200x128xf32, #tpu.memory_space<vmem>>, vector<1x16xf32>,
      %swap3A_838 = vector.shape_cast %swap3A_837 : vector<1x16xf32> to vector<16xf32>
      %swap3A_839 = vector.shape_cast %get3A_835 : vector<16xf32> to vector<1x16xf32>
      tpu.vector_store %arg8[%swap3A, %swap3A_836], %swap3A_839 {add = true, strides = array<i32>} : memref<200x128xf32, #tpu.memory_space<vmem>>, vector<1x16xf32>,
      %get3A_840 = arith.index_cast %scan3A_832 : i32 to index
      %get3A_841 = arith.constant 16 : index
      %get3A_842 = tpu.vector_load %arg7[%get3A_840, %get3A_841] {strides = array<i32>} : memref<200x64xf32, #tpu.memory_space<vmem>>, vector<1x16xf32>,
      %get3A_843 = vector.shape_cast %get3A_842 : vector<1x16xf32> to vector<16xf32>
      %swap3A_844 = arith.index_cast %scan3A_832 : i32 to index
      %swap3A_845 = arith.constant 16 : index
      %swap3A_846 = tpu.vector_load %arg8[%swap3A_844, %swap3A_845] {strides = array<i32>} : memref<200x128xf32, #tpu.memory_space<vmem>>, vector<1x16xf32>,
      %swap3A_847 = vector.shape_cast %swap3A_846 : vector<1x16xf32> to vector<16xf32>
      %swap3A_848 = vector.shape_cast %get3A_843 : vector<16xf32> to vector<1x16xf32>
      tpu.vector_store %arg8[%swap3A_844, %swap3A_845], %swap3A_848 {add = true, strides = array<i32>} : memref<200x128xf32, #tpu.memory_space<vmem>>, vector<1x16xf32>,
      %get3A_849 = arith.index_cast %scan3A_832 : i32 to index
      %get3A_850 = arith.constant 32 : index
      %get3A_851 = tpu.vector_load %arg7[%get3A_849, %get3A_850] {strides = array<i32>} : memref<200x64xf32, #tpu.memory_space<vmem>>, vector<1x16xf32>,
      %get3A_852 = vector.shape_cast %get3A_851 : vector<1x16xf32> to vector<16xf32>
      %swap3A_853 = arith.index_cast %scan3A_832 : i32 to index
      %swap3A_854 = arith.constant 32 : index
      %swap3A_855 = tpu.vector_load %arg8[%swap3A_853, %swap3A_854] {strides = array<i32>} : memref<200x128xf32, #tpu.memory_space<vmem>>, vector<1x16xf32>,
      %swap3A_856 = vector.shape_cast %swap3A_855 : vector<1x16xf32> to vector<16xf32>
      %swap3A_857 = vector.shape_cast %get3A_852 : vector<16xf32> to vector<1x16xf32>
      tpu.vector_store %arg8[%swap3A_853, %swap3A_854], %swap3A_857 {add = true, strides = array<i32>} : memref<200x128xf32, #tpu.memory_space<vmem>>, vector<1x16xf32>,
      %get3A_858 = arith.index_cast %scan3A_832 : i32 to index
      %get3A_859 = arith.constant 48 : index
      %get3A_860 = tpu.vector_load %arg7[%get3A_858, %get3A_859] {strides = array<i32>} : memref<200x64xf32, #tpu.memory_space<vmem>>, vector<1x16xf32>,
      %get3A_861 = vector.shape_cast %get3A_860 : vector<1x16xf32> to vector<16xf32>
      %swap3A_862 = arith.index_cast %scan3A_832 : i32 to index
      %swap3A_863 = arith.constant 48 : index
      %swap3A_864 = tpu.vector_load %arg8[%swap3A_862, %swap3A_863] {strides = array<i32>} : memref<200x128xf32, #tpu.memory_space<vmem>>, vector<1x16xf32>,
      %swap3A_865 = vector.shape_cast %swap3A_864 : vector<1x16xf32> to vector<16xf32>
      %swap3A_866 = vector.shape_cast %get3A_861 : vector<16xf32> to vector<1x16xf32>
      tpu.vector_store %arg8[%swap3A_862, %swap3A_863], %swap3A_866 {add = true, strides = array<i32>} : memref<200x128xf32, #tpu.memory_space<vmem>>, vector<1x16xf32>,
      %scan3A_867 = arith.constant 1 : i32
      %scan3A_868 = arith.addi %scan3A_832, %scan3A_867 : i32
      %get3A_869 = arith.index_cast %scan3A_868 : i32 to index
      %get3A_870 = arith.constant 0 : index
      %get3A_871 = tpu.vector_load %arg7[%get3A_869, %get3A_870] {strides = array<i32>} : memref<200x64xf32, #tpu.memory_space<vmem>>, vector<1x16xf32>,
      %get3A_872 = vector.shape_cast %get3A_871 : vector<1x16xf32> to vector<16xf32>
      %swap3A_873 = arith.index_cast %scan3A_868 : i32 to index
      %swap3A_874 = arith.constant 0 : index
      %swap3A_875 = tpu.vector_load %arg8[%swap3A_873, %swap3A_874] {strides = array<i32>} : memref<200x128xf32, #tpu.memory_space<vmem>>, vector<1x16xf32>,
      %swap3A_876 = vector.shape_cast %swap3A_875 : vector<1x16xf32> to vector<16xf32>
      %swap3A_877 = vector.shape_cast %get3A_872 : vector<16xf32> to vector<1x16xf32>
      tpu.vector_store %arg8[%swap3A_873, %swap3A_874], %swap3A_877 {add = true, strides = array<i32>} : memref<200x128xf32, #tpu.memory_space<vmem>>, vector<1x16xf32>,
      %get3A_878 = arith.index_cast %scan3A_868 : i32 to index
      %get3A_879 = arith.constant 16 : index
      %get3A_880 = tpu.vector_load %arg7[%get3A_878, %get3A_879] {strides = array<i32>} : memref<200x64xf32, #tpu.memory_space<vmem>>, vector<1x16xf32>,
      %get3A_881 = vector.shape_cast %get3A_880 : vector<1x16xf32> to vector<16xf32>
      %swap3A_882 = arith.index_cast %scan3A_868 : i32 to index
      %swap3A_883 = arith.constant 16 : index
      %swap3A_884 = tpu.vector_load %arg8[%swap3A_882, %swap3A_883] {strides = array<i32>} : memref<200x128xf32, #tpu.memory_space<vmem>>, vector<1x16xf32>,
      %swap3A_885 = vector.shape_cast %swap3A_884 : vector<1x16xf32> to vector<16xf32>
      %swap3A_886 = vector.shape_cast %get3A_881 : vector<16xf32> to vector<1x16xf32>
      tpu.vector_store %arg8[%swap3A_882, %swap3A_883], %swap3A_886 {add = true, strides = array<i32>} : memref<200x128xf32, #tpu.memory_space<vmem>>, vector<1x16xf32>,
      %get3A_887 = arith.index_cast %scan3A_868 : i32 to index
      %get3A_888 = arith.constant 32 : index
      %get3A_889 = tpu.vector_load %arg7[%get3A_887, %get3A_888] {strides = array<i32>} : memref<200x64xf32, #tpu.memory_space<vmem>>, vector<1x16xf32>,
      %get3A_890 = vector.shape_cast %get3A_889 : vector<1x16xf32> to vector<16xf32>
      %swap3A_891 = arith.index_cast %scan3A_868 : i32 to index
      %swap3A_892 = arith.constant 32 : index
      %swap3A_893 = tpu.vector_load %arg8[%swap3A_891, %swap3A_892] {strides = array<i32>} : memref<200x128xf32, #tpu.memory_space<vmem>>, vector<1x16xf32>,
      %swap3A_894 = vector.shape_cast %swap3A_893 : vector<1x16xf32> to vector<16xf32>
      %swap3A_895 = vector.shape_cast %get3A_890 : vector<16xf32> to vector<1x16xf32>
      tpu.vector_store %arg8[%swap3A_891, %swap3A_892], %swap3A_895 {add = true, strides = array<i32>} : memref<200x128xf32, #tpu.memory_space<vmem>>, vector<1x16xf32>,
      %get3A_896 = arith.index_cast %scan3A_868 : i32 to index
      %get3A_897 = arith.constant 48 : index
      %get3A_898 = tpu.vector_load %arg7[%get3A_896, %get3A_897] {strides = array<i32>} : memref<200x64xf32, #tpu.memory_space<vmem>>, vector<1x16xf32>,
      %get3A_899 = vector.shape_cast %get3A_898 : vector<1x16xf32> to vector<16xf32>
      %swap3A_900 = arith.index_cast %scan3A_868 : i32 to index
      %swap3A_901 = arith.constant 48 : index
      %swap3A_902 = tpu.vector_load %arg8[%swap3A_900, %swap3A_901] {strides = array<i32>} : memref<200x128xf32, #tpu.memory_space<vmem>>, vector<1x16xf32>,
      %swap3A_903 = vector.shape_cast %swap3A_902 : vector<1x16xf32> to vector<16xf32>
      %swap3A_904 = vector.shape_cast %get3A_899 : vector<16xf32> to vector<1x16xf32>
      tpu.vector_store %arg8[%swap3A_900, %swap3A_901], %swap3A_904 {add = true, strides = array<i32>} : memref<200x128xf32, #tpu.memory_space<vmem>>, vector<1x16xf32>,
    }
    %scan3A_649 = arith.constant 200 : i32
    %add3A_650 = arith.constant 4800 : i32
    %add3A_651 = arith.addi %mul3A_2, %add3A_650 : i32
    %dma_start3A_652 = arith.constant 0 : i32
    %dma_start3A_653 = tpu.memref_slice %arg5[%add3A_651, %dma_start3A_652] : memref<204800x128xf32, #tpu.memory_space<hbm>> -> memref<200x128xf32, #tpu.memory_space<hbm>>
    %dma_start3A_654 = arith.constant 0 : i32
    %dma_start3A_655 = tpu.memref_slice %arg5[%add3A_651, %dma_start3A_654] : memref<204800x128xf32, #tpu.memory_space<hbm>> -> memref<200x128xf32, #tpu.memory_space<hbm>>
    tpu.enqueue_dma source(%arg8 : memref<200x128xf32, #tpu.memory_space<vmem>>) target(%dma_start3A_655 : memref<200x128xf32, #tpu.memory_space<hbm>>) target_semaphore(%arg14 : memref<!tpu.dma_semaphore, #tpu.memory_space<semaphore_mem>>)
    %dma_wait3A_656 = arith.constant 0 : i32
    %dma_wait3A_657 = tpu.memref_slice %arg5[%add3A_651, %dma_wait3A_656] : memref<204800x128xf32, #tpu.memory_space<hbm>> -> memref<200x128xf32, #tpu.memory_space<hbm>>
    %dma_wait3A_658 = arith.constant 0 : i32
    %dma_wait3A_659 = tpu.memref_slice %arg5[%add3A_651, %dma_wait3A_658] : memref<204800x128xf32, #tpu.memory_space<hbm>> -> memref<200x128xf32, #tpu.memory_space<hbm>>
    tpu.wait_dma2 semaphore(%arg14 : memref<!tpu.dma_semaphore, #tpu.memory_space<semaphore_mem>>) src(%arg8 : memref<200x128xf32, #tpu.memory_space<vmem>>) dst(%dma_wait3A_659 : memref<200x128xf32, #tpu.memory_space<hbm>>)
    %dma_start3A_660 = arith.constant 5400 : i32
    %dma_start3A_661 = tpu.memref_slice %arg6[%dma_start3A_660] : memref<6400xi32, #tpu.memory_space<vmem>> -> memref<200xi32, #tpu.memory_space<vmem>>
    %dma_start3A_662 = arith.constant 0 : i32
    %dma_start3A_663 = arith.constant 0 : i32
    %dma_start3A_664 = tpu.memref_slice %arg2[%dma_start3A_662, %dma_start3A_663] : memref<1000000x128xf32, #tpu.memory_space<hbm>> -> memref<1000000x128xf32, #tpu.memory_space<hbm>>
    tpu.enqueue_indirect_dma source(%dma_start3A_664 : memref<1000000x128xf32, #tpu.memory_space<hbm>>) target(%arg8 : memref<200x128xf32, #tpu.memory_space<vmem>>) offsets(%dma_start3A_661 : memref<200xi32, #tpu.memory_space<vmem>>) semaphore(%arg11 : memref<!tpu.dma_semaphore, #tpu.memory_space<semaphore_mem>>)
    %dma_wait3A_665 = arith.constant 5000 : i32
    %dma_wait3A_666 = tpu.memref_slice %arg6[%dma_wait3A_665] : memref<6400xi32, #tpu.memory_space<vmem>> -> memref<200xi32, #tpu.memory_space<vmem>>
    %dma_wait3A_667 = arith.constant 0 : i32
    %dma_wait3A_668 = arith.constant 0 : i32
    %dma_wait3A_669 = tpu.memref_slice %arg2[%dma_wait3A_667, %dma_wait3A_668] : memref<1000000x128xf32, #tpu.memory_space<hbm>> -> memref<1000000x128xf32, #tpu.memory_space<hbm>>
    tpu.wait_indirect_dma semaphore(%arg12 : memref<!tpu.dma_semaphore, #tpu.memory_space<semaphore_mem>>) src(%dma_wait3A_669 : memref<1000000x128xf32, #tpu.memory_space<hbm>>) dst(%arg9 : memref<200x128xf32, #tpu.memory_space<vmem>>)
    %scan3A_670 = arith.constant 0 : i32
    %scan3A_671 = arith.constant 0 : i32
    %scan3A_672 = arith.constant 200 : i32
    %scan3A_673 = arith.addi %scan3A_671, %scan3A_672 : i32
    %scan3A_674 = arith.constant 2 : i32
    scf.for %scan3A_832 = %scan3A_671 to %scan3A_673 step %scan3A_674  : i32 {
      %get3A = arith.index_cast %scan3A_832 : i32 to index
      %get3A_833 = arith.constant 0 : index
      %get3A_834 = tpu.vector_load %arg7[%get3A, %get3A_833] {strides = array<i32>} : memref<200x64xf32, #tpu.memory_space<vmem>>, vector<1x16xf32>,
      %get3A_835 = vector.shape_cast %get3A_834 : vector<1x16xf32> to vector<16xf32>
      %swap3A = arith.index_cast %scan3A_832 : i32 to index
      %swap3A_836 = arith.constant 0 : index
      %swap3A_837 = tpu.vector_load %arg9[%swap3A, %swap3A_836] {strides = array<i32>} : memref<200x128xf32, #tpu.memory_space<vmem>>, vector<1x16xf32>,
      %swap3A_838 = vector.shape_cast %swap3A_837 : vector<1x16xf32> to vector<16xf32>
      %swap3A_839 = vector.shape_cast %get3A_835 : vector<16xf32> to vector<1x16xf32>
      tpu.vector_store %arg9[%swap3A, %swap3A_836], %swap3A_839 {add = true, strides = array<i32>} : memref<200x128xf32, #tpu.memory_space<vmem>>, vector<1x16xf32>,
      %get3A_840 = arith.index_cast %scan3A_832 : i32 to index
      %get3A_841 = arith.constant 16 : index
      %get3A_842 = tpu.vector_load %arg7[%get3A_840, %get3A_841] {strides = array<i32>} : memref<200x64xf32, #tpu.memory_space<vmem>>, vector<1x16xf32>,
      %get3A_843 = vector.shape_cast %get3A_842 : vector<1x16xf32> to vector<16xf32>
      %swap3A_844 = arith.index_cast %scan3A_832 : i32 to index
      %swap3A_845 = arith.constant 16 : index
      %swap3A_846 = tpu.vector_load %arg9[%swap3A_844, %swap3A_845] {strides = array<i32>} : memref<200x128xf32, #tpu.memory_space<vmem>>, vector<1x16xf32>,
      %swap3A_847 = vector.shape_cast %swap3A_846 : vector<1x16xf32> to vector<16xf32>
      %swap3A_848 = vector.shape_cast %get3A_843 : vector<16xf32> to vector<1x16xf32>
      tpu.vector_store %arg9[%swap3A_844, %swap3A_845], %swap3A_848 {add = true, strides = array<i32>} : memref<200x128xf32, #tpu.memory_space<vmem>>, vector<1x16xf32>,
      %get3A_849 = arith.index_cast %scan3A_832 : i32 to index
      %get3A_850 = arith.constant 32 : index
      %get3A_851 = tpu.vector_load %arg7[%get3A_849, %get3A_850] {strides = array<i32>} : memref<200x64xf32, #tpu.memory_space<vmem>>, vector<1x16xf32>,
      %get3A_852 = vector.shape_cast %get3A_851 : vector<1x16xf32> to vector<16xf32>
      %swap3A_853 = arith.index_cast %scan3A_832 : i32 to index
      %swap3A_854 = arith.constant 32 : index
      %swap3A_855 = tpu.vector_load %arg9[%swap3A_853, %swap3A_854] {strides = array<i32>} : memref<200x128xf32, #tpu.memory_space<vmem>>, vector<1x16xf32>,
      %swap3A_856 = vector.shape_cast %swap3A_855 : vector<1x16xf32> to vector<16xf32>
      %swap3A_857 = vector.shape_cast %get3A_852 : vector<16xf32> to vector<1x16xf32>
      tpu.vector_store %arg9[%swap3A_853, %swap3A_854], %swap3A_857 {add = true, strides = array<i32>} : memref<200x128xf32, #tpu.memory_space<vmem>>, vector<1x16xf32>,
      %get3A_858 = arith.index_cast %scan3A_832 : i32 to index
      %get3A_859 = arith.constant 48 : index
      %get3A_860 = tpu.vector_load %arg7[%get3A_858, %get3A_859] {strides = array<i32>} : memref<200x64xf32, #tpu.memory_space<vmem>>, vector<1x16xf32>,
      %get3A_861 = vector.shape_cast %get3A_860 : vector<1x16xf32> to vector<16xf32>
      %swap3A_862 = arith.index_cast %scan3A_832 : i32 to index
      %swap3A_863 = arith.constant 48 : index
      %swap3A_864 = tpu.vector_load %arg9[%swap3A_862, %swap3A_863] {strides = array<i32>} : memref<200x128xf32, #tpu.memory_space<vmem>>, vector<1x16xf32>,
      %swap3A_865 = vector.shape_cast %swap3A_864 : vector<1x16xf32> to vector<16xf32>
      %swap3A_866 = vector.shape_cast %get3A_861 : vector<16xf32> to vector<1x16xf32>
      tpu.vector_store %arg9[%swap3A_862, %swap3A_863], %swap3A_866 {add = true, strides = array<i32>} : memref<200x128xf32, #tpu.memory_space<vmem>>, vector<1x16xf32>,
      %scan3A_867 = arith.constant 1 : i32
      %scan3A_868 = arith.addi %scan3A_832, %scan3A_867 : i32
      %get3A_869 = arith.index_cast %scan3A_868 : i32 to index
      %get3A_870 = arith.constant 0 : index
      %get3A_871 = tpu.vector_load %arg7[%get3A_869, %get3A_870] {strides = array<i32>} : memref<200x64xf32, #tpu.memory_space<vmem>>, vector<1x16xf32>,
      %get3A_872 = vector.shape_cast %get3A_871 : vector<1x16xf32> to vector<16xf32>
      %swap3A_873 = arith.index_cast %scan3A_868 : i32 to index
      %swap3A_874 = arith.constant 0 : index
      %swap3A_875 = tpu.vector_load %arg9[%swap3A_873, %swap3A_874] {strides = array<i32>} : memref<200x128xf32, #tpu.memory_space<vmem>>, vector<1x16xf32>,
      %swap3A_876 = vector.shape_cast %swap3A_875 : vector<1x16xf32> to vector<16xf32>
      %swap3A_877 = vector.shape_cast %get3A_872 : vector<16xf32> to vector<1x16xf32>
      tpu.vector_store %arg9[%swap3A_873, %swap3A_874], %swap3A_877 {add = true, strides = array<i32>} : memref<200x128xf32, #tpu.memory_space<vmem>>, vector<1x16xf32>,
      %get3A_878 = arith.index_cast %scan3A_868 : i32 to index
      %get3A_879 = arith.constant 16 : index
      %get3A_880 = tpu.vector_load %arg7[%get3A_878, %get3A_879] {strides = array<i32>} : memref<200x64xf32, #tpu.memory_space<vmem>>, vector<1x16xf32>,
      %get3A_881 = vector.shape_cast %get3A_880 : vector<1x16xf32> to vector<16xf32>
      %swap3A_882 = arith.index_cast %scan3A_868 : i32 to index
      %swap3A_883 = arith.constant 16 : index
      %swap3A_884 = tpu.vector_load %arg9[%swap3A_882, %swap3A_883] {strides = array<i32>} : memref<200x128xf32, #tpu.memory_space<vmem>>, vector<1x16xf32>,
      %swap3A_885 = vector.shape_cast %swap3A_884 : vector<1x16xf32> to vector<16xf32>
      %swap3A_886 = vector.shape_cast %get3A_881 : vector<16xf32> to vector<1x16xf32>
      tpu.vector_store %arg9[%swap3A_882, %swap3A_883], %swap3A_886 {add = true, strides = array<i32>} : memref<200x128xf32, #tpu.memory_space<vmem>>, vector<1x16xf32>,
      %get3A_887 = arith.index_cast %scan3A_868 : i32 to index
      %get3A_888 = arith.constant 32 : index
      %get3A_889 = tpu.vector_load %arg7[%get3A_887, %get3A_888] {strides = array<i32>} : memref<200x64xf32, #tpu.memory_space<vmem>>, vector<1x16xf32>,
      %get3A_890 = vector.shape_cast %get3A_889 : vector<1x16xf32> to vector<16xf32>
      %swap3A_891 = arith.index_cast %scan3A_868 : i32 to index
      %swap3A_892 = arith.constant 32 : index
      %swap3A_893 = tpu.vector_load %arg9[%swap3A_891, %swap3A_892] {strides = array<i32>} : memref<200x128xf32, #tpu.memory_space<vmem>>, vector<1x16xf32>,
      %swap3A_894 = vector.shape_cast %swap3A_893 : vector<1x16xf32> to vector<16xf32>
      %swap3A_895 = vector.shape_cast %get3A_890 : vector<16xf32> to vector<1x16xf32>
      tpu.vector_store %arg9[%swap3A_891, %swap3A_892], %swap3A_895 {add = true, strides = array<i32>} : memref<200x128xf32, #tpu.memory_space<vmem>>, vector<1x16xf32>,
      %get3A_896 = arith.index_cast %scan3A_868 : i32 to index
      %get3A_897 = arith.constant 48 : index
      %get3A_898 = tpu.vector_load %arg7[%get3A_896, %get3A_897] {strides = array<i32>} : memref<200x64xf32, #tpu.memory_space<vmem>>, vector<1x16xf32>,
      %get3A_899 = vector.shape_cast %get3A_898 : vector<1x16xf32> to vector<16xf32>
      %swap3A_900 = arith.index_cast %scan3A_868 : i32 to index
      %swap3A_901 = arith.constant 48 : index
      %swap3A_902 = tpu.vector_load %arg9[%swap3A_900, %swap3A_901] {strides = array<i32>} : memref<200x128xf32, #tpu.memory_space<vmem>>, vector<1x16xf32>,
      %swap3A_903 = vector.shape_cast %swap3A_902 : vector<1x16xf32> to vector<16xf32>
      %swap3A_904 = vector.shape_cast %get3A_899 : vector<16xf32> to vector<1x16xf32>
      tpu.vector_store %arg9[%swap3A_900, %swap3A_901], %swap3A_904 {add = true, strides = array<i32>} : memref<200x128xf32, #tpu.memory_space<vmem>>, vector<1x16xf32>,
    }
    %scan3A_675 = arith.constant 200 : i32
    %add3A_676 = arith.constant 5000 : i32
    %add3A_677 = arith.addi %mul3A_2, %add3A_676 : i32
    %dma_start3A_678 = arith.constant 0 : i32
    %dma_start3A_679 = tpu.memref_slice %arg5[%add3A_677, %dma_start3A_678] : memref<204800x128xf32, #tpu.memory_space<hbm>> -> memref<200x128xf32, #tpu.memory_space<hbm>>
    %dma_start3A_680 = arith.constant 0 : i32
    %dma_start3A_681 = tpu.memref_slice %arg5[%add3A_677, %dma_start3A_680] : memref<204800x128xf32, #tpu.memory_space<hbm>> -> memref<200x128xf32, #tpu.memory_space<hbm>>
    tpu.enqueue_dma source(%arg9 : memref<200x128xf32, #tpu.memory_space<vmem>>) target(%dma_start3A_681 : memref<200x128xf32, #tpu.memory_space<hbm>>) target_semaphore(%arg15 : memref<!tpu.dma_semaphore, #tpu.memory_space<semaphore_mem>>)
    %dma_wait3A_682 = arith.constant 0 : i32
    %dma_wait3A_683 = tpu.memref_slice %arg5[%add3A_677, %dma_wait3A_682] : memref<204800x128xf32, #tpu.memory_space<hbm>> -> memref<200x128xf32, #tpu.memory_space<hbm>>
    %dma_wait3A_684 = arith.constant 0 : i32
    %dma_wait3A_685 = tpu.memref_slice %arg5[%add3A_677, %dma_wait3A_684] : memref<204800x128xf32, #tpu.memory_space<hbm>> -> memref<200x128xf32, #tpu.memory_space<hbm>>
    tpu.wait_dma2 semaphore(%arg15 : memref<!tpu.dma_semaphore, #tpu.memory_space<semaphore_mem>>) src(%arg9 : memref<200x128xf32, #tpu.memory_space<vmem>>) dst(%dma_wait3A_685 : memref<200x128xf32, #tpu.memory_space<hbm>>)
    %dma_start3A_686 = arith.constant 5600 : i32
    %dma_start3A_687 = tpu.memref_slice %arg6[%dma_start3A_686] : memref<6400xi32, #tpu.memory_space<vmem>> -> memref<200xi32, #tpu.memory_space<vmem>>
    %dma_start3A_688 = arith.constant 0 : i32
    %dma_start3A_689 = arith.constant 0 : i32
    %dma_start3A_690 = tpu.memref_slice %arg2[%dma_start3A_688, %dma_start3A_689] : memref<1000000x128xf32, #tpu.memory_space<hbm>> -> memref<1000000x128xf32, #tpu.memory_space<hbm>>
    tpu.enqueue_indirect_dma source(%dma_start3A_690 : memref<1000000x128xf32, #tpu.memory_space<hbm>>) target(%arg9 : memref<200x128xf32, #tpu.memory_space<vmem>>) offsets(%dma_start3A_687 : memref<200xi32, #tpu.memory_space<vmem>>) semaphore(%arg12 : memref<!tpu.dma_semaphore, #tpu.memory_space<semaphore_mem>>)
    %dma_wait3A_691 = arith.constant 5200 : i32
    %dma_wait3A_692 = tpu.memref_slice %arg6[%dma_wait3A_691] : memref<6400xi32, #tpu.memory_space<vmem>> -> memref<200xi32, #tpu.memory_space<vmem>>
    %dma_wait3A_693 = arith.constant 0 : i32
    %dma_wait3A_694 = arith.constant 0 : i32
    %dma_wait3A_695 = tpu.memref_slice %arg2[%dma_wait3A_693, %dma_wait3A_694] : memref<1000000x128xf32, #tpu.memory_space<hbm>> -> memref<1000000x128xf32, #tpu.memory_space<hbm>>
    tpu.wait_indirect_dma semaphore(%arg13 : memref<!tpu.dma_semaphore, #tpu.memory_space<semaphore_mem>>) src(%dma_wait3A_695 : memref<1000000x128xf32, #tpu.memory_space<hbm>>) dst(%arg10 : memref<200x128xf32, #tpu.memory_space<vmem>>)
    %scan3A_696 = arith.constant 0 : i32
    %scan3A_697 = arith.constant 0 : i32
    %scan3A_698 = arith.constant 200 : i32
    %scan3A_699 = arith.addi %scan3A_697, %scan3A_698 : i32
    %scan3A_700 = arith.constant 2 : i32
    scf.for %scan3A_832 = %scan3A_697 to %scan3A_699 step %scan3A_700  : i32 {
      %get3A = arith.index_cast %scan3A_832 : i32 to index
      %get3A_833 = arith.constant 0 : index
      %get3A_834 = tpu.vector_load %arg7[%get3A, %get3A_833] {strides = array<i32>} : memref<200x64xf32, #tpu.memory_space<vmem>>, vector<1x16xf32>,
      %get3A_835 = vector.shape_cast %get3A_834 : vector<1x16xf32> to vector<16xf32>
      %swap3A = arith.index_cast %scan3A_832 : i32 to index
      %swap3A_836 = arith.constant 0 : index
      %swap3A_837 = tpu.vector_load %arg10[%swap3A, %swap3A_836] {strides = array<i32>} : memref<200x128xf32, #tpu.memory_space<vmem>>, vector<1x16xf32>,
      %swap3A_838 = vector.shape_cast %swap3A_837 : vector<1x16xf32> to vector<16xf32>
      %swap3A_839 = vector.shape_cast %get3A_835 : vector<16xf32> to vector<1x16xf32>
      tpu.vector_store %arg10[%swap3A, %swap3A_836], %swap3A_839 {add = true, strides = array<i32>} : memref<200x128xf32, #tpu.memory_space<vmem>>, vector<1x16xf32>,
      %get3A_840 = arith.index_cast %scan3A_832 : i32 to index
      %get3A_841 = arith.constant 16 : index
      %get3A_842 = tpu.vector_load %arg7[%get3A_840, %get3A_841] {strides = array<i32>} : memref<200x64xf32, #tpu.memory_space<vmem>>, vector<1x16xf32>,
      %get3A_843 = vector.shape_cast %get3A_842 : vector<1x16xf32> to vector<16xf32>
      %swap3A_844 = arith.index_cast %scan3A_832 : i32 to index
      %swap3A_845 = arith.constant 16 : index
      %swap3A_846 = tpu.vector_load %arg10[%swap3A_844, %swap3A_845] {strides = array<i32>} : memref<200x128xf32, #tpu.memory_space<vmem>>, vector<1x16xf32>,
      %swap3A_847 = vector.shape_cast %swap3A_846 : vector<1x16xf32> to vector<16xf32>
      %swap3A_848 = vector.shape_cast %get3A_843 : vector<16xf32> to vector<1x16xf32>
      tpu.vector_store %arg10[%swap3A_844, %swap3A_845], %swap3A_848 {add = true, strides = array<i32>} : memref<200x128xf32, #tpu.memory_space<vmem>>, vector<1x16xf32>,
      %get3A_849 = arith.index_cast %scan3A_832 : i32 to index
      %get3A_850 = arith.constant 32 : index
      %get3A_851 = tpu.vector_load %arg7[%get3A_849, %get3A_850] {strides = array<i32>} : memref<200x64xf32, #tpu.memory_space<vmem>>, vector<1x16xf32>,
      %get3A_852 = vector.shape_cast %get3A_851 : vector<1x16xf32> to vector<16xf32>
      %swap3A_853 = arith.index_cast %scan3A_832 : i32 to index
      %swap3A_854 = arith.constant 32 : index
      %swap3A_855 = tpu.vector_load %arg10[%swap3A_853, %swap3A_854] {strides = array<i32>} : memref<200x128xf32, #tpu.memory_space<vmem>>, vector<1x16xf32>,
      %swap3A_856 = vector.shape_cast %swap3A_855 : vector<1x16xf32> to vector<16xf32>
      %swap3A_857 = vector.shape_cast %get3A_852 : vector<16xf32> to vector<1x16xf32>
      tpu.vector_store %arg10[%swap3A_853, %swap3A_854], %swap3A_857 {add = true, strides = array<i32>} : memref<200x128xf32, #tpu.memory_space<vmem>>, vector<1x16xf32>,
      %get3A_858 = arith.index_cast %scan3A_832 : i32 to index
      %get3A_859 = arith.constant 48 : index
      %get3A_860 = tpu.vector_load %arg7[%get3A_858, %get3A_859] {strides = array<i32>} : memref<200x64xf32, #tpu.memory_space<vmem>>, vector<1x16xf32>,
      %get3A_861 = vector.shape_cast %get3A_860 : vector<1x16xf32> to vector<16xf32>
      %swap3A_862 = arith.index_cast %scan3A_832 : i32 to index
      %swap3A_863 = arith.constant 48 : index
      %swap3A_864 = tpu.vector_load %arg10[%swap3A_862, %swap3A_863] {strides = array<i32>} : memref<200x128xf32, #tpu.memory_space<vmem>>, vector<1x16xf32>,
      %swap3A_865 = vector.shape_cast %swap3A_864 : vector<1x16xf32> to vector<16xf32>
      %swap3A_866 = vector.shape_cast %get3A_861 : vector<16xf32> to vector<1x16xf32>
      tpu.vector_store %arg10[%swap3A_862, %swap3A_863], %swap3A_866 {add = true, strides = array<i32>} : memref<200x128xf32, #tpu.memory_space<vmem>>, vector<1x16xf32>,
      %scan3A_867 = arith.constant 1 : i32
      %scan3A_868 = arith.addi %scan3A_832, %scan3A_867 : i32
      %get3A_869 = arith.index_cast %scan3A_868 : i32 to index
      %get3A_870 = arith.constant 0 : index
      %get3A_871 = tpu.vector_load %arg7[%get3A_869, %get3A_870] {strides = array<i32>} : memref<200x64xf32, #tpu.memory_space<vmem>>, vector<1x16xf32>,
      %get3A_872 = vector.shape_cast %get3A_871 : vector<1x16xf32> to vector<16xf32>
      %swap3A_873 = arith.index_cast %scan3A_868 : i32 to index
      %swap3A_874 = arith.constant 0 : index
      %swap3A_875 = tpu.vector_load %arg10[%swap3A_873, %swap3A_874] {strides = array<i32>} : memref<200x128xf32, #tpu.memory_space<vmem>>, vector<1x16xf32>,
      %swap3A_876 = vector.shape_cast %swap3A_875 : vector<1x16xf32> to vector<16xf32>
      %swap3A_877 = vector.shape_cast %get3A_872 : vector<16xf32> to vector<1x16xf32>
      tpu.vector_store %arg10[%swap3A_873, %swap3A_874], %swap3A_877 {add = true, strides = array<i32>} : memref<200x128xf32, #tpu.memory_space<vmem>>, vector<1x16xf32>,
      %get3A_878 = arith.index_cast %scan3A_868 : i32 to index
      %get3A_879 = arith.constant 16 : index
      %get3A_880 = tpu.vector_load %arg7[%get3A_878, %get3A_879] {strides = array<i32>} : memref<200x64xf32, #tpu.memory_space<vmem>>, vector<1x16xf32>,
      %get3A_881 = vector.shape_cast %get3A_880 : vector<1x16xf32> to vector<16xf32>
      %swap3A_882 = arith.index_cast %scan3A_868 : i32 to index
      %swap3A_883 = arith.constant 16 : index
      %swap3A_884 = tpu.vector_load %arg10[%swap3A_882, %swap3A_883] {strides = array<i32>} : memref<200x128xf32, #tpu.memory_space<vmem>>, vector<1x16xf32>,
      %swap3A_885 = vector.shape_cast %swap3A_884 : vector<1x16xf32> to vector<16xf32>
      %swap3A_886 = vector.shape_cast %get3A_881 : vector<16xf32> to vector<1x16xf32>
      tpu.vector_store %arg10[%swap3A_882, %swap3A_883], %swap3A_886 {add = true, strides = array<i32>} : memref<200x128xf32, #tpu.memory_space<vmem>>, vector<1x16xf32>,
      %get3A_887 = arith.index_cast %scan3A_868 : i32 to index
      %get3A_888 = arith.constant 32 : index
      %get3A_889 = tpu.vector_load %arg7[%get3A_887, %get3A_888] {strides = array<i32>} : memref<200x64xf32, #tpu.memory_space<vmem>>, vector<1x16xf32>,
      %get3A_890 = vector.shape_cast %get3A_889 : vector<1x16xf32> to vector<16xf32>
      %swap3A_891 = arith.index_cast %scan3A_868 : i32 to index
      %swap3A_892 = arith.constant 32 : index
      %swap3A_893 = tpu.vector_load %arg10[%swap3A_891, %swap3A_892] {strides = array<i32>} : memref<200x128xf32, #tpu.memory_space<vmem>>, vector<1x16xf32>,
      %swap3A_894 = vector.shape_cast %swap3A_893 : vector<1x16xf32> to vector<16xf32>
      %swap3A_895 = vector.shape_cast %get3A_890 : vector<16xf32> to vector<1x16xf32>
      tpu.vector_store %arg10[%swap3A_891, %swap3A_892], %swap3A_895 {add = true, strides = array<i32>} : memref<200x128xf32, #tpu.memory_space<vmem>>, vector<1x16xf32>,
      %get3A_896 = arith.index_cast %scan3A_868 : i32 to index
      %get3A_897 = arith.constant 48 : index
      %get3A_898 = tpu.vector_load %arg7[%get3A_896, %get3A_897] {strides = array<i32>} : memref<200x64xf32, #tpu.memory_space<vmem>>, vector<1x16xf32>,
      %get3A_899 = vector.shape_cast %get3A_898 : vector<1x16xf32> to vector<16xf32>
      %swap3A_900 = arith.index_cast %scan3A_868 : i32 to index
      %swap3A_901 = arith.constant 48 : index
      %swap3A_902 = tpu.vector_load %arg10[%swap3A_900, %swap3A_901] {strides = array<i32>} : memref<200x128xf32, #tpu.memory_space<vmem>>, vector<1x16xf32>,
      %swap3A_903 = vector.shape_cast %swap3A_902 : vector<1x16xf32> to vector<16xf32>
      %swap3A_904 = vector.shape_cast %get3A_899 : vector<16xf32> to vector<1x16xf32>
      tpu.vector_store %arg10[%swap3A_900, %swap3A_901], %swap3A_904 {add = true, strides = array<i32>} : memref<200x128xf32, #tpu.memory_space<vmem>>, vector<1x16xf32>,
    }
    %scan3A_701 = arith.constant 200 : i32
    %add3A_702 = arith.constant 5200 : i32
    %add3A_703 = arith.addi %mul3A_2, %add3A_702 : i32
    %dma_start3A_704 = arith.constant 0 : i32
    %dma_start3A_705 = tpu.memref_slice %arg5[%add3A_703, %dma_start3A_704] : memref<204800x128xf32, #tpu.memory_space<hbm>> -> memref<200x128xf32, #tpu.memory_space<hbm>>
    %dma_start3A_706 = arith.constant 0 : i32
    %dma_start3A_707 = tpu.memref_slice %arg5[%add3A_703, %dma_start3A_706] : memref<204800x128xf32, #tpu.memory_space<hbm>> -> memref<200x128xf32, #tpu.memory_space<hbm>>
    tpu.enqueue_dma source(%arg10 : memref<200x128xf32, #tpu.memory_space<vmem>>) target(%dma_start3A_707 : memref<200x128xf32, #tpu.memory_space<hbm>>) target_semaphore(%arg16 : memref<!tpu.dma_semaphore, #tpu.memory_space<semaphore_mem>>)
    %dma_wait3A_708 = arith.constant 0 : i32
    %dma_wait3A_709 = tpu.memref_slice %arg5[%add3A_703, %dma_wait3A_708] : memref<204800x128xf32, #tpu.memory_space<hbm>> -> memref<200x128xf32, #tpu.memory_space<hbm>>
    %dma_wait3A_710 = arith.constant 0 : i32
    %dma_wait3A_711 = tpu.memref_slice %arg5[%add3A_703, %dma_wait3A_710] : memref<204800x128xf32, #tpu.memory_space<hbm>> -> memref<200x128xf32, #tpu.memory_space<hbm>>
    tpu.wait_dma2 semaphore(%arg16 : memref<!tpu.dma_semaphore, #tpu.memory_space<semaphore_mem>>) src(%arg10 : memref<200x128xf32, #tpu.memory_space<vmem>>) dst(%dma_wait3A_711 : memref<200x128xf32, #tpu.memory_space<hbm>>)
    %dma_start3A_712 = arith.constant 5800 : i32
    %dma_start3A_713 = tpu.memref_slice %arg6[%dma_start3A_712] : memref<6400xi32, #tpu.memory_space<vmem>> -> memref<200xi32, #tpu.memory_space<vmem>>
    %dma_start3A_714 = arith.constant 0 : i32
    %dma_start3A_715 = arith.constant 0 : i32
    %dma_start3A_716 = tpu.memref_slice %arg2[%dma_start3A_714, %dma_start3A_715] : memref<1000000x128xf32, #tpu.memory_space<hbm>> -> memref<1000000x128xf32, #tpu.memory_space<hbm>>
    tpu.enqueue_indirect_dma source(%dma_start3A_716 : memref<1000000x128xf32, #tpu.memory_space<hbm>>) target(%arg10 : memref<200x128xf32, #tpu.memory_space<vmem>>) offsets(%dma_start3A_713 : memref<200xi32, #tpu.memory_space<vmem>>) semaphore(%arg13 : memref<!tpu.dma_semaphore, #tpu.memory_space<semaphore_mem>>)
    %dma_wait3A_717 = arith.constant 5400 : i32
    %dma_wait3A_718 = tpu.memref_slice %arg6[%dma_wait3A_717] : memref<6400xi32, #tpu.memory_space<vmem>> -> memref<200xi32, #tpu.memory_space<vmem>>
    %dma_wait3A_719 = arith.constant 0 : i32
    %dma_wait3A_720 = arith.constant 0 : i32
    %dma_wait3A_721 = tpu.memref_slice %arg2[%dma_wait3A_719, %dma_wait3A_720] : memref<1000000x128xf32, #tpu.memory_space<hbm>> -> memref<1000000x128xf32, #tpu.memory_space<hbm>>
    tpu.wait_indirect_dma semaphore(%arg11 : memref<!tpu.dma_semaphore, #tpu.memory_space<semaphore_mem>>) src(%dma_wait3A_721 : memref<1000000x128xf32, #tpu.memory_space<hbm>>) dst(%arg8 : memref<200x128xf32, #tpu.memory_space<vmem>>)
    %scan3A_722 = arith.constant 0 : i32
    %scan3A_723 = arith.constant 0 : i32
    %scan3A_724 = arith.constant 200 : i32
    %scan3A_725 = arith.addi %scan3A_723, %scan3A_724 : i32
    %scan3A_726 = arith.constant 2 : i32
    scf.for %scan3A_832 = %scan3A_723 to %scan3A_725 step %scan3A_726  : i32 {
      %get3A = arith.index_cast %scan3A_832 : i32 to index
      %get3A_833 = arith.constant 0 : index
      %get3A_834 = tpu.vector_load %arg7[%get3A, %get3A_833] {strides = array<i32>} : memref<200x64xf32, #tpu.memory_space<vmem>>, vector<1x16xf32>,
      %get3A_835 = vector.shape_cast %get3A_834 : vector<1x16xf32> to vector<16xf32>
      %swap3A = arith.index_cast %scan3A_832 : i32 to index
      %swap3A_836 = arith.constant 0 : index
      %swap3A_837 = tpu.vector_load %arg8[%swap3A, %swap3A_836] {strides = array<i32>} : memref<200x128xf32, #tpu.memory_space<vmem>>, vector<1x16xf32>,
      %swap3A_838 = vector.shape_cast %swap3A_837 : vector<1x16xf32> to vector<16xf32>
      %swap3A_839 = vector.shape_cast %get3A_835 : vector<16xf32> to vector<1x16xf32>
      tpu.vector_store %arg8[%swap3A, %swap3A_836], %swap3A_839 {add = true, strides = array<i32>} : memref<200x128xf32, #tpu.memory_space<vmem>>, vector<1x16xf32>,
      %get3A_840 = arith.index_cast %scan3A_832 : i32 to index
      %get3A_841 = arith.constant 16 : index
      %get3A_842 = tpu.vector_load %arg7[%get3A_840, %get3A_841] {strides = array<i32>} : memref<200x64xf32, #tpu.memory_space<vmem>>, vector<1x16xf32>,
      %get3A_843 = vector.shape_cast %get3A_842 : vector<1x16xf32> to vector<16xf32>
      %swap3A_844 = arith.index_cast %scan3A_832 : i32 to index
      %swap3A_845 = arith.constant 16 : index
      %swap3A_846 = tpu.vector_load %arg8[%swap3A_844, %swap3A_845] {strides = array<i32>} : memref<200x128xf32, #tpu.memory_space<vmem>>, vector<1x16xf32>,
      %swap3A_847 = vector.shape_cast %swap3A_846 : vector<1x16xf32> to vector<16xf32>
      %swap3A_848 = vector.shape_cast %get3A_843 : vector<16xf32> to vector<1x16xf32>
      tpu.vector_store %arg8[%swap3A_844, %swap3A_845], %swap3A_848 {add = true, strides = array<i32>} : memref<200x128xf32, #tpu.memory_space<vmem>>, vector<1x16xf32>,
      %get3A_849 = arith.index_cast %scan3A_832 : i32 to index
      %get3A_850 = arith.constant 32 : index
      %get3A_851 = tpu.vector_load %arg7[%get3A_849, %get3A_850] {strides = array<i32>} : memref<200x64xf32, #tpu.memory_space<vmem>>, vector<1x16xf32>,
      %get3A_852 = vector.shape_cast %get3A_851 : vector<1x16xf32> to vector<16xf32>
      %swap3A_853 = arith.index_cast %scan3A_832 : i32 to index
      %swap3A_854 = arith.constant 32 : index
      %swap3A_855 = tpu.vector_load %arg8[%swap3A_853, %swap3A_854] {strides = array<i32>} : memref<200x128xf32, #tpu.memory_space<vmem>>, vector<1x16xf32>,
      %swap3A_856 = vector.shape_cast %swap3A_855 : vector<1x16xf32> to vector<16xf32>
      %swap3A_857 = vector.shape_cast %get3A_852 : vector<16xf32> to vector<1x16xf32>
      tpu.vector_store %arg8[%swap3A_853, %swap3A_854], %swap3A_857 {add = true, strides = array<i32>} : memref<200x128xf32, #tpu.memory_space<vmem>>, vector<1x16xf32>,
      %get3A_858 = arith.index_cast %scan3A_832 : i32 to index
      %get3A_859 = arith.constant 48 : index
      %get3A_860 = tpu.vector_load %arg7[%get3A_858, %get3A_859] {strides = array<i32>} : memref<200x64xf32, #tpu.memory_space<vmem>>, vector<1x16xf32>,
      %get3A_861 = vector.shape_cast %get3A_860 : vector<1x16xf32> to vector<16xf32>
      %swap3A_862 = arith.index_cast %scan3A_832 : i32 to index
      %swap3A_863 = arith.constant 48 : index
      %swap3A_864 = tpu.vector_load %arg8[%swap3A_862, %swap3A_863] {strides = array<i32>} : memref<200x128xf32, #tpu.memory_space<vmem>>, vector<1x16xf32>,
      %swap3A_865 = vector.shape_cast %swap3A_864 : vector<1x16xf32> to vector<16xf32>
      %swap3A_866 = vector.shape_cast %get3A_861 : vector<16xf32> to vector<1x16xf32>
      tpu.vector_store %arg8[%swap3A_862, %swap3A_863], %swap3A_866 {add = true, strides = array<i32>} : memref<200x128xf32, #tpu.memory_space<vmem>>, vector<1x16xf32>,
      %scan3A_867 = arith.constant 1 : i32
      %scan3A_868 = arith.addi %scan3A_832, %scan3A_867 : i32
      %get3A_869 = arith.index_cast %scan3A_868 : i32 to index
      %get3A_870 = arith.constant 0 : index
      %get3A_871 = tpu.vector_load %arg7[%get3A_869, %get3A_870] {strides = array<i32>} : memref<200x64xf32, #tpu.memory_space<vmem>>, vector<1x16xf32>,
      %get3A_872 = vector.shape_cast %get3A_871 : vector<1x16xf32> to vector<16xf32>
      %swap3A_873 = arith.index_cast %scan3A_868 : i32 to index
      %swap3A_874 = arith.constant 0 : index
      %swap3A_875 = tpu.vector_load %arg8[%swap3A_873, %swap3A_874] {strides = array<i32>} : memref<200x128xf32, #tpu.memory_space<vmem>>, vector<1x16xf32>,
      %swap3A_876 = vector.shape_cast %swap3A_875 : vector<1x16xf32> to vector<16xf32>
      %swap3A_877 = vector.shape_cast %get3A_872 : vector<16xf32> to vector<1x16xf32>
      tpu.vector_store %arg8[%swap3A_873, %swap3A_874], %swap3A_877 {add = true, strides = array<i32>} : memref<200x128xf32, #tpu.memory_space<vmem>>, vector<1x16xf32>,
      %get3A_878 = arith.index_cast %scan3A_868 : i32 to index
      %get3A_879 = arith.constant 16 : index
      %get3A_880 = tpu.vector_load %arg7[%get3A_878, %get3A_879] {strides = array<i32>} : memref<200x64xf32, #tpu.memory_space<vmem>>, vector<1x16xf32>,
      %get3A_881 = vector.shape_cast %get3A_880 : vector<1x16xf32> to vector<16xf32>
      %swap3A_882 = arith.index_cast %scan3A_868 : i32 to index
      %swap3A_883 = arith.constant 16 : index
      %swap3A_884 = tpu.vector_load %arg8[%swap3A_882, %swap3A_883] {strides = array<i32>} : memref<200x128xf32, #tpu.memory_space<vmem>>, vector<1x16xf32>,
      %swap3A_885 = vector.shape_cast %swap3A_884 : vector<1x16xf32> to vector<16xf32>
      %swap3A_886 = vector.shape_cast %get3A_881 : vector<16xf32> to vector<1x16xf32>
      tpu.vector_store %arg8[%swap3A_882, %swap3A_883], %swap3A_886 {add = true, strides = array<i32>} : memref<200x128xf32, #tpu.memory_space<vmem>>, vector<1x16xf32>,
      %get3A_887 = arith.index_cast %scan3A_868 : i32 to index
      %get3A_888 = arith.constant 32 : index
      %get3A_889 = tpu.vector_load %arg7[%get3A_887, %get3A_888] {strides = array<i32>} : memref<200x64xf32, #tpu.memory_space<vmem>>, vector<1x16xf32>,
      %get3A_890 = vector.shape_cast %get3A_889 : vector<1x16xf32> to vector<16xf32>
      %swap3A_891 = arith.index_cast %scan3A_868 : i32 to index
      %swap3A_892 = arith.constant 32 : index
      %swap3A_893 = tpu.vector_load %arg8[%swap3A_891, %swap3A_892] {strides = array<i32>} : memref<200x128xf32, #tpu.memory_space<vmem>>, vector<1x16xf32>,
      %swap3A_894 = vector.shape_cast %swap3A_893 : vector<1x16xf32> to vector<16xf32>
      %swap3A_895 = vector.shape_cast %get3A_890 : vector<16xf32> to vector<1x16xf32>
      tpu.vector_store %arg8[%swap3A_891, %swap3A_892], %swap3A_895 {add = true, strides = array<i32>} : memref<200x128xf32, #tpu.memory_space<vmem>>, vector<1x16xf32>,
      %get3A_896 = arith.index_cast %scan3A_868 : i32 to index
      %get3A_897 = arith.constant 48 : index
      %get3A_898 = tpu.vector_load %arg7[%get3A_896, %get3A_897] {strides = array<i32>} : memref<200x64xf32, #tpu.memory_space<vmem>>, vector<1x16xf32>,
      %get3A_899 = vector.shape_cast %get3A_898 : vector<1x16xf32> to vector<16xf32>
      %swap3A_900 = arith.index_cast %scan3A_868 : i32 to index
      %swap3A_901 = arith.constant 48 : index
      %swap3A_902 = tpu.vector_load %arg8[%swap3A_900, %swap3A_901] {strides = array<i32>} : memref<200x128xf32, #tpu.memory_space<vmem>>, vector<1x16xf32>,
      %swap3A_903 = vector.shape_cast %swap3A_902 : vector<1x16xf32> to vector<16xf32>
      %swap3A_904 = vector.shape_cast %get3A_899 : vector<16xf32> to vector<1x16xf32>
      tpu.vector_store %arg8[%swap3A_900, %swap3A_901], %swap3A_904 {add = true, strides = array<i32>} : memref<200x128xf32, #tpu.memory_space<vmem>>, vector<1x16xf32>,
    }
    %scan3A_727 = arith.constant 200 : i32
    %add3A_728 = arith.constant 5400 : i32
    %add3A_729 = arith.addi %mul3A_2, %add3A_728 : i32
    %dma_start3A_730 = arith.constant 0 : i32
    %dma_start3A_731 = tpu.memref_slice %arg5[%add3A_729, %dma_start3A_730] : memref<204800x128xf32, #tpu.memory_space<hbm>> -> memref<200x128xf32, #tpu.memory_space<hbm>>
    %dma_start3A_732 = arith.constant 0 : i32
    %dma_start3A_733 = tpu.memref_slice %arg5[%add3A_729, %dma_start3A_732] : memref<204800x128xf32, #tpu.memory_space<hbm>> -> memref<200x128xf32, #tpu.memory_space<hbm>>
    tpu.enqueue_dma source(%arg8 : memref<200x128xf32, #tpu.memory_space<vmem>>) target(%dma_start3A_733 : memref<200x128xf32, #tpu.memory_space<hbm>>) target_semaphore(%arg14 : memref<!tpu.dma_semaphore, #tpu.memory_space<semaphore_mem>>)
    %dma_wait3A_734 = arith.constant 0 : i32
    %dma_wait3A_735 = tpu.memref_slice %arg5[%add3A_729, %dma_wait3A_734] : memref<204800x128xf32, #tpu.memory_space<hbm>> -> memref<200x128xf32, #tpu.memory_space<hbm>>
    %dma_wait3A_736 = arith.constant 0 : i32
    %dma_wait3A_737 = tpu.memref_slice %arg5[%add3A_729, %dma_wait3A_736] : memref<204800x128xf32, #tpu.memory_space<hbm>> -> memref<200x128xf32, #tpu.memory_space<hbm>>
    tpu.wait_dma2 semaphore(%arg14 : memref<!tpu.dma_semaphore, #tpu.memory_space<semaphore_mem>>) src(%arg8 : memref<200x128xf32, #tpu.memory_space<vmem>>) dst(%dma_wait3A_737 : memref<200x128xf32, #tpu.memory_space<hbm>>)
    %dma_start3A_738 = arith.constant 6000 : i32
    %dma_start3A_739 = tpu.memref_slice %arg6[%dma_start3A_738] : memref<6400xi32, #tpu.memory_space<vmem>> -> memref<200xi32, #tpu.memory_space<vmem>>
    %dma_start3A_740 = arith.constant 0 : i32
    %dma_start3A_741 = arith.constant 0 : i32
    %dma_start3A_742 = tpu.memref_slice %arg2[%dma_start3A_740, %dma_start3A_741] : memref<1000000x128xf32, #tpu.memory_space<hbm>> -> memref<1000000x128xf32, #tpu.memory_space<hbm>>
    tpu.enqueue_indirect_dma source(%dma_start3A_742 : memref<1000000x128xf32, #tpu.memory_space<hbm>>) target(%arg8 : memref<200x128xf32, #tpu.memory_space<vmem>>) offsets(%dma_start3A_739 : memref<200xi32, #tpu.memory_space<vmem>>) semaphore(%arg11 : memref<!tpu.dma_semaphore, #tpu.memory_space<semaphore_mem>>)
    %dma_wait3A_743 = arith.constant 5600 : i32
    %dma_wait3A_744 = tpu.memref_slice %arg6[%dma_wait3A_743] : memref<6400xi32, #tpu.memory_space<vmem>> -> memref<200xi32, #tpu.memory_space<vmem>>
    %dma_wait3A_745 = arith.constant 0 : i32
    %dma_wait3A_746 = arith.constant 0 : i32
    %dma_wait3A_747 = tpu.memref_slice %arg2[%dma_wait3A_745, %dma_wait3A_746] : memref<1000000x128xf32, #tpu.memory_space<hbm>> -> memref<1000000x128xf32, #tpu.memory_space<hbm>>
    tpu.wait_indirect_dma semaphore(%arg12 : memref<!tpu.dma_semaphore, #tpu.memory_space<semaphore_mem>>) src(%dma_wait3A_747 : memref<1000000x128xf32, #tpu.memory_space<hbm>>) dst(%arg9 : memref<200x128xf32, #tpu.memory_space<vmem>>)
    %scan3A_748 = arith.constant 0 : i32
    %scan3A_749 = arith.constant 0 : i32
    %scan3A_750 = arith.constant 200 : i32
    %scan3A_751 = arith.addi %scan3A_749, %scan3A_750 : i32
    %scan3A_752 = arith.constant 2 : i32
    scf.for %scan3A_832 = %scan3A_749 to %scan3A_751 step %scan3A_752  : i32 {
      %get3A = arith.index_cast %scan3A_832 : i32 to index
      %get3A_833 = arith.constant 0 : index
      %get3A_834 = tpu.vector_load %arg7[%get3A, %get3A_833] {strides = array<i32>} : memref<200x64xf32, #tpu.memory_space<vmem>>, vector<1x16xf32>,
      %get3A_835 = vector.shape_cast %get3A_834 : vector<1x16xf32> to vector<16xf32>
      %swap3A = arith.index_cast %scan3A_832 : i32 to index
      %swap3A_836 = arith.constant 0 : index
      %swap3A_837 = tpu.vector_load %arg9[%swap3A, %swap3A_836] {strides = array<i32>} : memref<200x128xf32, #tpu.memory_space<vmem>>, vector<1x16xf32>,
      %swap3A_838 = vector.shape_cast %swap3A_837 : vector<1x16xf32> to vector<16xf32>
      %swap3A_839 = vector.shape_cast %get3A_835 : vector<16xf32> to vector<1x16xf32>
      tpu.vector_store %arg9[%swap3A, %swap3A_836], %swap3A_839 {add = true, strides = array<i32>} : memref<200x128xf32, #tpu.memory_space<vmem>>, vector<1x16xf32>,
      %get3A_840 = arith.index_cast %scan3A_832 : i32 to index
      %get3A_841 = arith.constant 16 : index
      %get3A_842 = tpu.vector_load %arg7[%get3A_840, %get3A_841] {strides = array<i32>} : memref<200x64xf32, #tpu.memory_space<vmem>>, vector<1x16xf32>,
      %get3A_843 = vector.shape_cast %get3A_842 : vector<1x16xf32> to vector<16xf32>
      %swap3A_844 = arith.index_cast %scan3A_832 : i32 to index
      %swap3A_845 = arith.constant 16 : index
      %swap3A_846 = tpu.vector_load %arg9[%swap3A_844, %swap3A_845] {strides = array<i32>} : memref<200x128xf32, #tpu.memory_space<vmem>>, vector<1x16xf32>,
      %swap3A_847 = vector.shape_cast %swap3A_846 : vector<1x16xf32> to vector<16xf32>
      %swap3A_848 = vector.shape_cast %get3A_843 : vector<16xf32> to vector<1x16xf32>
      tpu.vector_store %arg9[%swap3A_844, %swap3A_845], %swap3A_848 {add = true, strides = array<i32>} : memref<200x128xf32, #tpu.memory_space<vmem>>, vector<1x16xf32>,
      %get3A_849 = arith.index_cast %scan3A_832 : i32 to index
      %get3A_850 = arith.constant 32 : index
      %get3A_851 = tpu.vector_load %arg7[%get3A_849, %get3A_850] {strides = array<i32>} : memref<200x64xf32, #tpu.memory_space<vmem>>, vector<1x16xf32>,
      %get3A_852 = vector.shape_cast %get3A_851 : vector<1x16xf32> to vector<16xf32>
      %swap3A_853 = arith.index_cast %scan3A_832 : i32 to index
      %swap3A_854 = arith.constant 32 : index
      %swap3A_855 = tpu.vector_load %arg9[%swap3A_853, %swap3A_854] {strides = array<i32>} : memref<200x128xf32, #tpu.memory_space<vmem>>, vector<1x16xf32>,
      %swap3A_856 = vector.shape_cast %swap3A_855 : vector<1x16xf32> to vector<16xf32>
      %swap3A_857 = vector.shape_cast %get3A_852 : vector<16xf32> to vector<1x16xf32>
      tpu.vector_store %arg9[%swap3A_853, %swap3A_854], %swap3A_857 {add = true, strides = array<i32>} : memref<200x128xf32, #tpu.memory_space<vmem>>, vector<1x16xf32>,
      %get3A_858 = arith.index_cast %scan3A_832 : i32 to index
      %get3A_859 = arith.constant 48 : index
      %get3A_860 = tpu.vector_load %arg7[%get3A_858, %get3A_859] {strides = array<i32>} : memref<200x64xf32, #tpu.memory_space<vmem>>, vector<1x16xf32>,
      %get3A_861 = vector.shape_cast %get3A_860 : vector<1x16xf32> to vector<16xf32>
      %swap3A_862 = arith.index_cast %scan3A_832 : i32 to index
      %swap3A_863 = arith.constant 48 : index
      %swap3A_864 = tpu.vector_load %arg9[%swap3A_862, %swap3A_863] {strides = array<i32>} : memref<200x128xf32, #tpu.memory_space<vmem>>, vector<1x16xf32>,
      %swap3A_865 = vector.shape_cast %swap3A_864 : vector<1x16xf32> to vector<16xf32>
      %swap3A_866 = vector.shape_cast %get3A_861 : vector<16xf32> to vector<1x16xf32>
      tpu.vector_store %arg9[%swap3A_862, %swap3A_863], %swap3A_866 {add = true, strides = array<i32>} : memref<200x128xf32, #tpu.memory_space<vmem>>, vector<1x16xf32>,
      %scan3A_867 = arith.constant 1 : i32
      %scan3A_868 = arith.addi %scan3A_832, %scan3A_867 : i32
      %get3A_869 = arith.index_cast %scan3A_868 : i32 to index
      %get3A_870 = arith.constant 0 : index
      %get3A_871 = tpu.vector_load %arg7[%get3A_869, %get3A_870] {strides = array<i32>} : memref<200x64xf32, #tpu.memory_space<vmem>>, vector<1x16xf32>,
      %get3A_872 = vector.shape_cast %get3A_871 : vector<1x16xf32> to vector<16xf32>
      %swap3A_873 = arith.index_cast %scan3A_868 : i32 to index
      %swap3A_874 = arith.constant 0 : index
      %swap3A_875 = tpu.vector_load %arg9[%swap3A_873, %swap3A_874] {strides = array<i32>} : memref<200x128xf32, #tpu.memory_space<vmem>>, vector<1x16xf32>,
      %swap3A_876 = vector.shape_cast %swap3A_875 : vector<1x16xf32> to vector<16xf32>
      %swap3A_877 = vector.shape_cast %get3A_872 : vector<16xf32> to vector<1x16xf32>
      tpu.vector_store %arg9[%swap3A_873, %swap3A_874], %swap3A_877 {add = true, strides = array<i32>} : memref<200x128xf32, #tpu.memory_space<vmem>>, vector<1x16xf32>,
      %get3A_878 = arith.index_cast %scan3A_868 : i32 to index
      %get3A_879 = arith.constant 16 : index
      %get3A_880 = tpu.vector_load %arg7[%get3A_878, %get3A_879] {strides = array<i32>} : memref<200x64xf32, #tpu.memory_space<vmem>>, vector<1x16xf32>,
      %get3A_881 = vector.shape_cast %get3A_880 : vector<1x16xf32> to vector<16xf32>
      %swap3A_882 = arith.index_cast %scan3A_868 : i32 to index
      %swap3A_883 = arith.constant 16 : index
      %swap3A_884 = tpu.vector_load %arg9[%swap3A_882, %swap3A_883] {strides = array<i32>} : memref<200x128xf32, #tpu.memory_space<vmem>>, vector<1x16xf32>,
      %swap3A_885 = vector.shape_cast %swap3A_884 : vector<1x16xf32> to vector<16xf32>
      %swap3A_886 = vector.shape_cast %get3A_881 : vector<16xf32> to vector<1x16xf32>
      tpu.vector_store %arg9[%swap3A_882, %swap3A_883], %swap3A_886 {add = true, strides = array<i32>} : memref<200x128xf32, #tpu.memory_space<vmem>>, vector<1x16xf32>,
      %get3A_887 = arith.index_cast %scan3A_868 : i32 to index
      %get3A_888 = arith.constant 32 : index
      %get3A_889 = tpu.vector_load %arg7[%get3A_887, %get3A_888] {strides = array<i32>} : memref<200x64xf32, #tpu.memory_space<vmem>>, vector<1x16xf32>,
      %get3A_890 = vector.shape_cast %get3A_889 : vector<1x16xf32> to vector<16xf32>
      %swap3A_891 = arith.index_cast %scan3A_868 : i32 to index
      %swap3A_892 = arith.constant 32 : index
      %swap3A_893 = tpu.vector_load %arg9[%swap3A_891, %swap3A_892] {strides = array<i32>} : memref<200x128xf32, #tpu.memory_space<vmem>>, vector<1x16xf32>,
      %swap3A_894 = vector.shape_cast %swap3A_893 : vector<1x16xf32> to vector<16xf32>
      %swap3A_895 = vector.shape_cast %get3A_890 : vector<16xf32> to vector<1x16xf32>
      tpu.vector_store %arg9[%swap3A_891, %swap3A_892], %swap3A_895 {add = true, strides = array<i32>} : memref<200x128xf32, #tpu.memory_space<vmem>>, vector<1x16xf32>,
      %get3A_896 = arith.index_cast %scan3A_868 : i32 to index
      %get3A_897 = arith.constant 48 : index
      %get3A_898 = tpu.vector_load %arg7[%get3A_896, %get3A_897] {strides = array<i32>} : memref<200x64xf32, #tpu.memory_space<vmem>>, vector<1x16xf32>,
      %get3A_899 = vector.shape_cast %get3A_898 : vector<1x16xf32> to vector<16xf32>
      %swap3A_900 = arith.index_cast %scan3A_868 : i32 to index
      %swap3A_901 = arith.constant 48 : index
      %swap3A_902 = tpu.vector_load %arg9[%swap3A_900, %swap3A_901] {strides = array<i32>} : memref<200x128xf32, #tpu.memory_space<vmem>>, vector<1x16xf32>,
      %swap3A_903 = vector.shape_cast %swap3A_902 : vector<1x16xf32> to vector<16xf32>
      %swap3A_904 = vector.shape_cast %get3A_899 : vector<16xf32> to vector<1x16xf32>
      tpu.vector_store %arg9[%swap3A_900, %swap3A_901], %swap3A_904 {add = true, strides = array<i32>} : memref<200x128xf32, #tpu.memory_space<vmem>>, vector<1x16xf32>,
    }
    %scan3A_753 = arith.constant 200 : i32
    %add3A_754 = arith.constant 5600 : i32
    %add3A_755 = arith.addi %mul3A_2, %add3A_754 : i32
    %dma_start3A_756 = arith.constant 0 : i32
    %dma_start3A_757 = tpu.memref_slice %arg5[%add3A_755, %dma_start3A_756] : memref<204800x128xf32, #tpu.memory_space<hbm>> -> memref<200x128xf32, #tpu.memory_space<hbm>>
    %dma_start3A_758 = arith.constant 0 : i32
    %dma_start3A_759 = tpu.memref_slice %arg5[%add3A_755, %dma_start3A_758] : memref<204800x128xf32, #tpu.memory_space<hbm>> -> memref<200x128xf32, #tpu.memory_space<hbm>>
    tpu.enqueue_dma source(%arg9 : memref<200x128xf32, #tpu.memory_space<vmem>>) target(%dma_start3A_759 : memref<200x128xf32, #tpu.memory_space<hbm>>) target_semaphore(%arg15 : memref<!tpu.dma_semaphore, #tpu.memory_space<semaphore_mem>>)
    %dma_wait3A_760 = arith.constant 0 : i32
    %dma_wait3A_761 = tpu.memref_slice %arg5[%add3A_755, %dma_wait3A_760] : memref<204800x128xf32, #tpu.memory_space<hbm>> -> memref<200x128xf32, #tpu.memory_space<hbm>>
    %dma_wait3A_762 = arith.constant 0 : i32
    %dma_wait3A_763 = tpu.memref_slice %arg5[%add3A_755, %dma_wait3A_762] : memref<204800x128xf32, #tpu.memory_space<hbm>> -> memref<200x128xf32, #tpu.memory_space<hbm>>
    tpu.wait_dma2 semaphore(%arg15 : memref<!tpu.dma_semaphore, #tpu.memory_space<semaphore_mem>>) src(%arg9 : memref<200x128xf32, #tpu.memory_space<vmem>>) dst(%dma_wait3A_763 : memref<200x128xf32, #tpu.memory_space<hbm>>)
    %dma_start3A_764 = arith.constant 6200 : i32
    %dma_start3A_765 = tpu.memref_slice %arg6[%dma_start3A_764] : memref<6400xi32, #tpu.memory_space<vmem>> -> memref<200xi32, #tpu.memory_space<vmem>>
    %dma_start3A_766 = arith.constant 0 : i32
    %dma_start3A_767 = arith.constant 0 : i32
    %dma_start3A_768 = tpu.memref_slice %arg2[%dma_start3A_766, %dma_start3A_767] : memref<1000000x128xf32, #tpu.memory_space<hbm>> -> memref<1000000x128xf32, #tpu.memory_space<hbm>>
    tpu.enqueue_indirect_dma source(%dma_start3A_768 : memref<1000000x128xf32, #tpu.memory_space<hbm>>) target(%arg9 : memref<200x128xf32, #tpu.memory_space<vmem>>) offsets(%dma_start3A_765 : memref<200xi32, #tpu.memory_space<vmem>>) semaphore(%arg12 : memref<!tpu.dma_semaphore, #tpu.memory_space<semaphore_mem>>)
    %dma_wait3A_769 = arith.constant 5800 : i32
    %dma_wait3A_770 = tpu.memref_slice %arg6[%dma_wait3A_769] : memref<6400xi32, #tpu.memory_space<vmem>> -> memref<200xi32, #tpu.memory_space<vmem>>
    %dma_wait3A_771 = arith.constant 0 : i32
    %dma_wait3A_772 = arith.constant 0 : i32
    %dma_wait3A_773 = tpu.memref_slice %arg2[%dma_wait3A_771, %dma_wait3A_772] : memref<1000000x128xf32, #tpu.memory_space<hbm>> -> memref<1000000x128xf32, #tpu.memory_space<hbm>>
    tpu.wait_indirect_dma semaphore(%arg13 : memref<!tpu.dma_semaphore, #tpu.memory_space<semaphore_mem>>) src(%dma_wait3A_773 : memref<1000000x128xf32, #tpu.memory_space<hbm>>) dst(%arg10 : memref<200x128xf32, #tpu.memory_space<vmem>>)
    %scan3A_774 = arith.constant 0 : i32
    %scan3A_775 = arith.constant 0 : i32
    %scan3A_776 = arith.constant 200 : i32
    %scan3A_777 = arith.addi %scan3A_775, %scan3A_776 : i32
    %scan3A_778 = arith.constant 2 : i32
    scf.for %scan3A_832 = %scan3A_775 to %scan3A_777 step %scan3A_778  : i32 {
      %get3A = arith.index_cast %scan3A_832 : i32 to index
      %get3A_833 = arith.constant 0 : index
      %get3A_834 = tpu.vector_load %arg7[%get3A, %get3A_833] {strides = array<i32>} : memref<200x64xf32, #tpu.memory_space<vmem>>, vector<1x16xf32>,
      %get3A_835 = vector.shape_cast %get3A_834 : vector<1x16xf32> to vector<16xf32>
      %swap3A = arith.index_cast %scan3A_832 : i32 to index
      %swap3A_836 = arith.constant 0 : index
      %swap3A_837 = tpu.vector_load %arg10[%swap3A, %swap3A_836] {strides = array<i32>} : memref<200x128xf32, #tpu.memory_space<vmem>>, vector<1x16xf32>,
      %swap3A_838 = vector.shape_cast %swap3A_837 : vector<1x16xf32> to vector<16xf32>
      %swap3A_839 = vector.shape_cast %get3A_835 : vector<16xf32> to vector<1x16xf32>
      tpu.vector_store %arg10[%swap3A, %swap3A_836], %swap3A_839 {add = true, strides = array<i32>} : memref<200x128xf32, #tpu.memory_space<vmem>>, vector<1x16xf32>,
      %get3A_840 = arith.index_cast %scan3A_832 : i32 to index
      %get3A_841 = arith.constant 16 : index
      %get3A_842 = tpu.vector_load %arg7[%get3A_840, %get3A_841] {strides = array<i32>} : memref<200x64xf32, #tpu.memory_space<vmem>>, vector<1x16xf32>,
      %get3A_843 = vector.shape_cast %get3A_842 : vector<1x16xf32> to vector<16xf32>
      %swap3A_844 = arith.index_cast %scan3A_832 : i32 to index
      %swap3A_845 = arith.constant 16 : index
      %swap3A_846 = tpu.vector_load %arg10[%swap3A_844, %swap3A_845] {strides = array<i32>} : memref<200x128xf32, #tpu.memory_space<vmem>>, vector<1x16xf32>,
      %swap3A_847 = vector.shape_cast %swap3A_846 : vector<1x16xf32> to vector<16xf32>
      %swap3A_848 = vector.shape_cast %get3A_843 : vector<16xf32> to vector<1x16xf32>
      tpu.vector_store %arg10[%swap3A_844, %swap3A_845], %swap3A_848 {add = true, strides = array<i32>} : memref<200x128xf32, #tpu.memory_space<vmem>>, vector<1x16xf32>,
      %get3A_849 = arith.index_cast %scan3A_832 : i32 to index
      %get3A_850 = arith.constant 32 : index
      %get3A_851 = tpu.vector_load %arg7[%get3A_849, %get3A_850] {strides = array<i32>} : memref<200x64xf32, #tpu.memory_space<vmem>>, vector<1x16xf32>,
      %get3A_852 = vector.shape_cast %get3A_851 : vector<1x16xf32> to vector<16xf32>
      %swap3A_853 = arith.index_cast %scan3A_832 : i32 to index
      %swap3A_854 = arith.constant 32 : index
      %swap3A_855 = tpu.vector_load %arg10[%swap3A_853, %swap3A_854] {strides = array<i32>} : memref<200x128xf32, #tpu.memory_space<vmem>>, vector<1x16xf32>,
      %swap3A_856 = vector.shape_cast %swap3A_855 : vector<1x16xf32> to vector<16xf32>
      %swap3A_857 = vector.shape_cast %get3A_852 : vector<16xf32> to vector<1x16xf32>
      tpu.vector_store %arg10[%swap3A_853, %swap3A_854], %swap3A_857 {add = true, strides = array<i32>} : memref<200x128xf32, #tpu.memory_space<vmem>>, vector<1x16xf32>,
      %get3A_858 = arith.index_cast %scan3A_832 : i32 to index
      %get3A_859 = arith.constant 48 : index
      %get3A_860 = tpu.vector_load %arg7[%get3A_858, %get3A_859] {strides = array<i32>} : memref<200x64xf32, #tpu.memory_space<vmem>>, vector<1x16xf32>,
      %get3A_861 = vector.shape_cast %get3A_860 : vector<1x16xf32> to vector<16xf32>
      %swap3A_862 = arith.index_cast %scan3A_832 : i32 to index
      %swap3A_863 = arith.constant 48 : index
      %swap3A_864 = tpu.vector_load %arg10[%swap3A_862, %swap3A_863] {strides = array<i32>} : memref<200x128xf32, #tpu.memory_space<vmem>>, vector<1x16xf32>,
      %swap3A_865 = vector.shape_cast %swap3A_864 : vector<1x16xf32> to vector<16xf32>
      %swap3A_866 = vector.shape_cast %get3A_861 : vector<16xf32> to vector<1x16xf32>
      tpu.vector_store %arg10[%swap3A_862, %swap3A_863], %swap3A_866 {add = true, strides = array<i32>} : memref<200x128xf32, #tpu.memory_space<vmem>>, vector<1x16xf32>,
      %scan3A_867 = arith.constant 1 : i32
      %scan3A_868 = arith.addi %scan3A_832, %scan3A_867 : i32
      %get3A_869 = arith.index_cast %scan3A_868 : i32 to index
      %get3A_870 = arith.constant 0 : index
      %get3A_871 = tpu.vector_load %arg7[%get3A_869, %get3A_870] {strides = array<i32>} : memref<200x64xf32, #tpu.memory_space<vmem>>, vector<1x16xf32>,
      %get3A_872 = vector.shape_cast %get3A_871 : vector<1x16xf32> to vector<16xf32>
      %swap3A_873 = arith.index_cast %scan3A_868 : i32 to index
      %swap3A_874 = arith.constant 0 : index
      %swap3A_875 = tpu.vector_load %arg10[%swap3A_873, %swap3A_874] {strides = array<i32>} : memref<200x128xf32, #tpu.memory_space<vmem>>, vector<1x16xf32>,
      %swap3A_876 = vector.shape_cast %swap3A_875 : vector<1x16xf32> to vector<16xf32>
      %swap3A_877 = vector.shape_cast %get3A_872 : vector<16xf32> to vector<1x16xf32>
      tpu.vector_store %arg10[%swap3A_873, %swap3A_874], %swap3A_877 {add = true, strides = array<i32>} : memref<200x128xf32, #tpu.memory_space<vmem>>, vector<1x16xf32>,
      %get3A_878 = arith.index_cast %scan3A_868 : i32 to index
      %get3A_879 = arith.constant 16 : index
      %get3A_880 = tpu.vector_load %arg7[%get3A_878, %get3A_879] {strides = array<i32>} : memref<200x64xf32, #tpu.memory_space<vmem>>, vector<1x16xf32>,
      %get3A_881 = vector.shape_cast %get3A_880 : vector<1x16xf32> to vector<16xf32>
      %swap3A_882 = arith.index_cast %scan3A_868 : i32 to index
      %swap3A_883 = arith.constant 16 : index
      %swap3A_884 = tpu.vector_load %arg10[%swap3A_882, %swap3A_883] {strides = array<i32>} : memref<200x128xf32, #tpu.memory_space<vmem>>, vector<1x16xf32>,
      %swap3A_885 = vector.shape_cast %swap3A_884 : vector<1x16xf32> to vector<16xf32>
      %swap3A_886 = vector.shape_cast %get3A_881 : vector<16xf32> to vector<1x16xf32>
      tpu.vector_store %arg10[%swap3A_882, %swap3A_883], %swap3A_886 {add = true, strides = array<i32>} : memref<200x128xf32, #tpu.memory_space<vmem>>, vector<1x16xf32>,
      %get3A_887 = arith.index_cast %scan3A_868 : i32 to index
      %get3A_888 = arith.constant 32 : index
      %get3A_889 = tpu.vector_load %arg7[%get3A_887, %get3A_888] {strides = array<i32>} : memref<200x64xf32, #tpu.memory_space<vmem>>, vector<1x16xf32>,
      %get3A_890 = vector.shape_cast %get3A_889 : vector<1x16xf32> to vector<16xf32>
      %swap3A_891 = arith.index_cast %scan3A_868 : i32 to index
      %swap3A_892 = arith.constant 32 : index
      %swap3A_893 = tpu.vector_load %arg10[%swap3A_891, %swap3A_892] {strides = array<i32>} : memref<200x128xf32, #tpu.memory_space<vmem>>, vector<1x16xf32>,
      %swap3A_894 = vector.shape_cast %swap3A_893 : vector<1x16xf32> to vector<16xf32>
      %swap3A_895 = vector.shape_cast %get3A_890 : vector<16xf32> to vector<1x16xf32>
      tpu.vector_store %arg10[%swap3A_891, %swap3A_892], %swap3A_895 {add = true, strides = array<i32>} : memref<200x128xf32, #tpu.memory_space<vmem>>, vector<1x16xf32>,
      %get3A_896 = arith.index_cast %scan3A_868 : i32 to index
      %get3A_897 = arith.constant 48 : index
      %get3A_898 = tpu.vector_load %arg7[%get3A_896, %get3A_897] {strides = array<i32>} : memref<200x64xf32, #tpu.memory_space<vmem>>, vector<1x16xf32>,
      %get3A_899 = vector.shape_cast %get3A_898 : vector<1x16xf32> to vector<16xf32>
      %swap3A_900 = arith.index_cast %scan3A_868 : i32 to index
      %swap3A_901 = arith.constant 48 : index
      %swap3A_902 = tpu.vector_load %arg10[%swap3A_900, %swap3A_901] {strides = array<i32>} : memref<200x128xf32, #tpu.memory_space<vmem>>, vector<1x16xf32>,
      %swap3A_903 = vector.shape_cast %swap3A_902 : vector<1x16xf32> to vector<16xf32>
      %swap3A_904 = vector.shape_cast %get3A_899 : vector<16xf32> to vector<1x16xf32>
      tpu.vector_store %arg10[%swap3A_900, %swap3A_901], %swap3A_904 {add = true, strides = array<i32>} : memref<200x128xf32, #tpu.memory_space<vmem>>, vector<1x16xf32>,
    }
    %scan3A_779 = arith.constant 200 : i32
    %add3A_780 = arith.constant 5800 : i32
    %add3A_781 = arith.addi %mul3A_2, %add3A_780 : i32
    %dma_start3A_782 = arith.constant 0 : i32
    %dma_start3A_783 = tpu.memref_slice %arg5[%add3A_781, %dma_start3A_782] : memref<204800x128xf32, #tpu.memory_space<hbm>> -> memref<200x128xf32, #tpu.memory_space<hbm>>
    %dma_start3A_784 = arith.constant 0 : i32
    %dma_start3A_785 = tpu.memref_slice %arg5[%add3A_781, %dma_start3A_784] : memref<204800x128xf32, #tpu.memory_space<hbm>> -> memref<200x128xf32, #tpu.memory_space<hbm>>
    tpu.enqueue_dma source(%arg10 : memref<200x128xf32, #tpu.memory_space<vmem>>) target(%dma_start3A_785 : memref<200x128xf32, #tpu.memory_space<hbm>>) target_semaphore(%arg16 : memref<!tpu.dma_semaphore, #tpu.memory_space<semaphore_mem>>)
    %dma_wait3A_786 = arith.constant 6000 : i32
    %dma_wait3A_787 = tpu.memref_slice %arg6[%dma_wait3A_786] : memref<6400xi32, #tpu.memory_space<vmem>> -> memref<200xi32, #tpu.memory_space<vmem>>
    %dma_wait3A_788 = arith.constant 0 : i32
    %dma_wait3A_789 = arith.constant 0 : i32
    %dma_wait3A_790 = tpu.memref_slice %arg2[%dma_wait3A_788, %dma_wait3A_789] : memref<1000000x128xf32, #tpu.memory_space<hbm>> -> memref<1000000x128xf32, #tpu.memory_space<hbm>>
    tpu.wait_indirect_dma semaphore(%arg11 : memref<!tpu.dma_semaphore, #tpu.memory_space<semaphore_mem>>) src(%dma_wait3A_790 : memref<1000000x128xf32, #tpu.memory_space<hbm>>) dst(%arg8 : memref<200x128xf32, #tpu.memory_space<vmem>>)
    %scan3A_791 = arith.constant 0 : i32
    %scan3A_792 = arith.constant 0 : i32
    %scan3A_793 = arith.constant 200 : i32
    %scan3A_794 = arith.addi %scan3A_792, %scan3A_793 : i32
    %scan3A_795 = arith.constant 2 : i32
    scf.for %scan3A_832 = %scan3A_792 to %scan3A_794 step %scan3A_795  : i32 {
      %get3A = arith.index_cast %scan3A_832 : i32 to index
      %get3A_833 = arith.constant 0 : index
      %get3A_834 = tpu.vector_load %arg7[%get3A, %get3A_833] {strides = array<i32>} : memref<200x64xf32, #tpu.memory_space<vmem>>, vector<1x16xf32>,
      %get3A_835 = vector.shape_cast %get3A_834 : vector<1x16xf32> to vector<16xf32>
      %swap3A = arith.index_cast %scan3A_832 : i32 to index
      %swap3A_836 = arith.constant 0 : index
      %swap3A_837 = tpu.vector_load %arg8[%swap3A, %swap3A_836] {strides = array<i32>} : memref<200x128xf32, #tpu.memory_space<vmem>>, vector<1x16xf32>,
      %swap3A_838 = vector.shape_cast %swap3A_837 : vector<1x16xf32> to vector<16xf32>
      %swap3A_839 = vector.shape_cast %get3A_835 : vector<16xf32> to vector<1x16xf32>
      tpu.vector_store %arg8[%swap3A, %swap3A_836], %swap3A_839 {add = true, strides = array<i32>} : memref<200x128xf32, #tpu.memory_space<vmem>>, vector<1x16xf32>,
      %get3A_840 = arith.index_cast %scan3A_832 : i32 to index
      %get3A_841 = arith.constant 16 : index
      %get3A_842 = tpu.vector_load %arg7[%get3A_840, %get3A_841] {strides = array<i32>} : memref<200x64xf32, #tpu.memory_space<vmem>>, vector<1x16xf32>,
      %get3A_843 = vector.shape_cast %get3A_842 : vector<1x16xf32> to vector<16xf32>
      %swap3A_844 = arith.index_cast %scan3A_832 : i32 to index
      %swap3A_845 = arith.constant 16 : index
      %swap3A_846 = tpu.vector_load %arg8[%swap3A_844, %swap3A_845] {strides = array<i32>} : memref<200x128xf32, #tpu.memory_space<vmem>>, vector<1x16xf32>,
      %swap3A_847 = vector.shape_cast %swap3A_846 : vector<1x16xf32> to vector<16xf32>
      %swap3A_848 = vector.shape_cast %get3A_843 : vector<16xf32> to vector<1x16xf32>
      tpu.vector_store %arg8[%swap3A_844, %swap3A_845], %swap3A_848 {add = true, strides = array<i32>} : memref<200x128xf32, #tpu.memory_space<vmem>>, vector<1x16xf32>,
      %get3A_849 = arith.index_cast %scan3A_832 : i32 to index
      %get3A_850 = arith.constant 32 : index
      %get3A_851 = tpu.vector_load %arg7[%get3A_849, %get3A_850] {strides = array<i32>} : memref<200x64xf32, #tpu.memory_space<vmem>>, vector<1x16xf32>,
      %get3A_852 = vector.shape_cast %get3A_851 : vector<1x16xf32> to vector<16xf32>
      %swap3A_853 = arith.index_cast %scan3A_832 : i32 to index
      %swap3A_854 = arith.constant 32 : index
      %swap3A_855 = tpu.vector_load %arg8[%swap3A_853, %swap3A_854] {strides = array<i32>} : memref<200x128xf32, #tpu.memory_space<vmem>>, vector<1x16xf32>,
      %swap3A_856 = vector.shape_cast %swap3A_855 : vector<1x16xf32> to vector<16xf32>
      %swap3A_857 = vector.shape_cast %get3A_852 : vector<16xf32> to vector<1x16xf32>
      tpu.vector_store %arg8[%swap3A_853, %swap3A_854], %swap3A_857 {add = true, strides = array<i32>} : memref<200x128xf32, #tpu.memory_space<vmem>>, vector<1x16xf32>,
      %get3A_858 = arith.index_cast %scan3A_832 : i32 to index
      %get3A_859 = arith.constant 48 : index
      %get3A_860 = tpu.vector_load %arg7[%get3A_858, %get3A_859] {strides = array<i32>} : memref<200x64xf32, #tpu.memory_space<vmem>>, vector<1x16xf32>,
      %get3A_861 = vector.shape_cast %get3A_860 : vector<1x16xf32> to vector<16xf32>
      %swap3A_862 = arith.index_cast %scan3A_832 : i32 to index
      %swap3A_863 = arith.constant 48 : index
      %swap3A_864 = tpu.vector_load %arg8[%swap3A_862, %swap3A_863] {strides = array<i32>} : memref<200x128xf32, #tpu.memory_space<vmem>>, vector<1x16xf32>,
      %swap3A_865 = vector.shape_cast %swap3A_864 : vector<1x16xf32> to vector<16xf32>
      %swap3A_866 = vector.shape_cast %get3A_861 : vector<16xf32> to vector<1x16xf32>
      tpu.vector_store %arg8[%swap3A_862, %swap3A_863], %swap3A_866 {add = true, strides = array<i32>} : memref<200x128xf32, #tpu.memory_space<vmem>>, vector<1x16xf32>,
      %scan3A_867 = arith.constant 1 : i32
      %scan3A_868 = arith.addi %scan3A_832, %scan3A_867 : i32
      %get3A_869 = arith.index_cast %scan3A_868 : i32 to index
      %get3A_870 = arith.constant 0 : index
      %get3A_871 = tpu.vector_load %arg7[%get3A_869, %get3A_870] {strides = array<i32>} : memref<200x64xf32, #tpu.memory_space<vmem>>, vector<1x16xf32>,
      %get3A_872 = vector.shape_cast %get3A_871 : vector<1x16xf32> to vector<16xf32>
      %swap3A_873 = arith.index_cast %scan3A_868 : i32 to index
      %swap3A_874 = arith.constant 0 : index
      %swap3A_875 = tpu.vector_load %arg8[%swap3A_873, %swap3A_874] {strides = array<i32>} : memref<200x128xf32, #tpu.memory_space<vmem>>, vector<1x16xf32>,
      %swap3A_876 = vector.shape_cast %swap3A_875 : vector<1x16xf32> to vector<16xf32>
      %swap3A_877 = vector.shape_cast %get3A_872 : vector<16xf32> to vector<1x16xf32>
      tpu.vector_store %arg8[%swap3A_873, %swap3A_874], %swap3A_877 {add = true, strides = array<i32>} : memref<200x128xf32, #tpu.memory_space<vmem>>, vector<1x16xf32>,
      %get3A_878 = arith.index_cast %scan3A_868 : i32 to index
      %get3A_879 = arith.constant 16 : index
      %get3A_880 = tpu.vector_load %arg7[%get3A_878, %get3A_879] {strides = array<i32>} : memref<200x64xf32, #tpu.memory_space<vmem>>, vector<1x16xf32>,
      %get3A_881 = vector.shape_cast %get3A_880 : vector<1x16xf32> to vector<16xf32>
      %swap3A_882 = arith.index_cast %scan3A_868 : i32 to index
      %swap3A_883 = arith.constant 16 : index
      %swap3A_884 = tpu.vector_load %arg8[%swap3A_882, %swap3A_883] {strides = array<i32>} : memref<200x128xf32, #tpu.memory_space<vmem>>, vector<1x16xf32>,
      %swap3A_885 = vector.shape_cast %swap3A_884 : vector<1x16xf32> to vector<16xf32>
      %swap3A_886 = vector.shape_cast %get3A_881 : vector<16xf32> to vector<1x16xf32>
      tpu.vector_store %arg8[%swap3A_882, %swap3A_883], %swap3A_886 {add = true, strides = array<i32>} : memref<200x128xf32, #tpu.memory_space<vmem>>, vector<1x16xf32>,
      %get3A_887 = arith.index_cast %scan3A_868 : i32 to index
      %get3A_888 = arith.constant 32 : index
      %get3A_889 = tpu.vector_load %arg7[%get3A_887, %get3A_888] {strides = array<i32>} : memref<200x64xf32, #tpu.memory_space<vmem>>, vector<1x16xf32>,
      %get3A_890 = vector.shape_cast %get3A_889 : vector<1x16xf32> to vector<16xf32>
      %swap3A_891 = arith.index_cast %scan3A_868 : i32 to index
      %swap3A_892 = arith.constant 32 : index
      %swap3A_893 = tpu.vector_load %arg8[%swap3A_891, %swap3A_892] {strides = array<i32>} : memref<200x128xf32, #tpu.memory_space<vmem>>, vector<1x16xf32>,
      %swap3A_894 = vector.shape_cast %swap3A_893 : vector<1x16xf32> to vector<16xf32>
      %swap3A_895 = vector.shape_cast %get3A_890 : vector<16xf32> to vector<1x16xf32>
      tpu.vector_store %arg8[%swap3A_891, %swap3A_892], %swap3A_895 {add = true, strides = array<i32>} : memref<200x128xf32, #tpu.memory_space<vmem>>, vector<1x16xf32>,
      %get3A_896 = arith.index_cast %scan3A_868 : i32 to index
      %get3A_897 = arith.constant 48 : index
      %get3A_898 = tpu.vector_load %arg7[%get3A_896, %get3A_897] {strides = array<i32>} : memref<200x64xf32, #tpu.memory_space<vmem>>, vector<1x16xf32>,
      %get3A_899 = vector.shape_cast %get3A_898 : vector<1x16xf32> to vector<16xf32>
      %swap3A_900 = arith.index_cast %scan3A_868 : i32 to index
      %swap3A_901 = arith.constant 48 : index
      %swap3A_902 = tpu.vector_load %arg8[%swap3A_900, %swap3A_901] {strides = array<i32>} : memref<200x128xf32, #tpu.memory_space<vmem>>, vector<1x16xf32>,
      %swap3A_903 = vector.shape_cast %swap3A_902 : vector<1x16xf32> to vector<16xf32>
      %swap3A_904 = vector.shape_cast %get3A_899 : vector<16xf32> to vector<1x16xf32>
      tpu.vector_store %arg8[%swap3A_900, %swap3A_901], %swap3A_904 {add = true, strides = array<i32>} : memref<200x128xf32, #tpu.memory_space<vmem>>, vector<1x16xf32>,
    }
    %scan3A_796 = arith.constant 200 : i32
    %add3A_797 = arith.constant 6000 : i32
    %add3A_798 = arith.addi %mul3A_2, %add3A_797 : i32
    %dma_start3A_799 = arith.constant 0 : i32
    %dma_start3A_800 = tpu.memref_slice %arg5[%add3A_798, %dma_start3A_799] : memref<204800x128xf32, #tpu.memory_space<hbm>> -> memref<200x128xf32, #tpu.memory_space<hbm>>
    %dma_start3A_801 = arith.constant 0 : i32
    %dma_start3A_802 = tpu.memref_slice %arg5[%add3A_798, %dma_start3A_801] : memref<204800x128xf32, #tpu.memory_space<hbm>> -> memref<200x128xf32, #tpu.memory_space<hbm>>
    tpu.enqueue_dma source(%arg8 : memref<200x128xf32, #tpu.memory_space<vmem>>) target(%dma_start3A_802 : memref<200x128xf32, #tpu.memory_space<hbm>>) target_semaphore(%arg14 : memref<!tpu.dma_semaphore, #tpu.memory_space<semaphore_mem>>)
    %dma_wait3A_803 = arith.constant 6200 : i32
    %dma_wait3A_804 = tpu.memref_slice %arg6[%dma_wait3A_803] : memref<6400xi32, #tpu.memory_space<vmem>> -> memref<200xi32, #tpu.memory_space<vmem>>
    %dma_wait3A_805 = arith.constant 0 : i32
    %dma_wait3A_806 = arith.constant 0 : i32
    %dma_wait3A_807 = tpu.memref_slice %arg2[%dma_wait3A_805, %dma_wait3A_806] : memref<1000000x128xf32, #tpu.memory_space<hbm>> -> memref<1000000x128xf32, #tpu.memory_space<hbm>>
    tpu.wait_indirect_dma semaphore(%arg12 : memref<!tpu.dma_semaphore, #tpu.memory_space<semaphore_mem>>) src(%dma_wait3A_807 : memref<1000000x128xf32, #tpu.memory_space<hbm>>) dst(%arg9 : memref<200x128xf32, #tpu.memory_space<vmem>>)
    %scan3A_808 = arith.constant 0 : i32
    %scan3A_809 = arith.constant 0 : i32
    %scan3A_810 = arith.constant 200 : i32
    %scan3A_811 = arith.addi %scan3A_809, %scan3A_810 : i32
    %scan3A_812 = arith.constant 2 : i32
    scf.for %scan3A_832 = %scan3A_809 to %scan3A_811 step %scan3A_812  : i32 {
      %get3A = arith.index_cast %scan3A_832 : i32 to index
      %get3A_833 = arith.constant 0 : index
      %get3A_834 = tpu.vector_load %arg7[%get3A, %get3A_833] {strides = array<i32>} : memref<200x64xf32, #tpu.memory_space<vmem>>, vector<1x16xf32>,
      %get3A_835 = vector.shape_cast %get3A_834 : vector<1x16xf32> to vector<16xf32>
      %swap3A = arith.index_cast %scan3A_832 : i32 to index
      %swap3A_836 = arith.constant 0 : index
      %swap3A_837 = tpu.vector_load %arg9[%swap3A, %swap3A_836] {strides = array<i32>} : memref<200x128xf32, #tpu.memory_space<vmem>>, vector<1x16xf32>,
      %swap3A_838 = vector.shape_cast %swap3A_837 : vector<1x16xf32> to vector<16xf32>
      %swap3A_839 = vector.shape_cast %get3A_835 : vector<16xf32> to vector<1x16xf32>
      tpu.vector_store %arg9[%swap3A, %swap3A_836], %swap3A_839 {add = true, strides = array<i32>} : memref<200x128xf32, #tpu.memory_space<vmem>>, vector<1x16xf32>,
      %get3A_840 = arith.index_cast %scan3A_832 : i32 to index
      %get3A_841 = arith.constant 16 : index
      %get3A_842 = tpu.vector_load %arg7[%get3A_840, %get3A_841] {strides = array<i32>} : memref<200x64xf32, #tpu.memory_space<vmem>>, vector<1x16xf32>,
      %get3A_843 = vector.shape_cast %get3A_842 : vector<1x16xf32> to vector<16xf32>
      %swap3A_844 = arith.index_cast %scan3A_832 : i32 to index
      %swap3A_845 = arith.constant 16 : index
      %swap3A_846 = tpu.vector_load %arg9[%swap3A_844, %swap3A_845] {strides = array<i32>} : memref<200x128xf32, #tpu.memory_space<vmem>>, vector<1x16xf32>,
      %swap3A_847 = vector.shape_cast %swap3A_846 : vector<1x16xf32> to vector<16xf32>
      %swap3A_848 = vector.shape_cast %get3A_843 : vector<16xf32> to vector<1x16xf32>
      tpu.vector_store %arg9[%swap3A_844, %swap3A_845], %swap3A_848 {add = true, strides = array<i32>} : memref<200x128xf32, #tpu.memory_space<vmem>>, vector<1x16xf32>,
      %get3A_849 = arith.index_cast %scan3A_832 : i32 to index
      %get3A_850 = arith.constant 32 : index
      %get3A_851 = tpu.vector_load %arg7[%get3A_849, %get3A_850] {strides = array<i32>} : memref<200x64xf32, #tpu.memory_space<vmem>>, vector<1x16xf32>,
      %get3A_852 = vector.shape_cast %get3A_851 : vector<1x16xf32> to vector<16xf32>
      %swap3A_853 = arith.index_cast %scan3A_832 : i32 to index
      %swap3A_854 = arith.constant 32 : index
      %swap3A_855 = tpu.vector_load %arg9[%swap3A_853, %swap3A_854] {strides = array<i32>} : memref<200x128xf32, #tpu.memory_space<vmem>>, vector<1x16xf32>,
      %swap3A_856 = vector.shape_cast %swap3A_855 : vector<1x16xf32> to vector<16xf32>
      %swap3A_857 = vector.shape_cast %get3A_852 : vector<16xf32> to vector<1x16xf32>
      tpu.vector_store %arg9[%swap3A_853, %swap3A_854], %swap3A_857 {add = true, strides = array<i32>} : memref<200x128xf32, #tpu.memory_space<vmem>>, vector<1x16xf32>,
      %get3A_858 = arith.index_cast %scan3A_832 : i32 to index
      %get3A_859 = arith.constant 48 : index
      %get3A_860 = tpu.vector_load %arg7[%get3A_858, %get3A_859] {strides = array<i32>} : memref<200x64xf32, #tpu.memory_space<vmem>>, vector<1x16xf32>,
      %get3A_861 = vector.shape_cast %get3A_860 : vector<1x16xf32> to vector<16xf32>
      %swap3A_862 = arith.index_cast %scan3A_832 : i32 to index
      %swap3A_863 = arith.constant 48 : index
      %swap3A_864 = tpu.vector_load %arg9[%swap3A_862, %swap3A_863] {strides = array<i32>} : memref<200x128xf32, #tpu.memory_space<vmem>>, vector<1x16xf32>,
      %swap3A_865 = vector.shape_cast %swap3A_864 : vector<1x16xf32> to vector<16xf32>
      %swap3A_866 = vector.shape_cast %get3A_861 : vector<16xf32> to vector<1x16xf32>
      tpu.vector_store %arg9[%swap3A_862, %swap3A_863], %swap3A_866 {add = true, strides = array<i32>} : memref<200x128xf32, #tpu.memory_space<vmem>>, vector<1x16xf32>,
      %scan3A_867 = arith.constant 1 : i32
      %scan3A_868 = arith.addi %scan3A_832, %scan3A_867 : i32
      %get3A_869 = arith.index_cast %scan3A_868 : i32 to index
      %get3A_870 = arith.constant 0 : index
      %get3A_871 = tpu.vector_load %arg7[%get3A_869, %get3A_870] {strides = array<i32>} : memref<200x64xf32, #tpu.memory_space<vmem>>, vector<1x16xf32>,
      %get3A_872 = vector.shape_cast %get3A_871 : vector<1x16xf32> to vector<16xf32>
      %swap3A_873 = arith.index_cast %scan3A_868 : i32 to index
      %swap3A_874 = arith.constant 0 : index
      %swap3A_875 = tpu.vector_load %arg9[%swap3A_873, %swap3A_874] {strides = array<i32>} : memref<200x128xf32, #tpu.memory_space<vmem>>, vector<1x16xf32>,
      %swap3A_876 = vector.shape_cast %swap3A_875 : vector<1x16xf32> to vector<16xf32>
      %swap3A_877 = vector.shape_cast %get3A_872 : vector<16xf32> to vector<1x16xf32>
      tpu.vector_store %arg9[%swap3A_873, %swap3A_874], %swap3A_877 {add = true, strides = array<i32>} : memref<200x128xf32, #tpu.memory_space<vmem>>, vector<1x16xf32>,
      %get3A_878 = arith.index_cast %scan3A_868 : i32 to index
      %get3A_879 = arith.constant 16 : index
      %get3A_880 = tpu.vector_load %arg7[%get3A_878, %get3A_879] {strides = array<i32>} : memref<200x64xf32, #tpu.memory_space<vmem>>, vector<1x16xf32>,
      %get3A_881 = vector.shape_cast %get3A_880 : vector<1x16xf32> to vector<16xf32>
      %swap3A_882 = arith.index_cast %scan3A_868 : i32 to index
      %swap3A_883 = arith.constant 16 : index
      %swap3A_884 = tpu.vector_load %arg9[%swap3A_882, %swap3A_883] {strides = array<i32>} : memref<200x128xf32, #tpu.memory_space<vmem>>, vector<1x16xf32>,
      %swap3A_885 = vector.shape_cast %swap3A_884 : vector<1x16xf32> to vector<16xf32>
      %swap3A_886 = vector.shape_cast %get3A_881 : vector<16xf32> to vector<1x16xf32>
      tpu.vector_store %arg9[%swap3A_882, %swap3A_883], %swap3A_886 {add = true, strides = array<i32>} : memref<200x128xf32, #tpu.memory_space<vmem>>, vector<1x16xf32>,
      %get3A_887 = arith.index_cast %scan3A_868 : i32 to index
      %get3A_888 = arith.constant 32 : index
      %get3A_889 = tpu.vector_load %arg7[%get3A_887, %get3A_888] {strides = array<i32>} : memref<200x64xf32, #tpu.memory_space<vmem>>, vector<1x16xf32>,
      %get3A_890 = vector.shape_cast %get3A_889 : vector<1x16xf32> to vector<16xf32>
      %swap3A_891 = arith.index_cast %scan3A_868 : i32 to index
      %swap3A_892 = arith.constant 32 : index
      %swap3A_893 = tpu.vector_load %arg9[%swap3A_891, %swap3A_892] {strides = array<i32>} : memref<200x128xf32, #tpu.memory_space<vmem>>, vector<1x16xf32>,
      %swap3A_894 = vector.shape_cast %swap3A_893 : vector<1x16xf32> to vector<16xf32>
      %swap3A_895 = vector.shape_cast %get3A_890 : vector<16xf32> to vector<1x16xf32>
      tpu.vector_store %arg9[%swap3A_891, %swap3A_892], %swap3A_895 {add = true, strides = array<i32>} : memref<200x128xf32, #tpu.memory_space<vmem>>, vector<1x16xf32>,
      %get3A_896 = arith.index_cast %scan3A_868 : i32 to index
      %get3A_897 = arith.constant 48 : index
      %get3A_898 = tpu.vector_load %arg7[%get3A_896, %get3A_897] {strides = array<i32>} : memref<200x64xf32, #tpu.memory_space<vmem>>, vector<1x16xf32>,
      %get3A_899 = vector.shape_cast %get3A_898 : vector<1x16xf32> to vector<16xf32>
      %swap3A_900 = arith.index_cast %scan3A_868 : i32 to index
      %swap3A_901 = arith.constant 48 : index
      %swap3A_902 = tpu.vector_load %arg9[%swap3A_900, %swap3A_901] {strides = array<i32>} : memref<200x128xf32, #tpu.memory_space<vmem>>, vector<1x16xf32>,
      %swap3A_903 = vector.shape_cast %swap3A_902 : vector<1x16xf32> to vector<16xf32>
      %swap3A_904 = vector.shape_cast %get3A_899 : vector<16xf32> to vector<1x16xf32>
      tpu.vector_store %arg9[%swap3A_900, %swap3A_901], %swap3A_904 {add = true, strides = array<i32>} : memref<200x128xf32, #tpu.memory_space<vmem>>, vector<1x16xf32>,
    }
    %scan3A_813 = arith.constant 200 : i32
    %add3A_814 = arith.constant 6200 : i32
    %add3A_815 = arith.addi %mul3A_2, %add3A_814 : i32
    %dma_start3A_816 = arith.constant 0 : i32
    %dma_start3A_817 = tpu.memref_slice %arg5[%add3A_815, %dma_start3A_816] : memref<204800x128xf32, #tpu.memory_space<hbm>> -> memref<200x128xf32, #tpu.memory_space<hbm>>
    %dma_start3A_818 = arith.constant 0 : i32
    %dma_start3A_819 = tpu.memref_slice %arg5[%add3A_815, %dma_start3A_818] : memref<204800x128xf32, #tpu.memory_space<hbm>> -> memref<200x128xf32, #tpu.memory_space<hbm>>
    tpu.enqueue_dma source(%arg9 : memref<200x128xf32, #tpu.memory_space<vmem>>) target(%dma_start3A_819 : memref<200x128xf32, #tpu.memory_space<hbm>>) target_semaphore(%arg15 : memref<!tpu.dma_semaphore, #tpu.memory_space<semaphore_mem>>)
    %dma_wait3A_820 = arith.constant 0 : i32
    %dma_wait3A_821 = tpu.memref_slice %arg5[%add3A_781, %dma_wait3A_820] : memref<204800x128xf32, #tpu.memory_space<hbm>> -> memref<200x128xf32, #tpu.memory_space<hbm>>
    %dma_wait3A_822 = arith.constant 0 : i32
    %dma_wait3A_823 = tpu.memref_slice %arg5[%add3A_781, %dma_wait3A_822] : memref<204800x128xf32, #tpu.memory_space<hbm>> -> memref<200x128xf32, #tpu.memory_space<hbm>>
    tpu.wait_dma2 semaphore(%arg16 : memref<!tpu.dma_semaphore, #tpu.memory_space<semaphore_mem>>) src(%arg10 : memref<200x128xf32, #tpu.memory_space<vmem>>) dst(%dma_wait3A_823 : memref<200x128xf32, #tpu.memory_space<hbm>>)
    %dma_wait3A_824 = arith.constant 0 : i32
    %dma_wait3A_825 = tpu.memref_slice %arg5[%add3A_798, %dma_wait3A_824] : memref<204800x128xf32, #tpu.memory_space<hbm>> -> memref<200x128xf32, #tpu.memory_space<hbm>>
    %dma_wait3A_826 = arith.constant 0 : i32
    %dma_wait3A_827 = tpu.memref_slice %arg5[%add3A_798, %dma_wait3A_826] : memref<204800x128xf32, #tpu.memory_space<hbm>> -> memref<200x128xf32, #tpu.memory_space<hbm>>
    tpu.wait_dma2 semaphore(%arg14 : memref<!tpu.dma_semaphore, #tpu.memory_space<semaphore_mem>>) src(%arg8 : memref<200x128xf32, #tpu.memory_space<vmem>>) dst(%dma_wait3A_827 : memref<200x128xf32, #tpu.memory_space<hbm>>)
    %dma_wait3A_828 = arith.constant 0 : i32
    %dma_wait3A_829 = tpu.memref_slice %arg5[%add3A_815, %dma_wait3A_828] : memref<204800x128xf32, #tpu.memory_space<hbm>> -> memref<200x128xf32, #tpu.memory_space<hbm>>
    %dma_wait3A_830 = arith.constant 0 : i32
    %dma_wait3A_831 = tpu.memref_slice %arg5[%add3A_815, %dma_wait3A_830] : memref<204800x128xf32, #tpu.memory_space<hbm>> -> memref<200x128xf32, #tpu.memory_space<hbm>>
    tpu.wait_dma2 semaphore(%arg15 : memref<!tpu.dma_semaphore, #tpu.memory_space<semaphore_mem>>) src(%arg9 : memref<200x128xf32, #tpu.memory_space<vmem>>) dst(%dma_wait3A_831 : memref<200x128xf32, #tpu.memory_space<hbm>>)
    return
  }
}

</mosaic_0001>

<sc_bundles>
// kernel: _emb_lookup.3.cloned.1.call-start
scs
__scs_entry_jumppad:
0x0: {  	(pc) =	sbr.rel $0x88, $3  }
0x1: {  	(tag) =	ssettag $0x0;
	lr =	simm.s32 $0x1  }
0x2: {  	[smem:$0x3F9E] =	sst lr;
	_ =	strace $0xD0000000  }
0x3: {  	_ = 	snop  }
0x4: {  	_ = 	snop  }
0x5: {  	_ = 	snop  }
0x6: {  	_ = 	snop  }
0x7: {  	_ = 	snop  }
__scs_overlays_trampoline_lowered:
0x8: {  	[smem:$0x3FAD] =	sst s0  }
0x9: {  	[smem:$0x3FAE] =	sst s1  }
0xa: {  	[smem:$0x3FAF] =	sst s2  }
0xb: {  	[smem:$0x3FB0] =	sst s3  }
0xc: {  	[smem:$0x3FB1] =	sst s4  }
0xd: {  	[smem:$0x3FB2] =	sst s5  }
0xe: {  	[smem:$0x3FB3] =	sst s6  }
0xf: {  	[smem:$0x3FB4] =	sst s7  }
0x10: {  	[smem:$0x3FB5] =	sst s8  }
0x11: {  	[smem:$0x3FB6] =	sst s9;
	s0 =	simm.s32 @!p0 $0x0  }
0x12: {  	s1 =	sld [smem:$0x3F9C];
	s0 =	simm.s32 @p0 $0x1  }
0x13: {  	[smem:$0x3FB7] =	sst s0;
	s0 =	simm.s32 @!p1 $0x0  }
0x14: {  	s2 =	sld [smem:$0x3F9B];
	s0 =	simm.s32 @p1 $0x1  }
0x15: {  	[smem:$0x3FB8] =	sst s0;
	s0 =	simm.s32 @!p2 $0x0  }
0x16: {  	s3 =	sld [smem:$0x3FDB];
	s0 =	simm.s32 @p2 $0x1  }
0x17: {  	s4 =	simm.s32 $0x1BF5;
	[smem:$0x3FBA] =	sst s0  }
0x18: {  	s0 =	sld [smem:$0x3F9D];
	_ =	swait.ge [sflag:s4], $0x0  }
0x19: {  	s7 =	sld [smem:$0x3F9E]  }
0x1a: {  	s8 =	sadd.s32 $0xFFFFE003, lr  }
0x1b: {  	s9 =	sadd.s32 $0xFFFFFEF7, lr;
	s5 =	simm.s32 $0xFFFFFFFF;
	p2 =	slt.u32 s8, $0xFFFFF086  }
0x1c: {  	p1 =	slt.u32 s9, $0xF7A;
	s5 =	simm.s32 @!p2 $0x0  }
0x1d: {  	s5 =	simm.s32 @p1 $0x1;
	p0 =	seq.s32 s7, s2  }
0x1e: {  	s7 =	smul.u32 @!p0 $0xF7A, s2;
	p2 =	seq.s32 @!p0 s5, $0x0  }
0x1f: {  	s9 =	smul.u32 $0xF7A, s1;
	s8 =	simm.s32 @!p0 $0x1BF5;
	p2 =	por !p2, p0  }
0x20: {  	[sflag:s8] =	ssyncset.s32 @!p0 $0xFFFFF086;
	s6 =	sadd.s32 @!p0 s3, s7;
	s7 =	simm.s32 @!p0 $0x108  }
0x21: {  	s3 =	sadd.s32 s3, s9;
	s6 =	sadd.s32 @!p0 $0x88, s6;
	s7 =	simm.s32 @p2 $0x1082  }
0x22: {  	[simem:s7], [sflag:s8] =	dma.local @!p0 [hbm:s6], $0xF7A  }
0x23: {  	s9 =	sor.u32 $0xD0000000, s2;
	s6 =	simm.s32 $0x108;
	_ =	swait.ge @!p0 [sflag:s8], $0x0  }
0x24: {  	s3 =	sadd.s32 $0x88, s3;
	s6 =	simm.s32 @!p1 $0x1082;
	[sflag:s4] =	ssyncset.s32 $0xFFFFF086  }
0x25: {  	[simem:s6], [sflag:s4] =	dma.local [hbm:s3], $0xF7A  }
0x26: {  	[smem:$0x3F9E] =	sst s1;
	(tag) =	ssettag s2;
	_ =	strace s9  }
0x27: {  	s1 =	sld [smem:$0x3FAE]  }
0x28: {  	s2 =	sld [smem:$0x3FAF]  }
0x29: {  	s4 =	sld [smem:$0x3FB1]  }
0x2a: {  	p0 =	seq.s32 s5, $0x0;
	s5 =	sld [smem:$0x3FB2]  }
0x2b: {  	s6 =	sld [smem:$0x3FB3]  }
0x2c: {  	s7 =	sld [smem:$0x3FB4]  }
0x2d: {  	s3 =	simm.s32 $0x108;
	s8 =	sld [smem:$0x3FB5]  }
0x2e: {  	s3 =	simm.s32 @!p0 $0x1082;
	s9 =	sld [smem:$0x3FB6]  }
0x2f: {  	lr =	sadd.s32 s0, s3;
	s0 =	sld [smem:$0x3FAD]  }
0x30: {  	s3 =	sld [smem:$0x3FB0]  }
0x31: {  	[smem:$0x3FB9] =	sst s10  }
0x32: {  	s10 =	sld [smem:$0x3FB7];
	_ =	sdelay $0x3  }
0x33: {  	p0 =	seq.s32 s10, $0x1;
	s10 =	sld [smem:$0x3FB9];
	_ =	sdelay $0x3  }
0x34: {  	[smem:$0x3FB9] =	sst s10  }
0x35: {  	s10 =	sld [smem:$0x3FB8];
	_ =	sdelay $0x3  }
0x36: {  	p1 =	seq.s32 s10, $0x1;
	s10 =	sld [smem:$0x3FB9];
	_ =	sdelay $0x3  }
0x37: {  	[smem:$0x3FB9] =	sst s10  }
0x38: {  	s10 =	sld [smem:$0x3FBA]  }
0x39: {  	_ = 	snop;
	(pc) =	sbr.ind lr, $3  }
0x3a: {  	_ = 	snop  }
0x3b: {  	_ = 	snop  }
0x3c: {  	p2 =	seq.s32 s10, $0x1;
	s10 =	sld [smem:$0x3FB9]  }
0x3d: {  	_ =	shalt  }
0x3e: {  	_ =	shalt  }
0x3f: {  	_ =	shalt  }
0x40: {  	_ =	shalt  }
0x41: {  	_ =	shalt  }
0x42: {  	_ =	shalt  }
0x43: {  	_ =	shalt  }
0x44: {  	_ =	shalt  }
0x45: {  	_ =	shalt  }
0x46: {  	_ =	shalt  }
0x47: {  	_ =	shalt  }
0x48: {  	_ =	shalt  }
0x49: {  	_ =	shalt  }
0x4a: {  	_ =	shalt  }
0x4b: {  	_ =	shalt  }
0x4c: {  	_ =	shalt  }
0x4d: {  	_ =	shalt  }
0x4e: {  	_ =	shalt  }
0x4f: {  	_ =	shalt  }
0x50: {  	_ =	shalt  }
0x51: {  	_ =	shalt  }
0x52: {  	_ =	shalt  }
0x53: {  	_ =	shalt  }
0x54: {  	_ =	shalt  }
0x55: {  	_ =	shalt  }
0x56: {  	_ =	shalt  }
0x57: {  	_ =	shalt  }
0x58: {  	_ =	shalt  }
0x59: {  	_ =	shalt  }
0x5a: {  	_ =	shalt  }
0x5b: {  	_ =	shalt  }
0x5c: {  	_ =	shalt  }
0x5d: {  	_ =	shalt  }
0x5e: {  	_ =	shalt  }
0x5f: {  	_ =	shalt  }
0x60: {  	_ =	shalt  }
0x61: {  	_ =	shalt  }
0x62: {  	_ =	shalt  }
0x63: {  	_ =	shalt  }
0x64: {  	_ =	shalt  }
0x65: {  	_ =	shalt  }
0x66: {  	_ =	shalt  }
0x67: {  	_ =	shalt  }
0x68: {  	_ =	shalt  }
0x69: {  	_ =	shalt  }
0x6a: {  	_ =	shalt  }
0x6b: {  	_ =	shalt  }
0x6c: {  	_ =	shalt  }
0x6d: {  	_ =	shalt  }
0x6e: {  	_ =	shalt  }
0x6f: {  	_ =	shalt  }
0x70: {  	_ =	shalt  }
0x71: {  	_ =	shalt  }
0x72: {  	_ =	shalt  }
0x73: {  	_ =	shalt  }
0x74: {  	_ =	shalt  }
0x75: {  	_ =	shalt  }
0x76: {  	_ =	shalt  }
0x77: {  	_ =	shalt  }
0x78: {  	_ =	shalt  }
0x79: {  	_ =	shalt  }
0x7a: {  	_ =	shalt  }
0x7b: {  	_ =	shalt  }
0x7c: {  	_ =	shalt  }
0x7d: {  	_ =	shalt  }
0x7e: {  	_ =	shalt  }
0x7f: {  	_ =	shalt  }
0x80: {  	_ =	shalt  }
0x81: {  	_ =	shalt  }
0x82: {  	_ =	shalt  }
0x83: {  	_ =	shalt  }
0x84: {  	_ =	shalt  }
0x85: {  	_ =	shalt  }
0x86: {  	_ =	shalt  }
0x87: {  	_ =	shalt  }
.Lfunc_end0:
.L_simem_size_0:
called_computation_lowered:
.L_overlay_start_0:
0x88: {  	s2 =	sld [smem:$0x3FD9]  }
0x89: {  	s3 =	sld [smem:$0x3FFE];
	_ =	sdelay $0x1  }
0x8a: {  	s1 =	srdreg.scid  }
0x8b: {  	s0 =	sand.u32 $0x1, s1  }
0x8c: {  	s17 =	sshll.u32 s0, $0xA;
	s2 =	sadd.s32 s3, s2  }
0x8d: {  	s2 =	sadd.s32 s2, s17  }
0x8e: {  	[smem:$0x3FC5] =	sst s2  }
0x8f: {  	_ = 	snop  }
0x90: {  	s2 =	sld [smem:$0x3FC9]  }
0x91: {  	s18 =	sld [smem:$0x3FC7]  }
0x92: {  	s4 =	sld [smem:$0x3FD0];
	(tm) =	ssettm $0x1  }
0x93: {  	s5 =	sld [smem:$0x3FFB];
	_ =	sdelay $0x3  }
0x94: {  	_ =	strace s5  }
0x95: {  	s5 =	sld [smem:$0x3FFC];
	_ =	sdelay $0x3  }
0x96: {  	_ =	strace s5  }
0x97: {  	s5 =	sld [smem:$0x3FFD];
	_ =	sdelay $0x3  }
0x98: {  	_ =	strace s5  }
0x99: {  	_ =	strace $0x8FFFFFFF  }
0x9a: {  	s19 =	sld [smem:$0x3FDB];
	_ =	sdelay $0x1  }
0x9b: {  	s6 =	simm.s32 $_scs_section_size  }
0x9c: {  	s7 =	simm.s32 $_size__tile_overlayer_lowered;
	s8 =	simm.s32 $_tile_overlayer_lowered  }
0x9d: {  	s22 =	simm.s32 $0x1BFF;
	s21 =	sshll.u32 s8, $0x1;
	s5 =	sadd.s32 s6, s19  }
0x9e: {  	s9 =	simm.s32 $0x0;
	s20 =	sshll.u32 s7, $0x1;
	s7 =	sadd.s32 s21, s5  }
0x9f: {  	[timem:s9], [sflag:s22] =	dma.local [hbm:s7], s20  }
0xa0: {  	_ =	swait.ge [sflag:s22], s20  }
0xa1: {  	s6 =	ssub.s32 $0x0, s20;
	[sflag:s22] =	ssyncset.done $0x0  }
0xa2: {  	[sflag:s22] =	ssyncadd.s32 s6;
	_ =	sdelay $0x1  }
0xa3: {  	s23 =	simm.s32 $0x1B8B  }
0xa4: {  	_ =	swait.ge [sflag:s23], $0x1  }
0xa5: {  	[sflag:s23] =	ssyncset.done $0x0  }
0xa6: {  	s25 =	simm.s32 $0x1B8E;
	s24 =	sld [smem:$0x3FFE];
	[sflag:s23] =	ssyncadd.s32 $0xFFFFFFFF  }
0xa7: {  	s26 =	simm.s32 $execute0_lowered;
	[smem:$0x3FD2] =	sst s25  }
0xa8: {  	s7 =	sshll.u32 s26, $0x1;
	_ =	strace $0x80000046;
	[dreg:$0x1] =	wrdreg $0xFFFFFFFF  }
0xa9: {  	s28 =	simm.s32 $_size_execute0_lowered;
	s5 =	sadd.s32 s5, s7;
	[dreg:$0x0] =	wrdreg $0x0  }
0xaa: {  	s7 =	sshll.u32 s28, $0x1;
	[dreg:$0x2] =	wrdreg s5  }
0xab: {  	[dreg:$0x3] =	wrdreg s7  }
0xac: {  	[dreg:$0x4] =	wrdreg $0xC0  }
0xad: {  	_ =	task [dreg:s9], $0x5FFFF  }
0xae: {  	[dreg:$0x1] =	wrdreg $0xFFFFFFFF  }
0xaf: {  	[dreg:$0x0] =	wrdreg $0x60  }
0xb0: {  	[dreg:$0x2] =	wrdreg s2  }
0xb1: {  	[dreg:$0x3] =	wrdreg s24  }
0xb2: {  	[dreg:$0x4] =	wrdreg s18  }
0xb3: {  	[dreg:$0x5] =	wrdreg s4  }
0xb4: {  	[dreg:$0x6] =	wrdreg $0x9  }
0xb5: {  	_ =	task.clear_ibuf [dreg:s9], $0x7FFFF;
	_ =	strace $0x90000046  }
0xb6: {  	s29 =	simm.s32 $0x9;
	_ =	strace $0x80000048  }
0xb7: {  	_ =	swait.ge [sflag:s29], $0x1  }
0xb8: {  	[sflag:s29] =	ssyncadd.s32 $0xFFFFFFFF  }
0xb9: {  	_ =	strace $0x90000048  }
0xba: {  	_ =	sfence  }
0xbb: {  	s30 =	sld [smem:$0x0];
	_ =	sdelay $0x2  }
0xbc: {  	s31 =	sshll.u32 s1, $0xD;
	s1 =	sshrl.u32 s1, $0x2  }
0xbd: {  	s3 =	sand.u32 $0x4000, s31;
	s1 =	sadd.s32 s1, s30  }
0xbe: {  	s0 =	sor.u32 s3, s0;
	s1 =	sshll.u32 s1, $0x11  }
0xbf: {  	s0 =	sor.u32 s1, s0  }
0xc0: {  	s0 =	sadd.s32 $0x8F2B, s0  }
0xc1: {  	[sflag:s0] =	ssyncadd.remote.s32 $0x1  }
0xc2: {  	_ =	sfence.sel $0xFFFF  }
0xc3: {  	[dreg:$0x0] =	wrdreg $0xFFFFFFFF;
	(pc) =	sbr.abs _section_cstart, $3  }
0xc4: {  	[dreg:$0x1] =	wrdreg $0xFFFFFFFF  }
0xc5: {  	_ =	task.clear_ibuf [dreg:s9], $0x2FFFF;
	_ =	strace $0x9FFFFFFF  }
0xc6: {  	(tm) =	ssettm $0x7FFFFFFF  }
0xc7: {  	_ =	shalt  }
tec
execute0_lowered:
.L_overlay_start_1:
0x0: {  	(tag) =	ssettag $0x1  }
0x1: {  	s1 =	rddreg [dreg:$0x0]  }
0x2: {  	s2 =	srdreg.scid;
	s3 =	stileid.u32  }
0x3: {  	s0 =	rddreg [dreg:$0x1];
	s2 =	sand.u32 $0x1, s2;
	s3 =	sshll.u32 s3, $0x1  }
0x4: {  	s4 =	rddreg [dreg:$0x2];
	s6 =	sor.u32 s2, s3  }
0x5: {  	s5 =	rddreg [dreg:$0x3];
	s3 =	simm.s32 $0x0;
	s8 =	smul.u32 $0xC8000, s6  }
0x6: {  	s7 =	smul.u32 $0x320, s6;
	[smem:$0x7FF] =	sst s3  }
0x7: {  	s0 =	sadd.s32 $0x400, s0;
	_ =	strace $0x80000047;
	s26 =	sshrl.u32 s8, $0x3  }
0x8: {  	[dreg:$0x5] =	wrdreg s0;
	s4 =	sadd.s32 s4, s7;
	s8 =	sadd.s32 s5, s26  }
0x9: {  	[dreg:$0x6] =	wrdreg s4;
	s0 =	sadd.s32 $0x1900, s8  }
0xa: {  	s7 =	sadd.s32 $0x2580, s8;
	[dreg:$0x7] =	wrdreg s0  }
0xb: {  	s10 =	sadd.s32 $0x3200, s8;
	[dreg:$0x8] =	wrdreg s7  }
0xc: {  	s11 =	sadd.s32 $0x3E80, s8;
	[dreg:$0x9] =	wrdreg s10  }
0xd: {  	s12 =	sadd.s32 $0x4B00, s8;
	[dreg:$0xa] =	wrdreg s11  }
0xe: {  	s13 =	sadd.s32 $0x5780, s8;
	[dreg:$0xb] =	wrdreg s12  }
0xf: {  	s2 =	ssub.s32 $0x2, s2;
	s14 =	sadd.s32 $0x6400, s8;
	[dreg:$0xc] =	wrdreg s13  }
0x10: {  	s9 =	sshrl.u32 s2, $0x1;
	s15 =	sadd.s32 $0x7080, s8;
	[dreg:$0xd] =	wrdreg s14  }
0x11: {  	s6 =	smul.u32 $0x19000, s6;
	s16 =	sadd.s32 $0x7D00, s8;
	[dreg:$0xe] =	wrdreg s15  }
0x12: {  	s9 =	ssub.s32 s2, s9;
	s17 =	sadd.s32 $0x8980, s8;
	[dreg:$0xf] =	wrdreg s16  }
0x13: {  	s6 =	sadd.s32 s5, s6;
	s18 =	sadd.s32 $0x9600, s8;
	[dreg:$0x10] =	wrdreg s17  }
0x14: {  	s9 =	smax.u32 s9, $0x1;
	s19 =	sadd.s32 $0xA280, s8;
	[dreg:$0x11] =	wrdreg s18  }
0x15: {  	s20 =	sadd.s32 $0xAF00, s8;
	s21 =	sadd.s32 $0xBB80, s8;
	[dreg:$0x12] =	wrdreg s19  }
0x16: {  	s22 =	sadd.s32 $0xC800, s8;
	s23 =	sadd.s32 $0xD480, s8;
	[dreg:$0x13] =	wrdreg s20  }
0x17: {  	s24 =	sadd.s32 $0xE100, s8;
	s25 =	sadd.s32 $0xED80, s8;
	[dreg:$0x14] =	wrdreg s21  }
0x18: {  	s26 =	sadd.s32 $0xFA00, s8;
	s28 =	sadd.s32 $0x11300, s8;
	[dreg:$0x15] =	wrdreg s22  }
0x19: {  	s29 =	sadd.s32 $0x11F80, s8;
	s30 =	sadd.s32 $0x12C00, s8;
	[dreg:$0x16] =	wrdreg s23  }
0x1a: {  	s31 =	sadd.s32 $0x13880, s8;
	s2 =	sadd.s32 $0x14500, s8;
	[dreg:$0x17] =	wrdreg s24  }
0x1b: {  	s4 =	sadd.s32 $0x15E00, s8;
	s5 =	sadd.s32 $0x16A80, s8;
	[dreg:$0x18] =	wrdreg s25  }
0x1c: {  	[dreg:$0x19] =	wrdreg s26;
	s26 =	sadd.s32 $0x10680, s8;
	s0 =	sadd.s32 $0x15180, s8  }
0x1d: {  	s7 =	sadd.s32 $0x17700, s8;
	s8 =	sadd.s32 $0x18380, s8;
	s10 =	sadd.s32 $0xC80, s6  }
0x1e: {  	s11 =	simm.s32 $0x7;
	s12 =	simm.s32 $0xC8;
	s13 =	simm.s32 $0x4B00  }
0x1f: {  	s14 =	simm.s32 $0xAF00;
	s15 =	simm.s32 $0x11300;
	s16 =	simm.s32 $0x1  }
0x20: {  	s17 =	simm.s32 $0x4;
	s18 =	simm.s32 $0x2;
	s19 =	simm.s32 $0x5  }
0x21: {  	s20 =	simm.s32 $0x3;
	s21 =	simm.s32 $0x6;
	s22 =	simm.s32 $0x0  }
.LBB2_1:
0x22: {  	s23 =	rddreg [dreg:$0x6]  }
0x23: {  	[tilespmem:s3], [sflag:$0x7] =	stream.linear.gather [hbm4b:s23+s3], $0x1900, $0x38;
	[tilespmem:$0x17700] =	vst v63  }
0x24: {  	_ =	swait.ge [sflag:s11], $0x1900  }
0x25: {  	[sflag:s11] =	ssyncset.done $0x0  }
0x26: {  	s24 =	simm.s32 $0x1900;
	s25 =	rddreg [dreg:$0x5];
	[sflag:s11] =	ssyncadd.s32 $0xFFFFE700  }
0x27: {  	[tilespmem:s24], [sflag:$0x7] =	stream.linear.gather [hbm4b:s25+s3], $0x3200, $0x38;
	[tilespmem:$0x17700] =	vst v63  }
0x28: {  	_ =	swait.ge [sflag:s11], $0x3200  }
0x29: {  	[sflag:s11] =	ssyncset.done $0x0  }
0x2a: {  	[sflag:s11] =	ssyncadd.s32 $0xFFFFCE00  }
0x2b: {  	[tilespmem:s13], [sflag:$0x1] =	stream.indirect.gather [hbm4b:s1+s12], $0x80, s3, s12, $0xb8;
	[tilespmem:$0x17700] =	vst v63  }
0x2c: {  	_ = 	snop  }
0x2d: {  	[tilespmem:s14], [sflag:$0x2] =	stream.indirect.gather [hbm4b:s1+s12], $0x80, s12, s12, $0xb8;
	[tilespmem:$0x17700] =	vst v63  }
0x2e: {  	s24 =	simm.s32 $0x190  }
0x2f: {  	[tilespmem:s15], [sflag:$0x3] =	stream.indirect.gather [hbm4b:s1+s12], $0x80, s24, s12, $0xb8;
	[tilespmem:$0x17700] =	vst v63  }
0x30: {  	_ =	swait.ge [sflag:s16], $0x6400  }
0x31: {  	[sflag:s16] =	ssyncset.done $0x0  }
0x32: {  	s25 =	simm.s32 $0x1940;
	[sflag:s16] =	ssyncadd.s32 $0xFFFF9C00  }
0x33: {  	v0 =	vld [tilespmem:s25+$0xFFFFFFC0];
	_ =	sdelay $0x3  }
0x34: {  	s23 =	simm.s32 $0x4B80  }
0x35: {  	[tilespmem:s23+$0xFFFFFF80] =	vst.add.f32.msk $0xffff, v0  }
0x36: {  	v0 =	vld [tilespmem:s25+$0xFFFFFFD0];
	_ =	sdelay $0x4  }
0x37: {  	[tilespmem:s23+$0xFFFFFF90] =	vst.add.f32.msk $0xffff, v0  }
0x38: {  	v0 =	vld [tilespmem:s25+$0xFFFFFFE0];
	_ =	sdelay $0x4  }
0x39: {  	[tilespmem:s23+$0xFFFFFFA0] =	vst.add.f32.msk $0xffff, v0  }
0x3a: {  	v0 =	vld [tilespmem:s25+$0xFFFFFFF0];
	_ =	sdelay $0x4  }
0x3b: {  	[tilespmem:s23+$0xFFFFFFB0] =	vst.add.f32.msk $0xffff, v0  }
0x3c: {  	v0 =	vld [tilespmem:s25+$0x0];
	_ =	sdelay $0x4  }
0x3d: {  	[tilespmem:s23+$0x0] =	vst.add.f32.msk $0xffff, v0  }
0x3e: {  	v0 =	vld [tilespmem:s25+$0x10];
	_ =	sdelay $0x4  }
0x3f: {  	[tilespmem:s23+$0x10] =	vst.add.f32.msk $0xffff, v0  }
0x40: {  	v0 =	vld [tilespmem:s25+$0x20];
	_ =	sdelay $0x4  }
0x41: {  	[tilespmem:s23+$0x20] =	vst.add.f32.msk $0xffff, v0  }
0x42: {  	v0 =	vld [tilespmem:s25+$0x30];
	_ =	sdelay $0x4  }
0x43: {  	s24 =	simm.s32 $0x0;
	s25 =	simm.s32 $0x19C0;
	[tilespmem:s23+$0x30] =	vst.add.f32.msk $0xffff, v0  }
.LBB2_2:
0x44: {  	v0 =	vld [tilespmem:s25+$0xFFFFFFC0];
	s24 =	sadd.s32 $0x2, s24  }
0x45: {  	p0 =	slt.u32 s24, $0xC6;
	_ =	sdelay $0x2  }
0x46: {  	s23 =	sadd.s32 $0x100, s23  }
0x47: {  	[tilespmem:s23+$0xFFFFFF80] =	vst.add.f32.msk $0xffff, v0  }
0x48: {  	v0 =	vld [tilespmem:s25+$0xFFFFFFD0];
	_ =	sdelay $0x4  }
0x49: {  	[tilespmem:s23+$0xFFFFFF90] =	vst.add.f32.msk $0xffff, v0  }
0x4a: {  	v0 =	vld [tilespmem:s25+$0xFFFFFFE0];
	_ =	sdelay $0x4  }
0x4b: {  	[tilespmem:s23+$0xFFFFFFA0] =	vst.add.f32.msk $0xffff, v0  }
0x4c: {  	v0 =	vld [tilespmem:s25+$0xFFFFFFF0];
	_ =	sdelay $0x4  }
0x4d: {  	[tilespmem:s23+$0xFFFFFFB0] =	vst.add.f32.msk $0xffff, v0  }
0x4e: {  	v0 =	vld [tilespmem:s25+$0x0];
	_ =	sdelay $0x4  }
0x4f: {  	[tilespmem:s23+$0x0] =	vst.add.f32.msk $0xffff, v0  }
0x50: {  	v0 =	vld [tilespmem:s25+$0x10];
	_ =	sdelay $0x4  }
0x51: {  	[tilespmem:s23+$0x10] =	vst.add.f32.msk $0xffff, v0  }
0x52: {  	v0 =	vld [tilespmem:s25+$0x20];
	_ =	sdelay $0x4  }
0x53: {  	[tilespmem:s23+$0x20] =	vst.add.f32.msk $0xffff, v0  }
0x54: {  	v0 =	vld [tilespmem:s25+$0x30]  }
.Ltmp0:
0x55: {  	(pc) =	sbr.rel @p0 .LBB2_2-.Ltmp0, $2  }
0x56: {  	_ =	sdelay $0x2  }
0x57: {  	s25 =	sadd.s32 $0x80, s25;
	[tilespmem:s23+$0x30] =	vst.add.f32.msk $0xffff, v0  }
0x58: {  	[hbm4b:s6+s3] =	stream.linear.scatter [tilespmem:s13], [sflag:$0x4], $0x6400, $0x38;
	[tilespmem:$0x17700] =	vst v63  }
0x59: {  	_ =	swait.ge [sflag:s17], $0x6400  }
0x5a: {  	[sflag:s17] =	ssyncset.done $0x0  }
0x5b: {  	s23 =	simm.s32 $0x258;
	[sflag:s17] =	ssyncadd.s32 $0xFFFF9C00  }
0x5c: {  	[tilespmem:s13], [sflag:$0x1] =	stream.indirect.gather [hbm4b:s1+s12], $0x80, s23, s12, $0xb8;
	[tilespmem:$0x17700] =	vst v63  }
0x5d: {  	_ =	swait.ge [sflag:s18], $0x6400  }
0x5e: {  	[sflag:s18] =	ssyncset.done $0x0  }
0x5f: {  	s24 =	simm.s32 $0x1940;
	[sflag:s18] =	ssyncadd.s32 $0xFFFF9C00  }
0x60: {  	v0 =	vld [tilespmem:s24+$0xFFFFFFC0];
	_ =	sdelay $0x3  }
0x61: {  	s23 =	simm.s32 $0xAF80  }
0x62: {  	[tilespmem:s23+$0xFFFFFF80] =	vst.add.f32.msk $0xffff, v0  }
0x63: {  	v0 =	vld [tilespmem:s24+$0xFFFFFFD0];
	_ =	sdelay $0x4  }
0x64: {  	[tilespmem:s23+$0xFFFFFF90] =	vst.add.f32.msk $0xffff, v0  }
0x65: {  	v0 =	vld [tilespmem:s24+$0xFFFFFFE0];
	_ =	sdelay $0x4  }
0x66: {  	[tilespmem:s23+$0xFFFFFFA0] =	vst.add.f32.msk $0xffff, v0  }
0x67: {  	v0 =	vld [tilespmem:s24+$0xFFFFFFF0];
	_ =	sdelay $0x4  }
0x68: {  	[tilespmem:s23+$0xFFFFFFB0] =	vst.add.f32.msk $0xffff, v0  }
0x69: {  	v0 =	vld [tilespmem:s24+$0x0];
	_ =	sdelay $0x4  }
0x6a: {  	[tilespmem:s23+$0x0] =	vst.add.f32.msk $0xffff, v0  }
0x6b: {  	v0 =	vld [tilespmem:s24+$0x10];
	_ =	sdelay $0x4  }
0x6c: {  	[tilespmem:s23+$0x10] =	vst.add.f32.msk $0xffff, v0  }
0x6d: {  	v0 =	vld [tilespmem:s24+$0x20];
	_ =	sdelay $0x4  }
0x6e: {  	[tilespmem:s23+$0x20] =	vst.add.f32.msk $0xffff, v0  }
0x6f: {  	v0 =	vld [tilespmem:s24+$0x30];
	_ =	sdelay $0x4  }
0x70: {  	s25 =	simm.s32 $0x19C0;
	s24 =	simm.s32 $0x0;
	[tilespmem:s23+$0x30] =	vst.add.f32.msk $0xffff, v0  }
.LBB2_4:
0x71: {  	v0 =	vld [tilespmem:s25+$0xFFFFFFC0];
	s24 =	sadd.s32 $0x2, s24  }
0x72: {  	p0 =	slt.u32 s24, $0xC6;
	_ =	sdelay $0x2  }
0x73: {  	s23 =	sadd.s32 $0x100, s23  }
0x74: {  	[tilespmem:s23+$0xFFFFFF80] =	vst.add.f32.msk $0xffff, v0  }
0x75: {  	v0 =	vld [tilespmem:s25+$0xFFFFFFD0];
	_ =	sdelay $0x4  }
0x76: {  	[tilespmem:s23+$0xFFFFFF90] =	vst.add.f32.msk $0xffff, v0  }
0x77: {  	v0 =	vld [tilespmem:s25+$0xFFFFFFE0];
	_ =	sdelay $0x4  }
0x78: {  	[tilespmem:s23+$0xFFFFFFA0] =	vst.add.f32.msk $0xffff, v0  }
0x79: {  	v0 =	vld [tilespmem:s25+$0xFFFFFFF0];
	_ =	sdelay $0x4  }
0x7a: {  	[tilespmem:s23+$0xFFFFFFB0] =	vst.add.f32.msk $0xffff, v0  }
0x7b: {  	v0 =	vld [tilespmem:s25+$0x0];
	_ =	sdelay $0x4  }
0x7c: {  	[tilespmem:s23+$0x0] =	vst.add.f32.msk $0xffff, v0  }
0x7d: {  	v0 =	vld [tilespmem:s25+$0x10];
	_ =	sdelay $0x4  }
0x7e: {  	[tilespmem:s23+$0x10] =	vst.add.f32.msk $0xffff, v0  }
0x7f: {  	v0 =	vld [tilespmem:s25+$0x20];
	_ =	sdelay $0x4  }
0x80: {  	[tilespmem:s23+$0x20] =	vst.add.f32.msk $0xffff, v0  }
0x81: {  	v0 =	vld [tilespmem:s25+$0x30]  }
.Ltmp1:
0x82: {  	(pc) =	sbr.rel @p0 .LBB2_4-.Ltmp1, $2  }
0x83: {  	_ =	sdelay $0x2  }
0x84: {  	s25 =	sadd.s32 $0x80, s25;
	[tilespmem:s23+$0x30] =	vst.add.f32.msk $0xffff, v0  }
0x85: {  	[hbm4b:s10+s3] =	stream.linear.scatter [tilespmem:s14], [sflag:$0x5], $0x6400, $0x38;
	[tilespmem:$0x17700] =	vst v63  }
0x86: {  	_ =	swait.ge [sflag:s19], $0x6400  }
0x87: {  	[sflag:s19] =	ssyncset.done $0x0  }
0x88: {  	s23 =	simm.s32 $0x320;
	[sflag:s19] =	ssyncadd.s32 $0xFFFF9C00  }
0x89: {  	[tilespmem:s14], [sflag:$0x2] =	stream.indirect.gather [hbm4b:s1+s12], $0x80, s23, s12, $0xb8;
	[tilespmem:$0x17700] =	vst v63  }
0x8a: {  	_ =	swait.ge [sflag:s20], $0x6400  }
0x8b: {  	[sflag:s20] =	ssyncset.done $0x0  }
0x8c: {  	s24 =	simm.s32 $0x1940;
	[sflag:s20] =	ssyncadd.s32 $0xFFFF9C00  }
0x8d: {  	v0 =	vld [tilespmem:s24+$0xFFFFFFC0];
	_ =	sdelay $0x3  }
0x8e: {  	s23 =	simm.s32 $0x11380  }
0x8f: {  	[tilespmem:s23+$0xFFFFFF80] =	vst.add.f32.msk $0xffff, v0  }
0x90: {  	v0 =	vld [tilespmem:s24+$0xFFFFFFD0];
	_ =	sdelay $0x4  }
0x91: {  	[tilespmem:s23+$0xFFFFFF90] =	vst.add.f32.msk $0xffff, v0  }
0x92: {  	v0 =	vld [tilespmem:s24+$0xFFFFFFE0];
	_ =	sdelay $0x4  }
0x93: {  	[tilespmem:s23+$0xFFFFFFA0] =	vst.add.f32.msk $0xffff, v0  }
0x94: {  	v0 =	vld [tilespmem:s24+$0xFFFFFFF0];
	_ =	sdelay $0x4  }
0x95: {  	[tilespmem:s23+$0xFFFFFFB0] =	vst.add.f32.msk $0xffff, v0  }
0x96: {  	v0 =	vld [tilespmem:s24+$0x0];
	_ =	sdelay $0x4  }
0x97: {  	[tilespmem:s23+$0x0] =	vst.add.f32.msk $0xffff, v0  }
0x98: {  	v0 =	vld [tilespmem:s24+$0x10];
	_ =	sdelay $0x4  }
0x99: {  	[tilespmem:s23+$0x10] =	vst.add.f32.msk $0xffff, v0  }
0x9a: {  	v0 =	vld [tilespmem:s24+$0x20];
	_ =	sdelay $0x4  }
0x9b: {  	[tilespmem:s23+$0x20] =	vst.add.f32.msk $0xffff, v0  }
0x9c: {  	v0 =	vld [tilespmem:s24+$0x30];
	_ =	sdelay $0x4  }
0x9d: {  	s25 =	simm.s32 $0x19C0;
	s24 =	simm.s32 $0x0;
	[tilespmem:s23+$0x30] =	vst.add.f32.msk $0xffff, v0  }
.LBB2_6:
0x9e: {  	v0 =	vld [tilespmem:s25+$0xFFFFFFC0];
	s24 =	sadd.s32 $0x2, s24  }
0x9f: {  	p0 =	slt.u32 s24, $0xC6;
	_ =	sdelay $0x2  }
0xa0: {  	s23 =	sadd.s32 $0x100, s23  }
0xa1: {  	[tilespmem:s23+$0xFFFFFF80] =	vst.add.f32.msk $0xffff, v0  }
0xa2: {  	v0 =	vld [tilespmem:s25+$0xFFFFFFD0];
	_ =	sdelay $0x4  }
0xa3: {  	[tilespmem:s23+$0xFFFFFF90] =	vst.add.f32.msk $0xffff, v0  }
0xa4: {  	v0 =	vld [tilespmem:s25+$0xFFFFFFE0];
	_ =	sdelay $0x4  }
0xa5: {  	[tilespmem:s23+$0xFFFFFFA0] =	vst.add.f32.msk $0xffff, v0  }
0xa6: {  	v0 =	vld [tilespmem:s25+$0xFFFFFFF0];
	_ =	sdelay $0x4  }
0xa7: {  	[tilespmem:s23+$0xFFFFFFB0] =	vst.add.f32.msk $0xffff, v0  }
0xa8: {  	v0 =	vld [tilespmem:s25+$0x0];
	_ =	sdelay $0x4  }
0xa9: {  	[tilespmem:s23+$0x0] =	vst.add.f32.msk $0xffff, v0  }
0xaa: {  	v0 =	vld [tilespmem:s25+$0x10];
	_ =	sdelay $0x4  }
0xab: {  	[tilespmem:s23+$0x10] =	vst.add.f32.msk $0xffff, v0  }
0xac: {  	v0 =	vld [tilespmem:s25+$0x20];
	_ =	sdelay $0x4  }
0xad: {  	[tilespmem:s23+$0x20] =	vst.add.f32.msk $0xffff, v0  }
0xae: {  	v0 =	vld [tilespmem:s25+$0x30]  }
.Ltmp2:
0xaf: {  	(pc) =	sbr.rel @p0 .LBB2_6-.Ltmp2, $2  }
0xb0: {  	_ =	sdelay $0x2  }
0xb1: {  	s25 =	sadd.s32 $0x80, s25;
	[tilespmem:s23+$0x30] =	vst.add.f32.msk $0xffff, v0  }
0xb2: {  	s23 =	rddreg [dreg:$0x7]  }
0xb3: {  	[hbm4b:s23+s3] =	stream.linear.scatter [tilespmem:s15], [sflag:$0x6], $0x6400, $0x38;
	[tilespmem:$0x17700] =	vst v63  }
0xb4: {  	_ =	swait.ge [sflag:s21], $0x6400  }
0xb5: {  	[sflag:s21] =	ssyncset.done $0x0  }
0xb6: {  	s25 =	simm.s32 $0x3E8;
	[sflag:s21] =	ssyncadd.s32 $0xFFFF9C00  }
0xb7: {  	[tilespmem:s15], [sflag:$0x3] =	stream.indirect.gather [hbm4b:s1+s12], $0x80, s25, s12, $0xb8;
	[tilespmem:$0x17700] =	vst v63  }
0xb8: {  	_ =	swait.ge [sflag:s16], $0x6400  }
0xb9: {  	[sflag:s16] =	ssyncset.done $0x0  }
0xba: {  	s24 =	simm.s32 $0x1940;
	[sflag:s16] =	ssyncadd.s32 $0xFFFF9C00  }
0xbb: {  	v0 =	vld [tilespmem:s24+$0xFFFFFFC0];
	_ =	sdelay $0x3  }
0xbc: {  	s23 =	simm.s32 $0x4B80  }
0xbd: {  	[tilespmem:s23+$0xFFFFFF80] =	vst.add.f32.msk $0xffff, v0  }
0xbe: {  	v0 =	vld [tilespmem:s24+$0xFFFFFFD0];
	_ =	sdelay $0x4  }
0xbf: {  	[tilespmem:s23+$0xFFFFFF90] =	vst.add.f32.msk $0xffff, v0  }
0xc0: {  	v0 =	vld [tilespmem:s24+$0xFFFFFFE0];
	_ =	sdelay $0x4  }
0xc1: {  	[tilespmem:s23+$0xFFFFFFA0] =	vst.add.f32.msk $0xffff, v0  }
0xc2: {  	v0 =	vld [tilespmem:s24+$0xFFFFFFF0];
	_ =	sdelay $0x4  }
0xc3: {  	[tilespmem:s23+$0xFFFFFFB0] =	vst.add.f32.msk $0xffff, v0  }
0xc4: {  	v0 =	vld [tilespmem:s24+$0x0];
	_ =	sdelay $0x4  }
0xc5: {  	[tilespmem:s23+$0x0] =	vst.add.f32.msk $0xffff, v0  }
0xc6: {  	v0 =	vld [tilespmem:s24+$0x10];
	_ =	sdelay $0x4  }
0xc7: {  	[tilespmem:s23+$0x10] =	vst.add.f32.msk $0xffff, v0  }
0xc8: {  	v0 =	vld [tilespmem:s24+$0x20];
	_ =	sdelay $0x4  }
0xc9: {  	[tilespmem:s23+$0x20] =	vst.add.f32.msk $0xffff, v0  }
0xca: {  	v0 =	vld [tilespmem:s24+$0x30];
	_ =	sdelay $0x4  }
0xcb: {  	s25 =	simm.s32 $0x19C0;
	s24 =	simm.s32 $0x0;
	[tilespmem:s23+$0x30] =	vst.add.f32.msk $0xffff, v0  }
.LBB2_8:
0xcc: {  	v0 =	vld [tilespmem:s25+$0xFFFFFFC0];
	s24 =	sadd.s32 $0x2, s24  }
0xcd: {  	p0 =	slt.u32 s24, $0xC6;
	_ =	sdelay $0x2  }
0xce: {  	s23 =	sadd.s32 $0x100, s23  }
0xcf: {  	[tilespmem:s23+$0xFFFFFF80] =	vst.add.f32.msk $0xffff, v0  }
0xd0: {  	v0 =	vld [tilespmem:s25+$0xFFFFFFD0];
	_ =	sdelay $0x4  }
0xd1: {  	[tilespmem:s23+$0xFFFFFF90] =	vst.add.f32.msk $0xffff, v0  }
0xd2: {  	v0 =	vld [tilespmem:s25+$0xFFFFFFE0];
	_ =	sdelay $0x4  }
0xd3: {  	[tilespmem:s23+$0xFFFFFFA0] =	vst.add.f32.msk $0xffff, v0  }
0xd4: {  	v0 =	vld [tilespmem:s25+$0xFFFFFFF0];
	_ =	sdelay $0x4  }
0xd5: {  	[tilespmem:s23+$0xFFFFFFB0] =	vst.add.f32.msk $0xffff, v0  }
0xd6: {  	v0 =	vld [tilespmem:s25+$0x0];
	_ =	sdelay $0x4  }
0xd7: {  	[tilespmem:s23+$0x0] =	vst.add.f32.msk $0xffff, v0  }
0xd8: {  	v0 =	vld [tilespmem:s25+$0x10];
	_ =	sdelay $0x4  }
0xd9: {  	[tilespmem:s23+$0x10] =	vst.add.f32.msk $0xffff, v0  }
0xda: {  	v0 =	vld [tilespmem:s25+$0x20];
	_ =	sdelay $0x4  }
0xdb: {  	[tilespmem:s23+$0x20] =	vst.add.f32.msk $0xffff, v0  }
0xdc: {  	v0 =	vld [tilespmem:s25+$0x30]  }
.Ltmp3:
0xdd: {  	(pc) =	sbr.rel @p0 .LBB2_8-.Ltmp3, $2  }
0xde: {  	_ =	sdelay $0x2  }
0xdf: {  	s25 =	sadd.s32 $0x80, s25;
	[tilespmem:s23+$0x30] =	vst.add.f32.msk $0xffff, v0  }
0xe0: {  	s23 =	rddreg [dreg:$0x8]  }
0xe1: {  	[hbm4b:s23+s3] =	stream.linear.scatter [tilespmem:s13], [sflag:$0x4], $0x6400, $0x38;
	[tilespmem:$0x17700] =	vst v63  }
0xe2: {  	_ =	swait.ge [sflag:s17], $0x6400  }
0xe3: {  	[sflag:s17] =	ssyncset.done $0x0  }
0xe4: {  	s25 =	simm.s32 $0x4B0;
	[sflag:s17] =	ssyncadd.s32 $0xFFFF9C00  }
0xe5: {  	[tilespmem:s13], [sflag:$0x1] =	stream.indirect.gather [hbm4b:s1+s12], $0x80, s25, s12, $0xb8;
	[tilespmem:$0x17700] =	vst v63  }
0xe6: {  	_ =	swait.ge [sflag:s18], $0x6400  }
0xe7: {  	[sflag:s18] =	ssyncset.done $0x0  }
0xe8: {  	s24 =	simm.s32 $0x1940;
	[sflag:s18] =	ssyncadd.s32 $0xFFFF9C00  }
0xe9: {  	v0 =	vld [tilespmem:s24+$0xFFFFFFC0];
	_ =	sdelay $0x3  }
0xea: {  	s23 =	simm.s32 $0xAF80  }
0xeb: {  	[tilespmem:s23+$0xFFFFFF80] =	vst.add.f32.msk $0xffff, v0  }
0xec: {  	v0 =	vld [tilespmem:s24+$0xFFFFFFD0];
	_ =	sdelay $0x4  }
0xed: {  	[tilespmem:s23+$0xFFFFFF90] =	vst.add.f32.msk $0xffff, v0  }
0xee: {  	v0 =	vld [tilespmem:s24+$0xFFFFFFE0];
	_ =	sdelay $0x4  }
0xef: {  	[tilespmem:s23+$0xFFFFFFA0] =	vst.add.f32.msk $0xffff, v0  }
0xf0: {  	v0 =	vld [tilespmem:s24+$0xFFFFFFF0];
	_ =	sdelay $0x4  }
0xf1: {  	[tilespmem:s23+$0xFFFFFFB0] =	vst.add.f32.msk $0xffff, v0  }
0xf2: {  	v0 =	vld [tilespmem:s24+$0x0];
	_ =	sdelay $0x4  }
0xf3: {  	[tilespmem:s23+$0x0] =	vst.add.f32.msk $0xffff, v0  }
0xf4: {  	v0 =	vld [tilespmem:s24+$0x10];
	_ =	sdelay $0x4  }
0xf5: {  	[tilespmem:s23+$0x10] =	vst.add.f32.msk $0xffff, v0  }
0xf6: {  	v0 =	vld [tilespmem:s24+$0x20];
	_ =	sdelay $0x4  }
0xf7: {  	[tilespmem:s23+$0x20] =	vst.add.f32.msk $0xffff, v0  }
0xf8: {  	v0 =	vld [tilespmem:s24+$0x30];
	_ =	sdelay $0x4  }
0xf9: {  	s25 =	simm.s32 $0x19C0;
	s24 =	simm.s32 $0x0;
	[tilespmem:s23+$0x30] =	vst.add.f32.msk $0xffff, v0  }
.LBB2_10:
0xfa: {  	v0 =	vld [tilespmem:s25+$0xFFFFFFC0];
	s24 =	sadd.s32 $0x2, s24  }
0xfb: {  	p0 =	slt.u32 s24, $0xC6;
	_ =	sdelay $0x2  }
0xfc: {  	s23 =	sadd.s32 $0x100, s23  }
0xfd: {  	[tilespmem:s23+$0xFFFFFF80] =	vst.add.f32.msk $0xffff, v0  }
0xfe: {  	v0 =	vld [tilespmem:s25+$0xFFFFFFD0];
	_ =	sdelay $0x4  }
0xff: {  	[tilespmem:s23+$0xFFFFFF90] =	vst.add.f32.msk $0xffff, v0  }
0x100: {  	v0 =	vld [tilespmem:s25+$0xFFFFFFE0];
	_ =	sdelay $0x4  }
0x101: {  	[tilespmem:s23+$0xFFFFFFA0] =	vst.add.f32.msk $0xffff, v0  }
0x102: {  	v0 =	vld [tilespmem:s25+$0xFFFFFFF0];
	_ =	sdelay $0x4  }
0x103: {  	[tilespmem:s23+$0xFFFFFFB0] =	vst.add.f32.msk $0xffff, v0  }
0x104: {  	v0 =	vld [tilespmem:s25+$0x0];
	_ =	sdelay $0x4  }
0x105: {  	[tilespmem:s23+$0x0] =	vst.add.f32.msk $0xffff, v0  }
0x106: {  	v0 =	vld [tilespmem:s25+$0x10];
	_ =	sdelay $0x4  }
0x107: {  	[tilespmem:s23+$0x10] =	vst.add.f32.msk $0xffff, v0  }
0x108: {  	v0 =	vld [tilespmem:s25+$0x20];
	_ =	sdelay $0x4  }
0x109: {  	[tilespmem:s23+$0x20] =	vst.add.f32.msk $0xffff, v0  }
0x10a: {  	v0 =	vld [tilespmem:s25+$0x30]  }
.Ltmp4:
0x10b: {  	(pc) =	sbr.rel @p0 .LBB2_10-.Ltmp4, $2  }
0x10c: {  	_ =	sdelay $0x2  }
0x10d: {  	s25 =	sadd.s32 $0x80, s25;
	[tilespmem:s23+$0x30] =	vst.add.f32.msk $0xffff, v0  }
0x10e: {  	s23 =	rddreg [dreg:$0x9]  }
0x10f: {  	[hbm4b:s23+s3] =	stream.linear.scatter [tilespmem:s14], [sflag:$0x5], $0x6400, $0x38;
	[tilespmem:$0x17700] =	vst v63  }
0x110: {  	_ =	swait.ge [sflag:s19], $0x6400  }
0x111: {  	[sflag:s19] =	ssyncset.done $0x0  }
0x112: {  	s25 =	simm.s32 $0x578;
	[sflag:s19] =	ssyncadd.s32 $0xFFFF9C00  }
0x113: {  	[tilespmem:s14], [sflag:$0x2] =	stream.indirect.gather [hbm4b:s1+s12], $0x80, s25, s12, $0xb8;
	[tilespmem:$0x17700] =	vst v63  }
0x114: {  	_ =	swait.ge [sflag:s20], $0x6400  }
0x115: {  	[sflag:s20] =	ssyncset.done $0x0  }
0x116: {  	s24 =	simm.s32 $0x1940;
	[sflag:s20] =	ssyncadd.s32 $0xFFFF9C00  }
0x117: {  	v0 =	vld [tilespmem:s24+$0xFFFFFFC0];
	_ =	sdelay $0x3  }
0x118: {  	s23 =	simm.s32 $0x11380  }
0x119: {  	[tilespmem:s23+$0xFFFFFF80] =	vst.add.f32.msk $0xffff, v0  }
0x11a: {  	v0 =	vld [tilespmem:s24+$0xFFFFFFD0];
	_ =	sdelay $0x4  }
0x11b: {  	[tilespmem:s23+$0xFFFFFF90] =	vst.add.f32.msk $0xffff, v0  }
0x11c: {  	v0 =	vld [tilespmem:s24+$0xFFFFFFE0];
	_ =	sdelay $0x4  }
0x11d: {  	[tilespmem:s23+$0xFFFFFFA0] =	vst.add.f32.msk $0xffff, v0  }
0x11e: {  	v0 =	vld [tilespmem:s24+$0xFFFFFFF0];
	_ =	sdelay $0x4  }
0x11f: {  	[tilespmem:s23+$0xFFFFFFB0] =	vst.add.f32.msk $0xffff, v0  }
0x120: {  	v0 =	vld [tilespmem:s24+$0x0];
	_ =	sdelay $0x4  }
0x121: {  	[tilespmem:s23+$0x0] =	vst.add.f32.msk $0xffff, v0  }
0x122: {  	v0 =	vld [tilespmem:s24+$0x10];
	_ =	sdelay $0x4  }
0x123: {  	[tilespmem:s23+$0x10] =	vst.add.f32.msk $0xffff, v0  }
0x124: {  	v0 =	vld [tilespmem:s24+$0x20];
	_ =	sdelay $0x4  }
0x125: {  	[tilespmem:s23+$0x20] =	vst.add.f32.msk $0xffff, v0  }
0x126: {  	v0 =	vld [tilespmem:s24+$0x30];
	_ =	sdelay $0x4  }
0x127: {  	s25 =	simm.s32 $0x19C0;
	s24 =	simm.s32 $0x0;
	[tilespmem:s23+$0x30] =	vst.add.f32.msk $0xffff, v0  }
.LBB2_12:
0x128: {  	v0 =	vld [tilespmem:s25+$0xFFFFFFC0];
	s24 =	sadd.s32 $0x2, s24  }
0x129: {  	p0 =	slt.u32 s24, $0xC6;
	_ =	sdelay $0x2  }
0x12a: {  	s23 =	sadd.s32 $0x100, s23  }
0x12b: {  	[tilespmem:s23+$0xFFFFFF80] =	vst.add.f32.msk $0xffff, v0  }
0x12c: {  	v0 =	vld [tilespmem:s25+$0xFFFFFFD0];
	_ =	sdelay $0x4  }
0x12d: {  	[tilespmem:s23+$0xFFFFFF90] =	vst.add.f32.msk $0xffff, v0  }
0x12e: {  	v0 =	vld [tilespmem:s25+$0xFFFFFFE0];
	_ =	sdelay $0x4  }
0x12f: {  	[tilespmem:s23+$0xFFFFFFA0] =	vst.add.f32.msk $0xffff, v0  }
0x130: {  	v0 =	vld [tilespmem:s25+$0xFFFFFFF0];
	_ =	sdelay $0x4  }
0x131: {  	[tilespmem:s23+$0xFFFFFFB0] =	vst.add.f32.msk $0xffff, v0  }
0x132: {  	v0 =	vld [tilespmem:s25+$0x0];
	_ =	sdelay $0x4  }
0x133: {  	[tilespmem:s23+$0x0] =	vst.add.f32.msk $0xffff, v0  }
0x134: {  	v0 =	vld [tilespmem:s25+$0x10];
	_ =	sdelay $0x4  }
0x135: {  	[tilespmem:s23+$0x10] =	vst.add.f32.msk $0xffff, v0  }
0x136: {  	v0 =	vld [tilespmem:s25+$0x20];
	_ =	sdelay $0x4  }
0x137: {  	[tilespmem:s23+$0x20] =	vst.add.f32.msk $0xffff, v0  }
0x138: {  	v0 =	vld [tilespmem:s25+$0x30]  }
.Ltmp5:
0x139: {  	(pc) =	sbr.rel @p0 .LBB2_12-.Ltmp5, $2  }
0x13a: {  	_ =	sdelay $0x2  }
0x13b: {  	s25 =	sadd.s32 $0x80, s25;
	[tilespmem:s23+$0x30] =	vst.add.f32.msk $0xffff, v0  }
0x13c: {  	s23 =	rddreg [dreg:$0xa]  }
0x13d: {  	[hbm4b:s23+s3] =	stream.linear.scatter [tilespmem:s15], [sflag:$0x6], $0x6400, $0x38;
	[tilespmem:$0x17700] =	vst v63  }
0x13e: {  	_ =	swait.ge [sflag:s21], $0x6400  }
0x13f: {  	[sflag:s21] =	ssyncset.done $0x0  }
0x140: {  	s25 =	simm.s32 $0x640;
	[sflag:s21] =	ssyncadd.s32 $0xFFFF9C00  }
0x141: {  	[tilespmem:s15], [sflag:$0x3] =	stream.indirect.gather [hbm4b:s1+s12], $0x80, s25, s12, $0xb8;
	[tilespmem:$0x17700] =	vst v63  }
0x142: {  	_ =	swait.ge [sflag:s16], $0x6400  }
0x143: {  	[sflag:s16] =	ssyncset.done $0x0  }
0x144: {  	s24 =	simm.s32 $0x1940;
	[sflag:s16] =	ssyncadd.s32 $0xFFFF9C00  }
0x145: {  	v0 =	vld [tilespmem:s24+$0xFFFFFFC0];
	_ =	sdelay $0x3  }
0x146: {  	s23 =	simm.s32 $0x4B80  }
0x147: {  	[tilespmem:s23+$0xFFFFFF80] =	vst.add.f32.msk $0xffff, v0  }
0x148: {  	v0 =	vld [tilespmem:s24+$0xFFFFFFD0];
	_ =	sdelay $0x4  }
0x149: {  	[tilespmem:s23+$0xFFFFFF90] =	vst.add.f32.msk $0xffff, v0  }
0x14a: {  	v0 =	vld [tilespmem:s24+$0xFFFFFFE0];
	_ =	sdelay $0x4  }
0x14b: {  	[tilespmem:s23+$0xFFFFFFA0] =	vst.add.f32.msk $0xffff, v0  }
0x14c: {  	v0 =	vld [tilespmem:s24+$0xFFFFFFF0];
	_ =	sdelay $0x4  }
0x14d: {  	[tilespmem:s23+$0xFFFFFFB0] =	vst.add.f32.msk $0xffff, v0  }
0x14e: {  	v0 =	vld [tilespmem:s24+$0x0];
	_ =	sdelay $0x4  }
0x14f: {  	[tilespmem:s23+$0x0] =	vst.add.f32.msk $0xffff, v0  }
0x150: {  	v0 =	vld [tilespmem:s24+$0x10];
	_ =	sdelay $0x4  }
0x151: {  	[tilespmem:s23+$0x10] =	vst.add.f32.msk $0xffff, v0  }
0x152: {  	v0 =	vld [tilespmem:s24+$0x20];
	_ =	sdelay $0x4  }
0x153: {  	[tilespmem:s23+$0x20] =	vst.add.f32.msk $0xffff, v0  }
0x154: {  	v0 =	vld [tilespmem:s24+$0x30];
	_ =	sdelay $0x4  }
0x155: {  	s25 =	simm.s32 $0x19C0;
	s24 =	simm.s32 $0x0;
	[tilespmem:s23+$0x30] =	vst.add.f32.msk $0xffff, v0  }
.LBB2_14:
0x156: {  	v0 =	vld [tilespmem:s25+$0xFFFFFFC0];
	s24 =	sadd.s32 $0x2, s24  }
0x157: {  	p0 =	slt.u32 s24, $0xC6;
	_ =	sdelay $0x2  }
0x158: {  	s23 =	sadd.s32 $0x100, s23  }
0x159: {  	[tilespmem:s23+$0xFFFFFF80] =	vst.add.f32.msk $0xffff, v0  }
0x15a: {  	v0 =	vld [tilespmem:s25+$0xFFFFFFD0];
	_ =	sdelay $0x4  }
0x15b: {  	[tilespmem:s23+$0xFFFFFF90] =	vst.add.f32.msk $0xffff, v0  }
0x15c: {  	v0 =	vld [tilespmem:s25+$0xFFFFFFE0];
	_ =	sdelay $0x4  }
0x15d: {  	[tilespmem:s23+$0xFFFFFFA0] =	vst.add.f32.msk $0xffff, v0  }
0x15e: {  	v0 =	vld [tilespmem:s25+$0xFFFFFFF0];
	_ =	sdelay $0x4  }
0x15f: {  	[tilespmem:s23+$0xFFFFFFB0] =	vst.add.f32.msk $0xffff, v0  }
0x160: {  	v0 =	vld [tilespmem:s25+$0x0];
	_ =	sdelay $0x4  }
0x161: {  	[tilespmem:s23+$0x0] =	vst.add.f32.msk $0xffff, v0  }
0x162: {  	v0 =	vld [tilespmem:s25+$0x10];
	_ =	sdelay $0x4  }
0x163: {  	[tilespmem:s23+$0x10] =	vst.add.f32.msk $0xffff, v0  }
0x164: {  	v0 =	vld [tilespmem:s25+$0x20];
	_ =	sdelay $0x4  }
0x165: {  	[tilespmem:s23+$0x20] =	vst.add.f32.msk $0xffff, v0  }
0x166: {  	v0 =	vld [tilespmem:s25+$0x30]  }
.Ltmp6:
0x167: {  	(pc) =	sbr.rel @p0 .LBB2_14-.Ltmp6, $2  }
0x168: {  	_ =	sdelay $0x2  }
0x169: {  	s25 =	sadd.s32 $0x80, s25;
	[tilespmem:s23+$0x30] =	vst.add.f32.msk $0xffff, v0  }
0x16a: {  	s23 =	rddreg [dreg:$0xb]  }
0x16b: {  	[hbm4b:s23+s3] =	stream.linear.scatter [tilespmem:s13], [sflag:$0x4], $0x6400, $0x38;
	[tilespmem:$0x17700] =	vst v63  }
0x16c: {  	_ =	swait.ge [sflag:s17], $0x6400  }
0x16d: {  	[sflag:s17] =	ssyncset.done $0x0  }
0x16e: {  	s25 =	simm.s32 $0x708;
	[sflag:s17] =	ssyncadd.s32 $0xFFFF9C00  }
0x16f: {  	[tilespmem:s13], [sflag:$0x1] =	stream.indirect.gather [hbm4b:s1+s12], $0x80, s25, s12, $0xb8;
	[tilespmem:$0x17700] =	vst v63  }
0x170: {  	_ =	swait.ge [sflag:s18], $0x6400  }
0x171: {  	[sflag:s18] =	ssyncset.done $0x0  }
0x172: {  	s24 =	simm.s32 $0x1940;
	[sflag:s18] =	ssyncadd.s32 $0xFFFF9C00  }
0x173: {  	v0 =	vld [tilespmem:s24+$0xFFFFFFC0];
	_ =	sdelay $0x3  }
0x174: {  	s23 =	simm.s32 $0xAF80  }
0x175: {  	[tilespmem:s23+$0xFFFFFF80] =	vst.add.f32.msk $0xffff, v0  }
0x176: {  	v0 =	vld [tilespmem:s24+$0xFFFFFFD0];
	_ =	sdelay $0x4  }
0x177: {  	[tilespmem:s23+$0xFFFFFF90] =	vst.add.f32.msk $0xffff, v0  }
0x178: {  	v0 =	vld [tilespmem:s24+$0xFFFFFFE0];
	_ =	sdelay $0x4  }
0x179: {  	[tilespmem:s23+$0xFFFFFFA0] =	vst.add.f32.msk $0xffff, v0  }
0x17a: {  	v0 =	vld [tilespmem:s24+$0xFFFFFFF0];
	_ =	sdelay $0x4  }
0x17b: {  	[tilespmem:s23+$0xFFFFFFB0] =	vst.add.f32.msk $0xffff, v0  }
0x17c: {  	v0 =	vld [tilespmem:s24+$0x0];
	_ =	sdelay $0x4  }
0x17d: {  	[tilespmem:s23+$0x0] =	vst.add.f32.msk $0xffff, v0  }
0x17e: {  	v0 =	vld [tilespmem:s24+$0x10];
	_ =	sdelay $0x4  }
0x17f: {  	[tilespmem:s23+$0x10] =	vst.add.f32.msk $0xffff, v0  }
0x180: {  	v0 =	vld [tilespmem:s24+$0x20];
	_ =	sdelay $0x4  }
0x181: {  	[tilespmem:s23+$0x20] =	vst.add.f32.msk $0xffff, v0  }
0x182: {  	v0 =	vld [tilespmem:s24+$0x30];
	_ =	sdelay $0x4  }
0x183: {  	s25 =	simm.s32 $0x19C0;
	s24 =	simm.s32 $0x0;
	[tilespmem:s23+$0x30] =	vst.add.f32.msk $0xffff, v0  }
.LBB2_16:
0x184: {  	v0 =	vld [tilespmem:s25+$0xFFFFFFC0];
	s24 =	sadd.s32 $0x2, s24  }
0x185: {  	p0 =	slt.u32 s24, $0xC6;
	_ =	sdelay $0x2  }
0x186: {  	s23 =	sadd.s32 $0x100, s23  }
0x187: {  	[tilespmem:s23+$0xFFFFFF80] =	vst.add.f32.msk $0xffff, v0  }
0x188: {  	v0 =	vld [tilespmem:s25+$0xFFFFFFD0];
	_ =	sdelay $0x4  }
0x189: {  	[tilespmem:s23+$0xFFFFFF90] =	vst.add.f32.msk $0xffff, v0  }
0x18a: {  	v0 =	vld [tilespmem:s25+$0xFFFFFFE0];
	_ =	sdelay $0x4  }
0x18b: {  	[tilespmem:s23+$0xFFFFFFA0] =	vst.add.f32.msk $0xffff, v0  }
0x18c: {  	v0 =	vld [tilespmem:s25+$0xFFFFFFF0];
	_ =	sdelay $0x4  }
0x18d: {  	[tilespmem:s23+$0xFFFFFFB0] =	vst.add.f32.msk $0xffff, v0  }
0x18e: {  	v0 =	vld [tilespmem:s25+$0x0];
	_ =	sdelay $0x4  }
0x18f: {  	[tilespmem:s23+$0x0] =	vst.add.f32.msk $0xffff, v0  }
0x190: {  	v0 =	vld [tilespmem:s25+$0x10];
	_ =	sdelay $0x4  }
0x191: {  	[tilespmem:s23+$0x10] =	vst.add.f32.msk $0xffff, v0  }
0x192: {  	v0 =	vld [tilespmem:s25+$0x20];
	_ =	sdelay $0x4  }
0x193: {  	[tilespmem:s23+$0x20] =	vst.add.f32.msk $0xffff, v0  }
0x194: {  	v0 =	vld [tilespmem:s25+$0x30]  }
.Ltmp7:
0x195: {  	(pc) =	sbr.rel @p0 .LBB2_16-.Ltmp7, $2  }
0x196: {  	_ =	sdelay $0x2  }
0x197: {  	s25 =	sadd.s32 $0x80, s25;
	[tilespmem:s23+$0x30] =	vst.add.f32.msk $0xffff, v0  }
0x198: {  	s23 =	rddreg [dreg:$0xc]  }
0x199: {  	[hbm4b:s23+s3] =	stream.linear.scatter [tilespmem:s14], [sflag:$0x5], $0x6400, $0x38;
	[tilespmem:$0x17700] =	vst v63  }
0x19a: {  	_ =	swait.ge [sflag:s19], $0x6400  }
0x19b: {  	[sflag:s19] =	ssyncset.done $0x0  }
0x19c: {  	s25 =	simm.s32 $0x7D0;
	[sflag:s19] =	ssyncadd.s32 $0xFFFF9C00  }
0x19d: {  	[tilespmem:s14], [sflag:$0x2] =	stream.indirect.gather [hbm4b:s1+s12], $0x80, s25, s12, $0xb8;
	[tilespmem:$0x17700] =	vst v63  }
0x19e: {  	_ =	swait.ge [sflag:s20], $0x6400  }
0x19f: {  	[sflag:s20] =	ssyncset.done $0x0  }
0x1a0: {  	s24 =	simm.s32 $0x1940;
	[sflag:s20] =	ssyncadd.s32 $0xFFFF9C00  }
0x1a1: {  	v0 =	vld [tilespmem:s24+$0xFFFFFFC0];
	_ =	sdelay $0x3  }
0x1a2: {  	s23 =	simm.s32 $0x11380  }
0x1a3: {  	[tilespmem:s23+$0xFFFFFF80] =	vst.add.f32.msk $0xffff, v0  }
0x1a4: {  	v0 =	vld [tilespmem:s24+$0xFFFFFFD0];
	_ =	sdelay $0x4  }
0x1a5: {  	[tilespmem:s23+$0xFFFFFF90] =	vst.add.f32.msk $0xffff, v0  }
0x1a6: {  	v0 =	vld [tilespmem:s24+$0xFFFFFFE0];
	_ =	sdelay $0x4  }
0x1a7: {  	[tilespmem:s23+$0xFFFFFFA0] =	vst.add.f32.msk $0xffff, v0  }
0x1a8: {  	v0 =	vld [tilespmem:s24+$0xFFFFFFF0];
	_ =	sdelay $0x4  }
0x1a9: {  	[tilespmem:s23+$0xFFFFFFB0] =	vst.add.f32.msk $0xffff, v0  }
0x1aa: {  	v0 =	vld [tilespmem:s24+$0x0];
	_ =	sdelay $0x4  }
0x1ab: {  	[tilespmem:s23+$0x0] =	vst.add.f32.msk $0xffff, v0  }
0x1ac: {  	v0 =	vld [tilespmem:s24+$0x10];
	_ =	sdelay $0x4  }
0x1ad: {  	[tilespmem:s23+$0x10] =	vst.add.f32.msk $0xffff, v0  }
0x1ae: {  	v0 =	vld [tilespmem:s24+$0x20];
	_ =	sdelay $0x4  }
0x1af: {  	[tilespmem:s23+$0x20] =	vst.add.f32.msk $0xffff, v0  }
0x1b0: {  	v0 =	vld [tilespmem:s24+$0x30];
	_ =	sdelay $0x4  }
0x1b1: {  	s25 =	simm.s32 $0x19C0;
	s24 =	simm.s32 $0x0;
	[tilespmem:s23+$0x30] =	vst.add.f32.msk $0xffff, v0  }
.LBB2_18:
0x1b2: {  	v0 =	vld [tilespmem:s25+$0xFFFFFFC0];
	s24 =	sadd.s32 $0x2, s24  }
0x1b3: {  	p0 =	slt.u32 s24, $0xC6;
	_ =	sdelay $0x2  }
0x1b4: {  	s23 =	sadd.s32 $0x100, s23  }
0x1b5: {  	[tilespmem:s23+$0xFFFFFF80] =	vst.add.f32.msk $0xffff, v0  }
0x1b6: {  	v0 =	vld [tilespmem:s25+$0xFFFFFFD0];
	_ =	sdelay $0x4  }
0x1b7: {  	[tilespmem:s23+$0xFFFFFF90] =	vst.add.f32.msk $0xffff, v0  }
0x1b8: {  	v0 =	vld [tilespmem:s25+$0xFFFFFFE0];
	_ =	sdelay $0x4  }
0x1b9: {  	[tilespmem:s23+$0xFFFFFFA0] =	vst.add.f32.msk $0xffff, v0  }
0x1ba: {  	v0 =	vld [tilespmem:s25+$0xFFFFFFF0];
	_ =	sdelay $0x4  }
0x1bb: {  	[tilespmem:s23+$0xFFFFFFB0] =	vst.add.f32.msk $0xffff, v0  }
0x1bc: {  	v0 =	vld [tilespmem:s25+$0x0];
	_ =	sdelay $0x4  }
0x1bd: {  	[tilespmem:s23+$0x0] =	vst.add.f32.msk $0xffff, v0  }
0x1be: {  	v0 =	vld [tilespmem:s25+$0x10];
	_ =	sdelay $0x4  }
0x1bf: {  	[tilespmem:s23+$0x10] =	vst.add.f32.msk $0xffff, v0  }
0x1c0: {  	v0 =	vld [tilespmem:s25+$0x20];
	_ =	sdelay $0x4  }
0x1c1: {  	[tilespmem:s23+$0x20] =	vst.add.f32.msk $0xffff, v0  }
0x1c2: {  	v0 =	vld [tilespmem:s25+$0x30]  }
.Ltmp8:
0x1c3: {  	(pc) =	sbr.rel @p0 .LBB2_18-.Ltmp8, $2  }
0x1c4: {  	_ =	sdelay $0x2  }
0x1c5: {  	s25 =	sadd.s32 $0x80, s25;
	[tilespmem:s23+$0x30] =	vst.add.f32.msk $0xffff, v0  }
0x1c6: {  	s23 =	rddreg [dreg:$0xd]  }
0x1c7: {  	[hbm4b:s23+s3] =	stream.linear.scatter [tilespmem:s15], [sflag:$0x6], $0x6400, $0x38;
	[tilespmem:$0x17700] =	vst v63  }
0x1c8: {  	_ =	swait.ge [sflag:s21], $0x6400  }
0x1c9: {  	[sflag:s21] =	ssyncset.done $0x0  }
0x1ca: {  	s25 =	simm.s32 $0x898;
	[sflag:s21] =	ssyncadd.s32 $0xFFFF9C00  }
0x1cb: {  	[tilespmem:s15], [sflag:$0x3] =	stream.indirect.gather [hbm4b:s1+s12], $0x80, s25, s12, $0xb8;
	[tilespmem:$0x17700] =	vst v63  }
0x1cc: {  	_ =	swait.ge [sflag:s16], $0x6400  }
0x1cd: {  	[sflag:s16] =	ssyncset.done $0x0  }
0x1ce: {  	s24 =	simm.s32 $0x1940;
	[sflag:s16] =	ssyncadd.s32 $0xFFFF9C00  }
0x1cf: {  	v0 =	vld [tilespmem:s24+$0xFFFFFFC0];
	_ =	sdelay $0x3  }
0x1d0: {  	s23 =	simm.s32 $0x4B80  }
0x1d1: {  	[tilespmem:s23+$0xFFFFFF80] =	vst.add.f32.msk $0xffff, v0  }
0x1d2: {  	v0 =	vld [tilespmem:s24+$0xFFFFFFD0];
	_ =	sdelay $0x4  }
0x1d3: {  	[tilespmem:s23+$0xFFFFFF90] =	vst.add.f32.msk $0xffff, v0  }
0x1d4: {  	v0 =	vld [tilespmem:s24+$0xFFFFFFE0];
	_ =	sdelay $0x4  }
0x1d5: {  	[tilespmem:s23+$0xFFFFFFA0] =	vst.add.f32.msk $0xffff, v0  }
0x1d6: {  	v0 =	vld [tilespmem:s24+$0xFFFFFFF0];
	_ =	sdelay $0x4  }
0x1d7: {  	[tilespmem:s23+$0xFFFFFFB0] =	vst.add.f32.msk $0xffff, v0  }
0x1d8: {  	v0 =	vld [tilespmem:s24+$0x0];
	_ =	sdelay $0x4  }
0x1d9: {  	[tilespmem:s23+$0x0] =	vst.add.f32.msk $0xffff, v0  }
0x1da: {  	v0 =	vld [tilespmem:s24+$0x10];
	_ =	sdelay $0x4  }
0x1db: {  	[tilespmem:s23+$0x10] =	vst.add.f32.msk $0xffff, v0  }
0x1dc: {  	v0 =	vld [tilespmem:s24+$0x20];
	_ =	sdelay $0x4  }
0x1dd: {  	[tilespmem:s23+$0x20] =	vst.add.f32.msk $0xffff, v0  }
0x1de: {  	v0 =	vld [tilespmem:s24+$0x30];
	_ =	sdelay $0x4  }
0x1df: {  	s25 =	simm.s32 $0x19C0;
	s24 =	simm.s32 $0x0;
	[tilespmem:s23+$0x30] =	vst.add.f32.msk $0xffff, v0  }
.LBB2_20:
0x1e0: {  	v0 =	vld [tilespmem:s25+$0xFFFFFFC0];
	s24 =	sadd.s32 $0x2, s24  }
0x1e1: {  	p0 =	slt.u32 s24, $0xC6;
	_ =	sdelay $0x2  }
0x1e2: {  	s23 =	sadd.s32 $0x100, s23  }
0x1e3: {  	[tilespmem:s23+$0xFFFFFF80] =	vst.add.f32.msk $0xffff, v0  }
0x1e4: {  	v0 =	vld [tilespmem:s25+$0xFFFFFFD0];
	_ =	sdelay $0x4  }
0x1e5: {  	[tilespmem:s23+$0xFFFFFF90] =	vst.add.f32.msk $0xffff, v0  }
0x1e6: {  	v0 =	vld [tilespmem:s25+$0xFFFFFFE0];
	_ =	sdelay $0x4  }
0x1e7: {  	[tilespmem:s23+$0xFFFFFFA0] =	vst.add.f32.msk $0xffff, v0  }
0x1e8: {  	v0 =	vld [tilespmem:s25+$0xFFFFFFF0];
	_ =	sdelay $0x4  }
0x1e9: {  	[tilespmem:s23+$0xFFFFFFB0] =	vst.add.f32.msk $0xffff, v0  }
0x1ea: {  	v0 =	vld [tilespmem:s25+$0x0];
	_ =	sdelay $0x4  }
0x1eb: {  	[tilespmem:s23+$0x0] =	vst.add.f32.msk $0xffff, v0  }
0x1ec: {  	v0 =	vld [tilespmem:s25+$0x10];
	_ =	sdelay $0x4  }
0x1ed: {  	[tilespmem:s23+$0x10] =	vst.add.f32.msk $0xffff, v0  }
0x1ee: {  	v0 =	vld [tilespmem:s25+$0x20];
	_ =	sdelay $0x4  }
0x1ef: {  	[tilespmem:s23+$0x20] =	vst.add.f32.msk $0xffff, v0  }
0x1f0: {  	v0 =	vld [tilespmem:s25+$0x30]  }
.Ltmp9:
0x1f1: {  	(pc) =	sbr.rel @p0 .LBB2_20-.Ltmp9, $2  }
0x1f2: {  	_ =	sdelay $0x2  }
0x1f3: {  	s25 =	sadd.s32 $0x80, s25;
	[tilespmem:s23+$0x30] =	vst.add.f32.msk $0xffff, v0  }
0x1f4: {  	s23 =	rddreg [dreg:$0xe]  }
0x1f5: {  	[hbm4b:s23+s3] =	stream.linear.scatter [tilespmem:s13], [sflag:$0x4], $0x6400, $0x38;
	[tilespmem:$0x17700] =	vst v63  }
0x1f6: {  	_ =	swait.ge [sflag:s17], $0x6400  }
0x1f7: {  	[sflag:s17] =	ssyncset.done $0x0  }
0x1f8: {  	s25 =	simm.s32 $0x960;
	[sflag:s17] =	ssyncadd.s32 $0xFFFF9C00  }
0x1f9: {  	[tilespmem:s13], [sflag:$0x1] =	stream.indirect.gather [hbm4b:s1+s12], $0x80, s25, s12, $0xb8;
	[tilespmem:$0x17700] =	vst v63  }
0x1fa: {  	_ =	swait.ge [sflag:s18], $0x6400  }
0x1fb: {  	[sflag:s18] =	ssyncset.done $0x0  }
0x1fc: {  	s24 =	simm.s32 $0x1940;
	[sflag:s18] =	ssyncadd.s32 $0xFFFF9C00  }
0x1fd: {  	v0 =	vld [tilespmem:s24+$0xFFFFFFC0];
	_ =	sdelay $0x3  }
0x1fe: {  	s23 =	simm.s32 $0xAF80  }
0x1ff: {  	[tilespmem:s23+$0xFFFFFF80] =	vst.add.f32.msk $0xffff, v0  }
0x200: {  	v0 =	vld [tilespmem:s24+$0xFFFFFFD0];
	_ =	sdelay $0x4  }
0x201: {  	[tilespmem:s23+$0xFFFFFF90] =	vst.add.f32.msk $0xffff, v0  }
0x202: {  	v0 =	vld [tilespmem:s24+$0xFFFFFFE0];
	_ =	sdelay $0x4  }
0x203: {  	[tilespmem:s23+$0xFFFFFFA0] =	vst.add.f32.msk $0xffff, v0  }
0x204: {  	v0 =	vld [tilespmem:s24+$0xFFFFFFF0];
	_ =	sdelay $0x4  }
0x205: {  	[tilespmem:s23+$0xFFFFFFB0] =	vst.add.f32.msk $0xffff, v0  }
0x206: {  	v0 =	vld [tilespmem:s24+$0x0];
	_ =	sdelay $0x4  }
0x207: {  	[tilespmem:s23+$0x0] =	vst.add.f32.msk $0xffff, v0  }
0x208: {  	v0 =	vld [tilespmem:s24+$0x10];
	_ =	sdelay $0x4  }
0x209: {  	[tilespmem:s23+$0x10] =	vst.add.f32.msk $0xffff, v0  }
0x20a: {  	v0 =	vld [tilespmem:s24+$0x20];
	_ =	sdelay $0x4  }
0x20b: {  	[tilespmem:s23+$0x20] =	vst.add.f32.msk $0xffff, v0  }
0x20c: {  	v0 =	vld [tilespmem:s24+$0x30];
	_ =	sdelay $0x4  }
0x20d: {  	s25 =	simm.s32 $0x19C0;
	s24 =	simm.s32 $0x0;
	[tilespmem:s23+$0x30] =	vst.add.f32.msk $0xffff, v0  }
.LBB2_22:
0x20e: {  	v0 =	vld [tilespmem:s25+$0xFFFFFFC0];
	s24 =	sadd.s32 $0x2, s24  }
0x20f: {  	p0 =	slt.u32 s24, $0xC6;
	_ =	sdelay $0x2  }
0x210: {  	s23 =	sadd.s32 $0x100, s23  }
0x211: {  	[tilespmem:s23+$0xFFFFFF80] =	vst.add.f32.msk $0xffff, v0  }
0x212: {  	v0 =	vld [tilespmem:s25+$0xFFFFFFD0];
	_ =	sdelay $0x4  }
0x213: {  	[tilespmem:s23+$0xFFFFFF90] =	vst.add.f32.msk $0xffff, v0  }
0x214: {  	v0 =	vld [tilespmem:s25+$0xFFFFFFE0];
	_ =	sdelay $0x4  }
0x215: {  	[tilespmem:s23+$0xFFFFFFA0] =	vst.add.f32.msk $0xffff, v0  }
0x216: {  	v0 =	vld [tilespmem:s25+$0xFFFFFFF0];
	_ =	sdelay $0x4  }
0x217: {  	[tilespmem:s23+$0xFFFFFFB0] =	vst.add.f32.msk $0xffff, v0  }
0x218: {  	v0 =	vld [tilespmem:s25+$0x0];
	_ =	sdelay $0x4  }
0x219: {  	[tilespmem:s23+$0x0] =	vst.add.f32.msk $0xffff, v0  }
0x21a: {  	v0 =	vld [tilespmem:s25+$0x10];
	_ =	sdelay $0x4  }
0x21b: {  	[tilespmem:s23+$0x10] =	vst.add.f32.msk $0xffff, v0  }
0x21c: {  	v0 =	vld [tilespmem:s25+$0x20];
	_ =	sdelay $0x4  }
0x21d: {  	[tilespmem:s23+$0x20] =	vst.add.f32.msk $0xffff, v0  }
0x21e: {  	v0 =	vld [tilespmem:s25+$0x30]  }
.Ltmp10:
0x21f: {  	(pc) =	sbr.rel @p0 .LBB2_22-.Ltmp10, $2  }
0x220: {  	_ =	sdelay $0x2  }
0x221: {  	s25 =	sadd.s32 $0x80, s25;
	[tilespmem:s23+$0x30] =	vst.add.f32.msk $0xffff, v0  }
0x222: {  	s23 =	rddreg [dreg:$0xf]  }
0x223: {  	[hbm4b:s23+s3] =	stream.linear.scatter [tilespmem:s14], [sflag:$0x5], $0x6400, $0x38;
	[tilespmem:$0x17700] =	vst v63  }
0x224: {  	_ =	swait.ge [sflag:s19], $0x6400  }
0x225: {  	[sflag:s19] =	ssyncset.done $0x0  }
0x226: {  	s25 =	simm.s32 $0xA28;
	[sflag:s19] =	ssyncadd.s32 $0xFFFF9C00  }
0x227: {  	[tilespmem:s14], [sflag:$0x2] =	stream.indirect.gather [hbm4b:s1+s12], $0x80, s25, s12, $0xb8;
	[tilespmem:$0x17700] =	vst v63  }
0x228: {  	_ =	swait.ge [sflag:s20], $0x6400  }
0x229: {  	[sflag:s20] =	ssyncset.done $0x0  }
0x22a: {  	s24 =	simm.s32 $0x1940;
	[sflag:s20] =	ssyncadd.s32 $0xFFFF9C00  }
0x22b: {  	v0 =	vld [tilespmem:s24+$0xFFFFFFC0];
	_ =	sdelay $0x3  }
0x22c: {  	s23 =	simm.s32 $0x11380  }
0x22d: {  	[tilespmem:s23+$0xFFFFFF80] =	vst.add.f32.msk $0xffff, v0  }
0x22e: {  	v0 =	vld [tilespmem:s24+$0xFFFFFFD0];
	_ =	sdelay $0x4  }
0x22f: {  	[tilespmem:s23+$0xFFFFFF90] =	vst.add.f32.msk $0xffff, v0  }
0x230: {  	v0 =	vld [tilespmem:s24+$0xFFFFFFE0];
	_ =	sdelay $0x4  }
0x231: {  	[tilespmem:s23+$0xFFFFFFA0] =	vst.add.f32.msk $0xffff, v0  }
0x232: {  	v0 =	vld [tilespmem:s24+$0xFFFFFFF0];
	_ =	sdelay $0x4  }
0x233: {  	[tilespmem:s23+$0xFFFFFFB0] =	vst.add.f32.msk $0xffff, v0  }
0x234: {  	v0 =	vld [tilespmem:s24+$0x0];
	_ =	sdelay $0x4  }
0x235: {  	[tilespmem:s23+$0x0] =	vst.add.f32.msk $0xffff, v0  }
0x236: {  	v0 =	vld [tilespmem:s24+$0x10];
	_ =	sdelay $0x4  }
0x237: {  	[tilespmem:s23+$0x10] =	vst.add.f32.msk $0xffff, v0  }
0x238: {  	v0 =	vld [tilespmem:s24+$0x20];
	_ =	sdelay $0x4  }
0x239: {  	[tilespmem:s23+$0x20] =	vst.add.f32.msk $0xffff, v0  }
0x23a: {  	v0 =	vld [tilespmem:s24+$0x30];
	_ =	sdelay $0x4  }
0x23b: {  	s25 =	simm.s32 $0x19C0;
	s24 =	simm.s32 $0x0;
	[tilespmem:s23+$0x30] =	vst.add.f32.msk $0xffff, v0  }
.LBB2_24:
0x23c: {  	v0 =	vld [tilespmem:s25+$0xFFFFFFC0];
	s24 =	sadd.s32 $0x2, s24  }
0x23d: {  	p0 =	slt.u32 s24, $0xC6;
	_ =	sdelay $0x2  }
0x23e: {  	s23 =	sadd.s32 $0x100, s23  }
0x23f: {  	[tilespmem:s23+$0xFFFFFF80] =	vst.add.f32.msk $0xffff, v0  }
0x240: {  	v0 =	vld [tilespmem:s25+$0xFFFFFFD0];
	_ =	sdelay $0x4  }
0x241: {  	[tilespmem:s23+$0xFFFFFF90] =	vst.add.f32.msk $0xffff, v0  }
0x242: {  	v0 =	vld [tilespmem:s25+$0xFFFFFFE0];
	_ =	sdelay $0x4  }
0x243: {  	[tilespmem:s23+$0xFFFFFFA0] =	vst.add.f32.msk $0xffff, v0  }
0x244: {  	v0 =	vld [tilespmem:s25+$0xFFFFFFF0];
	_ =	sdelay $0x4  }
0x245: {  	[tilespmem:s23+$0xFFFFFFB0] =	vst.add.f32.msk $0xffff, v0  }
0x246: {  	v0 =	vld [tilespmem:s25+$0x0];
	_ =	sdelay $0x4  }
0x247: {  	[tilespmem:s23+$0x0] =	vst.add.f32.msk $0xffff, v0  }
0x248: {  	v0 =	vld [tilespmem:s25+$0x10];
	_ =	sdelay $0x4  }
0x249: {  	[tilespmem:s23+$0x10] =	vst.add.f32.msk $0xffff, v0  }
0x24a: {  	v0 =	vld [tilespmem:s25+$0x20];
	_ =	sdelay $0x4  }
0x24b: {  	[tilespmem:s23+$0x20] =	vst.add.f32.msk $0xffff, v0  }
0x24c: {  	v0 =	vld [tilespmem:s25+$0x30]  }
.Ltmp11:
0x24d: {  	(pc) =	sbr.rel @p0 .LBB2_24-.Ltmp11, $2  }
0x24e: {  	_ =	sdelay $0x2  }
0x24f: {  	s25 =	sadd.s32 $0x80, s25;
	[tilespmem:s23+$0x30] =	vst.add.f32.msk $0xffff, v0  }
0x250: {  	s23 =	rddreg [dreg:$0x10]  }
0x251: {  	[hbm4b:s23+s3] =	stream.linear.scatter [tilespmem:s15], [sflag:$0x6], $0x6400, $0x38;
	[tilespmem:$0x17700] =	vst v63  }
0x252: {  	_ =	swait.ge [sflag:s21], $0x6400  }
0x253: {  	[sflag:s21] =	ssyncset.done $0x0  }
0x254: {  	s25 =	simm.s32 $0xAF0;
	[sflag:s21] =	ssyncadd.s32 $0xFFFF9C00  }
0x255: {  	[tilespmem:s15], [sflag:$0x3] =	stream.indirect.gather [hbm4b:s1+s12], $0x80, s25, s12, $0xb8;
	[tilespmem:$0x17700] =	vst v63  }
0x256: {  	_ =	swait.ge [sflag:s16], $0x6400  }
0x257: {  	[sflag:s16] =	ssyncset.done $0x0  }
0x258: {  	s24 =	simm.s32 $0x1940;
	[sflag:s16] =	ssyncadd.s32 $0xFFFF9C00  }
0x259: {  	v0 =	vld [tilespmem:s24+$0xFFFFFFC0];
	_ =	sdelay $0x3  }
0x25a: {  	s23 =	simm.s32 $0x4B80  }
0x25b: {  	[tilespmem:s23+$0xFFFFFF80] =	vst.add.f32.msk $0xffff, v0  }
0x25c: {  	v0 =	vld [tilespmem:s24+$0xFFFFFFD0];
	_ =	sdelay $0x4  }
0x25d: {  	[tilespmem:s23+$0xFFFFFF90] =	vst.add.f32.msk $0xffff, v0  }
0x25e: {  	v0 =	vld [tilespmem:s24+$0xFFFFFFE0];
	_ =	sdelay $0x4  }
0x25f: {  	[tilespmem:s23+$0xFFFFFFA0] =	vst.add.f32.msk $0xffff, v0  }
0x260: {  	v0 =	vld [tilespmem:s24+$0xFFFFFFF0];
	_ =	sdelay $0x4  }
0x261: {  	[tilespmem:s23+$0xFFFFFFB0] =	vst.add.f32.msk $0xffff, v0  }
0x262: {  	v0 =	vld [tilespmem:s24+$0x0];
	_ =	sdelay $0x4  }
0x263: {  	[tilespmem:s23+$0x0] =	vst.add.f32.msk $0xffff, v0  }
0x264: {  	v0 =	vld [tilespmem:s24+$0x10];
	_ =	sdelay $0x4  }
0x265: {  	[tilespmem:s23+$0x10] =	vst.add.f32.msk $0xffff, v0  }
0x266: {  	v0 =	vld [tilespmem:s24+$0x20];
	_ =	sdelay $0x4  }
0x267: {  	[tilespmem:s23+$0x20] =	vst.add.f32.msk $0xffff, v0  }
0x268: {  	v0 =	vld [tilespmem:s24+$0x30];
	_ =	sdelay $0x4  }
0x269: {  	s25 =	simm.s32 $0x19C0;
	s24 =	simm.s32 $0x0;
	[tilespmem:s23+$0x30] =	vst.add.f32.msk $0xffff, v0  }
.LBB2_26:
0x26a: {  	v0 =	vld [tilespmem:s25+$0xFFFFFFC0];
	s24 =	sadd.s32 $0x2, s24  }
0x26b: {  	p0 =	slt.u32 s24, $0xC6;
	_ =	sdelay $0x2  }
0x26c: {  	s23 =	sadd.s32 $0x100, s23  }
0x26d: {  	[tilespmem:s23+$0xFFFFFF80] =	vst.add.f32.msk $0xffff, v0  }
0x26e: {  	v0 =	vld [tilespmem:s25+$0xFFFFFFD0];
	_ =	sdelay $0x4  }
0x26f: {  	[tilespmem:s23+$0xFFFFFF90] =	vst.add.f32.msk $0xffff, v0  }
0x270: {  	v0 =	vld [tilespmem:s25+$0xFFFFFFE0];
	_ =	sdelay $0x4  }
0x271: {  	[tilespmem:s23+$0xFFFFFFA0] =	vst.add.f32.msk $0xffff, v0  }
0x272: {  	v0 =	vld [tilespmem:s25+$0xFFFFFFF0];
	_ =	sdelay $0x4  }
0x273: {  	[tilespmem:s23+$0xFFFFFFB0] =	vst.add.f32.msk $0xffff, v0  }
0x274: {  	v0 =	vld [tilespmem:s25+$0x0];
	_ =	sdelay $0x4  }
0x275: {  	[tilespmem:s23+$0x0] =	vst.add.f32.msk $0xffff, v0  }
0x276: {  	v0 =	vld [tilespmem:s25+$0x10];
	_ =	sdelay $0x4  }
0x277: {  	[tilespmem:s23+$0x10] =	vst.add.f32.msk $0xffff, v0  }
0x278: {  	v0 =	vld [tilespmem:s25+$0x20];
	_ =	sdelay $0x4  }
0x279: {  	[tilespmem:s23+$0x20] =	vst.add.f32.msk $0xffff, v0  }
0x27a: {  	v0 =	vld [tilespmem:s25+$0x30]  }
.Ltmp12:
0x27b: {  	(pc) =	sbr.rel @p0 .LBB2_26-.Ltmp12, $2  }
0x27c: {  	_ =	sdelay $0x2  }
0x27d: {  	s25 =	sadd.s32 $0x80, s25;
	[tilespmem:s23+$0x30] =	vst.add.f32.msk $0xffff, v0  }
0x27e: {  	s23 =	rddreg [dreg:$0x11]  }
0x27f: {  	[hbm4b:s23+s3] =	stream.linear.scatter [tilespmem:s13], [sflag:$0x4], $0x6400, $0x38;
	[tilespmem:$0x17700] =	vst v63  }
0x280: {  	_ =	swait.ge [sflag:s17], $0x6400  }
0x281: {  	[sflag:s17] =	ssyncset.done $0x0  }
0x282: {  	s25 =	simm.s32 $0xBB8;
	[sflag:s17] =	ssyncadd.s32 $0xFFFF9C00  }
0x283: {  	[tilespmem:s13], [sflag:$0x1] =	stream.indirect.gather [hbm4b:s1+s12], $0x80, s25, s12, $0xb8;
	[tilespmem:$0x17700] =	vst v63  }
0x284: {  	_ =	swait.ge [sflag:s18], $0x6400  }
0x285: {  	[sflag:s18] =	ssyncset.done $0x0  }
0x286: {  	s24 =	simm.s32 $0x1940;
	[sflag:s18] =	ssyncadd.s32 $0xFFFF9C00  }
0x287: {  	v0 =	vld [tilespmem:s24+$0xFFFFFFC0];
	_ =	sdelay $0x3  }
0x288: {  	s23 =	simm.s32 $0xAF80  }
0x289: {  	[tilespmem:s23+$0xFFFFFF80] =	vst.add.f32.msk $0xffff, v0  }
0x28a: {  	v0 =	vld [tilespmem:s24+$0xFFFFFFD0];
	_ =	sdelay $0x4  }
0x28b: {  	[tilespmem:s23+$0xFFFFFF90] =	vst.add.f32.msk $0xffff, v0  }
0x28c: {  	v0 =	vld [tilespmem:s24+$0xFFFFFFE0];
	_ =	sdelay $0x4  }
0x28d: {  	[tilespmem:s23+$0xFFFFFFA0] =	vst.add.f32.msk $0xffff, v0  }
0x28e: {  	v0 =	vld [tilespmem:s24+$0xFFFFFFF0];
	_ =	sdelay $0x4  }
0x28f: {  	[tilespmem:s23+$0xFFFFFFB0] =	vst.add.f32.msk $0xffff, v0  }
0x290: {  	v0 =	vld [tilespmem:s24+$0x0];
	_ =	sdelay $0x4  }
0x291: {  	[tilespmem:s23+$0x0] =	vst.add.f32.msk $0xffff, v0  }
0x292: {  	v0 =	vld [tilespmem:s24+$0x10];
	_ =	sdelay $0x4  }
0x293: {  	[tilespmem:s23+$0x10] =	vst.add.f32.msk $0xffff, v0  }
0x294: {  	v0 =	vld [tilespmem:s24+$0x20];
	_ =	sdelay $0x4  }
0x295: {  	[tilespmem:s23+$0x20] =	vst.add.f32.msk $0xffff, v0  }
0x296: {  	v0 =	vld [tilespmem:s24+$0x30];
	_ =	sdelay $0x4  }
0x297: {  	s25 =	simm.s32 $0x19C0;
	s24 =	simm.s32 $0x0;
	[tilespmem:s23+$0x30] =	vst.add.f32.msk $0xffff, v0  }
.LBB2_28:
0x298: {  	v0 =	vld [tilespmem:s25+$0xFFFFFFC0];
	s24 =	sadd.s32 $0x2, s24  }
0x299: {  	p0 =	slt.u32 s24, $0xC6;
	_ =	sdelay $0x2  }
0x29a: {  	s23 =	sadd.s32 $0x100, s23  }
0x29b: {  	[tilespmem:s23+$0xFFFFFF80] =	vst.add.f32.msk $0xffff, v0  }
0x29c: {  	v0 =	vld [tilespmem:s25+$0xFFFFFFD0];
	_ =	sdelay $0x4  }
0x29d: {  	[tilespmem:s23+$0xFFFFFF90] =	vst.add.f32.msk $0xffff, v0  }
0x29e: {  	v0 =	vld [tilespmem:s25+$0xFFFFFFE0];
	_ =	sdelay $0x4  }
0x29f: {  	[tilespmem:s23+$0xFFFFFFA0] =	vst.add.f32.msk $0xffff, v0  }
0x2a0: {  	v0 =	vld [tilespmem:s25+$0xFFFFFFF0];
	_ =	sdelay $0x4  }
0x2a1: {  	[tilespmem:s23+$0xFFFFFFB0] =	vst.add.f32.msk $0xffff, v0  }
0x2a2: {  	v0 =	vld [tilespmem:s25+$0x0];
	_ =	sdelay $0x4  }
0x2a3: {  	[tilespmem:s23+$0x0] =	vst.add.f32.msk $0xffff, v0  }
0x2a4: {  	v0 =	vld [tilespmem:s25+$0x10];
	_ =	sdelay $0x4  }
0x2a5: {  	[tilespmem:s23+$0x10] =	vst.add.f32.msk $0xffff, v0  }
0x2a6: {  	v0 =	vld [tilespmem:s25+$0x20];
	_ =	sdelay $0x4  }
0x2a7: {  	[tilespmem:s23+$0x20] =	vst.add.f32.msk $0xffff, v0  }
0x2a8: {  	v0 =	vld [tilespmem:s25+$0x30]  }
.Ltmp13:
0x2a9: {  	(pc) =	sbr.rel @p0 .LBB2_28-.Ltmp13, $2  }
0x2aa: {  	_ =	sdelay $0x2  }
0x2ab: {  	s25 =	sadd.s32 $0x80, s25;
	[tilespmem:s23+$0x30] =	vst.add.f32.msk $0xffff, v0  }
0x2ac: {  	s23 =	rddreg [dreg:$0x12]  }
0x2ad: {  	[hbm4b:s23+s3] =	stream.linear.scatter [tilespmem:s14], [sflag:$0x5], $0x6400, $0x38;
	[tilespmem:$0x17700] =	vst v63  }
0x2ae: {  	_ =	swait.ge [sflag:s19], $0x6400  }
0x2af: {  	[sflag:s19] =	ssyncset.done $0x0  }
0x2b0: {  	s25 =	simm.s32 $0xC80;
	[sflag:s19] =	ssyncadd.s32 $0xFFFF9C00  }
0x2b1: {  	[tilespmem:s14], [sflag:$0x2] =	stream.indirect.gather [hbm4b:s1+s12], $0x80, s25, s12, $0xb8;
	[tilespmem:$0x17700] =	vst v63  }
0x2b2: {  	_ =	swait.ge [sflag:s20], $0x6400  }
0x2b3: {  	[sflag:s20] =	ssyncset.done $0x0  }
0x2b4: {  	s24 =	simm.s32 $0x1940;
	[sflag:s20] =	ssyncadd.s32 $0xFFFF9C00  }
0x2b5: {  	v0 =	vld [tilespmem:s24+$0xFFFFFFC0];
	_ =	sdelay $0x3  }
0x2b6: {  	s23 =	simm.s32 $0x11380  }
0x2b7: {  	[tilespmem:s23+$0xFFFFFF80] =	vst.add.f32.msk $0xffff, v0  }
0x2b8: {  	v0 =	vld [tilespmem:s24+$0xFFFFFFD0];
	_ =	sdelay $0x4  }
0x2b9: {  	[tilespmem:s23+$0xFFFFFF90] =	vst.add.f32.msk $0xffff, v0  }
0x2ba: {  	v0 =	vld [tilespmem:s24+$0xFFFFFFE0];
	_ =	sdelay $0x4  }
0x2bb: {  	[tilespmem:s23+$0xFFFFFFA0] =	vst.add.f32.msk $0xffff, v0  }
0x2bc: {  	v0 =	vld [tilespmem:s24+$0xFFFFFFF0];
	_ =	sdelay $0x4  }
0x2bd: {  	[tilespmem:s23+$0xFFFFFFB0] =	vst.add.f32.msk $0xffff, v0  }
0x2be: {  	v0 =	vld [tilespmem:s24+$0x0];
	_ =	sdelay $0x4  }
0x2bf: {  	[tilespmem:s23+$0x0] =	vst.add.f32.msk $0xffff, v0  }
0x2c0: {  	v0 =	vld [tilespmem:s24+$0x10];
	_ =	sdelay $0x4  }
0x2c1: {  	[tilespmem:s23+$0x10] =	vst.add.f32.msk $0xffff, v0  }
0x2c2: {  	v0 =	vld [tilespmem:s24+$0x20];
	_ =	sdelay $0x4  }
0x2c3: {  	[tilespmem:s23+$0x20] =	vst.add.f32.msk $0xffff, v0  }
0x2c4: {  	v0 =	vld [tilespmem:s24+$0x30];
	_ =	sdelay $0x4  }
0x2c5: {  	s25 =	simm.s32 $0x19C0;
	s24 =	simm.s32 $0x0;
	[tilespmem:s23+$0x30] =	vst.add.f32.msk $0xffff, v0  }
.LBB2_30:
0x2c6: {  	v0 =	vld [tilespmem:s25+$0xFFFFFFC0];
	s24 =	sadd.s32 $0x2, s24  }
0x2c7: {  	p0 =	slt.u32 s24, $0xC6;
	_ =	sdelay $0x2  }
0x2c8: {  	s23 =	sadd.s32 $0x100, s23  }
0x2c9: {  	[tilespmem:s23+$0xFFFFFF80] =	vst.add.f32.msk $0xffff, v0  }
0x2ca: {  	v0 =	vld [tilespmem:s25+$0xFFFFFFD0];
	_ =	sdelay $0x4  }
0x2cb: {  	[tilespmem:s23+$0xFFFFFF90] =	vst.add.f32.msk $0xffff, v0  }
0x2cc: {  	v0 =	vld [tilespmem:s25+$0xFFFFFFE0];
	_ =	sdelay $0x4  }
0x2cd: {  	[tilespmem:s23+$0xFFFFFFA0] =	vst.add.f32.msk $0xffff, v0  }
0x2ce: {  	v0 =	vld [tilespmem:s25+$0xFFFFFFF0];
	_ =	sdelay $0x4  }
0x2cf: {  	[tilespmem:s23+$0xFFFFFFB0] =	vst.add.f32.msk $0xffff, v0  }
0x2d0: {  	v0 =	vld [tilespmem:s25+$0x0];
	_ =	sdelay $0x4  }
0x2d1: {  	[tilespmem:s23+$0x0] =	vst.add.f32.msk $0xffff, v0  }
0x2d2: {  	v0 =	vld [tilespmem:s25+$0x10];
	_ =	sdelay $0x4  }
0x2d3: {  	[tilespmem:s23+$0x10] =	vst.add.f32.msk $0xffff, v0  }
0x2d4: {  	v0 =	vld [tilespmem:s25+$0x20];
	_ =	sdelay $0x4  }
0x2d5: {  	[tilespmem:s23+$0x20] =	vst.add.f32.msk $0xffff, v0  }
0x2d6: {  	v0 =	vld [tilespmem:s25+$0x30]  }
.Ltmp14:
0x2d7: {  	(pc) =	sbr.rel @p0 .LBB2_30-.Ltmp14, $2  }
0x2d8: {  	_ =	sdelay $0x2  }
0x2d9: {  	s25 =	sadd.s32 $0x80, s25;
	[tilespmem:s23+$0x30] =	vst.add.f32.msk $0xffff, v0  }
0x2da: {  	s23 =	rddreg [dreg:$0x13]  }
0x2db: {  	[hbm4b:s23+s3] =	stream.linear.scatter [tilespmem:s15], [sflag:$0x6], $0x6400, $0x38;
	[tilespmem:$0x17700] =	vst v63  }
0x2dc: {  	_ =	swait.ge [sflag:s21], $0x6400  }
0x2dd: {  	[sflag:s21] =	ssyncset.done $0x0  }
0x2de: {  	s25 =	simm.s32 $0xD48;
	[sflag:s21] =	ssyncadd.s32 $0xFFFF9C00  }
0x2df: {  	[tilespmem:s15], [sflag:$0x3] =	stream.indirect.gather [hbm4b:s1+s12], $0x80, s25, s12, $0xb8;
	[tilespmem:$0x17700] =	vst v63  }
0x2e0: {  	_ =	swait.ge [sflag:s16], $0x6400  }
0x2e1: {  	[sflag:s16] =	ssyncset.done $0x0  }
0x2e2: {  	s24 =	simm.s32 $0x1940;
	[sflag:s16] =	ssyncadd.s32 $0xFFFF9C00  }
0x2e3: {  	v0 =	vld [tilespmem:s24+$0xFFFFFFC0];
	_ =	sdelay $0x3  }
0x2e4: {  	s23 =	simm.s32 $0x4B80  }
0x2e5: {  	[tilespmem:s23+$0xFFFFFF80] =	vst.add.f32.msk $0xffff, v0  }
0x2e6: {  	v0 =	vld [tilespmem:s24+$0xFFFFFFD0];
	_ =	sdelay $0x4  }
0x2e7: {  	[tilespmem:s23+$0xFFFFFF90] =	vst.add.f32.msk $0xffff, v0  }
0x2e8: {  	v0 =	vld [tilespmem:s24+$0xFFFFFFE0];
	_ =	sdelay $0x4  }
0x2e9: {  	[tilespmem:s23+$0xFFFFFFA0] =	vst.add.f32.msk $0xffff, v0  }
0x2ea: {  	v0 =	vld [tilespmem:s24+$0xFFFFFFF0];
	_ =	sdelay $0x4  }
0x2eb: {  	[tilespmem:s23+$0xFFFFFFB0] =	vst.add.f32.msk $0xffff, v0  }
0x2ec: {  	v0 =	vld [tilespmem:s24+$0x0];
	_ =	sdelay $0x4  }
0x2ed: {  	[tilespmem:s23+$0x0] =	vst.add.f32.msk $0xffff, v0  }
0x2ee: {  	v0 =	vld [tilespmem:s24+$0x10];
	_ =	sdelay $0x4  }
0x2ef: {  	[tilespmem:s23+$0x10] =	vst.add.f32.msk $0xffff, v0  }
0x2f0: {  	v0 =	vld [tilespmem:s24+$0x20];
	_ =	sdelay $0x4  }
0x2f1: {  	[tilespmem:s23+$0x20] =	vst.add.f32.msk $0xffff, v0  }
0x2f2: {  	v0 =	vld [tilespmem:s24+$0x30];
	_ =	sdelay $0x4  }
0x2f3: {  	s25 =	simm.s32 $0x19C0;
	s24 =	simm.s32 $0x0;
	[tilespmem:s23+$0x30] =	vst.add.f32.msk $0xffff, v0  }
.LBB2_32:
0x2f4: {  	v0 =	vld [tilespmem:s25+$0xFFFFFFC0];
	s24 =	sadd.s32 $0x2, s24  }
0x2f5: {  	p0 =	slt.u32 s24, $0xC6;
	_ =	sdelay $0x2  }
0x2f6: {  	s23 =	sadd.s32 $0x100, s23  }
0x2f7: {  	[tilespmem:s23+$0xFFFFFF80] =	vst.add.f32.msk $0xffff, v0  }
0x2f8: {  	v0 =	vld [tilespmem:s25+$0xFFFFFFD0];
	_ =	sdelay $0x4  }
0x2f9: {  	[tilespmem:s23+$0xFFFFFF90] =	vst.add.f32.msk $0xffff, v0  }
0x2fa: {  	v0 =	vld [tilespmem:s25+$0xFFFFFFE0];
	_ =	sdelay $0x4  }
0x2fb: {  	[tilespmem:s23+$0xFFFFFFA0] =	vst.add.f32.msk $0xffff, v0  }
0x2fc: {  	v0 =	vld [tilespmem:s25+$0xFFFFFFF0];
	_ =	sdelay $0x4  }
0x2fd: {  	[tilespmem:s23+$0xFFFFFFB0] =	vst.add.f32.msk $0xffff, v0  }
0x2fe: {  	v0 =	vld [tilespmem:s25+$0x0];
	_ =	sdelay $0x4  }
0x2ff: {  	[tilespmem:s23+$0x0] =	vst.add.f32.msk $0xffff, v0  }
0x300: {  	v0 =	vld [tilespmem:s25+$0x10];
	_ =	sdelay $0x4  }
0x301: {  	[tilespmem:s23+$0x10] =	vst.add.f32.msk $0xffff, v0  }
0x302: {  	v0 =	vld [tilespmem:s25+$0x20];
	_ =	sdelay $0x4  }
0x303: {  	[tilespmem:s23+$0x20] =	vst.add.f32.msk $0xffff, v0  }
0x304: {  	v0 =	vld [tilespmem:s25+$0x30]  }
.Ltmp15:
0x305: {  	(pc) =	sbr.rel @p0 .LBB2_32-.Ltmp15, $2  }
0x306: {  	_ =	sdelay $0x2  }
0x307: {  	s25 =	sadd.s32 $0x80, s25;
	[tilespmem:s23+$0x30] =	vst.add.f32.msk $0xffff, v0  }
0x308: {  	s23 =	rddreg [dreg:$0x14]  }
0x309: {  	[hbm4b:s23+s3] =	stream.linear.scatter [tilespmem:s13], [sflag:$0x4], $0x6400, $0x38;
	[tilespmem:$0x17700] =	vst v63  }
0x30a: {  	_ =	swait.ge [sflag:s17], $0x6400  }
0x30b: {  	[sflag:s17] =	ssyncset.done $0x0  }
0x30c: {  	s25 =	simm.s32 $0xE10;
	[sflag:s17] =	ssyncadd.s32 $0xFFFF9C00  }
0x30d: {  	[tilespmem:s13], [sflag:$0x1] =	stream.indirect.gather [hbm4b:s1+s12], $0x80, s25, s12, $0xb8;
	[tilespmem:$0x17700] =	vst v63  }
0x30e: {  	_ =	swait.ge [sflag:s18], $0x6400  }
0x30f: {  	[sflag:s18] =	ssyncset.done $0x0  }
0x310: {  	s24 =	simm.s32 $0x1940;
	[sflag:s18] =	ssyncadd.s32 $0xFFFF9C00  }
0x311: {  	v0 =	vld [tilespmem:s24+$0xFFFFFFC0];
	_ =	sdelay $0x3  }
0x312: {  	s23 =	simm.s32 $0xAF80  }
0x313: {  	[tilespmem:s23+$0xFFFFFF80] =	vst.add.f32.msk $0xffff, v0  }
0x314: {  	v0 =	vld [tilespmem:s24+$0xFFFFFFD0];
	_ =	sdelay $0x4  }
0x315: {  	[tilespmem:s23+$0xFFFFFF90] =	vst.add.f32.msk $0xffff, v0  }
0x316: {  	v0 =	vld [tilespmem:s24+$0xFFFFFFE0];
	_ =	sdelay $0x4  }
0x317: {  	[tilespmem:s23+$0xFFFFFFA0] =	vst.add.f32.msk $0xffff, v0  }
0x318: {  	v0 =	vld [tilespmem:s24+$0xFFFFFFF0];
	_ =	sdelay $0x4  }
0x319: {  	[tilespmem:s23+$0xFFFFFFB0] =	vst.add.f32.msk $0xffff, v0  }
0x31a: {  	v0 =	vld [tilespmem:s24+$0x0];
	_ =	sdelay $0x4  }
0x31b: {  	[tilespmem:s23+$0x0] =	vst.add.f32.msk $0xffff, v0  }
0x31c: {  	v0 =	vld [tilespmem:s24+$0x10];
	_ =	sdelay $0x4  }
0x31d: {  	[tilespmem:s23+$0x10] =	vst.add.f32.msk $0xffff, v0  }
0x31e: {  	v0 =	vld [tilespmem:s24+$0x20];
	_ =	sdelay $0x4  }
0x31f: {  	[tilespmem:s23+$0x20] =	vst.add.f32.msk $0xffff, v0  }
0x320: {  	v0 =	vld [tilespmem:s24+$0x30];
	_ =	sdelay $0x4  }
0x321: {  	s25 =	simm.s32 $0x19C0;
	s24 =	simm.s32 $0x0;
	[tilespmem:s23+$0x30] =	vst.add.f32.msk $0xffff, v0  }
.LBB2_34:
0x322: {  	v0 =	vld [tilespmem:s25+$0xFFFFFFC0];
	s24 =	sadd.s32 $0x2, s24  }
0x323: {  	p0 =	slt.u32 s24, $0xC6;
	_ =	sdelay $0x2  }
0x324: {  	s23 =	sadd.s32 $0x100, s23  }
0x325: {  	[tilespmem:s23+$0xFFFFFF80] =	vst.add.f32.msk $0xffff, v0  }
0x326: {  	v0 =	vld [tilespmem:s25+$0xFFFFFFD0];
	_ =	sdelay $0x4  }
0x327: {  	[tilespmem:s23+$0xFFFFFF90] =	vst.add.f32.msk $0xffff, v0  }
0x328: {  	v0 =	vld [tilespmem:s25+$0xFFFFFFE0];
	_ =	sdelay $0x4  }
0x329: {  	[tilespmem:s23+$0xFFFFFFA0] =	vst.add.f32.msk $0xffff, v0  }
0x32a: {  	v0 =	vld [tilespmem:s25+$0xFFFFFFF0];
	_ =	sdelay $0x4  }
0x32b: {  	[tilespmem:s23+$0xFFFFFFB0] =	vst.add.f32.msk $0xffff, v0  }
0x32c: {  	v0 =	vld [tilespmem:s25+$0x0];
	_ =	sdelay $0x4  }
0x32d: {  	[tilespmem:s23+$0x0] =	vst.add.f32.msk $0xffff, v0  }
0x32e: {  	v0 =	vld [tilespmem:s25+$0x10];
	_ =	sdelay $0x4  }
0x32f: {  	[tilespmem:s23+$0x10] =	vst.add.f32.msk $0xffff, v0  }
0x330: {  	v0 =	vld [tilespmem:s25+$0x20];
	_ =	sdelay $0x4  }
0x331: {  	[tilespmem:s23+$0x20] =	vst.add.f32.msk $0xffff, v0  }
0x332: {  	v0 =	vld [tilespmem:s25+$0x30]  }
.Ltmp16:
0x333: {  	(pc) =	sbr.rel @p0 .LBB2_34-.Ltmp16, $2  }
0x334: {  	_ =	sdelay $0x2  }
0x335: {  	s25 =	sadd.s32 $0x80, s25;
	[tilespmem:s23+$0x30] =	vst.add.f32.msk $0xffff, v0  }
0x336: {  	s23 =	rddreg [dreg:$0x15]  }
0x337: {  	[hbm4b:s23+s3] =	stream.linear.scatter [tilespmem:s14], [sflag:$0x5], $0x6400, $0x38;
	[tilespmem:$0x17700] =	vst v63  }
0x338: {  	_ =	swait.ge [sflag:s19], $0x6400  }
0x339: {  	[sflag:s19] =	ssyncset.done $0x0  }
0x33a: {  	s25 =	simm.s32 $0xED8;
	[sflag:s19] =	ssyncadd.s32 $0xFFFF9C00  }
0x33b: {  	[tilespmem:s14], [sflag:$0x2] =	stream.indirect.gather [hbm4b:s1+s12], $0x80, s25, s12, $0xb8;
	[tilespmem:$0x17700] =	vst v63  }
0x33c: {  	_ =	swait.ge [sflag:s20], $0x6400  }
0x33d: {  	[sflag:s20] =	ssyncset.done $0x0  }
0x33e: {  	s24 =	simm.s32 $0x1940;
	[sflag:s20] =	ssyncadd.s32 $0xFFFF9C00  }
0x33f: {  	v0 =	vld [tilespmem:s24+$0xFFFFFFC0];
	_ =	sdelay $0x3  }
0x340: {  	s23 =	simm.s32 $0x11380  }
0x341: {  	[tilespmem:s23+$0xFFFFFF80] =	vst.add.f32.msk $0xffff, v0  }
0x342: {  	v0 =	vld [tilespmem:s24+$0xFFFFFFD0];
	_ =	sdelay $0x4  }
0x343: {  	[tilespmem:s23+$0xFFFFFF90] =	vst.add.f32.msk $0xffff, v0  }
0x344: {  	v0 =	vld [tilespmem:s24+$0xFFFFFFE0];
	_ =	sdelay $0x4  }
0x345: {  	[tilespmem:s23+$0xFFFFFFA0] =	vst.add.f32.msk $0xffff, v0  }
0x346: {  	v0 =	vld [tilespmem:s24+$0xFFFFFFF0];
	_ =	sdelay $0x4  }
0x347: {  	[tilespmem:s23+$0xFFFFFFB0] =	vst.add.f32.msk $0xffff, v0  }
0x348: {  	v0 =	vld [tilespmem:s24+$0x0];
	_ =	sdelay $0x4  }
0x349: {  	[tilespmem:s23+$0x0] =	vst.add.f32.msk $0xffff, v0  }
0x34a: {  	v0 =	vld [tilespmem:s24+$0x10];
	_ =	sdelay $0x4  }
0x34b: {  	[tilespmem:s23+$0x10] =	vst.add.f32.msk $0xffff, v0  }
0x34c: {  	v0 =	vld [tilespmem:s24+$0x20];
	_ =	sdelay $0x4  }
0x34d: {  	[tilespmem:s23+$0x20] =	vst.add.f32.msk $0xffff, v0  }
0x34e: {  	v0 =	vld [tilespmem:s24+$0x30];
	_ =	sdelay $0x4  }
0x34f: {  	s25 =	simm.s32 $0x19C0;
	s24 =	simm.s32 $0x0;
	[tilespmem:s23+$0x30] =	vst.add.f32.msk $0xffff, v0  }
.LBB2_36:
0x350: {  	v0 =	vld [tilespmem:s25+$0xFFFFFFC0];
	s24 =	sadd.s32 $0x2, s24  }
0x351: {  	p0 =	slt.u32 s24, $0xC6;
	_ =	sdelay $0x2  }
0x352: {  	s23 =	sadd.s32 $0x100, s23  }
0x353: {  	[tilespmem:s23+$0xFFFFFF80] =	vst.add.f32.msk $0xffff, v0  }
0x354: {  	v0 =	vld [tilespmem:s25+$0xFFFFFFD0];
	_ =	sdelay $0x4  }
0x355: {  	[tilespmem:s23+$0xFFFFFF90] =	vst.add.f32.msk $0xffff, v0  }
0x356: {  	v0 =	vld [tilespmem:s25+$0xFFFFFFE0];
	_ =	sdelay $0x4  }
0x357: {  	[tilespmem:s23+$0xFFFFFFA0] =	vst.add.f32.msk $0xffff, v0  }
0x358: {  	v0 =	vld [tilespmem:s25+$0xFFFFFFF0];
	_ =	sdelay $0x4  }
0x359: {  	[tilespmem:s23+$0xFFFFFFB0] =	vst.add.f32.msk $0xffff, v0  }
0x35a: {  	v0 =	vld [tilespmem:s25+$0x0];
	_ =	sdelay $0x4  }
0x35b: {  	[tilespmem:s23+$0x0] =	vst.add.f32.msk $0xffff, v0  }
0x35c: {  	v0 =	vld [tilespmem:s25+$0x10];
	_ =	sdelay $0x4  }
0x35d: {  	[tilespmem:s23+$0x10] =	vst.add.f32.msk $0xffff, v0  }
0x35e: {  	v0 =	vld [tilespmem:s25+$0x20];
	_ =	sdelay $0x4  }
0x35f: {  	[tilespmem:s23+$0x20] =	vst.add.f32.msk $0xffff, v0  }
0x360: {  	v0 =	vld [tilespmem:s25+$0x30]  }
.Ltmp17:
0x361: {  	(pc) =	sbr.rel @p0 .LBB2_36-.Ltmp17, $2  }
0x362: {  	_ =	sdelay $0x2  }
0x363: {  	s25 =	sadd.s32 $0x80, s25;
	[tilespmem:s23+$0x30] =	vst.add.f32.msk $0xffff, v0  }
0x364: {  	s23 =	rddreg [dreg:$0x16]  }
0x365: {  	[hbm4b:s23+s3] =	stream.linear.scatter [tilespmem:s15], [sflag:$0x6], $0x6400, $0x38;
	[tilespmem:$0x17700] =	vst v63  }
0x366: {  	_ =	swait.ge [sflag:s21], $0x6400  }
0x367: {  	[sflag:s21] =	ssyncset.done $0x0  }
0x368: {  	s25 =	simm.s32 $0xFA0;
	[sflag:s21] =	ssyncadd.s32 $0xFFFF9C00  }
0x369: {  	[tilespmem:s15], [sflag:$0x3] =	stream.indirect.gather [hbm4b:s1+s12], $0x80, s25, s12, $0xb8;
	[tilespmem:$0x17700] =	vst v63  }
0x36a: {  	_ =	swait.ge [sflag:s16], $0x6400  }
0x36b: {  	[sflag:s16] =	ssyncset.done $0x0  }
0x36c: {  	s24 =	simm.s32 $0x1940;
	[sflag:s16] =	ssyncadd.s32 $0xFFFF9C00  }
0x36d: {  	v0 =	vld [tilespmem:s24+$0xFFFFFFC0];
	_ =	sdelay $0x3  }
0x36e: {  	s23 =	simm.s32 $0x4B80  }
0x36f: {  	[tilespmem:s23+$0xFFFFFF80] =	vst.add.f32.msk $0xffff, v0  }
0x370: {  	v0 =	vld [tilespmem:s24+$0xFFFFFFD0];
	_ =	sdelay $0x4  }
0x371: {  	[tilespmem:s23+$0xFFFFFF90] =	vst.add.f32.msk $0xffff, v0  }
0x372: {  	v0 =	vld [tilespmem:s24+$0xFFFFFFE0];
	_ =	sdelay $0x4  }
0x373: {  	[tilespmem:s23+$0xFFFFFFA0] =	vst.add.f32.msk $0xffff, v0  }
0x374: {  	v0 =	vld [tilespmem:s24+$0xFFFFFFF0];
	_ =	sdelay $0x4  }
0x375: {  	[tilespmem:s23+$0xFFFFFFB0] =	vst.add.f32.msk $0xffff, v0  }
0x376: {  	v0 =	vld [tilespmem:s24+$0x0];
	_ =	sdelay $0x4  }
0x377: {  	[tilespmem:s23+$0x0] =	vst.add.f32.msk $0xffff, v0  }
0x378: {  	v0 =	vld [tilespmem:s24+$0x10];
	_ =	sdelay $0x4  }
0x379: {  	[tilespmem:s23+$0x10] =	vst.add.f32.msk $0xffff, v0  }
0x37a: {  	v0 =	vld [tilespmem:s24+$0x20];
	_ =	sdelay $0x4  }
0x37b: {  	[tilespmem:s23+$0x20] =	vst.add.f32.msk $0xffff, v0  }
0x37c: {  	v0 =	vld [tilespmem:s24+$0x30];
	_ =	sdelay $0x4  }
0x37d: {  	s25 =	simm.s32 $0x19C0;
	s24 =	simm.s32 $0x0;
	[tilespmem:s23+$0x30] =	vst.add.f32.msk $0xffff, v0  }
.LBB2_38:
0x37e: {  	v0 =	vld [tilespmem:s25+$0xFFFFFFC0];
	s24 =	sadd.s32 $0x2, s24  }
0x37f: {  	p0 =	slt.u32 s24, $0xC6;
	_ =	sdelay $0x2  }
0x380: {  	s23 =	sadd.s32 $0x100, s23  }
0x381: {  	[tilespmem:s23+$0xFFFFFF80] =	vst.add.f32.msk $0xffff, v0  }
0x382: {  	v0 =	vld [tilespmem:s25+$0xFFFFFFD0];
	_ =	sdelay $0x4  }
0x383: {  	[tilespmem:s23+$0xFFFFFF90] =	vst.add.f32.msk $0xffff, v0  }
0x384: {  	v0 =	vld [tilespmem:s25+$0xFFFFFFE0];
	_ =	sdelay $0x4  }
0x385: {  	[tilespmem:s23+$0xFFFFFFA0] =	vst.add.f32.msk $0xffff, v0  }
0x386: {  	v0 =	vld [tilespmem:s25+$0xFFFFFFF0];
	_ =	sdelay $0x4  }
0x387: {  	[tilespmem:s23+$0xFFFFFFB0] =	vst.add.f32.msk $0xffff, v0  }
0x388: {  	v0 =	vld [tilespmem:s25+$0x0];
	_ =	sdelay $0x4  }
0x389: {  	[tilespmem:s23+$0x0] =	vst.add.f32.msk $0xffff, v0  }
0x38a: {  	v0 =	vld [tilespmem:s25+$0x10];
	_ =	sdelay $0x4  }
0x38b: {  	[tilespmem:s23+$0x10] =	vst.add.f32.msk $0xffff, v0  }
0x38c: {  	v0 =	vld [tilespmem:s25+$0x20];
	_ =	sdelay $0x4  }
0x38d: {  	[tilespmem:s23+$0x20] =	vst.add.f32.msk $0xffff, v0  }
0x38e: {  	v0 =	vld [tilespmem:s25+$0x30]  }
.Ltmp18:
0x38f: {  	(pc) =	sbr.rel @p0 .LBB2_38-.Ltmp18, $2  }
0x390: {  	_ =	sdelay $0x2  }
0x391: {  	s25 =	sadd.s32 $0x80, s25;
	[tilespmem:s23+$0x30] =	vst.add.f32.msk $0xffff, v0  }
0x392: {  	s23 =	rddreg [dreg:$0x17]  }
0x393: {  	[hbm4b:s23+s3] =	stream.linear.scatter [tilespmem:s13], [sflag:$0x4], $0x6400, $0x38;
	[tilespmem:$0x17700] =	vst v63  }
0x394: {  	_ =	swait.ge [sflag:s17], $0x6400  }
0x395: {  	[sflag:s17] =	ssyncset.done $0x0  }
0x396: {  	s25 =	simm.s32 $0x1068;
	[sflag:s17] =	ssyncadd.s32 $0xFFFF9C00  }
0x397: {  	[tilespmem:s13], [sflag:$0x1] =	stream.indirect.gather [hbm4b:s1+s12], $0x80, s25, s12, $0xb8;
	[tilespmem:$0x17700] =	vst v63  }
0x398: {  	_ =	swait.ge [sflag:s18], $0x6400  }
0x399: {  	[sflag:s18] =	ssyncset.done $0x0  }
0x39a: {  	s24 =	simm.s32 $0x1940;
	[sflag:s18] =	ssyncadd.s32 $0xFFFF9C00  }
0x39b: {  	v0 =	vld [tilespmem:s24+$0xFFFFFFC0];
	_ =	sdelay $0x3  }
0x39c: {  	s23 =	simm.s32 $0xAF80  }
0x39d: {  	[tilespmem:s23+$0xFFFFFF80] =	vst.add.f32.msk $0xffff, v0  }
0x39e: {  	v0 =	vld [tilespmem:s24+$0xFFFFFFD0];
	_ =	sdelay $0x4  }
0x39f: {  	[tilespmem:s23+$0xFFFFFF90] =	vst.add.f32.msk $0xffff, v0  }
0x3a0: {  	v0 =	vld [tilespmem:s24+$0xFFFFFFE0];
	_ =	sdelay $0x4  }
0x3a1: {  	[tilespmem:s23+$0xFFFFFFA0] =	vst.add.f32.msk $0xffff, v0  }
0x3a2: {  	v0 =	vld [tilespmem:s24+$0xFFFFFFF0];
	_ =	sdelay $0x4  }
0x3a3: {  	[tilespmem:s23+$0xFFFFFFB0] =	vst.add.f32.msk $0xffff, v0  }
0x3a4: {  	v0 =	vld [tilespmem:s24+$0x0];
	_ =	sdelay $0x4  }
0x3a5: {  	[tilespmem:s23+$0x0] =	vst.add.f32.msk $0xffff, v0  }
0x3a6: {  	v0 =	vld [tilespmem:s24+$0x10];
	_ =	sdelay $0x4  }
0x3a7: {  	[tilespmem:s23+$0x10] =	vst.add.f32.msk $0xffff, v0  }
0x3a8: {  	v0 =	vld [tilespmem:s24+$0x20];
	_ =	sdelay $0x4  }
0x3a9: {  	[tilespmem:s23+$0x20] =	vst.add.f32.msk $0xffff, v0  }
0x3aa: {  	v0 =	vld [tilespmem:s24+$0x30];
	_ =	sdelay $0x4  }
0x3ab: {  	s25 =	simm.s32 $0x19C0;
	s24 =	simm.s32 $0x0;
	[tilespmem:s23+$0x30] =	vst.add.f32.msk $0xffff, v0  }
.LBB2_40:
0x3ac: {  	v0 =	vld [tilespmem:s25+$0xFFFFFFC0];
	s24 =	sadd.s32 $0x2, s24  }
0x3ad: {  	p0 =	slt.u32 s24, $0xC6;
	_ =	sdelay $0x2  }
0x3ae: {  	s23 =	sadd.s32 $0x100, s23  }
0x3af: {  	[tilespmem:s23+$0xFFFFFF80] =	vst.add.f32.msk $0xffff, v0  }
0x3b0: {  	v0 =	vld [tilespmem:s25+$0xFFFFFFD0];
	_ =	sdelay $0x4  }
0x3b1: {  	[tilespmem:s23+$0xFFFFFF90] =	vst.add.f32.msk $0xffff, v0  }
0x3b2: {  	v0 =	vld [tilespmem:s25+$0xFFFFFFE0];
	_ =	sdelay $0x4  }
0x3b3: {  	[tilespmem:s23+$0xFFFFFFA0] =	vst.add.f32.msk $0xffff, v0  }
0x3b4: {  	v0 =	vld [tilespmem:s25+$0xFFFFFFF0];
	_ =	sdelay $0x4  }
0x3b5: {  	[tilespmem:s23+$0xFFFFFFB0] =	vst.add.f32.msk $0xffff, v0  }
0x3b6: {  	v0 =	vld [tilespmem:s25+$0x0];
	_ =	sdelay $0x4  }
0x3b7: {  	[tilespmem:s23+$0x0] =	vst.add.f32.msk $0xffff, v0  }
0x3b8: {  	v0 =	vld [tilespmem:s25+$0x10];
	_ =	sdelay $0x4  }
0x3b9: {  	[tilespmem:s23+$0x10] =	vst.add.f32.msk $0xffff, v0  }
0x3ba: {  	v0 =	vld [tilespmem:s25+$0x20];
	_ =	sdelay $0x4  }
0x3bb: {  	[tilespmem:s23+$0x20] =	vst.add.f32.msk $0xffff, v0  }
0x3bc: {  	v0 =	vld [tilespmem:s25+$0x30]  }
.Ltmp19:
0x3bd: {  	(pc) =	sbr.rel @p0 .LBB2_40-.Ltmp19, $2  }
0x3be: {  	_ =	sdelay $0x2  }
0x3bf: {  	s25 =	sadd.s32 $0x80, s25;
	[tilespmem:s23+$0x30] =	vst.add.f32.msk $0xffff, v0  }
0x3c0: {  	s23 =	rddreg [dreg:$0x18]  }
0x3c1: {  	[hbm4b:s23+s3] =	stream.linear.scatter [tilespmem:s14], [sflag:$0x5], $0x6400, $0x38;
	[tilespmem:$0x17700] =	vst v63  }
0x3c2: {  	_ =	swait.ge [sflag:s19], $0x6400  }
0x3c3: {  	[sflag:s19] =	ssyncset.done $0x0  }
0x3c4: {  	s25 =	simm.s32 $0x1130;
	[sflag:s19] =	ssyncadd.s32 $0xFFFF9C00  }
0x3c5: {  	[tilespmem:s14], [sflag:$0x2] =	stream.indirect.gather [hbm4b:s1+s12], $0x80, s25, s12, $0xb8;
	[tilespmem:$0x17700] =	vst v63  }
0x3c6: {  	_ =	swait.ge [sflag:s20], $0x6400  }
0x3c7: {  	[sflag:s20] =	ssyncset.done $0x0  }
0x3c8: {  	s24 =	simm.s32 $0x1940;
	[sflag:s20] =	ssyncadd.s32 $0xFFFF9C00  }
0x3c9: {  	v0 =	vld [tilespmem:s24+$0xFFFFFFC0];
	_ =	sdelay $0x3  }
0x3ca: {  	s23 =	simm.s32 $0x11380  }
0x3cb: {  	[tilespmem:s23+$0xFFFFFF80] =	vst.add.f32.msk $0xffff, v0  }
0x3cc: {  	v0 =	vld [tilespmem:s24+$0xFFFFFFD0];
	_ =	sdelay $0x4  }
0x3cd: {  	[tilespmem:s23+$0xFFFFFF90] =	vst.add.f32.msk $0xffff, v0  }
0x3ce: {  	v0 =	vld [tilespmem:s24+$0xFFFFFFE0];
	_ =	sdelay $0x4  }
0x3cf: {  	[tilespmem:s23+$0xFFFFFFA0] =	vst.add.f32.msk $0xffff, v0  }
0x3d0: {  	v0 =	vld [tilespmem:s24+$0xFFFFFFF0];
	_ =	sdelay $0x4  }
0x3d1: {  	[tilespmem:s23+$0xFFFFFFB0] =	vst.add.f32.msk $0xffff, v0  }
0x3d2: {  	v0 =	vld [tilespmem:s24+$0x0];
	_ =	sdelay $0x4  }
0x3d3: {  	[tilespmem:s23+$0x0] =	vst.add.f32.msk $0xffff, v0  }
0x3d4: {  	v0 =	vld [tilespmem:s24+$0x10];
	_ =	sdelay $0x4  }
0x3d5: {  	[tilespmem:s23+$0x10] =	vst.add.f32.msk $0xffff, v0  }
0x3d6: {  	v0 =	vld [tilespmem:s24+$0x20];
	_ =	sdelay $0x4  }
0x3d7: {  	[tilespmem:s23+$0x20] =	vst.add.f32.msk $0xffff, v0  }
0x3d8: {  	v0 =	vld [tilespmem:s24+$0x30];
	_ =	sdelay $0x4  }
0x3d9: {  	s25 =	simm.s32 $0x19C0;
	s24 =	simm.s32 $0x0;
	[tilespmem:s23+$0x30] =	vst.add.f32.msk $0xffff, v0  }
.LBB2_42:
0x3da: {  	v0 =	vld [tilespmem:s25+$0xFFFFFFC0];
	s24 =	sadd.s32 $0x2, s24  }
0x3db: {  	p0 =	slt.u32 s24, $0xC6;
	_ =	sdelay $0x2  }
0x3dc: {  	s23 =	sadd.s32 $0x100, s23  }
0x3dd: {  	[tilespmem:s23+$0xFFFFFF80] =	vst.add.f32.msk $0xffff, v0  }
0x3de: {  	v0 =	vld [tilespmem:s25+$0xFFFFFFD0];
	_ =	sdelay $0x4  }
0x3df: {  	[tilespmem:s23+$0xFFFFFF90] =	vst.add.f32.msk $0xffff, v0  }
0x3e0: {  	v0 =	vld [tilespmem:s25+$0xFFFFFFE0];
	_ =	sdelay $0x4  }
0x3e1: {  	[tilespmem:s23+$0xFFFFFFA0] =	vst.add.f32.msk $0xffff, v0  }
0x3e2: {  	v0 =	vld [tilespmem:s25+$0xFFFFFFF0];
	_ =	sdelay $0x4  }
0x3e3: {  	[tilespmem:s23+$0xFFFFFFB0] =	vst.add.f32.msk $0xffff, v0  }
0x3e4: {  	v0 =	vld [tilespmem:s25+$0x0];
	_ =	sdelay $0x4  }
0x3e5: {  	[tilespmem:s23+$0x0] =	vst.add.f32.msk $0xffff, v0  }
0x3e6: {  	v0 =	vld [tilespmem:s25+$0x10];
	_ =	sdelay $0x4  }
0x3e7: {  	[tilespmem:s23+$0x10] =	vst.add.f32.msk $0xffff, v0  }
0x3e8: {  	v0 =	vld [tilespmem:s25+$0x20];
	_ =	sdelay $0x4  }
0x3e9: {  	[tilespmem:s23+$0x20] =	vst.add.f32.msk $0xffff, v0  }
0x3ea: {  	v0 =	vld [tilespmem:s25+$0x30]  }
.Ltmp20:
0x3eb: {  	(pc) =	sbr.rel @p0 .LBB2_42-.Ltmp20, $2  }
0x3ec: {  	_ =	sdelay $0x2  }
0x3ed: {  	s25 =	sadd.s32 $0x80, s25;
	[tilespmem:s23+$0x30] =	vst.add.f32.msk $0xffff, v0  }
0x3ee: {  	s23 =	rddreg [dreg:$0x19]  }
0x3ef: {  	[hbm4b:s23+s3] =	stream.linear.scatter [tilespmem:s15], [sflag:$0x6], $0x6400, $0x38;
	[tilespmem:$0x17700] =	vst v63  }
0x3f0: {  	_ =	swait.ge [sflag:s21], $0x6400  }
0x3f1: {  	[sflag:s21] =	ssyncset.done $0x0  }
0x3f2: {  	s25 =	simm.s32 $0x11F8;
	[sflag:s21] =	ssyncadd.s32 $0xFFFF9C00  }
0x3f3: {  	[tilespmem:s15], [sflag:$0x3] =	stream.indirect.gather [hbm4b:s1+s12], $0x80, s25, s12, $0xb8;
	[tilespmem:$0x17700] =	vst v63  }
0x3f4: {  	_ =	swait.ge [sflag:s16], $0x6400  }
0x3f5: {  	[sflag:s16] =	ssyncset.done $0x0  }
0x3f6: {  	s24 =	simm.s32 $0x1940;
	[sflag:s16] =	ssyncadd.s32 $0xFFFF9C00  }
0x3f7: {  	v0 =	vld [tilespmem:s24+$0xFFFFFFC0];
	_ =	sdelay $0x3  }
0x3f8: {  	s23 =	simm.s32 $0x4B80  }
0x3f9: {  	[tilespmem:s23+$0xFFFFFF80] =	vst.add.f32.msk $0xffff, v0  }
0x3fa: {  	v0 =	vld [tilespmem:s24+$0xFFFFFFD0];
	_ =	sdelay $0x4  }
0x3fb: {  	[tilespmem:s23+$0xFFFFFF90] =	vst.add.f32.msk $0xffff, v0  }
0x3fc: {  	v0 =	vld [tilespmem:s24+$0xFFFFFFE0];
	_ =	sdelay $0x4  }
0x3fd: {  	[tilespmem:s23+$0xFFFFFFA0] =	vst.add.f32.msk $0xffff, v0  }
0x3fe: {  	v0 =	vld [tilespmem:s24+$0xFFFFFFF0];
	_ =	sdelay $0x4  }
0x3ff: {  	[tilespmem:s23+$0xFFFFFFB0] =	vst.add.f32.msk $0xffff, v0  }
0x400: {  	v0 =	vld [tilespmem:s24+$0x0];
	_ =	sdelay $0x4  }
0x401: {  	[tilespmem:s23+$0x0] =	vst.add.f32.msk $0xffff, v0  }
0x402: {  	v0 =	vld [tilespmem:s24+$0x10];
	_ =	sdelay $0x4  }
0x403: {  	[tilespmem:s23+$0x10] =	vst.add.f32.msk $0xffff, v0  }
0x404: {  	v0 =	vld [tilespmem:s24+$0x20];
	_ =	sdelay $0x4  }
0x405: {  	[tilespmem:s23+$0x20] =	vst.add.f32.msk $0xffff, v0  }
0x406: {  	v0 =	vld [tilespmem:s24+$0x30];
	_ =	sdelay $0x4  }
0x407: {  	s25 =	simm.s32 $0x19C0;
	s24 =	simm.s32 $0x0;
	[tilespmem:s23+$0x30] =	vst.add.f32.msk $0xffff, v0  }
.LBB2_44:
0x408: {  	v0 =	vld [tilespmem:s25+$0xFFFFFFC0];
	s24 =	sadd.s32 $0x2, s24  }
0x409: {  	p0 =	slt.u32 s24, $0xC6;
	_ =	sdelay $0x2  }
0x40a: {  	s23 =	sadd.s32 $0x100, s23  }
0x40b: {  	[tilespmem:s23+$0xFFFFFF80] =	vst.add.f32.msk $0xffff, v0  }
0x40c: {  	v0 =	vld [tilespmem:s25+$0xFFFFFFD0];
	_ =	sdelay $0x4  }
0x40d: {  	[tilespmem:s23+$0xFFFFFF90] =	vst.add.f32.msk $0xffff, v0  }
0x40e: {  	v0 =	vld [tilespmem:s25+$0xFFFFFFE0];
	_ =	sdelay $0x4  }
0x40f: {  	[tilespmem:s23+$0xFFFFFFA0] =	vst.add.f32.msk $0xffff, v0  }
0x410: {  	v0 =	vld [tilespmem:s25+$0xFFFFFFF0];
	_ =	sdelay $0x4  }
0x411: {  	[tilespmem:s23+$0xFFFFFFB0] =	vst.add.f32.msk $0xffff, v0  }
0x412: {  	v0 =	vld [tilespmem:s25+$0x0];
	_ =	sdelay $0x4  }
0x413: {  	[tilespmem:s23+$0x0] =	vst.add.f32.msk $0xffff, v0  }
0x414: {  	v0 =	vld [tilespmem:s25+$0x10];
	_ =	sdelay $0x4  }
0x415: {  	[tilespmem:s23+$0x10] =	vst.add.f32.msk $0xffff, v0  }
0x416: {  	v0 =	vld [tilespmem:s25+$0x20];
	_ =	sdelay $0x4  }
0x417: {  	[tilespmem:s23+$0x20] =	vst.add.f32.msk $0xffff, v0  }
0x418: {  	v0 =	vld [tilespmem:s25+$0x30]  }
.Ltmp21:
0x419: {  	(pc) =	sbr.rel @p0 .LBB2_44-.Ltmp21, $2  }
0x41a: {  	_ =	sdelay $0x2  }
0x41b: {  	s25 =	sadd.s32 $0x80, s25;
	[tilespmem:s23+$0x30] =	vst.add.f32.msk $0xffff, v0  }
0x41c: {  	[hbm4b:s26+s3] =	stream.linear.scatter [tilespmem:s13], [sflag:$0x4], $0x6400, $0x38;
	[tilespmem:$0x17700] =	vst v63  }
0x41d: {  	_ =	swait.ge [sflag:s17], $0x6400  }
0x41e: {  	[sflag:s17] =	ssyncset.done $0x0  }
0x41f: {  	s23 =	simm.s32 $0x12C0;
	[sflag:s17] =	ssyncadd.s32 $0xFFFF9C00  }
0x420: {  	[tilespmem:s13], [sflag:$0x1] =	stream.indirect.gather [hbm4b:s1+s12], $0x80, s23, s12, $0xb8;
	[tilespmem:$0x17700] =	vst v63  }
0x421: {  	_ =	swait.ge [sflag:s18], $0x6400  }
0x422: {  	[sflag:s18] =	ssyncset.done $0x0  }
0x423: {  	s24 =	simm.s32 $0x1940;
	[sflag:s18] =	ssyncadd.s32 $0xFFFF9C00  }
0x424: {  	v0 =	vld [tilespmem:s24+$0xFFFFFFC0];
	_ =	sdelay $0x3  }
0x425: {  	s23 =	simm.s32 $0xAF80  }
0x426: {  	[tilespmem:s23+$0xFFFFFF80] =	vst.add.f32.msk $0xffff, v0  }
0x427: {  	v0 =	vld [tilespmem:s24+$0xFFFFFFD0];
	_ =	sdelay $0x4  }
0x428: {  	[tilespmem:s23+$0xFFFFFF90] =	vst.add.f32.msk $0xffff, v0  }
0x429: {  	v0 =	vld [tilespmem:s24+$0xFFFFFFE0];
	_ =	sdelay $0x4  }
0x42a: {  	[tilespmem:s23+$0xFFFFFFA0] =	vst.add.f32.msk $0xffff, v0  }
0x42b: {  	v0 =	vld [tilespmem:s24+$0xFFFFFFF0];
	_ =	sdelay $0x4  }
0x42c: {  	[tilespmem:s23+$0xFFFFFFB0] =	vst.add.f32.msk $0xffff, v0  }
0x42d: {  	v0 =	vld [tilespmem:s24+$0x0];
	_ =	sdelay $0x4  }
0x42e: {  	[tilespmem:s23+$0x0] =	vst.add.f32.msk $0xffff, v0  }
0x42f: {  	v0 =	vld [tilespmem:s24+$0x10];
	_ =	sdelay $0x4  }
0x430: {  	[tilespmem:s23+$0x10] =	vst.add.f32.msk $0xffff, v0  }
0x431: {  	v0 =	vld [tilespmem:s24+$0x20];
	_ =	sdelay $0x4  }
0x432: {  	[tilespmem:s23+$0x20] =	vst.add.f32.msk $0xffff, v0  }
0x433: {  	v0 =	vld [tilespmem:s24+$0x30];
	_ =	sdelay $0x4  }
0x434: {  	s25 =	simm.s32 $0x19C0;
	s24 =	simm.s32 $0x0;
	[tilespmem:s23+$0x30] =	vst.add.f32.msk $0xffff, v0  }
.LBB2_46:
0x435: {  	v0 =	vld [tilespmem:s25+$0xFFFFFFC0];
	s24 =	sadd.s32 $0x2, s24  }
0x436: {  	p0 =	slt.u32 s24, $0xC6;
	_ =	sdelay $0x2  }
0x437: {  	s23 =	sadd.s32 $0x100, s23  }
0x438: {  	[tilespmem:s23+$0xFFFFFF80] =	vst.add.f32.msk $0xffff, v0  }
0x439: {  	v0 =	vld [tilespmem:s25+$0xFFFFFFD0];
	_ =	sdelay $0x4  }
0x43a: {  	[tilespmem:s23+$0xFFFFFF90] =	vst.add.f32.msk $0xffff, v0  }
0x43b: {  	v0 =	vld [tilespmem:s25+$0xFFFFFFE0];
	_ =	sdelay $0x4  }
0x43c: {  	[tilespmem:s23+$0xFFFFFFA0] =	vst.add.f32.msk $0xffff, v0  }
0x43d: {  	v0 =	vld [tilespmem:s25+$0xFFFFFFF0];
	_ =	sdelay $0x4  }
0x43e: {  	[tilespmem:s23+$0xFFFFFFB0] =	vst.add.f32.msk $0xffff, v0  }
0x43f: {  	v0 =	vld [tilespmem:s25+$0x0];
	_ =	sdelay $0x4  }
0x440: {  	[tilespmem:s23+$0x0] =	vst.add.f32.msk $0xffff, v0  }
0x441: {  	v0 =	vld [tilespmem:s25+$0x10];
	_ =	sdelay $0x4  }
0x442: {  	[tilespmem:s23+$0x10] =	vst.add.f32.msk $0xffff, v0  }
0x443: {  	v0 =	vld [tilespmem:s25+$0x20];
	_ =	sdelay $0x4  }
0x444: {  	[tilespmem:s23+$0x20] =	vst.add.f32.msk $0xffff, v0  }
0x445: {  	v0 =	vld [tilespmem:s25+$0x30]  }
.Ltmp22:
0x446: {  	(pc) =	sbr.rel @p0 .LBB2_46-.Ltmp22, $2  }
0x447: {  	_ =	sdelay $0x2  }
0x448: {  	s25 =	sadd.s32 $0x80, s25;
	[tilespmem:s23+$0x30] =	vst.add.f32.msk $0xffff, v0  }
0x449: {  	[hbm4b:s28+s3] =	stream.linear.scatter [tilespmem:s14], [sflag:$0x5], $0x6400, $0x38;
	[tilespmem:$0x17700] =	vst v63  }
0x44a: {  	_ =	swait.ge [sflag:s19], $0x6400  }
0x44b: {  	[sflag:s19] =	ssyncset.done $0x0  }
0x44c: {  	s23 =	simm.s32 $0x1388;
	[sflag:s19] =	ssyncadd.s32 $0xFFFF9C00  }
0x44d: {  	[tilespmem:s14], [sflag:$0x2] =	stream.indirect.gather [hbm4b:s1+s12], $0x80, s23, s12, $0xb8;
	[tilespmem:$0x17700] =	vst v63  }
0x44e: {  	_ =	swait.ge [sflag:s20], $0x6400  }
0x44f: {  	[sflag:s20] =	ssyncset.done $0x0  }
0x450: {  	s24 =	simm.s32 $0x1940;
	[sflag:s20] =	ssyncadd.s32 $0xFFFF9C00  }
0x451: {  	v0 =	vld [tilespmem:s24+$0xFFFFFFC0];
	_ =	sdelay $0x3  }
0x452: {  	s23 =	simm.s32 $0x11380  }
0x453: {  	[tilespmem:s23+$0xFFFFFF80] =	vst.add.f32.msk $0xffff, v0  }
0x454: {  	v0 =	vld [tilespmem:s24+$0xFFFFFFD0];
	_ =	sdelay $0x4  }
0x455: {  	[tilespmem:s23+$0xFFFFFF90] =	vst.add.f32.msk $0xffff, v0  }
0x456: {  	v0 =	vld [tilespmem:s24+$0xFFFFFFE0];
	_ =	sdelay $0x4  }
0x457: {  	[tilespmem:s23+$0xFFFFFFA0] =	vst.add.f32.msk $0xffff, v0  }
0x458: {  	v0 =	vld [tilespmem:s24+$0xFFFFFFF0];
	_ =	sdelay $0x4  }
0x459: {  	[tilespmem:s23+$0xFFFFFFB0] =	vst.add.f32.msk $0xffff, v0  }
0x45a: {  	v0 =	vld [tilespmem:s24+$0x0];
	_ =	sdelay $0x4  }
0x45b: {  	[tilespmem:s23+$0x0] =	vst.add.f32.msk $0xffff, v0  }
0x45c: {  	v0 =	vld [tilespmem:s24+$0x10];
	_ =	sdelay $0x4  }
0x45d: {  	[tilespmem:s23+$0x10] =	vst.add.f32.msk $0xffff, v0  }
0x45e: {  	v0 =	vld [tilespmem:s24+$0x20];
	_ =	sdelay $0x4  }
0x45f: {  	[tilespmem:s23+$0x20] =	vst.add.f32.msk $0xffff, v0  }
0x460: {  	v0 =	vld [tilespmem:s24+$0x30];
	_ =	sdelay $0x4  }
0x461: {  	s25 =	simm.s32 $0x19C0;
	s24 =	simm.s32 $0x0;
	[tilespmem:s23+$0x30] =	vst.add.f32.msk $0xffff, v0  }
.LBB2_48:
0x462: {  	v0 =	vld [tilespmem:s25+$0xFFFFFFC0];
	s24 =	sadd.s32 $0x2, s24  }
0x463: {  	p0 =	slt.u32 s24, $0xC6;
	_ =	sdelay $0x2  }
0x464: {  	s23 =	sadd.s32 $0x100, s23  }
0x465: {  	[tilespmem:s23+$0xFFFFFF80] =	vst.add.f32.msk $0xffff, v0  }
0x466: {  	v0 =	vld [tilespmem:s25+$0xFFFFFFD0];
	_ =	sdelay $0x4  }
0x467: {  	[tilespmem:s23+$0xFFFFFF90] =	vst.add.f32.msk $0xffff, v0  }
0x468: {  	v0 =	vld [tilespmem:s25+$0xFFFFFFE0];
	_ =	sdelay $0x4  }
0x469: {  	[tilespmem:s23+$0xFFFFFFA0] =	vst.add.f32.msk $0xffff, v0  }
0x46a: {  	v0 =	vld [tilespmem:s25+$0xFFFFFFF0];
	_ =	sdelay $0x4  }
0x46b: {  	[tilespmem:s23+$0xFFFFFFB0] =	vst.add.f32.msk $0xffff, v0  }
0x46c: {  	v0 =	vld [tilespmem:s25+$0x0];
	_ =	sdelay $0x4  }
0x46d: {  	[tilespmem:s23+$0x0] =	vst.add.f32.msk $0xffff, v0  }
0x46e: {  	v0 =	vld [tilespmem:s25+$0x10];
	_ =	sdelay $0x4  }
0x46f: {  	[tilespmem:s23+$0x10] =	vst.add.f32.msk $0xffff, v0  }
0x470: {  	v0 =	vld [tilespmem:s25+$0x20];
	_ =	sdelay $0x4  }
0x471: {  	[tilespmem:s23+$0x20] =	vst.add.f32.msk $0xffff, v0  }
0x472: {  	v0 =	vld [tilespmem:s25+$0x30]  }
.Ltmp23:
0x473: {  	(pc) =	sbr.rel @p0 .LBB2_48-.Ltmp23, $2  }
0x474: {  	_ =	sdelay $0x2  }
0x475: {  	s25 =	sadd.s32 $0x80, s25;
	[tilespmem:s23+$0x30] =	vst.add.f32.msk $0xffff, v0  }
0x476: {  	[hbm4b:s29+s3] =	stream.linear.scatter [tilespmem:s15], [sflag:$0x6], $0x6400, $0x38;
	[tilespmem:$0x17700] =	vst v63  }
0x477: {  	_ =	swait.ge [sflag:s21], $0x6400  }
0x478: {  	[sflag:s21] =	ssyncset.done $0x0  }
0x479: {  	s23 =	simm.s32 $0x1450;
	[sflag:s21] =	ssyncadd.s32 $0xFFFF9C00  }
0x47a: {  	[tilespmem:s15], [sflag:$0x3] =	stream.indirect.gather [hbm4b:s1+s12], $0x80, s23, s12, $0xb8;
	[tilespmem:$0x17700] =	vst v63  }
0x47b: {  	_ =	swait.ge [sflag:s16], $0x6400  }
0x47c: {  	[sflag:s16] =	ssyncset.done $0x0  }
0x47d: {  	s24 =	simm.s32 $0x1940;
	[sflag:s16] =	ssyncadd.s32 $0xFFFF9C00  }
0x47e: {  	v0 =	vld [tilespmem:s24+$0xFFFFFFC0];
	_ =	sdelay $0x3  }
0x47f: {  	s23 =	simm.s32 $0x4B80  }
0x480: {  	[tilespmem:s23+$0xFFFFFF80] =	vst.add.f32.msk $0xffff, v0  }
0x481: {  	v0 =	vld [tilespmem:s24+$0xFFFFFFD0];
	_ =	sdelay $0x4  }
0x482: {  	[tilespmem:s23+$0xFFFFFF90] =	vst.add.f32.msk $0xffff, v0  }
0x483: {  	v0 =	vld [tilespmem:s24+$0xFFFFFFE0];
	_ =	sdelay $0x4  }
0x484: {  	[tilespmem:s23+$0xFFFFFFA0] =	vst.add.f32.msk $0xffff, v0  }
0x485: {  	v0 =	vld [tilespmem:s24+$0xFFFFFFF0];
	_ =	sdelay $0x4  }
0x486: {  	[tilespmem:s23+$0xFFFFFFB0] =	vst.add.f32.msk $0xffff, v0  }
0x487: {  	v0 =	vld [tilespmem:s24+$0x0];
	_ =	sdelay $0x4  }
0x488: {  	[tilespmem:s23+$0x0] =	vst.add.f32.msk $0xffff, v0  }
0x489: {  	v0 =	vld [tilespmem:s24+$0x10];
	_ =	sdelay $0x4  }
0x48a: {  	[tilespmem:s23+$0x10] =	vst.add.f32.msk $0xffff, v0  }
0x48b: {  	v0 =	vld [tilespmem:s24+$0x20];
	_ =	sdelay $0x4  }
0x48c: {  	[tilespmem:s23+$0x20] =	vst.add.f32.msk $0xffff, v0  }
0x48d: {  	v0 =	vld [tilespmem:s24+$0x30];
	_ =	sdelay $0x4  }
0x48e: {  	s25 =	simm.s32 $0x19C0;
	s24 =	simm.s32 $0x0;
	[tilespmem:s23+$0x30] =	vst.add.f32.msk $0xffff, v0  }
.LBB2_50:
0x48f: {  	v0 =	vld [tilespmem:s25+$0xFFFFFFC0];
	s24 =	sadd.s32 $0x2, s24  }
0x490: {  	p0 =	slt.u32 s24, $0xC6;
	_ =	sdelay $0x2  }
0x491: {  	s23 =	sadd.s32 $0x100, s23  }
0x492: {  	[tilespmem:s23+$0xFFFFFF80] =	vst.add.f32.msk $0xffff, v0  }
0x493: {  	v0 =	vld [tilespmem:s25+$0xFFFFFFD0];
	_ =	sdelay $0x4  }
0x494: {  	[tilespmem:s23+$0xFFFFFF90] =	vst.add.f32.msk $0xffff, v0  }
0x495: {  	v0 =	vld [tilespmem:s25+$0xFFFFFFE0];
	_ =	sdelay $0x4  }
0x496: {  	[tilespmem:s23+$0xFFFFFFA0] =	vst.add.f32.msk $0xffff, v0  }
0x497: {  	v0 =	vld [tilespmem:s25+$0xFFFFFFF0];
	_ =	sdelay $0x4  }
0x498: {  	[tilespmem:s23+$0xFFFFFFB0] =	vst.add.f32.msk $0xffff, v0  }
0x499: {  	v0 =	vld [tilespmem:s25+$0x0];
	_ =	sdelay $0x4  }
0x49a: {  	[tilespmem:s23+$0x0] =	vst.add.f32.msk $0xffff, v0  }
0x49b: {  	v0 =	vld [tilespmem:s25+$0x10];
	_ =	sdelay $0x4  }
0x49c: {  	[tilespmem:s23+$0x10] =	vst.add.f32.msk $0xffff, v0  }
0x49d: {  	v0 =	vld [tilespmem:s25+$0x20];
	_ =	sdelay $0x4  }
0x49e: {  	[tilespmem:s23+$0x20] =	vst.add.f32.msk $0xffff, v0  }
0x49f: {  	v0 =	vld [tilespmem:s25+$0x30]  }
.Ltmp24:
0x4a0: {  	(pc) =	sbr.rel @p0 .LBB2_50-.Ltmp24, $2  }
0x4a1: {  	_ =	sdelay $0x2  }
0x4a2: {  	s25 =	sadd.s32 $0x80, s25;
	[tilespmem:s23+$0x30] =	vst.add.f32.msk $0xffff, v0  }
0x4a3: {  	[hbm4b:s30+s3] =	stream.linear.scatter [tilespmem:s13], [sflag:$0x4], $0x6400, $0x38;
	[tilespmem:$0x17700] =	vst v63  }
0x4a4: {  	_ =	swait.ge [sflag:s17], $0x6400  }
0x4a5: {  	[sflag:s17] =	ssyncset.done $0x0  }
0x4a6: {  	s23 =	simm.s32 $0x1518;
	[sflag:s17] =	ssyncadd.s32 $0xFFFF9C00  }
0x4a7: {  	[tilespmem:s13], [sflag:$0x1] =	stream.indirect.gather [hbm4b:s1+s12], $0x80, s23, s12, $0xb8;
	[tilespmem:$0x17700] =	vst v63  }
0x4a8: {  	_ =	swait.ge [sflag:s18], $0x6400  }
0x4a9: {  	[sflag:s18] =	ssyncset.done $0x0  }
0x4aa: {  	s24 =	simm.s32 $0x1940;
	[sflag:s18] =	ssyncadd.s32 $0xFFFF9C00  }
0x4ab: {  	v0 =	vld [tilespmem:s24+$0xFFFFFFC0];
	_ =	sdelay $0x3  }
0x4ac: {  	s23 =	simm.s32 $0xAF80  }
0x4ad: {  	[tilespmem:s23+$0xFFFFFF80] =	vst.add.f32.msk $0xffff, v0  }
0x4ae: {  	v0 =	vld [tilespmem:s24+$0xFFFFFFD0];
	_ =	sdelay $0x4  }
0x4af: {  	[tilespmem:s23+$0xFFFFFF90] =	vst.add.f32.msk $0xffff, v0  }
0x4b0: {  	v0 =	vld [tilespmem:s24+$0xFFFFFFE0];
	_ =	sdelay $0x4  }
0x4b1: {  	[tilespmem:s23+$0xFFFFFFA0] =	vst.add.f32.msk $0xffff, v0  }
0x4b2: {  	v0 =	vld [tilespmem:s24+$0xFFFFFFF0];
	_ =	sdelay $0x4  }
0x4b3: {  	[tilespmem:s23+$0xFFFFFFB0] =	vst.add.f32.msk $0xffff, v0  }
0x4b4: {  	v0 =	vld [tilespmem:s24+$0x0];
	_ =	sdelay $0x4  }
0x4b5: {  	[tilespmem:s23+$0x0] =	vst.add.f32.msk $0xffff, v0  }
0x4b6: {  	v0 =	vld [tilespmem:s24+$0x10];
	_ =	sdelay $0x4  }
0x4b7: {  	[tilespmem:s23+$0x10] =	vst.add.f32.msk $0xffff, v0  }
0x4b8: {  	v0 =	vld [tilespmem:s24+$0x20];
	_ =	sdelay $0x4  }
0x4b9: {  	[tilespmem:s23+$0x20] =	vst.add.f32.msk $0xffff, v0  }
0x4ba: {  	v0 =	vld [tilespmem:s24+$0x30];
	_ =	sdelay $0x4  }
0x4bb: {  	s25 =	simm.s32 $0x19C0;
	s24 =	simm.s32 $0x0;
	[tilespmem:s23+$0x30] =	vst.add.f32.msk $0xffff, v0  }
.LBB2_52:
0x4bc: {  	v0 =	vld [tilespmem:s25+$0xFFFFFFC0];
	s24 =	sadd.s32 $0x2, s24  }
0x4bd: {  	p0 =	slt.u32 s24, $0xC6;
	_ =	sdelay $0x2  }
0x4be: {  	s23 =	sadd.s32 $0x100, s23  }
0x4bf: {  	[tilespmem:s23+$0xFFFFFF80] =	vst.add.f32.msk $0xffff, v0  }
0x4c0: {  	v0 =	vld [tilespmem:s25+$0xFFFFFFD0];
	_ =	sdelay $0x4  }
0x4c1: {  	[tilespmem:s23+$0xFFFFFF90] =	vst.add.f32.msk $0xffff, v0  }
0x4c2: {  	v0 =	vld [tilespmem:s25+$0xFFFFFFE0];
	_ =	sdelay $0x4  }
0x4c3: {  	[tilespmem:s23+$0xFFFFFFA0] =	vst.add.f32.msk $0xffff, v0  }
0x4c4: {  	v0 =	vld [tilespmem:s25+$0xFFFFFFF0];
	_ =	sdelay $0x4  }
0x4c5: {  	[tilespmem:s23+$0xFFFFFFB0] =	vst.add.f32.msk $0xffff, v0  }
0x4c6: {  	v0 =	vld [tilespmem:s25+$0x0];
	_ =	sdelay $0x4  }
0x4c7: {  	[tilespmem:s23+$0x0] =	vst.add.f32.msk $0xffff, v0  }
0x4c8: {  	v0 =	vld [tilespmem:s25+$0x10];
	_ =	sdelay $0x4  }
0x4c9: {  	[tilespmem:s23+$0x10] =	vst.add.f32.msk $0xffff, v0  }
0x4ca: {  	v0 =	vld [tilespmem:s25+$0x20];
	_ =	sdelay $0x4  }
0x4cb: {  	[tilespmem:s23+$0x20] =	vst.add.f32.msk $0xffff, v0  }
0x4cc: {  	v0 =	vld [tilespmem:s25+$0x30]  }
.Ltmp25:
0x4cd: {  	(pc) =	sbr.rel @p0 .LBB2_52-.Ltmp25, $2  }
0x4ce: {  	_ =	sdelay $0x2  }
0x4cf: {  	s25 =	sadd.s32 $0x80, s25;
	[tilespmem:s23+$0x30] =	vst.add.f32.msk $0xffff, v0  }
0x4d0: {  	[hbm4b:s31+s3] =	stream.linear.scatter [tilespmem:s14], [sflag:$0x5], $0x6400, $0x38;
	[tilespmem:$0x17700] =	vst v63  }
0x4d1: {  	_ =	swait.ge [sflag:s19], $0x6400  }
0x4d2: {  	[sflag:s19] =	ssyncset.done $0x0  }
0x4d3: {  	s23 =	simm.s32 $0x15E0;
	[sflag:s19] =	ssyncadd.s32 $0xFFFF9C00  }
0x4d4: {  	[tilespmem:s14], [sflag:$0x2] =	stream.indirect.gather [hbm4b:s1+s12], $0x80, s23, s12, $0xb8;
	[tilespmem:$0x17700] =	vst v63  }
0x4d5: {  	_ =	swait.ge [sflag:s20], $0x6400  }
0x4d6: {  	[sflag:s20] =	ssyncset.done $0x0  }
0x4d7: {  	s24 =	simm.s32 $0x1940;
	[sflag:s20] =	ssyncadd.s32 $0xFFFF9C00  }
0x4d8: {  	v0 =	vld [tilespmem:s24+$0xFFFFFFC0];
	_ =	sdelay $0x3  }
0x4d9: {  	s23 =	simm.s32 $0x11380  }
0x4da: {  	[tilespmem:s23+$0xFFFFFF80] =	vst.add.f32.msk $0xffff, v0  }
0x4db: {  	v0 =	vld [tilespmem:s24+$0xFFFFFFD0];
	_ =	sdelay $0x4  }
0x4dc: {  	[tilespmem:s23+$0xFFFFFF90] =	vst.add.f32.msk $0xffff, v0  }
0x4dd: {  	v0 =	vld [tilespmem:s24+$0xFFFFFFE0];
	_ =	sdelay $0x4  }
0x4de: {  	[tilespmem:s23+$0xFFFFFFA0] =	vst.add.f32.msk $0xffff, v0  }
0x4df: {  	v0 =	vld [tilespmem:s24+$0xFFFFFFF0];
	_ =	sdelay $0x4  }
0x4e0: {  	[tilespmem:s23+$0xFFFFFFB0] =	vst.add.f32.msk $0xffff, v0  }
0x4e1: {  	v0 =	vld [tilespmem:s24+$0x0];
	_ =	sdelay $0x4  }
0x4e2: {  	[tilespmem:s23+$0x0] =	vst.add.f32.msk $0xffff, v0  }
0x4e3: {  	v0 =	vld [tilespmem:s24+$0x10];
	_ =	sdelay $0x4  }
0x4e4: {  	[tilespmem:s23+$0x10] =	vst.add.f32.msk $0xffff, v0  }
0x4e5: {  	v0 =	vld [tilespmem:s24+$0x20];
	_ =	sdelay $0x4  }
0x4e6: {  	[tilespmem:s23+$0x20] =	vst.add.f32.msk $0xffff, v0  }
0x4e7: {  	v0 =	vld [tilespmem:s24+$0x30];
	_ =	sdelay $0x4  }
0x4e8: {  	s25 =	simm.s32 $0x19C0;
	s24 =	simm.s32 $0x0;
	[tilespmem:s23+$0x30] =	vst.add.f32.msk $0xffff, v0  }
.LBB2_54:
0x4e9: {  	v0 =	vld [tilespmem:s25+$0xFFFFFFC0];
	s24 =	sadd.s32 $0x2, s24  }
0x4ea: {  	p0 =	slt.u32 s24, $0xC6;
	_ =	sdelay $0x2  }
0x4eb: {  	s23 =	sadd.s32 $0x100, s23  }
0x4ec: {  	[tilespmem:s23+$0xFFFFFF80] =	vst.add.f32.msk $0xffff, v0  }
0x4ed: {  	v0 =	vld [tilespmem:s25+$0xFFFFFFD0];
	_ =	sdelay $0x4  }
0x4ee: {  	[tilespmem:s23+$0xFFFFFF90] =	vst.add.f32.msk $0xffff, v0  }
0x4ef: {  	v0 =	vld [tilespmem:s25+$0xFFFFFFE0];
	_ =	sdelay $0x4  }
0x4f0: {  	[tilespmem:s23+$0xFFFFFFA0] =	vst.add.f32.msk $0xffff, v0  }
0x4f1: {  	v0 =	vld [tilespmem:s25+$0xFFFFFFF0];
	_ =	sdelay $0x4  }
0x4f2: {  	[tilespmem:s23+$0xFFFFFFB0] =	vst.add.f32.msk $0xffff, v0  }
0x4f3: {  	v0 =	vld [tilespmem:s25+$0x0];
	_ =	sdelay $0x4  }
0x4f4: {  	[tilespmem:s23+$0x0] =	vst.add.f32.msk $0xffff, v0  }
0x4f5: {  	v0 =	vld [tilespmem:s25+$0x10];
	_ =	sdelay $0x4  }
0x4f6: {  	[tilespmem:s23+$0x10] =	vst.add.f32.msk $0xffff, v0  }
0x4f7: {  	v0 =	vld [tilespmem:s25+$0x20];
	_ =	sdelay $0x4  }
0x4f8: {  	[tilespmem:s23+$0x20] =	vst.add.f32.msk $0xffff, v0  }
0x4f9: {  	v0 =	vld [tilespmem:s25+$0x30]  }
.Ltmp26:
0x4fa: {  	(pc) =	sbr.rel @p0 .LBB2_54-.Ltmp26, $2  }
0x4fb: {  	_ =	sdelay $0x2  }
0x4fc: {  	s25 =	sadd.s32 $0x80, s25;
	[tilespmem:s23+$0x30] =	vst.add.f32.msk $0xffff, v0  }
0x4fd: {  	[hbm4b:s2+s3] =	stream.linear.scatter [tilespmem:s15], [sflag:$0x6], $0x6400, $0x38;
	[tilespmem:$0x17700] =	vst v63  }
0x4fe: {  	_ =	swait.ge [sflag:s21], $0x6400  }
0x4ff: {  	[sflag:s21] =	ssyncset.done $0x0  }
0x500: {  	s23 =	simm.s32 $0x16A8;
	[sflag:s21] =	ssyncadd.s32 $0xFFFF9C00  }
0x501: {  	[tilespmem:s15], [sflag:$0x3] =	stream.indirect.gather [hbm4b:s1+s12], $0x80, s23, s12, $0xb8;
	[tilespmem:$0x17700] =	vst v63  }
0x502: {  	_ =	swait.ge [sflag:s16], $0x6400  }
0x503: {  	[sflag:s16] =	ssyncset.done $0x0  }
0x504: {  	s24 =	simm.s32 $0x1940;
	[sflag:s16] =	ssyncadd.s32 $0xFFFF9C00  }
0x505: {  	v0 =	vld [tilespmem:s24+$0xFFFFFFC0];
	_ =	sdelay $0x3  }
0x506: {  	s23 =	simm.s32 $0x4B80  }
0x507: {  	[tilespmem:s23+$0xFFFFFF80] =	vst.add.f32.msk $0xffff, v0  }
0x508: {  	v0 =	vld [tilespmem:s24+$0xFFFFFFD0];
	_ =	sdelay $0x4  }
0x509: {  	[tilespmem:s23+$0xFFFFFF90] =	vst.add.f32.msk $0xffff, v0  }
0x50a: {  	v0 =	vld [tilespmem:s24+$0xFFFFFFE0];
	_ =	sdelay $0x4  }
0x50b: {  	[tilespmem:s23+$0xFFFFFFA0] =	vst.add.f32.msk $0xffff, v0  }
0x50c: {  	v0 =	vld [tilespmem:s24+$0xFFFFFFF0];
	_ =	sdelay $0x4  }
0x50d: {  	[tilespmem:s23+$0xFFFFFFB0] =	vst.add.f32.msk $0xffff, v0  }
0x50e: {  	v0 =	vld [tilespmem:s24+$0x0];
	_ =	sdelay $0x4  }
0x50f: {  	[tilespmem:s23+$0x0] =	vst.add.f32.msk $0xffff, v0  }
0x510: {  	v0 =	vld [tilespmem:s24+$0x10];
	_ =	sdelay $0x4  }
0x511: {  	[tilespmem:s23+$0x10] =	vst.add.f32.msk $0xffff, v0  }
0x512: {  	v0 =	vld [tilespmem:s24+$0x20];
	_ =	sdelay $0x4  }
0x513: {  	[tilespmem:s23+$0x20] =	vst.add.f32.msk $0xffff, v0  }
0x514: {  	v0 =	vld [tilespmem:s24+$0x30];
	_ =	sdelay $0x4  }
0x515: {  	s25 =	simm.s32 $0x19C0;
	s24 =	simm.s32 $0x0;
	[tilespmem:s23+$0x30] =	vst.add.f32.msk $0xffff, v0  }
.LBB2_56:
0x516: {  	v0 =	vld [tilespmem:s25+$0xFFFFFFC0];
	s24 =	sadd.s32 $0x2, s24  }
0x517: {  	p0 =	slt.u32 s24, $0xC6;
	_ =	sdelay $0x2  }
0x518: {  	s23 =	sadd.s32 $0x100, s23  }
0x519: {  	[tilespmem:s23+$0xFFFFFF80] =	vst.add.f32.msk $0xffff, v0  }
0x51a: {  	v0 =	vld [tilespmem:s25+$0xFFFFFFD0];
	_ =	sdelay $0x4  }
0x51b: {  	[tilespmem:s23+$0xFFFFFF90] =	vst.add.f32.msk $0xffff, v0  }
0x51c: {  	v0 =	vld [tilespmem:s25+$0xFFFFFFE0];
	_ =	sdelay $0x4  }
0x51d: {  	[tilespmem:s23+$0xFFFFFFA0] =	vst.add.f32.msk $0xffff, v0  }
0x51e: {  	v0 =	vld [tilespmem:s25+$0xFFFFFFF0];
	_ =	sdelay $0x4  }
0x51f: {  	[tilespmem:s23+$0xFFFFFFB0] =	vst.add.f32.msk $0xffff, v0  }
0x520: {  	v0 =	vld [tilespmem:s25+$0x0];
	_ =	sdelay $0x4  }
0x521: {  	[tilespmem:s23+$0x0] =	vst.add.f32.msk $0xffff, v0  }
0x522: {  	v0 =	vld [tilespmem:s25+$0x10];
	_ =	sdelay $0x4  }
0x523: {  	[tilespmem:s23+$0x10] =	vst.add.f32.msk $0xffff, v0  }
0x524: {  	v0 =	vld [tilespmem:s25+$0x20];
	_ =	sdelay $0x4  }
0x525: {  	[tilespmem:s23+$0x20] =	vst.add.f32.msk $0xffff, v0  }
0x526: {  	v0 =	vld [tilespmem:s25+$0x30]  }
.Ltmp27:
0x527: {  	(pc) =	sbr.rel @p0 .LBB2_56-.Ltmp27, $2  }
0x528: {  	_ =	sdelay $0x2  }
0x529: {  	s25 =	sadd.s32 $0x80, s25;
	[tilespmem:s23+$0x30] =	vst.add.f32.msk $0xffff, v0  }
0x52a: {  	[hbm4b:s0+s3] =	stream.linear.scatter [tilespmem:s13], [sflag:$0x4], $0x6400, $0x38;
	[tilespmem:$0x17700] =	vst v63  }
0x52b: {  	_ =	swait.ge [sflag:s17], $0x6400  }
0x52c: {  	[sflag:s17] =	ssyncset.done $0x0  }
0x52d: {  	s23 =	simm.s32 $0x1770;
	[sflag:s17] =	ssyncadd.s32 $0xFFFF9C00  }
0x52e: {  	[tilespmem:s13], [sflag:$0x1] =	stream.indirect.gather [hbm4b:s1+s12], $0x80, s23, s12, $0xb8;
	[tilespmem:$0x17700] =	vst v63  }
0x52f: {  	_ =	swait.ge [sflag:s18], $0x6400  }
0x530: {  	[sflag:s18] =	ssyncset.done $0x0  }
0x531: {  	s24 =	simm.s32 $0x1940;
	[sflag:s18] =	ssyncadd.s32 $0xFFFF9C00  }
0x532: {  	v0 =	vld [tilespmem:s24+$0xFFFFFFC0];
	_ =	sdelay $0x3  }
0x533: {  	s23 =	simm.s32 $0xAF80  }
0x534: {  	[tilespmem:s23+$0xFFFFFF80] =	vst.add.f32.msk $0xffff, v0  }
0x535: {  	v0 =	vld [tilespmem:s24+$0xFFFFFFD0];
	_ =	sdelay $0x4  }
0x536: {  	[tilespmem:s23+$0xFFFFFF90] =	vst.add.f32.msk $0xffff, v0  }
0x537: {  	v0 =	vld [tilespmem:s24+$0xFFFFFFE0];
	_ =	sdelay $0x4  }
0x538: {  	[tilespmem:s23+$0xFFFFFFA0] =	vst.add.f32.msk $0xffff, v0  }
0x539: {  	v0 =	vld [tilespmem:s24+$0xFFFFFFF0];
	_ =	sdelay $0x4  }
0x53a: {  	[tilespmem:s23+$0xFFFFFFB0] =	vst.add.f32.msk $0xffff, v0  }
0x53b: {  	v0 =	vld [tilespmem:s24+$0x0];
	_ =	sdelay $0x4  }
0x53c: {  	[tilespmem:s23+$0x0] =	vst.add.f32.msk $0xffff, v0  }
0x53d: {  	v0 =	vld [tilespmem:s24+$0x10];
	_ =	sdelay $0x4  }
0x53e: {  	[tilespmem:s23+$0x10] =	vst.add.f32.msk $0xffff, v0  }
0x53f: {  	v0 =	vld [tilespmem:s24+$0x20];
	_ =	sdelay $0x4  }
0x540: {  	[tilespmem:s23+$0x20] =	vst.add.f32.msk $0xffff, v0  }
0x541: {  	v0 =	vld [tilespmem:s24+$0x30];
	_ =	sdelay $0x4  }
0x542: {  	s25 =	simm.s32 $0x19C0;
	s24 =	simm.s32 $0x0;
	[tilespmem:s23+$0x30] =	vst.add.f32.msk $0xffff, v0  }
.LBB2_58:
0x543: {  	v0 =	vld [tilespmem:s25+$0xFFFFFFC0];
	s24 =	sadd.s32 $0x2, s24  }
0x544: {  	p0 =	slt.u32 s24, $0xC6;
	_ =	sdelay $0x2  }
0x545: {  	s23 =	sadd.s32 $0x100, s23  }
0x546: {  	[tilespmem:s23+$0xFFFFFF80] =	vst.add.f32.msk $0xffff, v0  }
0x547: {  	v0 =	vld [tilespmem:s25+$0xFFFFFFD0];
	_ =	sdelay $0x4  }
0x548: {  	[tilespmem:s23+$0xFFFFFF90] =	vst.add.f32.msk $0xffff, v0  }
0x549: {  	v0 =	vld [tilespmem:s25+$0xFFFFFFE0];
	_ =	sdelay $0x4  }
0x54a: {  	[tilespmem:s23+$0xFFFFFFA0] =	vst.add.f32.msk $0xffff, v0  }
0x54b: {  	v0 =	vld [tilespmem:s25+$0xFFFFFFF0];
	_ =	sdelay $0x4  }
0x54c: {  	[tilespmem:s23+$0xFFFFFFB0] =	vst.add.f32.msk $0xffff, v0  }
0x54d: {  	v0 =	vld [tilespmem:s25+$0x0];
	_ =	sdelay $0x4  }
0x54e: {  	[tilespmem:s23+$0x0] =	vst.add.f32.msk $0xffff, v0  }
0x54f: {  	v0 =	vld [tilespmem:s25+$0x10];
	_ =	sdelay $0x4  }
0x550: {  	[tilespmem:s23+$0x10] =	vst.add.f32.msk $0xffff, v0  }
0x551: {  	v0 =	vld [tilespmem:s25+$0x20];
	_ =	sdelay $0x4  }
0x552: {  	[tilespmem:s23+$0x20] =	vst.add.f32.msk $0xffff, v0  }
0x553: {  	v0 =	vld [tilespmem:s25+$0x30]  }
.Ltmp28:
0x554: {  	(pc) =	sbr.rel @p0 .LBB2_58-.Ltmp28, $2  }
0x555: {  	_ =	sdelay $0x2  }
0x556: {  	s25 =	sadd.s32 $0x80, s25;
	[tilespmem:s23+$0x30] =	vst.add.f32.msk $0xffff, v0  }
0x557: {  	[hbm4b:s4+s3] =	stream.linear.scatter [tilespmem:s14], [sflag:$0x5], $0x6400, $0x38;
	[tilespmem:$0x17700] =	vst v63  }
0x558: {  	_ =	swait.ge [sflag:s19], $0x6400  }
0x559: {  	[sflag:s19] =	ssyncset.done $0x0  }
0x55a: {  	s23 =	simm.s32 $0x1838;
	[sflag:s19] =	ssyncadd.s32 $0xFFFF9C00  }
0x55b: {  	[tilespmem:s14], [sflag:$0x2] =	stream.indirect.gather [hbm4b:s1+s12], $0x80, s23, s12, $0xb8;
	[tilespmem:$0x17700] =	vst v63  }
0x55c: {  	_ =	swait.ge [sflag:s20], $0x6400  }
0x55d: {  	[sflag:s20] =	ssyncset.done $0x0  }
0x55e: {  	s24 =	simm.s32 $0x1940;
	[sflag:s20] =	ssyncadd.s32 $0xFFFF9C00  }
0x55f: {  	v0 =	vld [tilespmem:s24+$0xFFFFFFC0];
	_ =	sdelay $0x3  }
0x560: {  	s23 =	simm.s32 $0x11380  }
0x561: {  	[tilespmem:s23+$0xFFFFFF80] =	vst.add.f32.msk $0xffff, v0  }
0x562: {  	v0 =	vld [tilespmem:s24+$0xFFFFFFD0];
	_ =	sdelay $0x4  }
0x563: {  	[tilespmem:s23+$0xFFFFFF90] =	vst.add.f32.msk $0xffff, v0  }
0x564: {  	v0 =	vld [tilespmem:s24+$0xFFFFFFE0];
	_ =	sdelay $0x4  }
0x565: {  	[tilespmem:s23+$0xFFFFFFA0] =	vst.add.f32.msk $0xffff, v0  }
0x566: {  	v0 =	vld [tilespmem:s24+$0xFFFFFFF0];
	_ =	sdelay $0x4  }
0x567: {  	[tilespmem:s23+$0xFFFFFFB0] =	vst.add.f32.msk $0xffff, v0  }
0x568: {  	v0 =	vld [tilespmem:s24+$0x0];
	_ =	sdelay $0x4  }
0x569: {  	[tilespmem:s23+$0x0] =	vst.add.f32.msk $0xffff, v0  }
0x56a: {  	v0 =	vld [tilespmem:s24+$0x10];
	_ =	sdelay $0x4  }
0x56b: {  	[tilespmem:s23+$0x10] =	vst.add.f32.msk $0xffff, v0  }
0x56c: {  	v0 =	vld [tilespmem:s24+$0x20];
	_ =	sdelay $0x4  }
0x56d: {  	[tilespmem:s23+$0x20] =	vst.add.f32.msk $0xffff, v0  }
0x56e: {  	v0 =	vld [tilespmem:s24+$0x30];
	_ =	sdelay $0x4  }
0x56f: {  	s25 =	simm.s32 $0x19C0;
	s24 =	simm.s32 $0x0;
	[tilespmem:s23+$0x30] =	vst.add.f32.msk $0xffff, v0  }
.LBB2_60:
0x570: {  	v0 =	vld [tilespmem:s25+$0xFFFFFFC0];
	s24 =	sadd.s32 $0x2, s24  }
0x571: {  	p0 =	slt.u32 s24, $0xC6;
	_ =	sdelay $0x2  }
0x572: {  	s23 =	sadd.s32 $0x100, s23  }
0x573: {  	[tilespmem:s23+$0xFFFFFF80] =	vst.add.f32.msk $0xffff, v0  }
0x574: {  	v0 =	vld [tilespmem:s25+$0xFFFFFFD0];
	_ =	sdelay $0x4  }
0x575: {  	[tilespmem:s23+$0xFFFFFF90] =	vst.add.f32.msk $0xffff, v0  }
0x576: {  	v0 =	vld [tilespmem:s25+$0xFFFFFFE0];
	_ =	sdelay $0x4  }
0x577: {  	[tilespmem:s23+$0xFFFFFFA0] =	vst.add.f32.msk $0xffff, v0  }
0x578: {  	v0 =	vld [tilespmem:s25+$0xFFFFFFF0];
	_ =	sdelay $0x4  }
0x579: {  	[tilespmem:s23+$0xFFFFFFB0] =	vst.add.f32.msk $0xffff, v0  }
0x57a: {  	v0 =	vld [tilespmem:s25+$0x0];
	_ =	sdelay $0x4  }
0x57b: {  	[tilespmem:s23+$0x0] =	vst.add.f32.msk $0xffff, v0  }
0x57c: {  	v0 =	vld [tilespmem:s25+$0x10];
	_ =	sdelay $0x4  }
0x57d: {  	[tilespmem:s23+$0x10] =	vst.add.f32.msk $0xffff, v0  }
0x57e: {  	v0 =	vld [tilespmem:s25+$0x20];
	_ =	sdelay $0x4  }
0x57f: {  	[tilespmem:s23+$0x20] =	vst.add.f32.msk $0xffff, v0  }
0x580: {  	v0 =	vld [tilespmem:s25+$0x30]  }
.Ltmp29:
0x581: {  	(pc) =	sbr.rel @p0 .LBB2_60-.Ltmp29, $2  }
0x582: {  	_ =	sdelay $0x2  }
0x583: {  	s25 =	sadd.s32 $0x80, s25;
	[tilespmem:s23+$0x30] =	vst.add.f32.msk $0xffff, v0  }
0x584: {  	[hbm4b:s5+s3] =	stream.linear.scatter [tilespmem:s15], [sflag:$0x6], $0x6400, $0x38;
	[tilespmem:$0x17700] =	vst v63  }
0x585: {  	_ =	swait.ge [sflag:s16], $0x6400  }
0x586: {  	[sflag:s16] =	ssyncset.done $0x0  }
0x587: {  	s24 =	simm.s32 $0x1940;
	[sflag:s16] =	ssyncadd.s32 $0xFFFF9C00  }
0x588: {  	v0 =	vld [tilespmem:s24+$0xFFFFFFC0];
	_ =	sdelay $0x3  }
0x589: {  	s23 =	simm.s32 $0x4B80  }
0x58a: {  	[tilespmem:s23+$0xFFFFFF80] =	vst.add.f32.msk $0xffff, v0  }
0x58b: {  	v0 =	vld [tilespmem:s24+$0xFFFFFFD0];
	_ =	sdelay $0x4  }
0x58c: {  	[tilespmem:s23+$0xFFFFFF90] =	vst.add.f32.msk $0xffff, v0  }
0x58d: {  	v0 =	vld [tilespmem:s24+$0xFFFFFFE0];
	_ =	sdelay $0x4  }
0x58e: {  	[tilespmem:s23+$0xFFFFFFA0] =	vst.add.f32.msk $0xffff, v0  }
0x58f: {  	v0 =	vld [tilespmem:s24+$0xFFFFFFF0];
	_ =	sdelay $0x4  }
0x590: {  	[tilespmem:s23+$0xFFFFFFB0] =	vst.add.f32.msk $0xffff, v0  }
0x591: {  	v0 =	vld [tilespmem:s24+$0x0];
	_ =	sdelay $0x4  }
0x592: {  	[tilespmem:s23+$0x0] =	vst.add.f32.msk $0xffff, v0  }
0x593: {  	v0 =	vld [tilespmem:s24+$0x10];
	_ =	sdelay $0x4  }
0x594: {  	[tilespmem:s23+$0x10] =	vst.add.f32.msk $0xffff, v0  }
0x595: {  	v0 =	vld [tilespmem:s24+$0x20];
	_ =	sdelay $0x4  }
0x596: {  	[tilespmem:s23+$0x20] =	vst.add.f32.msk $0xffff, v0  }
0x597: {  	v0 =	vld [tilespmem:s24+$0x30];
	_ =	sdelay $0x4  }
0x598: {  	s25 =	simm.s32 $0x19C0;
	s24 =	simm.s32 $0x0;
	[tilespmem:s23+$0x30] =	vst.add.f32.msk $0xffff, v0  }
.LBB2_62:
0x599: {  	v0 =	vld [tilespmem:s25+$0xFFFFFFC0];
	s24 =	sadd.s32 $0x2, s24  }
0x59a: {  	p0 =	slt.u32 s24, $0xC6;
	_ =	sdelay $0x2  }
0x59b: {  	s23 =	sadd.s32 $0x100, s23  }
0x59c: {  	[tilespmem:s23+$0xFFFFFF80] =	vst.add.f32.msk $0xffff, v0  }
0x59d: {  	v0 =	vld [tilespmem:s25+$0xFFFFFFD0];
	_ =	sdelay $0x4  }
0x59e: {  	[tilespmem:s23+$0xFFFFFF90] =	vst.add.f32.msk $0xffff, v0  }
0x59f: {  	v0 =	vld [tilespmem:s25+$0xFFFFFFE0];
	_ =	sdelay $0x4  }
0x5a0: {  	[tilespmem:s23+$0xFFFFFFA0] =	vst.add.f32.msk $0xffff, v0  }
0x5a1: {  	v0 =	vld [tilespmem:s25+$0xFFFFFFF0];
	_ =	sdelay $0x4  }
0x5a2: {  	[tilespmem:s23+$0xFFFFFFB0] =	vst.add.f32.msk $0xffff, v0  }
0x5a3: {  	v0 =	vld [tilespmem:s25+$0x0];
	_ =	sdelay $0x4  }
0x5a4: {  	[tilespmem:s23+$0x0] =	vst.add.f32.msk $0xffff, v0  }
0x5a5: {  	v0 =	vld [tilespmem:s25+$0x10];
	_ =	sdelay $0x4  }
0x5a6: {  	[tilespmem:s23+$0x10] =	vst.add.f32.msk $0xffff, v0  }
0x5a7: {  	v0 =	vld [tilespmem:s25+$0x20];
	_ =	sdelay $0x4  }
0x5a8: {  	[tilespmem:s23+$0x20] =	vst.add.f32.msk $0xffff, v0  }
0x5a9: {  	v0 =	vld [tilespmem:s25+$0x30]  }
.Ltmp30:
0x5aa: {  	(pc) =	sbr.rel @p0 .LBB2_62-.Ltmp30, $2  }
0x5ab: {  	_ =	sdelay $0x2  }
0x5ac: {  	s25 =	sadd.s32 $0x80, s25;
	[tilespmem:s23+$0x30] =	vst.add.f32.msk $0xffff, v0  }
0x5ad: {  	[hbm4b:s7+s3] =	stream.linear.scatter [tilespmem:s13], [sflag:$0x4], $0x6400, $0x38;
	[tilespmem:$0x17700] =	vst v63  }
0x5ae: {  	_ =	swait.ge [sflag:s18], $0x6400  }
0x5af: {  	[sflag:s18] =	ssyncset.done $0x0  }
0x5b0: {  	s24 =	simm.s32 $0x1940;
	[sflag:s18] =	ssyncadd.s32 $0xFFFF9C00  }
0x5b1: {  	v0 =	vld [tilespmem:s24+$0xFFFFFFC0];
	_ =	sdelay $0x3  }
0x5b2: {  	s23 =	simm.s32 $0xAF80  }
0x5b3: {  	[tilespmem:s23+$0xFFFFFF80] =	vst.add.f32.msk $0xffff, v0  }
0x5b4: {  	v0 =	vld [tilespmem:s24+$0xFFFFFFD0];
	_ =	sdelay $0x4  }
0x5b5: {  	[tilespmem:s23+$0xFFFFFF90] =	vst.add.f32.msk $0xffff, v0  }
0x5b6: {  	v0 =	vld [tilespmem:s24+$0xFFFFFFE0];
	_ =	sdelay $0x4  }
0x5b7: {  	[tilespmem:s23+$0xFFFFFFA0] =	vst.add.f32.msk $0xffff, v0  }
0x5b8: {  	v0 =	vld [tilespmem:s24+$0xFFFFFFF0];
	_ =	sdelay $0x4  }
0x5b9: {  	[tilespmem:s23+$0xFFFFFFB0] =	vst.add.f32.msk $0xffff, v0  }
0x5ba: {  	v0 =	vld [tilespmem:s24+$0x0];
	_ =	sdelay $0x4  }
0x5bb: {  	[tilespmem:s23+$0x0] =	vst.add.f32.msk $0xffff, v0  }
0x5bc: {  	v0 =	vld [tilespmem:s24+$0x10];
	_ =	sdelay $0x4  }
0x5bd: {  	[tilespmem:s23+$0x10] =	vst.add.f32.msk $0xffff, v0  }
0x5be: {  	v0 =	vld [tilespmem:s24+$0x20];
	_ =	sdelay $0x4  }
0x5bf: {  	[tilespmem:s23+$0x20] =	vst.add.f32.msk $0xffff, v0  }
0x5c0: {  	v0 =	vld [tilespmem:s24+$0x30];
	_ =	sdelay $0x4  }
0x5c1: {  	s25 =	simm.s32 $0x19C0;
	s24 =	simm.s32 $0x0;
	[tilespmem:s23+$0x30] =	vst.add.f32.msk $0xffff, v0  }
.LBB2_64:
0x5c2: {  	v0 =	vld [tilespmem:s25+$0xFFFFFFC0];
	s24 =	sadd.s32 $0x2, s24  }
0x5c3: {  	p0 =	slt.u32 s24, $0xC6;
	_ =	sdelay $0x2  }
0x5c4: {  	s23 =	sadd.s32 $0x100, s23  }
0x5c5: {  	[tilespmem:s23+$0xFFFFFF80] =	vst.add.f32.msk $0xffff, v0  }
0x5c6: {  	v0 =	vld [tilespmem:s25+$0xFFFFFFD0];
	_ =	sdelay $0x4  }
0x5c7: {  	[tilespmem:s23+$0xFFFFFF90] =	vst.add.f32.msk $0xffff, v0  }
0x5c8: {  	v0 =	vld [tilespmem:s25+$0xFFFFFFE0];
	_ =	sdelay $0x4  }
0x5c9: {  	[tilespmem:s23+$0xFFFFFFA0] =	vst.add.f32.msk $0xffff, v0  }
0x5ca: {  	v0 =	vld [tilespmem:s25+$0xFFFFFFF0];
	_ =	sdelay $0x4  }
0x5cb: {  	[tilespmem:s23+$0xFFFFFFB0] =	vst.add.f32.msk $0xffff, v0  }
0x5cc: {  	v0 =	vld [tilespmem:s25+$0x0];
	_ =	sdelay $0x4  }
0x5cd: {  	[tilespmem:s23+$0x0] =	vst.add.f32.msk $0xffff, v0  }
0x5ce: {  	v0 =	vld [tilespmem:s25+$0x10];
	_ =	sdelay $0x4  }
0x5cf: {  	[tilespmem:s23+$0x10] =	vst.add.f32.msk $0xffff, v0  }
0x5d0: {  	v0 =	vld [tilespmem:s25+$0x20];
	_ =	sdelay $0x4  }
0x5d1: {  	[tilespmem:s23+$0x20] =	vst.add.f32.msk $0xffff, v0  }
0x5d2: {  	v0 =	vld [tilespmem:s25+$0x30]  }
.Ltmp31:
0x5d3: {  	(pc) =	sbr.rel @p0 .LBB2_64-.Ltmp31, $2  }
0x5d4: {  	_ =	sdelay $0x2  }
0x5d5: {  	s25 =	sadd.s32 $0x80, s25;
	[tilespmem:s23+$0x30] =	vst.add.f32.msk $0xffff, v0  }
0x5d6: {  	[hbm4b:s8+s3] =	stream.linear.scatter [tilespmem:s14], [sflag:$0x5], $0x6400, $0x38;
	[tilespmem:$0x17700] =	vst v63  }
0x5d7: {  	_ =	swait.ge [sflag:s21], $0x6400  }
0x5d8: {  	[sflag:s21] =	ssyncset.done $0x0  }
0x5d9: {  	s22 =	sadd.s32 $0x1, s22;
	[sflag:s21] =	ssyncadd.s32 $0xFFFF9C00  }
0x5da: {  	p0 =	sne.s32 s22, s9;
	_ =	swait.ge [sflag:s17], $0x6400  }
.Ltmp32:
0x5db: {  	[sflag:s17] =	ssyncset.done $0x0;
	(pc) =	sbr.rel @p0 .LBB2_1-.Ltmp32, $4  }
0x5dc: {  	[sflag:s17] =	ssyncadd.s32 $0xFFFF9C00  }
0x5dd: {  	_ =	swait.ge [sflag:s19], $0x6400  }
0x5de: {  	[sflag:s19] =	ssyncset.done $0x0  }
0x5df: {  	[sflag:s19] =	ssyncadd.s32 $0xFFFF9C00  }
0x5e0: {  	_ =	sfence.sel $0x180000  }
0x5e1: {  	[bflag:$0x0] =	sbarrier.arrive $0xFFFF  }
0x5e2: {  	_ =	strace $0x90000047  }
0x5e3: {  	s0 =	stileid.u32;
	[bflag:$0x2] =	sbarrier.arrive $0xFFFF  }
0x5e4: {  	p0 =	sne.s32 s0, $0x0;
	s0 =	rddreg [dreg:$0x4]  }
0x5e5: {  	s0 =	sadd.s32 @!p0 $0x100000, s0  }
0x5e6: {  	[sflag:s0] =	ssyncadd.tile.s32 @!p0 $0x1;
	_ =	shalt  }
.Lfunc_end2:
_tile_overlayer_lowered:
.L_overlay_start_2:
0x5e7: {  	(tag) =	ssettag $0x2  }
0x5e8: {  	s0 =	rddreg [dreg:$0x0];
	s2 =	stileid.u32  }
0x5e9: {  	s1 =	rddreg [dreg:$0x1];
	p0 =	sne.s32 s2, $0x0  }
0x5ea: {  	s3 =	rddreg [dreg:$0x2];
	[bflag:$0x3] =	sbarrier.arrive $0xFFFF;
	s2 =	simm.s32 @!p0 $0x1C07  }
0x5eb: {  	[timem:s3], [sflag:s2] =	dma.local @!p0 [hbm:s0], s1  }
0x5ec: {  	s0 =	simm.s32 @!p0 $0x7  }
0x5ed: {  	_ =	swait.ge @!p0 [sflag:s0], s1  }
0x5ee: {  	s1 =	ssub.s32 @!p0 $0x0, s1;
	[sflag:s0] =	ssyncset.done @!p0 $0x0  }
0x5ef: {  	[sflag:s0] =	ssyncadd.s32 @!p0 s1  }
0x5f0: {  	[bflag:$0x3] =	sbarrier.arrive $0xFFFF  }
0x5f1: {  	_ =	shalt  }

</sc_bundles>
